<compile_context>
chip_gen: v7x
topology: tpu7x:2x2x1
jax: 0.10.2.dev20260603
libtpu: 0.0.44.dev20260713+nightly
codegen_flags: <defaults>
</compile_context>

<pallas_src>
import functools

import jax
import jax.numpy as jnp
from jax import lax
from jax.experimental import pallas as pl
from jax.experimental.pallas import tpu as pltpu
from jax.experimental.pallas import tpu_sc as plsc

F32 = jnp.float32
_PREC = jax.lax.Precision.DEFAULT

N = 10000
E = 320000
DF = 128
DE = 16
H = 128
L = 4
B = 16384

NC = 2
NS = 16
NW = NC * NS
EPW = E // NW
EC = 40
NCHUNK = EPW // EC
ZROWS = EC
NZCH = N // ZROWS
ZK = -(-NZCH // NS)
WROWS = 200
NWCH = N // WROWS
WK = -(-NWCH // NS)
BPW = B // NW
BC = 128
BCHUNK = BPW // BC

_VMESH = plsc.VectorSubcoreMesh(core_axis_name="c", subcore_axis_name="s")



def _matmul_bias_body(x_ref, w_ref, b_ref, o_ref):
    o_ref[...] = (
        jnp.dot(x_ref[...], w_ref[...], preferred_element_type=F32, precision=_PREC) + b_ref[...]
    )


def _node_encode(x, w, b):
    rb = 2000
    return pl.pallas_call(
        _matmul_bias_body,
        grid=(N // rb,),
        in_specs=[
            pl.BlockSpec((rb, DF), lambda i: (i, 0)),
            pl.BlockSpec((DF, H), lambda i: (0, 0)),
            pl.BlockSpec((1, H), lambda i: (0, 0)),
        ],
        out_specs=pl.BlockSpec((rb, H), lambda i: (i, 0)),
        out_shape=jax.ShapeDtypeStruct((N, H), F32),
    )(x, w, b.reshape(1, H))


def _ea_encode_body(x_ref, w_ref, b_ref, o_ref):
    o_ref[...] = (
        jnp.dot(x_ref[...], w_ref[...], preferred_element_type=F32, precision=_PREC)
        + b_ref[...]
    ).astype(jnp.bfloat16)


def _ea_encode(edge_attr, ee_W, ee_b):
    eb = 8000
    return pl.pallas_call(
        _ea_encode_body,
        grid=(E // eb,),
        in_specs=[
            pl.BlockSpec((eb, DE), lambda i: (i, 0)),
            pl.BlockSpec((DE, H), lambda i: (0, 0)),
            pl.BlockSpec((1, H), lambda i: (0, 0)),
        ],
        out_specs=pl.BlockSpec((eb, H), lambda i: (i, 0)),
        out_shape=jax.ShapeDtypeStruct((E, H), jnp.bfloat16),
    )(edge_attr, ee_W, ee_b.reshape(1, H))


def _matmul_body(x_ref, w_ref, o_ref):
    o_ref[...] = jnp.dot(x_ref[...], w_ref[...], preferred_element_type=F32, precision=_PREC)


def _edge_term(ea_bf16, lin_W_l_bf16, lin_b_l):
    eb = 4000
    return pl.pallas_call(
        _matmul_bias_body,
        grid=(E // eb,),
        in_specs=[
            pl.BlockSpec((eb, H), lambda i: (i, 0)),
            pl.BlockSpec((H, H), lambda i: (0, 0)),
            pl.BlockSpec((1, H), lambda i: (0, 0)),
        ],
        out_specs=pl.BlockSpec((eb, H), lambda i: (i, 0)),
        out_shape=jax.ShapeDtypeStruct((E, H), F32),
    )(ea_bf16, lin_W_l_bf16, lin_b_l.reshape(1, H))


def _node_update_body(x_ref, a_ref, w1_ref, b1_ref, w2_ref, b2_ref,
                      g_ref, be_ref, bg_ref, bb_ref, o_ref):
    h = x_ref[...] + (a_ref[0] + a_ref[1])
    t = jnp.maximum(jnp.dot(h, w1_ref[...], preferred_element_type=F32, precision=_PREC) + b1_ref[...], 0.0)
    h2 = jnp.dot(t, w2_ref[...], preferred_element_type=F32, precision=_PREC) + b2_ref[...]
    mu = jnp.mean(h2, axis=-1, keepdims=True)
    var = jnp.mean((h2 - mu) ** 2, axis=-1, keepdims=True)
    h2 = (h2 - mu) / jnp.sqrt(var + 1e-5) * g_ref[...] + be_ref[...]
    h2 = h2 / jnp.sqrt(1.0 + 1e-5) * bg_ref[...] + bb_ref[...]
    o_ref[...] = jnp.maximum(h2, 0.0)


def _node_update(x, aggr2, w1, b1, w2, b2, ln_g, ln_b, bn_g, bn_b):
    rb = 2000
    row = lambda a: a.reshape(1, H)
    return pl.pallas_call(
        _node_update_body,
        grid=(N // rb,),
        in_specs=[
            pl.BlockSpec((rb, H), lambda i: (i, 0)),
            pl.BlockSpec((2, rb, H), lambda i: (0, i, 0)),
            pl.BlockSpec((H, H), lambda i: (0, 0)),
            pl.BlockSpec((1, H), lambda i: (0, 0)),
            pl.BlockSpec((H, H), lambda i: (0, 0)),
            pl.BlockSpec((1, H), lambda i: (0, 0)),
            pl.BlockSpec((1, H), lambda i: (0, 0)),
            pl.BlockSpec((1, H), lambda i: (0, 0)),
            pl.BlockSpec((1, H), lambda i: (0, 0)),
            pl.BlockSpec((1, H), lambda i: (0, 0)),
        ],
        out_specs=pl.BlockSpec((rb, H), lambda i: (i, 0)),
        out_shape=jax.ShapeDtypeStruct((N, H), F32),
    )(x, aggr2, w1, row(b1), w2, row(b2), row(ln_g), row(ln_b), row(bn_g), row(bn_b))


def _head_body(e_ref, w1_ref, b1_ref, w2_ref, b2_ref, w3_ref, b3_ref, o_ref):
    z = jnp.maximum(jnp.dot(e_ref[...], w1_ref[...], preferred_element_type=F32, precision=_PREC) + b1_ref[...], 0.0)
    z = jnp.maximum(jnp.dot(z, w2_ref[...], preferred_element_type=F32, precision=_PREC) + b2_ref[...], 0.0)
    o_ref[...] = jnp.dot(z, w3_ref[...], preferred_element_type=F32, precision=_PREC) + b3_ref[...]


def _head(e, h1_W, h1_b, h2_W, h2_b, h3_W, h3_b):
    rb = 2048
    return pl.pallas_call(
        _head_body,
        grid=(B // rb,),
        in_specs=[
            pl.BlockSpec((rb, 2 * H), lambda i: (i, 0)),
            pl.BlockSpec((2 * H, H), lambda i: (0, 0)),
            pl.BlockSpec((1, H), lambda i: (0, 0)),
            pl.BlockSpec((H, H // 2), lambda i: (0, 0)),
            pl.BlockSpec((1, H // 2), lambda i: (0, 0)),
            pl.BlockSpec((H // 2, 1), lambda i: (0, 0)),
            pl.BlockSpec((1, 1), lambda i: (0, 0)),
        ],
        out_specs=pl.BlockSpec((rb, 1), lambda i: (i, 0)),
        out_shape=jax.ShapeDtypeStruct((B, 1), F32),
    )(e, h1_W, h1_b.reshape(1, H), h2_W, h2_b.reshape(1, H // 2),
      h3_W, h3_b.reshape(1, 1))



@functools.partial(
    pl.kernel,
    out_type=jax.ShapeDtypeStruct((NC, N, H), F32),
    mesh=_VMESH,
    scratch_types=[
        pltpu.VMEM((EPW,), jnp.int32),
        pltpu.VMEM((EC, H), F32),
        pltpu.VMEM((EC, H), F32),
        pltpu.VMEM((EC, H), F32),
        pltpu.VMEM((EC, H), F32),
        pltpu.VMEM((EC, H), F32),
        pltpu.VMEM((EC, H), F32),
        pltpu.VMEM((EC,), jnp.int32),
        pltpu.VMEM((EC,), jnp.int32),
        pltpu.VMEM_SHARED((N, H), F32),
        pltpu.SemaphoreType.DMA,
        pltpu.SemaphoreType.DMA,
        pltpu.SemaphoreType.DMA,
        pltpu.SemaphoreType.DMA,
        pltpu.SemaphoreType.DMA,
        pltpu.SemaphoreType.DMA,
        pltpu.SemaphoreType.DMA,
        pltpu.SemaphoreType.DMA,
    ],
)
def _sc_message(x_hbm, t_hbm, src_hbm, dst_hbm, out_hbm,
                srcall, xg0, xg1, tv0, tv1, mb0, mb1, dstv0, dstv1,
                accum,
                gsem0, gsem1, tsem0, tsem1, ssem0, ssem1, dsem0, dsem1):
    c = lax.axis_index("c")
    s = lax.axis_index("s")
    wid = s * NC + c
    ebase = wid * EPW

    bufs = ((xg0, tv0, mb0, dstv0, gsem0, tsem0, ssem0, dsem0),
            (xg1, tv1, mb1, dstv1, gsem1, tsem1, ssem1, dsem1))

    def issue_loads(ci, b):
        xg, tv, _, _, gsem, tsem, _, _ = bufs[b]
        off = ci * EC
        pltpu.async_copy(x_hbm.at[srcall.at[pl.ds(off, EC)]], xg, gsem)
        pltpu.async_copy(t_hbm.at[pl.ds(ebase + off, EC), :], tv, tsem)

    def wait_loads(b):
        xg, tv, _, _, gsem, tsem, _, _ = bufs[b]
        pltpu.make_async_copy(x_hbm.at[srcall.at[pl.ds(0, EC)]], xg, gsem).wait()
        pltpu.make_async_copy(t_hbm.at[pl.ds(0, EC), :], tv, tsem).wait()

    def issue_dst(ci, b):
        _, _, _, dstv, _, _, _, dsem = bufs[b]
        pltpu.async_copy(dst_hbm.at[pl.ds(ebase + ci * EC, EC)], dstv, dsem)

    def wait_scatter(b):
        _, _, mb, dstv, _, _, ssem, _ = bufs[b]
        pltpu.make_async_copy(mb, accum.at[dstv], ssem).wait()

    def compute(b):
        xg, tv, mb, _, _, _, _, _ = bufs[b]

        @pl.loop(0, EC)
        def _(i):
            for j in range(H // 16):
                sl = pl.ds(j * 16, 16)
                mb[i, sl] = jnp.maximum(xg[i, sl] + tv[i, sl], 0.0)

    def scatter(b):
        _, _, mb, dstv, _, _, ssem, dsem = bufs[b]
        pltpu.make_async_copy(dst_hbm.at[pl.ds(0, EC)], dstv, dsem).wait()
        pltpu.async_copy(mb, accum.at[dstv], ssem, add=True)

    pltpu.sync_copy(src_hbm.at[pl.ds(ebase, EPW)], srcall)

    @pl.loop(0, ZROWS)
    def _(i):
        for j in range(H // 16):
            xg0[i, pl.ds(j * 16, 16)] = jnp.zeros((16,), F32)

    @pl.loop(0, ZK)
    def _(k):
        cid = s + k * NS

        @pl.when(cid < NZCH)
        def _():
            pltpu.sync_copy(xg0, accum.at[pl.ds(cid * ZROWS, ZROWS), :])

    plsc.subcore_barrier()

    issue_loads(0, 0)
    issue_loads(1, 1)

    @pl.loop(0, NCHUNK // 2)
    def _(k):
        for b in range(2):
            ci = 2 * k + b
            wait_loads(b)

            @pl.when(k > 0)
            def _():
                wait_scatter(b)

            issue_dst(ci, b)
            compute(b)
            nxt = ci + 2

            @pl.when(nxt < NCHUNK)
            def _():
                issue_loads(nxt, b)

            scatter(b)

    wait_scatter(0)
    wait_scatter(1)

    plsc.subcore_barrier()

    @pl.loop(0, WK)
    def _(k):
        cid = s + k * NS

        @pl.when(cid < NWCH)
        def _():
            r0 = cid * WROWS
            pltpu.sync_copy(accum.at[pl.ds(r0, WROWS), :],
                            out_hbm.at[c, pl.ds(r0, WROWS), :])


@functools.partial(
    pl.kernel,
    out_type=jax.ShapeDtypeStruct((B, 2 * H), F32),
    mesh=_VMESH,
    scratch_types=[
        pltpu.VMEM((BC,), jnp.int32),
        pltpu.VMEM((BC,), jnp.int32),
        pltpu.VMEM((BC, H), F32),
        pltpu.VMEM((BC, H), F32),
        pltpu.SemaphoreType.DMA,
        pltpu.SemaphoreType.DMA,
        pltpu.SemaphoreType.DMA,
    ],
)
def _sc_pair_gather(x_hbm, sidx_hbm, tidx_hbm, out_hbm,
                    sidxv, tidxv, ug, vg, gsem, osem0, osem1):
    c = lax.axis_index("c")
    s = lax.axis_index("s")
    wid = s * NC + c

    @pl.loop(0, BCHUNK)
    def _(ci):
        base = wid * BPW + ci * BC
        pltpu.sync_copy(sidx_hbm.at[pl.ds(base, BC)], sidxv)
        pltpu.sync_copy(tidx_hbm.at[pl.ds(base, BC)], tidxv)
        pltpu.async_copy(x_hbm.at[sidxv], ug, gsem).wait()
        pltpu.async_copy(x_hbm.at[tidxv], vg, gsem).wait()
        pltpu.async_copy(ug, out_hbm.at[pl.ds(base, BC), pl.ds(0, H)], osem0)
        pltpu.async_copy(vg, out_hbm.at[pl.ds(base, BC), pl.ds(H, H)], osem1)
        pltpu.make_async_copy(ug, out_hbm.at[pl.ds(base, BC), pl.ds(0, H)], osem0).wait()
        pltpu.make_async_copy(vg, out_hbm.at[pl.ds(base, BC), pl.ds(H, H)], osem1).wait()



def kernel(node_embeddings, edge_index, edge_attr, target_edges_tensor,
           ne_W, ne_b, ee_W, ee_b, lin_W, lin_b, mlp_W1, mlp_b1, mlp_W2,
           mlp_b2, ln_g, ln_b, bn_g, bn_b, h1_W, h1_b, h2_W, h2_b, h3_W, h3_b):
    src = edge_index[0]
    dst = edge_index[1]
    sidx = target_edges_tensor[:, 0]
    tidx = target_edges_tensor[:, 1]

    x = _node_encode(node_embeddings, ne_W, ne_b)
    ea = _ea_encode(edge_attr, ee_W, ee_b)

    lin_W_bf16 = lin_W.astype(jnp.bfloat16)
    for l in range(L):
        t = _edge_term(ea, lin_W_bf16[l], lin_b[l])
        aggr2 = _sc_message(x, t, src, dst)
        x = _node_update(x, aggr2, mlp_W1[l], mlp_b1[l], mlp_W2[l], mlp_b2[l],
                         ln_g[l], ln_b[l], bn_g[l], bn_b[l])

    e = _sc_pair_gather(x, sidx, tidx)
    logits = _head(e, h1_W, h1_b, h2_W, h2_b, h3_W, h3_b)
    return logits[:, 0]

# --- scband reference (transcript-rebuilt; emitter-appended) ---
"""Pipeline reference for scband-gineedge-scorer-model-66211215835136 (READ-ONLY COPY).

The authoritative reference and input builder live on the scoring server;
editing this copy changes nothing except your own understanding.
"""

import jax, jax.numpy as jnp
import numpy as np

N = 10000
E = 320000
DF = 128
DE = 16
H = 128
L = 4
B = 16384


def _p(k, shape, s=0.05):
    return jax.random.normal(k, shape, jnp.float32) * s


def setup_inputs(seed: int = 0):
    key = jax.random.key(seed)
    ks = jax.random.split(key, 16)
    inp = {}
    inp["node_embeddings"] = jax.random.normal(ks[0], (N, DF), jnp.float32)
    inp["edge_index"] = jax.random.randint(ks[1], (2, E), 0, N)
    inp["edge_attr"] = jax.random.normal(ks[2], (E, DE), jnp.float32)
    inp["target_edges_tensor"] = jax.random.randint(ks[3], (B, 2), 0, N)
    inp["ne_W"] = _p(ks[4], (DF, H)); inp["ne_b"] = jnp.zeros((H,), jnp.float32)
    inp["ee_W"] = _p(ks[5], (DE, H)); inp["ee_b"] = jnp.zeros((H,), jnp.float32)
    inp["lin_W"] = _p(ks[6], (L, H, H)); inp["lin_b"] = jnp.zeros((L, H), jnp.float32)
    inp["mlp_W1"] = _p(ks[7], (L, H, H)); inp["mlp_b1"] = jnp.zeros((L, H), jnp.float32)
    inp["mlp_W2"] = _p(ks[8], (L, H, H)); inp["mlp_b2"] = jnp.zeros((L, H), jnp.float32)
    inp["ln_g"] = jnp.ones((L, H), jnp.float32); inp["ln_b"] = jnp.zeros((L, H), jnp.float32)
    inp["bn_g"] = jnp.ones((L, H), jnp.float32); inp["bn_b"] = jnp.zeros((L, H), jnp.float32)
    inp["h1_W"] = _p(ks[9], (2 * H, H)); inp["h1_b"] = jnp.zeros((H,), jnp.float32)
    inp["h2_W"] = _p(ks[10], (H, H // 2)); inp["h2_b"] = jnp.zeros((H // 2,), jnp.float32)
    inp["h3_W"] = _p(ks[11], (H // 2, 1)); inp["h3_b"] = jnp.zeros((1,), jnp.float32)
    return inp


def reference(node_embeddings, edge_index, edge_attr, target_edges_tensor,
              ne_W, ne_b, ee_W, ee_b, lin_W, lin_b, mlp_W1, mlp_b1, mlp_W2, mlp_b2,
              ln_g, ln_b, bn_g, bn_b, h1_W, h1_b, h2_W, h2_b, h3_W, h3_b):
    # node / edge encoders
    x = node_embeddings @ ne_W + ne_b
    ea = edge_attr @ ee_W + ee_b
    src = edge_index[0]
    dst = edge_index[1]
    for l in range(L):
        # GINEConv message: relu(x_src + lin(edge_attr)); aggregate sum at dst; update mlp((1+eps)*x + aggr), eps=0
        m = jax.nn.relu(x[src] + ea @ lin_W[l] + lin_b[l])
        aggr = jax.ops.segment_sum(m, dst, num_segments=N)
        h = x + aggr
        h = jax.nn.relu(h @ mlp_W1[l] + mlp_b1[l]) @ mlp_W2[l] + mlp_b2[l]
        # LayerNorm
        mu = jnp.mean(h, axis=-1, keepdims=True)
        var = jnp.mean((h - mu) ** 2, axis=-1, keepdims=True)
        h = (h - mu) / jnp.sqrt(var + 1e-5) * ln_g[l] + ln_b[l]
        # BatchNorm1d in eval mode with default running stats (mean=0, var=1)
        h = h / jnp.sqrt(1.0 + 1e-5) * bn_g[l] + bn_b[l]
        x = jax.nn.relu(h)
        # dropout is identity in eval mode
    s_emb = x[target_edges_tensor[:, 0]]
    t_emb = x[target_edges_tensor[:, 1]]
    e = jnp.concatenate([s_emb, t_emb], axis=-1)
    z = jax.nn.relu(e @ h1_W + h1_b)
    z = jax.nn.relu(z @ h2_W + h2_b)
    logits = (z @ h3_W + h3_b)[:, 0]
    return logits

if __name__ == "__main__":
    import jax
    _d = setup_inputs()
    print(jax.jit(kernel)(*tuple(_d.values())))

</pallas_src>

<mosaic_0001>
#map = affine_map<(d0, d1) -> (0, 0)>
#map1 = affine_map<(d0, d1) -> (0)>
#map2 = affine_map<(d0, d1) -> (0, 0, 0)>
module attributes {stable_mosaic.version = 14 : i64} {
  func.func @_sc_message(%arg0: i32, %arg1: i32, %arg2: memref<10000x128xf32, #tpu.memory_space<hbm>>, %arg3: memref<320000x128xf32, #tpu.memory_space<hbm>>, %arg4: memref<320000xi32, #tpu.memory_space<hbm>>, %arg5: memref<320000xi32, #tpu.memory_space<hbm>>, %arg6: memref<2x10000x128xf32, #tpu.memory_space<hbm>>, %arg7: memref<10000xi32, #tpu.memory_space<vmem>>, %arg8: memref<40x128xf32, #tpu.memory_space<vmem>>, %arg9: memref<40x128xf32, #tpu.memory_space<vmem>>, %arg10: memref<40x128xf32, #tpu.memory_space<vmem>>, %arg11: memref<40x128xf32, #tpu.memory_space<vmem>>, %arg12: memref<40x128xf32, #tpu.memory_space<vmem>>, %arg13: memref<40x128xf32, #tpu.memory_space<vmem>>, %arg14: memref<40xi32, #tpu.memory_space<vmem>>, %arg15: memref<40xi32, #tpu.memory_space<vmem>>, %arg16: memref<10000x128xf32, #tpu.memory_space<vmem_shared>>, %arg17: memref<!tpu.dma_semaphore, #tpu.memory_space<semaphore_mem>>, %arg18: memref<!tpu.dma_semaphore, #tpu.memory_space<semaphore_mem>>, %arg19: memref<!tpu.dma_semaphore, #tpu.memory_space<semaphore_mem>>, %arg20: memref<!tpu.dma_semaphore, #tpu.memory_space<semaphore_mem>>, %arg21: memref<!tpu.dma_semaphore, #tpu.memory_space<semaphore_mem>>, %arg22: memref<!tpu.dma_semaphore, #tpu.memory_space<semaphore_mem>>, %arg23: memref<!tpu.dma_semaphore, #tpu.memory_space<semaphore_mem>>, %arg24: memref<!tpu.dma_semaphore, #tpu.memory_space<semaphore_mem>>) attributes {dimension_semantics = [#tpu.dimension_semantics<core_parallel>, #tpu.dimension_semantics<subcore_parallel>], iteration_bounds = array<i64: 2, 16>, scalar_prefetch = 0 : i64, scratch_operands = 18 : i64, tpu.core_type = #tpu.core_type<sc_vector_subcore>, window_params = [{transform_indices = #map}, {transform_indices = #map}, {transform_indices = #map1}, {transform_indices = #map1}, {transform_indices = #map2}]} {
    %mul3A = arith.constant 2 : i32
    %mul3A_0 = arith.muli %arg1, %mul3A : i32
    %add3A = arith.addi %mul3A_0, %arg0 : i32
    %mul3A_1 = arith.constant 10000 : i32
    %mul3A_2 = arith.muli %add3A, %mul3A_1 : i32
    "tpu.region"() ({
      %run_scoped3A = tpu.sem_alloc : memref<!tpu.dma_semaphore, #tpu.memory_space<semaphore_mem>>
      %dma_start3A_49 = tpu.memref_slice %arg4[%mul3A_2] : memref<320000xi32, #tpu.memory_space<hbm>> -> memref<10000xi32, #tpu.memory_space<hbm>>
      %dma_start3A_50 = tpu.memref_slice %arg4[%mul3A_2] : memref<320000xi32, #tpu.memory_space<hbm>> -> memref<10000xi32, #tpu.memory_space<hbm>>
      tpu.enqueue_dma source(%dma_start3A_50 : memref<10000xi32, #tpu.memory_space<hbm>>) target(%arg7 : memref<10000xi32, #tpu.memory_space<vmem>>) target_semaphore(%run_scoped3A : memref<!tpu.dma_semaphore, #tpu.memory_space<semaphore_mem>>)
      %dma_wait3A_51 = tpu.memref_slice %arg4[%mul3A_2] : memref<320000xi32, #tpu.memory_space<hbm>> -> memref<10000xi32, #tpu.memory_space<hbm>>
      %dma_wait3A_52 = tpu.memref_slice %arg4[%mul3A_2] : memref<320000xi32, #tpu.memory_space<hbm>> -> memref<10000xi32, #tpu.memory_space<hbm>>
      tpu.wait_dma2 semaphore(%run_scoped3A : memref<!tpu.dma_semaphore, #tpu.memory_space<semaphore_mem>>) src(%dma_wait3A_52 : memref<10000xi32, #tpu.memory_space<hbm>>) dst(%arg7 : memref<10000xi32, #tpu.memory_space<vmem>>)
      tpu.yield
    }) : () -> ()
    %scan3A = arith.constant 0 : i32
    %scan3A_3 = arith.constant 40 : i32
    %scan3A_4 = arith.addi %scan3A, %scan3A_3 : i32
    %scan3A_5 = arith.constant 1 : i32
    scf.for %scan3A_49 = %scan3A to %scan3A_4 step %scan3A_5  : i32 {
      %mul3A_50 = arith.constant 1 : i32
      %mul3A_51 = arith.muli %scan3A_49, %mul3A_50 : i32
      %add3A_52 = arith.constant 0 : i32
      %add3A_53 = arith.addi %add3A_52, %mul3A_51 : i32
      %broadcast_in_dim3A = arith.constant 0.000000e+00 : f32
      %broadcast_in_dim3A_54 = vector.broadcast %broadcast_in_dim3A : f32 to vector<16xf32>
      %swap3A = arith.index_cast %add3A_53 : i32 to index
      %swap3A_55 = arith.constant 0 : index
      %swap3A_56 = tpu.vector_load %arg8[%swap3A, %swap3A_55] {strides = array<i32>} : memref<40x128xf32, #tpu.memory_space<vmem>>, vector<1x16xf32>,
      %swap3A_57 = vector.shape_cast %swap3A_56 : vector<1x16xf32> to vector<16xf32>
      %swap3A_58 = vector.shape_cast %broadcast_in_dim3A_54 : vector<16xf32> to vector<1x16xf32>
      tpu.vector_store %arg8[%swap3A, %swap3A_55], %swap3A_58 {strides = array<i32>} : memref<40x128xf32, #tpu.memory_space<vmem>>, vector<1x16xf32>,
      %broadcast_in_dim3A_59 = arith.constant 0.000000e+00 : f32
      %broadcast_in_dim3A_60 = vector.broadcast %broadcast_in_dim3A_59 : f32 to vector<16xf32>
      %swap3A_61 = arith.index_cast %add3A_53 : i32 to index
      %swap3A_62 = arith.constant 16 : index
      %swap3A_63 = tpu.vector_load %arg8[%swap3A_61, %swap3A_62] {strides = array<i32>} : memref<40x128xf32, #tpu.memory_space<vmem>>, vector<1x16xf32>,
      %swap3A_64 = vector.shape_cast %swap3A_63 : vector<1x16xf32> to vector<16xf32>
      %swap3A_65 = vector.shape_cast %broadcast_in_dim3A_60 : vector<16xf32> to vector<1x16xf32>
      tpu.vector_store %arg8[%swap3A_61, %swap3A_62], %swap3A_65 {strides = array<i32>} : memref<40x128xf32, #tpu.memory_space<vmem>>, vector<1x16xf32>,
      %broadcast_in_dim3A_66 = arith.constant 0.000000e+00 : f32
      %broadcast_in_dim3A_67 = vector.broadcast %broadcast_in_dim3A_66 : f32 to vector<16xf32>
      %swap3A_68 = arith.index_cast %add3A_53 : i32 to index
      %swap3A_69 = arith.constant 32 : index
      %swap3A_70 = tpu.vector_load %arg8[%swap3A_68, %swap3A_69] {strides = array<i32>} : memref<40x128xf32, #tpu.memory_space<vmem>>, vector<1x16xf32>,
      %swap3A_71 = vector.shape_cast %swap3A_70 : vector<1x16xf32> to vector<16xf32>
      %swap3A_72 = vector.shape_cast %broadcast_in_dim3A_67 : vector<16xf32> to vector<1x16xf32>
      tpu.vector_store %arg8[%swap3A_68, %swap3A_69], %swap3A_72 {strides = array<i32>} : memref<40x128xf32, #tpu.memory_space<vmem>>, vector<1x16xf32>,
      %broadcast_in_dim3A_73 = arith.constant 0.000000e+00 : f32
      %broadcast_in_dim3A_74 = vector.broadcast %broadcast_in_dim3A_73 : f32 to vector<16xf32>
      %swap3A_75 = arith.index_cast %add3A_53 : i32 to index
      %swap3A_76 = arith.constant 48 : index
      %swap3A_77 = tpu.vector_load %arg8[%swap3A_75, %swap3A_76] {strides = array<i32>} : memref<40x128xf32, #tpu.memory_space<vmem>>, vector<1x16xf32>,
      %swap3A_78 = vector.shape_cast %swap3A_77 : vector<1x16xf32> to vector<16xf32>
      %swap3A_79 = vector.shape_cast %broadcast_in_dim3A_74 : vector<16xf32> to vector<1x16xf32>
      tpu.vector_store %arg8[%swap3A_75, %swap3A_76], %swap3A_79 {strides = array<i32>} : memref<40x128xf32, #tpu.memory_space<vmem>>, vector<1x16xf32>,
      %broadcast_in_dim3A_80 = arith.constant 0.000000e+00 : f32
      %broadcast_in_dim3A_81 = vector.broadcast %broadcast_in_dim3A_80 : f32 to vector<16xf32>
      %swap3A_82 = arith.index_cast %add3A_53 : i32 to index
      %swap3A_83 = arith.constant 64 : index
      %swap3A_84 = tpu.vector_load %arg8[%swap3A_82, %swap3A_83] {strides = array<i32>} : memref<40x128xf32, #tpu.memory_space<vmem>>, vector<1x16xf32>,
      %swap3A_85 = vector.shape_cast %swap3A_84 : vector<1x16xf32> to vector<16xf32>
      %swap3A_86 = vector.shape_cast %broadcast_in_dim3A_81 : vector<16xf32> to vector<1x16xf32>
      tpu.vector_store %arg8[%swap3A_82, %swap3A_83], %swap3A_86 {strides = array<i32>} : memref<40x128xf32, #tpu.memory_space<vmem>>, vector<1x16xf32>,
      %broadcast_in_dim3A_87 = arith.constant 0.000000e+00 : f32
      %broadcast_in_dim3A_88 = vector.broadcast %broadcast_in_dim3A_87 : f32 to vector<16xf32>
      %swap3A_89 = arith.index_cast %add3A_53 : i32 to index
      %swap3A_90 = arith.constant 80 : index
      %swap3A_91 = tpu.vector_load %arg8[%swap3A_89, %swap3A_90] {strides = array<i32>} : memref<40x128xf32, #tpu.memory_space<vmem>>, vector<1x16xf32>,
      %swap3A_92 = vector.shape_cast %swap3A_91 : vector<1x16xf32> to vector<16xf32>
      %swap3A_93 = vector.shape_cast %broadcast_in_dim3A_88 : vector<16xf32> to vector<1x16xf32>
      tpu.vector_store %arg8[%swap3A_89, %swap3A_90], %swap3A_93 {strides = array<i32>} : memref<40x128xf32, #tpu.memory_space<vmem>>, vector<1x16xf32>,
      %broadcast_in_dim3A_94 = arith.constant 0.000000e+00 : f32
      %broadcast_in_dim3A_95 = vector.broadcast %broadcast_in_dim3A_94 : f32 to vector<16xf32>
      %swap3A_96 = arith.index_cast %add3A_53 : i32 to index
      %swap3A_97 = arith.constant 96 : index
      %swap3A_98 = tpu.vector_load %arg8[%swap3A_96, %swap3A_97] {strides = array<i32>} : memref<40x128xf32, #tpu.memory_space<vmem>>, vector<1x16xf32>,
      %swap3A_99 = vector.shape_cast %swap3A_98 : vector<1x16xf32> to vector<16xf32>
      %swap3A_100 = vector.shape_cast %broadcast_in_dim3A_95 : vector<16xf32> to vector<1x16xf32>
      tpu.vector_store %arg8[%swap3A_96, %swap3A_97], %swap3A_100 {strides = array<i32>} : memref<40x128xf32, #tpu.memory_space<vmem>>, vector<1x16xf32>,
      %broadcast_in_dim3A_101 = arith.constant 0.000000e+00 : f32
      %broadcast_in_dim3A_102 = vector.broadcast %broadcast_in_dim3A_101 : f32 to vector<16xf32>
      %swap3A_103 = arith.index_cast %add3A_53 : i32 to index
      %swap3A_104 = arith.constant 112 : index
      %swap3A_105 = tpu.vector_load %arg8[%swap3A_103, %swap3A_104] {strides = array<i32>} : memref<40x128xf32, #tpu.memory_space<vmem>>, vector<1x16xf32>,
      %swap3A_106 = vector.shape_cast %swap3A_105 : vector<1x16xf32> to vector<16xf32>
      %swap3A_107 = vector.shape_cast %broadcast_in_dim3A_102 : vector<16xf32> to vector<1x16xf32>
      tpu.vector_store %arg8[%swap3A_103, %swap3A_104], %swap3A_107 {strides = array<i32>} : memref<40x128xf32, #tpu.memory_space<vmem>>, vector<1x16xf32>,
    }
    %scan3A_6 = arith.constant 40 : i32
    %scan3A_7 = arith.constant 0 : i32
    %scan3A_8 = arith.constant 16 : i32
    %scan3A_9 = arith.addi %scan3A_7, %scan3A_8 : i32
    %scan3A_10 = arith.constant 1 : i32
    scf.for %scan3A_49 = %scan3A_7 to %scan3A_9 step %scan3A_10  : i32 {
      %mul3A_50 = arith.constant 1 : i32
      %mul3A_51 = arith.muli %scan3A_49, %mul3A_50 : i32
      %add3A_52 = arith.constant 0 : i32
      %add3A_53 = arith.addi %add3A_52, %mul3A_51 : i32
      %mul3A_54 = arith.constant 16 : i32
      %mul3A_55 = arith.muli %add3A_53, %mul3A_54 : i32
      %add3A_56 = arith.addi %arg1, %mul3A_55 : i32
      %lt3A = arith.constant 250 : i32
      %lt3A_57 = arith.cmpi slt, %add3A_56, %lt3A : i32
      %convert_element_type3A = arith.extui %lt3A_57 : i1 to i32
      %cond3A = arith.constant 0 : i32
      %cond3A_58 = arith.cmpi ne, %convert_element_type3A, %cond3A : i32
      scf.if %cond3A_58 {
        %mul3A_59 = arith.constant 40 : i32
        %mul3A_60 = arith.muli %add3A_56, %mul3A_59 : i32
        "tpu.region"() ({
          %run_scoped3A = tpu.sem_alloc : memref<!tpu.dma_semaphore, #tpu.memory_space<semaphore_mem>>
          %dma_start3A_61 = arith.constant 0 : i32
          %dma_start3A_62 = tpu.memref_slice %arg16[%mul3A_60, %dma_start3A_61] : memref<10000x128xf32, #tpu.memory_space<vmem_shared>> -> memref<40x128xf32, #tpu.memory_space<vmem_shared>>
          %dma_start3A_63 = arith.constant 0 : i32
          %dma_start3A_64 = tpu.memref_slice %arg16[%mul3A_60, %dma_start3A_63] : memref<10000x128xf32, #tpu.memory_space<vmem_shared>> -> memref<40x128xf32, #tpu.memory_space<vmem_shared>>
          tpu.enqueue_dma source(%arg8 : memref<40x128xf32, #tpu.memory_space<vmem>>) target(%dma_start3A_64 : memref<40x128xf32, #tpu.memory_space<vmem_shared>>) target_semaphore(%run_scoped3A : memref<!tpu.dma_semaphore, #tpu.memory_space<semaphore_mem>>)
          %dma_wait3A_65 = arith.constant 0 : i32
          %dma_wait3A_66 = tpu.memref_slice %arg16[%mul3A_60, %dma_wait3A_65] : memref<10000x128xf32, #tpu.memory_space<vmem_shared>> -> memref<40x128xf32, #tpu.memory_space<vmem_shared>>
          %dma_wait3A_67 = arith.constant 0 : i32
          %dma_wait3A_68 = tpu.memref_slice %arg16[%mul3A_60, %dma_wait3A_67] : memref<10000x128xf32, #tpu.memory_space<vmem_shared>> -> memref<40x128xf32, #tpu.memory_space<vmem_shared>>
          tpu.wait_dma2 semaphore(%run_scoped3A : memref<!tpu.dma_semaphore, #tpu.memory_space<semaphore_mem>>) src(%arg8 : memref<40x128xf32, #tpu.memory_space<vmem>>) dst(%dma_wait3A_68 : memref<40x128xf32, #tpu.memory_space<vmem_shared>>)
          tpu.yield
        }) : () -> ()
      } else {
      }
    }
    %scan3A_11 = arith.constant 16 : i32
    %barrier3A = arith.constant 0 : index
    tpu.barrier barrier_id(%barrier3A)
    %dma_start3A = arith.constant 0 : i32
    %dma_start3A_12 = tpu.memref_slice %arg7[%dma_start3A] : memref<10000xi32, #tpu.memory_space<vmem>> -> memref<40xi32, #tpu.memory_space<vmem>>
    %dma_start3A_13 = arith.constant 0 : i32
    %dma_start3A_14 = arith.constant 0 : i32
    %dma_start3A_15 = tpu.memref_slice %arg2[%dma_start3A_13, %dma_start3A_14] : memref<10000x128xf32, #tpu.memory_space<hbm>> -> memref<10000x128xf32, #tpu.memory_space<hbm>>
    tpu.enqueue_indirect_dma source(%dma_start3A_15 : memref<10000x128xf32, #tpu.memory_space<hbm>>) target(%arg8 : memref<40x128xf32, #tpu.memory_space<vmem>>) offsets(%dma_start3A_12 : memref<40xi32, #tpu.memory_space<vmem>>) semaphore(%arg17 : memref<!tpu.dma_semaphore, #tpu.memory_space<semaphore_mem>>)
    %add3A_16 = arith.constant 0 : i32
    %add3A_17 = arith.addi %mul3A_2, %add3A_16 : i32
    %dma_start3A_18 = arith.constant 0 : i32
    %dma_start3A_19 = tpu.memref_slice %arg3[%add3A_17, %dma_start3A_18] : memref<320000x128xf32, #tpu.memory_space<hbm>> -> memref<40x128xf32, #tpu.memory_space<hbm>>
    %dma_start3A_20 = arith.constant 0 : i32
    %dma_start3A_21 = tpu.memref_slice %arg3[%add3A_17, %dma_start3A_20] : memref<320000x128xf32, #tpu.memory_space<hbm>> -> memref<40x128xf32, #tpu.memory_space<hbm>>
    tpu.enqueue_dma source(%dma_start3A_21 : memref<40x128xf32, #tpu.memory_space<hbm>>) target(%arg10 : memref<40x128xf32, #tpu.memory_space<vmem>>) target_semaphore(%arg19 : memref<!tpu.dma_semaphore, #tpu.memory_space<semaphore_mem>>)
    %dma_start3A_22 = arith.constant 40 : i32
    %dma_start3A_23 = tpu.memref_slice %arg7[%dma_start3A_22] : memref<10000xi32, #tpu.memory_space<vmem>> -> memref<40xi32, #tpu.memory_space<vmem>>
    %dma_start3A_24 = arith.constant 0 : i32
    %dma_start3A_25 = arith.constant 0 : i32
    %dma_start3A_26 = tpu.memref_slice %arg2[%dma_start3A_24, %dma_start3A_25] : memref<10000x128xf32, #tpu.memory_space<hbm>> -> memref<10000x128xf32, #tpu.memory_space<hbm>>
    tpu.enqueue_indirect_dma source(%dma_start3A_26 : memref<10000x128xf32, #tpu.memory_space<hbm>>) target(%arg9 : memref<40x128xf32, #tpu.memory_space<vmem>>) offsets(%dma_start3A_23 : memref<40xi32, #tpu.memory_space<vmem>>) semaphore(%arg18 : memref<!tpu.dma_semaphore, #tpu.memory_space<semaphore_mem>>)
    %add3A_27 = arith.constant 40 : i32
    %add3A_28 = arith.addi %mul3A_2, %add3A_27 : i32
    %dma_start3A_29 = arith.constant 0 : i32
    %dma_start3A_30 = tpu.memref_slice %arg3[%add3A_28, %dma_start3A_29] : memref<320000x128xf32, #tpu.memory_space<hbm>> -> memref<40x128xf32, #tpu.memory_space<hbm>>
    %dma_start3A_31 = arith.constant 0 : i32
    %dma_start3A_32 = tpu.memref_slice %arg3[%add3A_28, %dma_start3A_31] : memref<320000x128xf32, #tpu.memory_space<hbm>> -> memref<40x128xf32, #tpu.memory_space<hbm>>
    tpu.enqueue_dma source(%dma_start3A_32 : memref<40x128xf32, #tpu.memory_space<hbm>>) target(%arg11 : memref<40x128xf32, #tpu.memory_space<vmem>>) target_semaphore(%arg20 : memref<!tpu.dma_semaphore, #tpu.memory_space<semaphore_mem>>)
    %scan3A_33 = arith.constant 0 : i32
    %scan3A_34 = arith.constant 125 : i32
    %scan3A_35 = arith.addi %scan3A_33, %scan3A_34 : i32
    %scan3A_36 = arith.constant 1 : i32
    scf.for %scan3A_49 = %scan3A_33 to %scan3A_35 step %scan3A_36  : i32 {
      %mul3A_50 = arith.constant 1 : i32
      %mul3A_51 = arith.muli %scan3A_49, %mul3A_50 : i32
      %add3A_52 = arith.constant 0 : i32
      %add3A_53 = arith.addi %add3A_52, %mul3A_51 : i32
      %mul3A_54 = arith.constant 2 : i32
      %mul3A_55 = arith.muli %mul3A_54, %add3A_53 : i32
      %add3A_56 = arith.constant 0 : i32
      %add3A_57 = arith.addi %mul3A_55, %add3A_56 : i32
      %dma_wait3A_58 = arith.constant 0 : i32
      %dma_wait3A_59 = tpu.memref_slice %arg7[%dma_wait3A_58] : memref<10000xi32, #tpu.memory_space<vmem>> -> memref<40xi32, #tpu.memory_space<vmem>>
      %dma_wait3A_60 = arith.constant 0 : i32
      %dma_wait3A_61 = arith.constant 0 : i32
      %dma_wait3A_62 = tpu.memref_slice %arg2[%dma_wait3A_60, %dma_wait3A_61] : memref<10000x128xf32, #tpu.memory_space<hbm>> -> memref<10000x128xf32, #tpu.memory_space<hbm>>
      tpu.wait_indirect_dma semaphore(%arg17 : memref<!tpu.dma_semaphore, #tpu.memory_space<semaphore_mem>>) src(%dma_wait3A_62 : memref<10000x128xf32, #tpu.memory_space<hbm>>) dst(%arg8 : memref<40x128xf32, #tpu.memory_space<vmem>>)
      %dma_wait3A_63 = arith.constant 0 : i32
      %dma_wait3A_64 = arith.constant 0 : i32
      %dma_wait3A_65 = tpu.memref_slice %arg3[%dma_wait3A_63, %dma_wait3A_64] : memref<320000x128xf32, #tpu.memory_space<hbm>> -> memref<40x128xf32, #tpu.memory_space<hbm>>
      %dma_wait3A_66 = arith.constant 0 : i32
      %dma_wait3A_67 = arith.constant 0 : i32
      %dma_wait3A_68 = tpu.memref_slice %arg3[%dma_wait3A_66, %dma_wait3A_67] : memref<320000x128xf32, #tpu.memory_space<hbm>> -> memref<40x128xf32, #tpu.memory_space<hbm>>
      tpu.wait_dma2 semaphore(%arg19 : memref<!tpu.dma_semaphore, #tpu.memory_space<semaphore_mem>>) src(%dma_wait3A_68 : memref<40x128xf32, #tpu.memory_space<hbm>>) dst(%arg10 : memref<40x128xf32, #tpu.memory_space<vmem>>)
      %gt3A = arith.constant 0 : i32
      %gt3A_69 = arith.cmpi sgt, %add3A_53, %gt3A : i32
      %convert_element_type3A = arith.extui %gt3A_69 : i1 to i32
      %cond3A = arith.constant 0 : i32
      %cond3A_70 = arith.cmpi ne, %convert_element_type3A, %cond3A : i32
      scf.if %cond3A_70 {
        %dma_wait3A_138 = arith.constant 0 : i32
        %dma_wait3A_139 = arith.constant 0 : i32
        %dma_wait3A_140 = tpu.memref_slice %arg16[%dma_wait3A_138, %dma_wait3A_139] : memref<10000x128xf32, #tpu.memory_space<vmem_shared>> -> memref<10000x128xf32, #tpu.memory_space<vmem_shared>>
        tpu.wait_indirect_dma semaphore(%arg21 : memref<!tpu.dma_semaphore, #tpu.memory_space<semaphore_mem>>) src(%arg12 : memref<40x128xf32, #tpu.memory_space<vmem>>) dst(%dma_wait3A_140 : memref<10000x128xf32, #tpu.memory_space<vmem_shared>>)
      } else {
      }
      %mul3A_71 = arith.constant 40 : i32
      %mul3A_72 = arith.muli %add3A_57, %mul3A_71 : i32
      %add3A_73 = arith.addi %mul3A_2, %mul3A_72 : i32
      %dma_start3A_74 = tpu.memref_slice %arg5[%add3A_73] : memref<320000xi32, #tpu.memory_space<hbm>> -> memref<40xi32, #tpu.memory_space<hbm>>
      %dma_start3A_75 = tpu.memref_slice %arg5[%add3A_73] : memref<320000xi32, #tpu.memory_space<hbm>> -> memref<40xi32, #tpu.memory_space<hbm>>
      tpu.enqueue_dma source(%dma_start3A_75 : memref<40xi32, #tpu.memory_space<hbm>>) target(%arg14 : memref<40xi32, #tpu.memory_space<vmem>>) target_semaphore(%arg23 : memref<!tpu.dma_semaphore, #tpu.memory_space<semaphore_mem>>)
      %scan3A_76 = arith.constant 0 : i32
      %scan3A_77 = arith.constant 40 : i32
      %scan3A_78 = arith.addi %scan3A_76, %scan3A_77 : i32
      %scan3A_79 = arith.constant 1 : i32
      scf.for %scan3A_138 = %scan3A_76 to %scan3A_78 step %scan3A_79  : i32 {
        %mul3A_139 = arith.constant 1 : i32
        %mul3A_140 = arith.muli %scan3A_138, %mul3A_139 : i32
        %add3A_141 = arith.constant 0 : i32
        %add3A_142 = arith.addi %add3A_141, %mul3A_140 : i32
        %get3A = arith.index_cast %add3A_142 : i32 to index
        %get3A_143 = arith.constant 0 : index
        %get3A_144 = tpu.vector_load %arg8[%get3A, %get3A_143] {strides = array<i32>} : memref<40x128xf32, #tpu.memory_space<vmem>>, vector<1x16xf32>,
        %get3A_145 = vector.shape_cast %get3A_144 : vector<1x16xf32> to vector<16xf32>
        %get3A_146 = arith.index_cast %add3A_142 : i32 to index
        %get3A_147 = arith.constant 0 : index
        %get3A_148 = tpu.vector_load %arg10[%get3A_146, %get3A_147] {strides = array<i32>} : memref<40x128xf32, #tpu.memory_space<vmem>>, vector<1x16xf32>,
        %get3A_149 = vector.shape_cast %get3A_148 : vector<1x16xf32> to vector<16xf32>
        %add3A_150 = arith.addf %get3A_145, %get3A_149 : vector<16xf32>
        %max3A = arith.constant 0.000000e+00 : f32
        %max3A_151 = vector.broadcast %max3A : f32 to vector<16xf32>
        %max3A_152 = arith.maximumf %add3A_150, %max3A_151 : vector<16xf32>
        %swap3A = arith.index_cast %add3A_142 : i32 to index
        %swap3A_153 = arith.constant 0 : index
        %swap3A_154 = tpu.vector_load %arg12[%swap3A, %swap3A_153] {strides = array<i32>} : memref<40x128xf32, #tpu.memory_space<vmem>>, vector<1x16xf32>,
        %swap3A_155 = vector.shape_cast %swap3A_154 : vector<1x16xf32> to vector<16xf32>
        %swap3A_156 = vector.shape_cast %max3A_152 : vector<16xf32> to vector<1x16xf32>
        tpu.vector_store %arg12[%swap3A, %swap3A_153], %swap3A_156 {strides = array<i32>} : memref<40x128xf32, #tpu.memory_space<vmem>>, vector<1x16xf32>,
        %get3A_157 = arith.index_cast %add3A_142 : i32 to index
        %get3A_158 = arith.constant 16 : index
        %get3A_159 = tpu.vector_load %arg8[%get3A_157, %get3A_158] {strides = array<i32>} : memref<40x128xf32, #tpu.memory_space<vmem>>, vector<1x16xf32>,
        %get3A_160 = vector.shape_cast %get3A_159 : vector<1x16xf32> to vector<16xf32>
        %get3A_161 = arith.index_cast %add3A_142 : i32 to index
        %get3A_162 = arith.constant 16 : index
        %get3A_163 = tpu.vector_load %arg10[%get3A_161, %get3A_162] {strides = array<i32>} : memref<40x128xf32, #tpu.memory_space<vmem>>, vector<1x16xf32>,
        %get3A_164 = vector.shape_cast %get3A_163 : vector<1x16xf32> to vector<16xf32>
        %add3A_165 = arith.addf %get3A_160, %get3A_164 : vector<16xf32>
        %max3A_166 = arith.constant 0.000000e+00 : f32
        %max3A_167 = vector.broadcast %max3A_166 : f32 to vector<16xf32>
        %max3A_168 = arith.maximumf %add3A_165, %max3A_167 : vector<16xf32>
        %swap3A_169 = arith.index_cast %add3A_142 : i32 to index
        %swap3A_170 = arith.constant 16 : index
        %swap3A_171 = tpu.vector_load %arg12[%swap3A_169, %swap3A_170] {strides = array<i32>} : memref<40x128xf32, #tpu.memory_space<vmem>>, vector<1x16xf32>,
        %swap3A_172 = vector.shape_cast %swap3A_171 : vector<1x16xf32> to vector<16xf32>
        %swap3A_173 = vector.shape_cast %max3A_168 : vector<16xf32> to vector<1x16xf32>
        tpu.vector_store %arg12[%swap3A_169, %swap3A_170], %swap3A_173 {strides = array<i32>} : memref<40x128xf32, #tpu.memory_space<vmem>>, vector<1x16xf32>,
        %get3A_174 = arith.index_cast %add3A_142 : i32 to index
        %get3A_175 = arith.constant 32 : index
        %get3A_176 = tpu.vector_load %arg8[%get3A_174, %get3A_175] {strides = array<i32>} : memref<40x128xf32, #tpu.memory_space<vmem>>, vector<1x16xf32>,
        %get3A_177 = vector.shape_cast %get3A_176 : vector<1x16xf32> to vector<16xf32>
        %get3A_178 = arith.index_cast %add3A_142 : i32 to index
        %get3A_179 = arith.constant 32 : index
        %get3A_180 = tpu.vector_load %arg10[%get3A_178, %get3A_179] {strides = array<i32>} : memref<40x128xf32, #tpu.memory_space<vmem>>, vector<1x16xf32>,
        %get3A_181 = vector.shape_cast %get3A_180 : vector<1x16xf32> to vector<16xf32>
        %add3A_182 = arith.addf %get3A_177, %get3A_181 : vector<16xf32>
        %max3A_183 = arith.constant 0.000000e+00 : f32
        %max3A_184 = vector.broadcast %max3A_183 : f32 to vector<16xf32>
        %max3A_185 = arith.maximumf %add3A_182, %max3A_184 : vector<16xf32>
        %swap3A_186 = arith.index_cast %add3A_142 : i32 to index
        %swap3A_187 = arith.constant 32 : index
        %swap3A_188 = tpu.vector_load %arg12[%swap3A_186, %swap3A_187] {strides = array<i32>} : memref<40x128xf32, #tpu.memory_space<vmem>>, vector<1x16xf32>,
        %swap3A_189 = vector.shape_cast %swap3A_188 : vector<1x16xf32> to vector<16xf32>
        %swap3A_190 = vector.shape_cast %max3A_185 : vector<16xf32> to vector<1x16xf32>
        tpu.vector_store %arg12[%swap3A_186, %swap3A_187], %swap3A_190 {strides = array<i32>} : memref<40x128xf32, #tpu.memory_space<vmem>>, vector<1x16xf32>,
        %get3A_191 = arith.index_cast %add3A_142 : i32 to index
        %get3A_192 = arith.constant 48 : index
        %get3A_193 = tpu.vector_load %arg8[%get3A_191, %get3A_192] {strides = array<i32>} : memref<40x128xf32, #tpu.memory_space<vmem>>, vector<1x16xf32>,
        %get3A_194 = vector.shape_cast %get3A_193 : vector<1x16xf32> to vector<16xf32>
        %get3A_195 = arith.index_cast %add3A_142 : i32 to index
        %get3A_196 = arith.constant 48 : index
        %get3A_197 = tpu.vector_load %arg10[%get3A_195, %get3A_196] {strides = array<i32>} : memref<40x128xf32, #tpu.memory_space<vmem>>, vector<1x16xf32>,
        %get3A_198 = vector.shape_cast %get3A_197 : vector<1x16xf32> to vector<16xf32>
        %add3A_199 = arith.addf %get3A_194, %get3A_198 : vector<16xf32>
        %max3A_200 = arith.constant 0.000000e+00 : f32
        %max3A_201 = vector.broadcast %max3A_200 : f32 to vector<16xf32>
        %max3A_202 = arith.maximumf %add3A_199, %max3A_201 : vector<16xf32>
        %swap3A_203 = arith.index_cast %add3A_142 : i32 to index
        %swap3A_204 = arith.constant 48 : index
        %swap3A_205 = tpu.vector_load %arg12[%swap3A_203, %swap3A_204] {strides = array<i32>} : memref<40x128xf32, #tpu.memory_space<vmem>>, vector<1x16xf32>,
        %swap3A_206 = vector.shape_cast %swap3A_205 : vector<1x16xf32> to vector<16xf32>
        %swap3A_207 = vector.shape_cast %max3A_202 : vector<16xf32> to vector<1x16xf32>
        tpu.vector_store %arg12[%swap3A_203, %swap3A_204], %swap3A_207 {strides = array<i32>} : memref<40x128xf32, #tpu.memory_space<vmem>>, vector<1x16xf32>,
        %get3A_208 = arith.index_cast %add3A_142 : i32 to index
        %get3A_209 = arith.constant 64 : index
        %get3A_210 = tpu.vector_load %arg8[%get3A_208, %get3A_209] {strides = array<i32>} : memref<40x128xf32, #tpu.memory_space<vmem>>, vector<1x16xf32>,
        %get3A_211 = vector.shape_cast %get3A_210 : vector<1x16xf32> to vector<16xf32>
        %get3A_212 = arith.index_cast %add3A_142 : i32 to index
        %get3A_213 = arith.constant 64 : index
        %get3A_214 = tpu.vector_load %arg10[%get3A_212, %get3A_213] {strides = array<i32>} : memref<40x128xf32, #tpu.memory_space<vmem>>, vector<1x16xf32>,
        %get3A_215 = vector.shape_cast %get3A_214 : vector<1x16xf32> to vector<16xf32>
        %add3A_216 = arith.addf %get3A_211, %get3A_215 : vector<16xf32>
        %max3A_217 = arith.constant 0.000000e+00 : f32
        %max3A_218 = vector.broadcast %max3A_217 : f32 to vector<16xf32>
        %max3A_219 = arith.maximumf %add3A_216, %max3A_218 : vector<16xf32>
        %swap3A_220 = arith.index_cast %add3A_142 : i32 to index
        %swap3A_221 = arith.constant 64 : index
        %swap3A_222 = tpu.vector_load %arg12[%swap3A_220, %swap3A_221] {strides = array<i32>} : memref<40x128xf32, #tpu.memory_space<vmem>>, vector<1x16xf32>,
        %swap3A_223 = vector.shape_cast %swap3A_222 : vector<1x16xf32> to vector<16xf32>
        %swap3A_224 = vector.shape_cast %max3A_219 : vector<16xf32> to vector<1x16xf32>
        tpu.vector_store %arg12[%swap3A_220, %swap3A_221], %swap3A_224 {strides = array<i32>} : memref<40x128xf32, #tpu.memory_space<vmem>>, vector<1x16xf32>,
        %get3A_225 = arith.index_cast %add3A_142 : i32 to index
        %get3A_226 = arith.constant 80 : index
        %get3A_227 = tpu.vector_load %arg8[%get3A_225, %get3A_226] {strides = array<i32>} : memref<40x128xf32, #tpu.memory_space<vmem>>, vector<1x16xf32>,
        %get3A_228 = vector.shape_cast %get3A_227 : vector<1x16xf32> to vector<16xf32>
        %get3A_229 = arith.index_cast %add3A_142 : i32 to index
        %get3A_230 = arith.constant 80 : index
        %get3A_231 = tpu.vector_load %arg10[%get3A_229, %get3A_230] {strides = array<i32>} : memref<40x128xf32, #tpu.memory_space<vmem>>, vector<1x16xf32>,
        %get3A_232 = vector.shape_cast %get3A_231 : vector<1x16xf32> to vector<16xf32>
        %add3A_233 = arith.addf %get3A_228, %get3A_232 : vector<16xf32>
        %max3A_234 = arith.constant 0.000000e+00 : f32
        %max3A_235 = vector.broadcast %max3A_234 : f32 to vector<16xf32>
        %max3A_236 = arith.maximumf %add3A_233, %max3A_235 : vector<16xf32>
        %swap3A_237 = arith.index_cast %add3A_142 : i32 to index
        %swap3A_238 = arith.constant 80 : index
        %swap3A_239 = tpu.vector_load %arg12[%swap3A_237, %swap3A_238] {strides = array<i32>} : memref<40x128xf32, #tpu.memory_space<vmem>>, vector<1x16xf32>,
        %swap3A_240 = vector.shape_cast %swap3A_239 : vector<1x16xf32> to vector<16xf32>
        %swap3A_241 = vector.shape_cast %max3A_236 : vector<16xf32> to vector<1x16xf32>
        tpu.vector_store %arg12[%swap3A_237, %swap3A_238], %swap3A_241 {strides = array<i32>} : memref<40x128xf32, #tpu.memory_space<vmem>>, vector<1x16xf32>,
        %get3A_242 = arith.index_cast %add3A_142 : i32 to index
        %get3A_243 = arith.constant 96 : index
        %get3A_244 = tpu.vector_load %arg8[%get3A_242, %get3A_243] {strides = array<i32>} : memref<40x128xf32, #tpu.memory_space<vmem>>, vector<1x16xf32>,
        %get3A_245 = vector.shape_cast %get3A_244 : vector<1x16xf32> to vector<16xf32>
        %get3A_246 = arith.index_cast %add3A_142 : i32 to index
        %get3A_247 = arith.constant 96 : index
        %get3A_248 = tpu.vector_load %arg10[%get3A_246, %get3A_247] {strides = array<i32>} : memref<40x128xf32, #tpu.memory_space<vmem>>, vector<1x16xf32>,
        %get3A_249 = vector.shape_cast %get3A_248 : vector<1x16xf32> to vector<16xf32>
        %add3A_250 = arith.addf %get3A_245, %get3A_249 : vector<16xf32>
        %max3A_251 = arith.constant 0.000000e+00 : f32
        %max3A_252 = vector.broadcast %max3A_251 : f32 to vector<16xf32>
        %max3A_253 = arith.maximumf %add3A_250, %max3A_252 : vector<16xf32>
        %swap3A_254 = arith.index_cast %add3A_142 : i32 to index
        %swap3A_255 = arith.constant 96 : index
        %swap3A_256 = tpu.vector_load %arg12[%swap3A_254, %swap3A_255] {strides = array<i32>} : memref<40x128xf32, #tpu.memory_space<vmem>>, vector<1x16xf32>,
        %swap3A_257 = vector.shape_cast %swap3A_256 : vector<1x16xf32> to vector<16xf32>
        %swap3A_258 = vector.shape_cast %max3A_253 : vector<16xf32> to vector<1x16xf32>
        tpu.vector_store %arg12[%swap3A_254, %swap3A_255], %swap3A_258 {strides = array<i32>} : memref<40x128xf32, #tpu.memory_space<vmem>>, vector<1x16xf32>,
        %get3A_259 = arith.index_cast %add3A_142 : i32 to index
        %get3A_260 = arith.constant 112 : index
        %get3A_261 = tpu.vector_load %arg8[%get3A_259, %get3A_260] {strides = array<i32>} : memref<40x128xf32, #tpu.memory_space<vmem>>, vector<1x16xf32>,
        %get3A_262 = vector.shape_cast %get3A_261 : vector<1x16xf32> to vector<16xf32>
        %get3A_263 = arith.index_cast %add3A_142 : i32 to index
        %get3A_264 = arith.constant 112 : index
        %get3A_265 = tpu.vector_load %arg10[%get3A_263, %get3A_264] {strides = array<i32>} : memref<40x128xf32, #tpu.memory_space<vmem>>, vector<1x16xf32>,
        %get3A_266 = vector.shape_cast %get3A_265 : vector<1x16xf32> to vector<16xf32>
        %add3A_267 = arith.addf %get3A_262, %get3A_266 : vector<16xf32>
        %max3A_268 = arith.constant 0.000000e+00 : f32
        %max3A_269 = vector.broadcast %max3A_268 : f32 to vector<16xf32>
        %max3A_270 = arith.maximumf %add3A_267, %max3A_269 : vector<16xf32>
        %swap3A_271 = arith.index_cast %add3A_142 : i32 to index
        %swap3A_272 = arith.constant 112 : index
        %swap3A_273 = tpu.vector_load %arg12[%swap3A_271, %swap3A_272] {strides = array<i32>} : memref<40x128xf32, #tpu.memory_space<vmem>>, vector<1x16xf32>,
        %swap3A_274 = vector.shape_cast %swap3A_273 : vector<1x16xf32> to vector<16xf32>
        %swap3A_275 = vector.shape_cast %max3A_270 : vector<16xf32> to vector<1x16xf32>
        tpu.vector_store %arg12[%swap3A_271, %swap3A_272], %swap3A_275 {strides = array<i32>} : memref<40x128xf32, #tpu.memory_space<vmem>>, vector<1x16xf32>,
      }
      %scan3A_80 = arith.constant 40 : i32
      %add3A_81 = arith.constant 2 : i32
      %add3A_82 = arith.addi %add3A_57, %add3A_81 : i32
      %lt3A = arith.constant 250 : i32
      %lt3A_83 = arith.cmpi slt, %add3A_82, %lt3A : i32
      %convert_element_type3A_84 = arith.extui %lt3A_83 : i1 to i32
      %cond3A_85 = arith.constant 0 : i32
      %cond3A_86 = arith.cmpi ne, %convert_element_type3A_84, %cond3A_85 : i32
      scf.if %cond3A_86 {
        %mul3A_138 = arith.constant 40 : i32
        %mul3A_139 = arith.muli %add3A_82, %mul3A_138 : i32
        %dma_start3A_140 = tpu.memref_slice %arg7[%mul3A_139] : memref<10000xi32, #tpu.memory_space<vmem>> -> memref<40xi32, #tpu.memory_space<vmem>>
        %dma_start3A_141 = arith.constant 0 : i32
        %dma_start3A_142 = arith.constant 0 : i32
        %dma_start3A_143 = tpu.memref_slice %arg2[%dma_start3A_141, %dma_start3A_142] : memref<10000x128xf32, #tpu.memory_space<hbm>> -> memref<10000x128xf32, #tpu.memory_space<hbm>>
        tpu.enqueue_indirect_dma source(%dma_start3A_143 : memref<10000x128xf32, #tpu.memory_space<hbm>>) target(%arg8 : memref<40x128xf32, #tpu.memory_space<vmem>>) offsets(%dma_start3A_140 : memref<40xi32, #tpu.memory_space<vmem>>) semaphore(%arg17 : memref<!tpu.dma_semaphore, #tpu.memory_space<semaphore_mem>>)
        %add3A_144 = arith.addi %mul3A_2, %mul3A_139 : i32
        %dma_start3A_145 = arith.constant 0 : i32
        %dma_start3A_146 = tpu.memref_slice %arg3[%add3A_144, %dma_start3A_145] : memref<320000x128xf32, #tpu.memory_space<hbm>> -> memref<40x128xf32, #tpu.memory_space<hbm>>
        %dma_start3A_147 = arith.constant 0 : i32
        %dma_start3A_148 = tpu.memref_slice %arg3[%add3A_144, %dma_start3A_147] : memref<320000x128xf32, #tpu.memory_space<hbm>> -> memref<40x128xf32, #tpu.memory_space<hbm>>
        tpu.enqueue_dma source(%dma_start3A_148 : memref<40x128xf32, #tpu.memory_space<hbm>>) target(%arg10 : memref<40x128xf32, #tpu.memory_space<vmem>>) target_semaphore(%arg19 : memref<!tpu.dma_semaphore, #tpu.memory_space<semaphore_mem>>)
      } else {
      }
      %dma_wait3A_87 = arith.constant 0 : i32
      %dma_wait3A_88 = tpu.memref_slice %arg5[%dma_wait3A_87] : memref<320000xi32, #tpu.memory_space<hbm>> -> memref<40xi32, #tpu.memory_space<hbm>>
      %dma_wait3A_89 = arith.constant 0 : i32
      %dma_wait3A_90 = tpu.memref_slice %arg5[%dma_wait3A_89] : memref<320000xi32, #tpu.memory_space<hbm>> -> memref<40xi32, #tpu.memory_space<hbm>>
      tpu.wait_dma2 semaphore(%arg23 : memref<!tpu.dma_semaphore, #tpu.memory_space<semaphore_mem>>) src(%dma_wait3A_90 : memref<40xi32, #tpu.memory_space<hbm>>) dst(%arg14 : memref<40xi32, #tpu.memory_space<vmem>>)
      %dma_start3A_91 = arith.constant 0 : i32
      %dma_start3A_92 = arith.constant 0 : i32
      %dma_start3A_93 = tpu.memref_slice %arg16[%dma_start3A_91, %dma_start3A_92] : memref<10000x128xf32, #tpu.memory_space<vmem_shared>> -> memref<10000x128xf32, #tpu.memory_space<vmem_shared>>
      tpu.enqueue_indirect_dma source(%arg12 : memref<40x128xf32, #tpu.memory_space<vmem>>) target(%dma_start3A_93 : memref<10000x128xf32, #tpu.memory_space<vmem_shared>>) offsets(%arg14 : memref<40xi32, #tpu.memory_space<vmem>>) semaphore(%arg21 : memref<!tpu.dma_semaphore, #tpu.memory_space<semaphore_mem>>) {add = true}
      %mul3A_94 = arith.constant 2 : i32
      %mul3A_95 = arith.muli %mul3A_94, %add3A_53 : i32
      %add3A_96 = arith.constant 1 : i32
      %add3A_97 = arith.addi %mul3A_95, %add3A_96 : i32
      %dma_wait3A_98 = arith.constant 0 : i32
      %dma_wait3A_99 = tpu.memref_slice %arg7[%dma_wait3A_98] : memref<10000xi32, #tpu.memory_space<vmem>> -> memref<40xi32, #tpu.memory_space<vmem>>
      %dma_wait3A_100 = arith.constant 0 : i32
      %dma_wait3A_101 = arith.constant 0 : i32
      %dma_wait3A_102 = tpu.memref_slice %arg2[%dma_wait3A_100, %dma_wait3A_101] : memref<10000x128xf32, #tpu.memory_space<hbm>> -> memref<10000x128xf32, #tpu.memory_space<hbm>>
      tpu.wait_indirect_dma semaphore(%arg18 : memref<!tpu.dma_semaphore, #tpu.memory_space<semaphore_mem>>) src(%dma_wait3A_102 : memref<10000x128xf32, #tpu.memory_space<hbm>>) dst(%arg9 : memref<40x128xf32, #tpu.memory_space<vmem>>)
      %dma_wait3A_103 = arith.constant 0 : i32
      %dma_wait3A_104 = arith.constant 0 : i32
      %dma_wait3A_105 = tpu.memref_slice %arg3[%dma_wait3A_103, %dma_wait3A_104] : memref<320000x128xf32, #tpu.memory_space<hbm>> -> memref<40x128xf32, #tpu.memory_space<hbm>>
      %dma_wait3A_106 = arith.constant 0 : i32
      %dma_wait3A_107 = arith.constant 0 : i32
      %dma_wait3A_108 = tpu.memref_slice %arg3[%dma_wait3A_106, %dma_wait3A_107] : memref<320000x128xf32, #tpu.memory_space<hbm>> -> memref<40x128xf32, #tpu.memory_space<hbm>>
      tpu.wait_dma2 semaphore(%arg20 : memref<!tpu.dma_semaphore, #tpu.memory_space<semaphore_mem>>) src(%dma_wait3A_108 : memref<40x128xf32, #tpu.memory_space<hbm>>) dst(%arg11 : memref<40x128xf32, #tpu.memory_space<vmem>>)
      %gt3A_109 = arith.constant 0 : i32
      %gt3A_110 = arith.cmpi sgt, %add3A_53, %gt3A_109 : i32
      %convert_element_type3A_111 = arith.extui %gt3A_110 : i1 to i32
      %cond3A_112 = arith.constant 0 : i32
      %cond3A_113 = arith.cmpi ne, %convert_element_type3A_111, %cond3A_112 : i32
      scf.if %cond3A_113 {
        %dma_wait3A_138 = arith.constant 0 : i32
        %dma_wait3A_139 = arith.constant 0 : i32
        %dma_wait3A_140 = tpu.memref_slice %arg16[%dma_wait3A_138, %dma_wait3A_139] : memref<10000x128xf32, #tpu.memory_space<vmem_shared>> -> memref<10000x128xf32, #tpu.memory_space<vmem_shared>>
        tpu.wait_indirect_dma semaphore(%arg22 : memref<!tpu.dma_semaphore, #tpu.memory_space<semaphore_mem>>) src(%arg13 : memref<40x128xf32, #tpu.memory_space<vmem>>) dst(%dma_wait3A_140 : memref<10000x128xf32, #tpu.memory_space<vmem_shared>>)
      } else {
      }
      %mul3A_114 = arith.constant 40 : i32
      %mul3A_115 = arith.muli %add3A_97, %mul3A_114 : i32
      %add3A_116 = arith.addi %mul3A_2, %mul3A_115 : i32
      %dma_start3A_117 = tpu.memref_slice %arg5[%add3A_116] : memref<320000xi32, #tpu.memory_space<hbm>> -> memref<40xi32, #tpu.memory_space<hbm>>
      %dma_start3A_118 = tpu.memref_slice %arg5[%add3A_116] : memref<320000xi32, #tpu.memory_space<hbm>> -> memref<40xi32, #tpu.memory_space<hbm>>
      tpu.enqueue_dma source(%dma_start3A_118 : memref<40xi32, #tpu.memory_space<hbm>>) target(%arg15 : memref<40xi32, #tpu.memory_space<vmem>>) target_semaphore(%arg24 : memref<!tpu.dma_semaphore, #tpu.memory_space<semaphore_mem>>)
      %scan3A_119 = arith.constant 0 : i32
      %scan3A_120 = arith.constant 40 : i32
      %scan3A_121 = arith.addi %scan3A_119, %scan3A_120 : i32
      %scan3A_122 = arith.constant 1 : i32
      scf.for %scan3A_138 = %scan3A_119 to %scan3A_121 step %scan3A_122  : i32 {
        %mul3A_139 = arith.constant 1 : i32
        %mul3A_140 = arith.muli %scan3A_138, %mul3A_139 : i32
        %add3A_141 = arith.constant 0 : i32
        %add3A_142 = arith.addi %add3A_141, %mul3A_140 : i32
        %get3A = arith.index_cast %add3A_142 : i32 to index
        %get3A_143 = arith.constant 0 : index
        %get3A_144 = tpu.vector_load %arg9[%get3A, %get3A_143] {strides = array<i32>} : memref<40x128xf32, #tpu.memory_space<vmem>>, vector<1x16xf32>,
        %get3A_145 = vector.shape_cast %get3A_144 : vector<1x16xf32> to vector<16xf32>
        %get3A_146 = arith.index_cast %add3A_142 : i32 to index
        %get3A_147 = arith.constant 0 : index
        %get3A_148 = tpu.vector_load %arg11[%get3A_146, %get3A_147] {strides = array<i32>} : memref<40x128xf32, #tpu.memory_space<vmem>>, vector<1x16xf32>,
        %get3A_149 = vector.shape_cast %get3A_148 : vector<1x16xf32> to vector<16xf32>
        %add3A_150 = arith.addf %get3A_145, %get3A_149 : vector<16xf32>
        %max3A = arith.constant 0.000000e+00 : f32
        %max3A_151 = vector.broadcast %max3A : f32 to vector<16xf32>
        %max3A_152 = arith.maximumf %add3A_150, %max3A_151 : vector<16xf32>
        %swap3A = arith.index_cast %add3A_142 : i32 to index
        %swap3A_153 = arith.constant 0 : index
        %swap3A_154 = tpu.vector_load %arg13[%swap3A, %swap3A_153] {strides = array<i32>} : memref<40x128xf32, #tpu.memory_space<vmem>>, vector<1x16xf32>,
        %swap3A_155 = vector.shape_cast %swap3A_154 : vector<1x16xf32> to vector<16xf32>
        %swap3A_156 = vector.shape_cast %max3A_152 : vector<16xf32> to vector<1x16xf32>
        tpu.vector_store %arg13[%swap3A, %swap3A_153], %swap3A_156 {strides = array<i32>} : memref<40x128xf32, #tpu.memory_space<vmem>>, vector<1x16xf32>,
        %get3A_157 = arith.index_cast %add3A_142 : i32 to index
        %get3A_158 = arith.constant 16 : index
        %get3A_159 = tpu.vector_load %arg9[%get3A_157, %get3A_158] {strides = array<i32>} : memref<40x128xf32, #tpu.memory_space<vmem>>, vector<1x16xf32>,
        %get3A_160 = vector.shape_cast %get3A_159 : vector<1x16xf32> to vector<16xf32>
        %get3A_161 = arith.index_cast %add3A_142 : i32 to index
        %get3A_162 = arith.constant 16 : index
        %get3A_163 = tpu.vector_load %arg11[%get3A_161, %get3A_162] {strides = array<i32>} : memref<40x128xf32, #tpu.memory_space<vmem>>, vector<1x16xf32>,
        %get3A_164 = vector.shape_cast %get3A_163 : vector<1x16xf32> to vector<16xf32>
        %add3A_165 = arith.addf %get3A_160, %get3A_164 : vector<16xf32>
        %max3A_166 = arith.constant 0.000000e+00 : f32
        %max3A_167 = vector.broadcast %max3A_166 : f32 to vector<16xf32>
        %max3A_168 = arith.maximumf %add3A_165, %max3A_167 : vector<16xf32>
        %swap3A_169 = arith.index_cast %add3A_142 : i32 to index
        %swap3A_170 = arith.constant 16 : index
        %swap3A_171 = tpu.vector_load %arg13[%swap3A_169, %swap3A_170] {strides = array<i32>} : memref<40x128xf32, #tpu.memory_space<vmem>>, vector<1x16xf32>,
        %swap3A_172 = vector.shape_cast %swap3A_171 : vector<1x16xf32> to vector<16xf32>
        %swap3A_173 = vector.shape_cast %max3A_168 : vector<16xf32> to vector<1x16xf32>
        tpu.vector_store %arg13[%swap3A_169, %swap3A_170], %swap3A_173 {strides = array<i32>} : memref<40x128xf32, #tpu.memory_space<vmem>>, vector<1x16xf32>,
        %get3A_174 = arith.index_cast %add3A_142 : i32 to index
        %get3A_175 = arith.constant 32 : index
        %get3A_176 = tpu.vector_load %arg9[%get3A_174, %get3A_175] {strides = array<i32>} : memref<40x128xf32, #tpu.memory_space<vmem>>, vector<1x16xf32>,
        %get3A_177 = vector.shape_cast %get3A_176 : vector<1x16xf32> to vector<16xf32>
        %get3A_178 = arith.index_cast %add3A_142 : i32 to index
        %get3A_179 = arith.constant 32 : index
        %get3A_180 = tpu.vector_load %arg11[%get3A_178, %get3A_179] {strides = array<i32>} : memref<40x128xf32, #tpu.memory_space<vmem>>, vector<1x16xf32>,
        %get3A_181 = vector.shape_cast %get3A_180 : vector<1x16xf32> to vector<16xf32>
        %add3A_182 = arith.addf %get3A_177, %get3A_181 : vector<16xf32>
        %max3A_183 = arith.constant 0.000000e+00 : f32
        %max3A_184 = vector.broadcast %max3A_183 : f32 to vector<16xf32>
        %max3A_185 = arith.maximumf %add3A_182, %max3A_184 : vector<16xf32>
        %swap3A_186 = arith.index_cast %add3A_142 : i32 to index
        %swap3A_187 = arith.constant 32 : index
        %swap3A_188 = tpu.vector_load %arg13[%swap3A_186, %swap3A_187] {strides = array<i32>} : memref<40x128xf32, #tpu.memory_space<vmem>>, vector<1x16xf32>,
        %swap3A_189 = vector.shape_cast %swap3A_188 : vector<1x16xf32> to vector<16xf32>
        %swap3A_190 = vector.shape_cast %max3A_185 : vector<16xf32> to vector<1x16xf32>
        tpu.vector_store %arg13[%swap3A_186, %swap3A_187], %swap3A_190 {strides = array<i32>} : memref<40x128xf32, #tpu.memory_space<vmem>>, vector<1x16xf32>,
        %get3A_191 = arith.index_cast %add3A_142 : i32 to index
        %get3A_192 = arith.constant 48 : index
        %get3A_193 = tpu.vector_load %arg9[%get3A_191, %get3A_192] {strides = array<i32>} : memref<40x128xf32, #tpu.memory_space<vmem>>, vector<1x16xf32>,
        %get3A_194 = vector.shape_cast %get3A_193 : vector<1x16xf32> to vector<16xf32>
        %get3A_195 = arith.index_cast %add3A_142 : i32 to index
        %get3A_196 = arith.constant 48 : index
        %get3A_197 = tpu.vector_load %arg11[%get3A_195, %get3A_196] {strides = array<i32>} : memref<40x128xf32, #tpu.memory_space<vmem>>, vector<1x16xf32>,
        %get3A_198 = vector.shape_cast %get3A_197 : vector<1x16xf32> to vector<16xf32>
        %add3A_199 = arith.addf %get3A_194, %get3A_198 : vector<16xf32>
        %max3A_200 = arith.constant 0.000000e+00 : f32
        %max3A_201 = vector.broadcast %max3A_200 : f32 to vector<16xf32>
        %max3A_202 = arith.maximumf %add3A_199, %max3A_201 : vector<16xf32>
        %swap3A_203 = arith.index_cast %add3A_142 : i32 to index
        %swap3A_204 = arith.constant 48 : index
        %swap3A_205 = tpu.vector_load %arg13[%swap3A_203, %swap3A_204] {strides = array<i32>} : memref<40x128xf32, #tpu.memory_space<vmem>>, vector<1x16xf32>,
        %swap3A_206 = vector.shape_cast %swap3A_205 : vector<1x16xf32> to vector<16xf32>
        %swap3A_207 = vector.shape_cast %max3A_202 : vector<16xf32> to vector<1x16xf32>
        tpu.vector_store %arg13[%swap3A_203, %swap3A_204], %swap3A_207 {strides = array<i32>} : memref<40x128xf32, #tpu.memory_space<vmem>>, vector<1x16xf32>,
        %get3A_208 = arith.index_cast %add3A_142 : i32 to index
        %get3A_209 = arith.constant 64 : index
        %get3A_210 = tpu.vector_load %arg9[%get3A_208, %get3A_209] {strides = array<i32>} : memref<40x128xf32, #tpu.memory_space<vmem>>, vector<1x16xf32>,
        %get3A_211 = vector.shape_cast %get3A_210 : vector<1x16xf32> to vector<16xf32>
        %get3A_212 = arith.index_cast %add3A_142 : i32 to index
        %get3A_213 = arith.constant 64 : index
        %get3A_214 = tpu.vector_load %arg11[%get3A_212, %get3A_213] {strides = array<i32>} : memref<40x128xf32, #tpu.memory_space<vmem>>, vector<1x16xf32>,
        %get3A_215 = vector.shape_cast %get3A_214 : vector<1x16xf32> to vector<16xf32>
        %add3A_216 = arith.addf %get3A_211, %get3A_215 : vector<16xf32>
        %max3A_217 = arith.constant 0.000000e+00 : f32
        %max3A_218 = vector.broadcast %max3A_217 : f32 to vector<16xf32>
        %max3A_219 = arith.maximumf %add3A_216, %max3A_218 : vector<16xf32>
        %swap3A_220 = arith.index_cast %add3A_142 : i32 to index
        %swap3A_221 = arith.constant 64 : index
        %swap3A_222 = tpu.vector_load %arg13[%swap3A_220, %swap3A_221] {strides = array<i32>} : memref<40x128xf32, #tpu.memory_space<vmem>>, vector<1x16xf32>,
        %swap3A_223 = vector.shape_cast %swap3A_222 : vector<1x16xf32> to vector<16xf32>
        %swap3A_224 = vector.shape_cast %max3A_219 : vector<16xf32> to vector<1x16xf32>
        tpu.vector_store %arg13[%swap3A_220, %swap3A_221], %swap3A_224 {strides = array<i32>} : memref<40x128xf32, #tpu.memory_space<vmem>>, vector<1x16xf32>,
        %get3A_225 = arith.index_cast %add3A_142 : i32 to index
        %get3A_226 = arith.constant 80 : index
        %get3A_227 = tpu.vector_load %arg9[%get3A_225, %get3A_226] {strides = array<i32>} : memref<40x128xf32, #tpu.memory_space<vmem>>, vector<1x16xf32>,
        %get3A_228 = vector.shape_cast %get3A_227 : vector<1x16xf32> to vector<16xf32>
        %get3A_229 = arith.index_cast %add3A_142 : i32 to index
        %get3A_230 = arith.constant 80 : index
        %get3A_231 = tpu.vector_load %arg11[%get3A_229, %get3A_230] {strides = array<i32>} : memref<40x128xf32, #tpu.memory_space<vmem>>, vector<1x16xf32>,
        %get3A_232 = vector.shape_cast %get3A_231 : vector<1x16xf32> to vector<16xf32>
        %add3A_233 = arith.addf %get3A_228, %get3A_232 : vector<16xf32>
        %max3A_234 = arith.constant 0.000000e+00 : f32
        %max3A_235 = vector.broadcast %max3A_234 : f32 to vector<16xf32>
        %max3A_236 = arith.maximumf %add3A_233, %max3A_235 : vector<16xf32>
        %swap3A_237 = arith.index_cast %add3A_142 : i32 to index
        %swap3A_238 = arith.constant 80 : index
        %swap3A_239 = tpu.vector_load %arg13[%swap3A_237, %swap3A_238] {strides = array<i32>} : memref<40x128xf32, #tpu.memory_space<vmem>>, vector<1x16xf32>,
        %swap3A_240 = vector.shape_cast %swap3A_239 : vector<1x16xf32> to vector<16xf32>
        %swap3A_241 = vector.shape_cast %max3A_236 : vector<16xf32> to vector<1x16xf32>
        tpu.vector_store %arg13[%swap3A_237, %swap3A_238], %swap3A_241 {strides = array<i32>} : memref<40x128xf32, #tpu.memory_space<vmem>>, vector<1x16xf32>,
        %get3A_242 = arith.index_cast %add3A_142 : i32 to index
        %get3A_243 = arith.constant 96 : index
        %get3A_244 = tpu.vector_load %arg9[%get3A_242, %get3A_243] {strides = array<i32>} : memref<40x128xf32, #tpu.memory_space<vmem>>, vector<1x16xf32>,
        %get3A_245 = vector.shape_cast %get3A_244 : vector<1x16xf32> to vector<16xf32>
        %get3A_246 = arith.index_cast %add3A_142 : i32 to index
        %get3A_247 = arith.constant 96 : index
        %get3A_248 = tpu.vector_load %arg11[%get3A_246, %get3A_247] {strides = array<i32>} : memref<40x128xf32, #tpu.memory_space<vmem>>, vector<1x16xf32>,
        %get3A_249 = vector.shape_cast %get3A_248 : vector<1x16xf32> to vector<16xf32>
        %add3A_250 = arith.addf %get3A_245, %get3A_249 : vector<16xf32>
        %max3A_251 = arith.constant 0.000000e+00 : f32
        %max3A_252 = vector.broadcast %max3A_251 : f32 to vector<16xf32>
        %max3A_253 = arith.maximumf %add3A_250, %max3A_252 : vector<16xf32>
        %swap3A_254 = arith.index_cast %add3A_142 : i32 to index
        %swap3A_255 = arith.constant 96 : index
        %swap3A_256 = tpu.vector_load %arg13[%swap3A_254, %swap3A_255] {strides = array<i32>} : memref<40x128xf32, #tpu.memory_space<vmem>>, vector<1x16xf32>,
        %swap3A_257 = vector.shape_cast %swap3A_256 : vector<1x16xf32> to vector<16xf32>
        %swap3A_258 = vector.shape_cast %max3A_253 : vector<16xf32> to vector<1x16xf32>
        tpu.vector_store %arg13[%swap3A_254, %swap3A_255], %swap3A_258 {strides = array<i32>} : memref<40x128xf32, #tpu.memory_space<vmem>>, vector<1x16xf32>,
        %get3A_259 = arith.index_cast %add3A_142 : i32 to index
        %get3A_260 = arith.constant 112 : index
        %get3A_261 = tpu.vector_load %arg9[%get3A_259, %get3A_260] {strides = array<i32>} : memref<40x128xf32, #tpu.memory_space<vmem>>, vector<1x16xf32>,
        %get3A_262 = vector.shape_cast %get3A_261 : vector<1x16xf32> to vector<16xf32>
        %get3A_263 = arith.index_cast %add3A_142 : i32 to index
        %get3A_264 = arith.constant 112 : index
        %get3A_265 = tpu.vector_load %arg11[%get3A_263, %get3A_264] {strides = array<i32>} : memref<40x128xf32, #tpu.memory_space<vmem>>, vector<1x16xf32>,
        %get3A_266 = vector.shape_cast %get3A_265 : vector<1x16xf32> to vector<16xf32>
        %add3A_267 = arith.addf %get3A_262, %get3A_266 : vector<16xf32>
        %max3A_268 = arith.constant 0.000000e+00 : f32
        %max3A_269 = vector.broadcast %max3A_268 : f32 to vector<16xf32>
        %max3A_270 = arith.maximumf %add3A_267, %max3A_269 : vector<16xf32>
        %swap3A_271 = arith.index_cast %add3A_142 : i32 to index
        %swap3A_272 = arith.constant 112 : index
        %swap3A_273 = tpu.vector_load %arg13[%swap3A_271, %swap3A_272] {strides = array<i32>} : memref<40x128xf32, #tpu.memory_space<vmem>>, vector<1x16xf32>,
        %swap3A_274 = vector.shape_cast %swap3A_273 : vector<1x16xf32> to vector<16xf32>
        %swap3A_275 = vector.shape_cast %max3A_270 : vector<16xf32> to vector<1x16xf32>
        tpu.vector_store %arg13[%swap3A_271, %swap3A_272], %swap3A_275 {strides = array<i32>} : memref<40x128xf32, #tpu.memory_space<vmem>>, vector<1x16xf32>,
      }
      %scan3A_123 = arith.constant 40 : i32
      %add3A_124 = arith.constant 2 : i32
      %add3A_125 = arith.addi %add3A_97, %add3A_124 : i32
      %lt3A_126 = arith.constant 250 : i32
      %lt3A_127 = arith.cmpi slt, %add3A_125, %lt3A_126 : i32
      %convert_element_type3A_128 = arith.extui %lt3A_127 : i1 to i32
      %cond3A_129 = arith.constant 0 : i32
      %cond3A_130 = arith.cmpi ne, %convert_element_type3A_128, %cond3A_129 : i32
      scf.if %cond3A_130 {
        %mul3A_138 = arith.constant 40 : i32
        %mul3A_139 = arith.muli %add3A_125, %mul3A_138 : i32
        %dma_start3A_140 = tpu.memref_slice %arg7[%mul3A_139] : memref<10000xi32, #tpu.memory_space<vmem>> -> memref<40xi32, #tpu.memory_space<vmem>>
        %dma_start3A_141 = arith.constant 0 : i32
        %dma_start3A_142 = arith.constant 0 : i32
        %dma_start3A_143 = tpu.memref_slice %arg2[%dma_start3A_141, %dma_start3A_142] : memref<10000x128xf32, #tpu.memory_space<hbm>> -> memref<10000x128xf32, #tpu.memory_space<hbm>>
        tpu.enqueue_indirect_dma source(%dma_start3A_143 : memref<10000x128xf32, #tpu.memory_space<hbm>>) target(%arg9 : memref<40x128xf32, #tpu.memory_space<vmem>>) offsets(%dma_start3A_140 : memref<40xi32, #tpu.memory_space<vmem>>) semaphore(%arg18 : memref<!tpu.dma_semaphore, #tpu.memory_space<semaphore_mem>>)
        %add3A_144 = arith.addi %mul3A_2, %mul3A_139 : i32
        %dma_start3A_145 = arith.constant 0 : i32
        %dma_start3A_146 = tpu.memref_slice %arg3[%add3A_144, %dma_start3A_145] : memref<320000x128xf32, #tpu.memory_space<hbm>> -> memref<40x128xf32, #tpu.memory_space<hbm>>
        %dma_start3A_147 = arith.constant 0 : i32
        %dma_start3A_148 = tpu.memref_slice %arg3[%add3A_144, %dma_start3A_147] : memref<320000x128xf32, #tpu.memory_space<hbm>> -> memref<40x128xf32, #tpu.memory_space<hbm>>
        tpu.enqueue_dma source(%dma_start3A_148 : memref<40x128xf32, #tpu.memory_space<hbm>>) target(%arg11 : memref<40x128xf32, #tpu.memory_space<vmem>>) target_semaphore(%arg20 : memref<!tpu.dma_semaphore, #tpu.memory_space<semaphore_mem>>)
      } else {
      }
      %dma_wait3A_131 = arith.constant 0 : i32
      %dma_wait3A_132 = tpu.memref_slice %arg5[%dma_wait3A_131] : memref<320000xi32, #tpu.memory_space<hbm>> -> memref<40xi32, #tpu.memory_space<hbm>>
      %dma_wait3A_133 = arith.constant 0 : i32
      %dma_wait3A_134 = tpu.memref_slice %arg5[%dma_wait3A_133] : memref<320000xi32, #tpu.memory_space<hbm>> -> memref<40xi32, #tpu.memory_space<hbm>>
      tpu.wait_dma2 semaphore(%arg24 : memref<!tpu.dma_semaphore, #tpu.memory_space<semaphore_mem>>) src(%dma_wait3A_134 : memref<40xi32, #tpu.memory_space<hbm>>) dst(%arg15 : memref<40xi32, #tpu.memory_space<vmem>>)
      %dma_start3A_135 = arith.constant 0 : i32
      %dma_start3A_136 = arith.constant 0 : i32
      %dma_start3A_137 = tpu.memref_slice %arg16[%dma_start3A_135, %dma_start3A_136] : memref<10000x128xf32, #tpu.memory_space<vmem_shared>> -> memref<10000x128xf32, #tpu.memory_space<vmem_shared>>
      tpu.enqueue_indirect_dma source(%arg13 : memref<40x128xf32, #tpu.memory_space<vmem>>) target(%dma_start3A_137 : memref<10000x128xf32, #tpu.memory_space<vmem_shared>>) offsets(%arg15 : memref<40xi32, #tpu.memory_space<vmem>>) semaphore(%arg22 : memref<!tpu.dma_semaphore, #tpu.memory_space<semaphore_mem>>) {add = true}
    }
    %scan3A_37 = arith.constant 125 : i32
    %dma_wait3A = arith.constant 0 : i32
    %dma_wait3A_38 = arith.constant 0 : i32
    %dma_wait3A_39 = tpu.memref_slice %arg16[%dma_wait3A, %dma_wait3A_38] : memref<10000x128xf32, #tpu.memory_space<vmem_shared>> -> memref<10000x128xf32, #tpu.memory_space<vmem_shared>>
    tpu.wait_indirect_dma semaphore(%arg21 : memref<!tpu.dma_semaphore, #tpu.memory_space<semaphore_mem>>) src(%arg12 : memref<40x128xf32, #tpu.memory_space<vmem>>) dst(%dma_wait3A_39 : memref<10000x128xf32, #tpu.memory_space<vmem_shared>>)
    %dma_wait3A_40 = arith.constant 0 : i32
    %dma_wait3A_41 = arith.constant 0 : i32
    %dma_wait3A_42 = tpu.memref_slice %arg16[%dma_wait3A_40, %dma_wait3A_41] : memref<10000x128xf32, #tpu.memory_space<vmem_shared>> -> memref<10000x128xf32, #tpu.memory_space<vmem_shared>>
    tpu.wait_indirect_dma semaphore(%arg22 : memref<!tpu.dma_semaphore, #tpu.memory_space<semaphore_mem>>) src(%arg13 : memref<40x128xf32, #tpu.memory_space<vmem>>) dst(%dma_wait3A_42 : memref<10000x128xf32, #tpu.memory_space<vmem_shared>>)
    %barrier3A_43 = arith.constant 0 : index
    tpu.barrier barrier_id(%barrier3A_43)
    %scan3A_44 = arith.constant 0 : i32
    %scan3A_45 = arith.constant 4 : i32
    %scan3A_46 = arith.addi %scan3A_44, %scan3A_45 : i32
    %scan3A_47 = arith.constant 1 : i32
    scf.for %scan3A_49 = %scan3A_44 to %scan3A_46 step %scan3A_47  : i32 {
      %mul3A_50 = arith.constant 1 : i32
      %mul3A_51 = arith.muli %scan3A_49, %mul3A_50 : i32
      %add3A_52 = arith.constant 0 : i32
      %add3A_53 = arith.addi %add3A_52, %mul3A_51 : i32
      %mul3A_54 = arith.constant 16 : i32
      %mul3A_55 = arith.muli %add3A_53, %mul3A_54 : i32
      %add3A_56 = arith.addi %arg1, %mul3A_55 : i32
      %lt3A = arith.constant 50 : i32
      %lt3A_57 = arith.cmpi slt, %add3A_56, %lt3A : i32
      %convert_element_type3A = arith.extui %lt3A_57 : i1 to i32
      %cond3A = arith.constant 0 : i32
      %cond3A_58 = arith.cmpi ne, %convert_element_type3A, %cond3A : i32
      scf.if %cond3A_58 {
        %mul3A_59 = arith.constant 200 : i32
        %mul3A_60 = arith.muli %add3A_56, %mul3A_59 : i32
        "tpu.region"() ({
          %run_scoped3A = tpu.sem_alloc : memref<!tpu.dma_semaphore, #tpu.memory_space<semaphore_mem>>
          %dma_start3A_61 = arith.constant 0 : i32
          %dma_start3A_62 = tpu.memref_slice %arg6[%arg0, %mul3A_60, %dma_start3A_61] : memref<2x10000x128xf32, #tpu.memory_space<hbm>> -> memref<1x200x128xf32, #tpu.memory_space<hbm>>
          %dma_start3A_63 = tpu.memref_squeeze %dma_start3A_62 : memref<1x200x128xf32, #tpu.memory_space<hbm>> -> memref<200x128xf32, #tpu.memory_space<hbm>>
          %dma_start3A_64 = arith.constant 0 : i32
          %dma_start3A_65 = tpu.memref_slice %arg16[%mul3A_60, %dma_start3A_64] : memref<10000x128xf32, #tpu.memory_space<vmem_shared>> -> memref<200x128xf32, #tpu.memory_space<vmem_shared>>
          tpu.enqueue_dma source(%dma_start3A_65 : memref<200x128xf32, #tpu.memory_space<vmem_shared>>) target(%dma_start3A_63 : memref<200x128xf32, #tpu.memory_space<hbm>>) target_semaphore(%run_scoped3A : memref<!tpu.dma_semaphore, #tpu.memory_space<semaphore_mem>>)
          %dma_wait3A_66 = arith.constant 0 : i32
          %dma_wait3A_67 = tpu.memref_slice %arg6[%arg0, %mul3A_60, %dma_wait3A_66] : memref<2x10000x128xf32, #tpu.memory_space<hbm>> -> memref<1x200x128xf32, #tpu.memory_space<hbm>>
          %dma_wait3A_68 = tpu.memref_squeeze %dma_wait3A_67 : memref<1x200x128xf32, #tpu.memory_space<hbm>> -> memref<200x128xf32, #tpu.memory_space<hbm>>
          %dma_wait3A_69 = arith.constant 0 : i32
          %dma_wait3A_70 = tpu.memref_slice %arg16[%mul3A_60, %dma_wait3A_69] : memref<10000x128xf32, #tpu.memory_space<vmem_shared>> -> memref<200x128xf32, #tpu.memory_space<vmem_shared>>
          tpu.wait_dma2 semaphore(%run_scoped3A : memref<!tpu.dma_semaphore, #tpu.memory_space<semaphore_mem>>) src(%dma_wait3A_70 : memref<200x128xf32, #tpu.memory_space<vmem_shared>>) dst(%dma_wait3A_68 : memref<200x128xf32, #tpu.memory_space<hbm>>)
          tpu.yield
        }) : () -> ()
      } else {
      }
    }
    %scan3A_48 = arith.constant 4 : i32
    return
  }
}

#map = affine_map<(d0, d1) -> (0, 0)>
#map1 = affine_map<(d0, d1) -> (0)>
#map2 = affine_map<(d0, d1) -> (0, 0, 0)>
module attributes {stable_mosaic.version = 14 : i64} {
  func.func @_sc_message(%arg0: i32, %arg1: i32, %arg2: memref<10000x128xf32, #tpu.memory_space<hbm>>, %arg3: memref<320000x128xf32, #tpu.memory_space<hbm>>, %arg4: memref<320000xi32, #tpu.memory_space<hbm>>, %arg5: memref<320000xi32, #tpu.memory_space<hbm>>, %arg6: memref<2x10000x128xf32, #tpu.memory_space<hbm>>, %arg7: memref<10000xi32, #tpu.memory_space<vmem>>, %arg8: memref<40x128xf32, #tpu.memory_space<vmem>>, %arg9: memref<40x128xf32, #tpu.memory_space<vmem>>, %arg10: memref<40x128xf32, #tpu.memory_space<vmem>>, %arg11: memref<40x128xf32, #tpu.memory_space<vmem>>, %arg12: memref<40x128xf32, #tpu.memory_space<vmem>>, %arg13: memref<40x128xf32, #tpu.memory_space<vmem>>, %arg14: memref<40xi32, #tpu.memory_space<vmem>>, %arg15: memref<40xi32, #tpu.memory_space<vmem>>, %arg16: memref<10000x128xf32, #tpu.memory_space<vmem_shared>>, %arg17: memref<!tpu.dma_semaphore, #tpu.memory_space<semaphore_mem>>, %arg18: memref<!tpu.dma_semaphore, #tpu.memory_space<semaphore_mem>>, %arg19: memref<!tpu.dma_semaphore, #tpu.memory_space<semaphore_mem>>, %arg20: memref<!tpu.dma_semaphore, #tpu.memory_space<semaphore_mem>>, %arg21: memref<!tpu.dma_semaphore, #tpu.memory_space<semaphore_mem>>, %arg22: memref<!tpu.dma_semaphore, #tpu.memory_space<semaphore_mem>>, %arg23: memref<!tpu.dma_semaphore, #tpu.memory_space<semaphore_mem>>, %arg24: memref<!tpu.dma_semaphore, #tpu.memory_space<semaphore_mem>>) attributes {dimension_semantics = [#tpu.dimension_semantics<core_parallel>, #tpu.dimension_semantics<subcore_parallel>], iteration_bounds = array<i64: 2, 16>, scalar_prefetch = 0 : i64, scratch_operands = 18 : i64, tpu.core_type = #tpu.core_type<sc_vector_subcore>, window_params = [{transform_indices = #map}, {transform_indices = #map}, {transform_indices = #map1}, {transform_indices = #map1}, {transform_indices = #map2}]} {
    %mul3A = arith.constant 2 : i32
    %mul3A_0 = arith.muli %arg1, %mul3A : i32
    %add3A = arith.addi %mul3A_0, %arg0 : i32
    %mul3A_1 = arith.constant 10000 : i32
    %mul3A_2 = arith.muli %add3A, %mul3A_1 : i32
    "tpu.region"() ({
      %run_scoped3A = tpu.sem_alloc : memref<!tpu.dma_semaphore, #tpu.memory_space<semaphore_mem>>
      %dma_start3A_49 = tpu.memref_slice %arg4[%mul3A_2] : memref<320000xi32, #tpu.memory_space<hbm>> -> memref<10000xi32, #tpu.memory_space<hbm>>
      %dma_start3A_50 = tpu.memref_slice %arg4[%mul3A_2] : memref<320000xi32, #tpu.memory_space<hbm>> -> memref<10000xi32, #tpu.memory_space<hbm>>
      tpu.enqueue_dma source(%dma_start3A_50 : memref<10000xi32, #tpu.memory_space<hbm>>) target(%arg7 : memref<10000xi32, #tpu.memory_space<vmem>>) target_semaphore(%run_scoped3A : memref<!tpu.dma_semaphore, #tpu.memory_space<semaphore_mem>>)
      %dma_wait3A_51 = tpu.memref_slice %arg4[%mul3A_2] : memref<320000xi32, #tpu.memory_space<hbm>> -> memref<10000xi32, #tpu.memory_space<hbm>>
      %dma_wait3A_52 = tpu.memref_slice %arg4[%mul3A_2] : memref<320000xi32, #tpu.memory_space<hbm>> -> memref<10000xi32, #tpu.memory_space<hbm>>
      tpu.wait_dma2 semaphore(%run_scoped3A : memref<!tpu.dma_semaphore, #tpu.memory_space<semaphore_mem>>) src(%dma_wait3A_52 : memref<10000xi32, #tpu.memory_space<hbm>>) dst(%arg7 : memref<10000xi32, #tpu.memory_space<vmem>>)
      tpu.yield
    }) : () -> ()
    %scan3A = arith.constant 0 : i32
    %scan3A_3 = arith.constant 40 : i32
    %scan3A_4 = arith.addi %scan3A, %scan3A_3 : i32
    %scan3A_5 = arith.constant 1 : i32
    scf.for %scan3A_49 = %scan3A to %scan3A_4 step %scan3A_5  : i32 {
      %mul3A_50 = arith.constant 1 : i32
      %mul3A_51 = arith.muli %scan3A_49, %mul3A_50 : i32
      %add3A_52 = arith.constant 0 : i32
      %add3A_53 = arith.addi %add3A_52, %mul3A_51 : i32
      %broadcast_in_dim3A = arith.constant 0.000000e+00 : f32
      %broadcast_in_dim3A_54 = vector.broadcast %broadcast_in_dim3A : f32 to vector<16xf32>
      %swap3A = arith.index_cast %add3A_53 : i32 to index
      %swap3A_55 = arith.constant 0 : index
      %swap3A_56 = tpu.vector_load %arg8[%swap3A, %swap3A_55] {strides = array<i32>} : memref<40x128xf32, #tpu.memory_space<vmem>>, vector<1x16xf32>,
      %swap3A_57 = vector.shape_cast %swap3A_56 : vector<1x16xf32> to vector<16xf32>
      %swap3A_58 = vector.shape_cast %broadcast_in_dim3A_54 : vector<16xf32> to vector<1x16xf32>
      tpu.vector_store %arg8[%swap3A, %swap3A_55], %swap3A_58 {strides = array<i32>} : memref<40x128xf32, #tpu.memory_space<vmem>>, vector<1x16xf32>,
      %broadcast_in_dim3A_59 = arith.constant 0.000000e+00 : f32
      %broadcast_in_dim3A_60 = vector.broadcast %broadcast_in_dim3A_59 : f32 to vector<16xf32>
      %swap3A_61 = arith.index_cast %add3A_53 : i32 to index
      %swap3A_62 = arith.constant 16 : index
      %swap3A_63 = tpu.vector_load %arg8[%swap3A_61, %swap3A_62] {strides = array<i32>} : memref<40x128xf32, #tpu.memory_space<vmem>>, vector<1x16xf32>,
      %swap3A_64 = vector.shape_cast %swap3A_63 : vector<1x16xf32> to vector<16xf32>
      %swap3A_65 = vector.shape_cast %broadcast_in_dim3A_60 : vector<16xf32> to vector<1x16xf32>
      tpu.vector_store %arg8[%swap3A_61, %swap3A_62], %swap3A_65 {strides = array<i32>} : memref<40x128xf32, #tpu.memory_space<vmem>>, vector<1x16xf32>,
      %broadcast_in_dim3A_66 = arith.constant 0.000000e+00 : f32
      %broadcast_in_dim3A_67 = vector.broadcast %broadcast_in_dim3A_66 : f32 to vector<16xf32>
      %swap3A_68 = arith.index_cast %add3A_53 : i32 to index
      %swap3A_69 = arith.constant 32 : index
      %swap3A_70 = tpu.vector_load %arg8[%swap3A_68, %swap3A_69] {strides = array<i32>} : memref<40x128xf32, #tpu.memory_space<vmem>>, vector<1x16xf32>,
      %swap3A_71 = vector.shape_cast %swap3A_70 : vector<1x16xf32> to vector<16xf32>
      %swap3A_72 = vector.shape_cast %broadcast_in_dim3A_67 : vector<16xf32> to vector<1x16xf32>
      tpu.vector_store %arg8[%swap3A_68, %swap3A_69], %swap3A_72 {strides = array<i32>} : memref<40x128xf32, #tpu.memory_space<vmem>>, vector<1x16xf32>,
      %broadcast_in_dim3A_73 = arith.constant 0.000000e+00 : f32
      %broadcast_in_dim3A_74 = vector.broadcast %broadcast_in_dim3A_73 : f32 to vector<16xf32>
      %swap3A_75 = arith.index_cast %add3A_53 : i32 to index
      %swap3A_76 = arith.constant 48 : index
      %swap3A_77 = tpu.vector_load %arg8[%swap3A_75, %swap3A_76] {strides = array<i32>} : memref<40x128xf32, #tpu.memory_space<vmem>>, vector<1x16xf32>,
      %swap3A_78 = vector.shape_cast %swap3A_77 : vector<1x16xf32> to vector<16xf32>
      %swap3A_79 = vector.shape_cast %broadcast_in_dim3A_74 : vector<16xf32> to vector<1x16xf32>
      tpu.vector_store %arg8[%swap3A_75, %swap3A_76], %swap3A_79 {strides = array<i32>} : memref<40x128xf32, #tpu.memory_space<vmem>>, vector<1x16xf32>,
      %broadcast_in_dim3A_80 = arith.constant 0.000000e+00 : f32
      %broadcast_in_dim3A_81 = vector.broadcast %broadcast_in_dim3A_80 : f32 to vector<16xf32>
      %swap3A_82 = arith.index_cast %add3A_53 : i32 to index
      %swap3A_83 = arith.constant 64 : index
      %swap3A_84 = tpu.vector_load %arg8[%swap3A_82, %swap3A_83] {strides = array<i32>} : memref<40x128xf32, #tpu.memory_space<vmem>>, vector<1x16xf32>,
      %swap3A_85 = vector.shape_cast %swap3A_84 : vector<1x16xf32> to vector<16xf32>
      %swap3A_86 = vector.shape_cast %broadcast_in_dim3A_81 : vector<16xf32> to vector<1x16xf32>
      tpu.vector_store %arg8[%swap3A_82, %swap3A_83], %swap3A_86 {strides = array<i32>} : memref<40x128xf32, #tpu.memory_space<vmem>>, vector<1x16xf32>,
      %broadcast_in_dim3A_87 = arith.constant 0.000000e+00 : f32
      %broadcast_in_dim3A_88 = vector.broadcast %broadcast_in_dim3A_87 : f32 to vector<16xf32>
      %swap3A_89 = arith.index_cast %add3A_53 : i32 to index
      %swap3A_90 = arith.constant 80 : index
      %swap3A_91 = tpu.vector_load %arg8[%swap3A_89, %swap3A_90] {strides = array<i32>} : memref<40x128xf32, #tpu.memory_space<vmem>>, vector<1x16xf32>,
      %swap3A_92 = vector.shape_cast %swap3A_91 : vector<1x16xf32> to vector<16xf32>
      %swap3A_93 = vector.shape_cast %broadcast_in_dim3A_88 : vector<16xf32> to vector<1x16xf32>
      tpu.vector_store %arg8[%swap3A_89, %swap3A_90], %swap3A_93 {strides = array<i32>} : memref<40x128xf32, #tpu.memory_space<vmem>>, vector<1x16xf32>,
      %broadcast_in_dim3A_94 = arith.constant 0.000000e+00 : f32
      %broadcast_in_dim3A_95 = vector.broadcast %broadcast_in_dim3A_94 : f32 to vector<16xf32>
      %swap3A_96 = arith.index_cast %add3A_53 : i32 to index
      %swap3A_97 = arith.constant 96 : index
      %swap3A_98 = tpu.vector_load %arg8[%swap3A_96, %swap3A_97] {strides = array<i32>} : memref<40x128xf32, #tpu.memory_space<vmem>>, vector<1x16xf32>,
      %swap3A_99 = vector.shape_cast %swap3A_98 : vector<1x16xf32> to vector<16xf32>
      %swap3A_100 = vector.shape_cast %broadcast_in_dim3A_95 : vector<16xf32> to vector<1x16xf32>
      tpu.vector_store %arg8[%swap3A_96, %swap3A_97], %swap3A_100 {strides = array<i32>} : memref<40x128xf32, #tpu.memory_space<vmem>>, vector<1x16xf32>,
      %broadcast_in_dim3A_101 = arith.constant 0.000000e+00 : f32
      %broadcast_in_dim3A_102 = vector.broadcast %broadcast_in_dim3A_101 : f32 to vector<16xf32>
      %swap3A_103 = arith.index_cast %add3A_53 : i32 to index
      %swap3A_104 = arith.constant 112 : index
      %swap3A_105 = tpu.vector_load %arg8[%swap3A_103, %swap3A_104] {strides = array<i32>} : memref<40x128xf32, #tpu.memory_space<vmem>>, vector<1x16xf32>,
      %swap3A_106 = vector.shape_cast %swap3A_105 : vector<1x16xf32> to vector<16xf32>
      %swap3A_107 = vector.shape_cast %broadcast_in_dim3A_102 : vector<16xf32> to vector<1x16xf32>
      tpu.vector_store %arg8[%swap3A_103, %swap3A_104], %swap3A_107 {strides = array<i32>} : memref<40x128xf32, #tpu.memory_space<vmem>>, vector<1x16xf32>,
    }
    %scan3A_6 = arith.constant 40 : i32
    %scan3A_7 = arith.constant 0 : i32
    %scan3A_8 = arith.constant 16 : i32
    %scan3A_9 = arith.addi %scan3A_7, %scan3A_8 : i32
    %scan3A_10 = arith.constant 1 : i32
    scf.for %scan3A_49 = %scan3A_7 to %scan3A_9 step %scan3A_10  : i32 {
      %mul3A_50 = arith.constant 1 : i32
      %mul3A_51 = arith.muli %scan3A_49, %mul3A_50 : i32
      %add3A_52 = arith.constant 0 : i32
      %add3A_53 = arith.addi %add3A_52, %mul3A_51 : i32
      %mul3A_54 = arith.constant 16 : i32
      %mul3A_55 = arith.muli %add3A_53, %mul3A_54 : i32
      %add3A_56 = arith.addi %arg1, %mul3A_55 : i32
      %lt3A = arith.constant 250 : i32
      %lt3A_57 = arith.cmpi slt, %add3A_56, %lt3A : i32
      %convert_element_type3A = arith.extui %lt3A_57 : i1 to i32
      %cond3A = arith.constant 0 : i32
      %cond3A_58 = arith.cmpi ne, %convert_element_type3A, %cond3A : i32
      scf.if %cond3A_58 {
        %mul3A_59 = arith.constant 40 : i32
        %mul3A_60 = arith.muli %add3A_56, %mul3A_59 : i32
        "tpu.region"() ({
          %run_scoped3A = tpu.sem_alloc : memref<!tpu.dma_semaphore, #tpu.memory_space<semaphore_mem>>
          %dma_start3A_61 = arith.constant 0 : i32
          %dma_start3A_62 = tpu.memref_slice %arg16[%mul3A_60, %dma_start3A_61] : memref<10000x128xf32, #tpu.memory_space<vmem_shared>> -> memref<40x128xf32, #tpu.memory_space<vmem_shared>>
          %dma_start3A_63 = arith.constant 0 : i32
          %dma_start3A_64 = tpu.memref_slice %arg16[%mul3A_60, %dma_start3A_63] : memref<10000x128xf32, #tpu.memory_space<vmem_shared>> -> memref<40x128xf32, #tpu.memory_space<vmem_shared>>
          tpu.enqueue_dma source(%arg8 : memref<40x128xf32, #tpu.memory_space<vmem>>) target(%dma_start3A_64 : memref<40x128xf32, #tpu.memory_space<vmem_shared>>) target_semaphore(%run_scoped3A : memref<!tpu.dma_semaphore, #tpu.memory_space<semaphore_mem>>)
          %dma_wait3A_65 = arith.constant 0 : i32
          %dma_wait3A_66 = tpu.memref_slice %arg16[%mul3A_60, %dma_wait3A_65] : memref<10000x128xf32, #tpu.memory_space<vmem_shared>> -> memref<40x128xf32, #tpu.memory_space<vmem_shared>>
          %dma_wait3A_67 = arith.constant 0 : i32
          %dma_wait3A_68 = tpu.memref_slice %arg16[%mul3A_60, %dma_wait3A_67] : memref<10000x128xf32, #tpu.memory_space<vmem_shared>> -> memref<40x128xf32, #tpu.memory_space<vmem_shared>>
          tpu.wait_dma2 semaphore(%run_scoped3A : memref<!tpu.dma_semaphore, #tpu.memory_space<semaphore_mem>>) src(%arg8 : memref<40x128xf32, #tpu.memory_space<vmem>>) dst(%dma_wait3A_68 : memref<40x128xf32, #tpu.memory_space<vmem_shared>>)
          tpu.yield
        }) : () -> ()
      } else {
      }
    }
    %scan3A_11 = arith.constant 16 : i32
    %barrier3A = arith.constant 0 : index
    tpu.barrier barrier_id(%barrier3A)
    %dma_start3A = arith.constant 0 : i32
    %dma_start3A_12 = tpu.memref_slice %arg7[%dma_start3A] : memref<10000xi32, #tpu.memory_space<vmem>> -> memref<40xi32, #tpu.memory_space<vmem>>
    %dma_start3A_13 = arith.constant 0 : i32
    %dma_start3A_14 = arith.constant 0 : i32
    %dma_start3A_15 = tpu.memref_slice %arg2[%dma_start3A_13, %dma_start3A_14] : memref<10000x128xf32, #tpu.memory_space<hbm>> -> memref<10000x128xf32, #tpu.memory_space<hbm>>
    tpu.enqueue_indirect_dma source(%dma_start3A_15 : memref<10000x128xf32, #tpu.memory_space<hbm>>) target(%arg8 : memref<40x128xf32, #tpu.memory_space<vmem>>) offsets(%dma_start3A_12 : memref<40xi32, #tpu.memory_space<vmem>>) semaphore(%arg17 : memref<!tpu.dma_semaphore, #tpu.memory_space<semaphore_mem>>)
    %add3A_16 = arith.constant 0 : i32
    %add3A_17 = arith.addi %mul3A_2, %add3A_16 : i32
    %dma_start3A_18 = arith.constant 0 : i32
    %dma_start3A_19 = tpu.memref_slice %arg3[%add3A_17, %dma_start3A_18] : memref<320000x128xf32, #tpu.memory_space<hbm>> -> memref<40x128xf32, #tpu.memory_space<hbm>>
    %dma_start3A_20 = arith.constant 0 : i32
    %dma_start3A_21 = tpu.memref_slice %arg3[%add3A_17, %dma_start3A_20] : memref<320000x128xf32, #tpu.memory_space<hbm>> -> memref<40x128xf32, #tpu.memory_space<hbm>>
    tpu.enqueue_dma source(%dma_start3A_21 : memref<40x128xf32, #tpu.memory_space<hbm>>) target(%arg10 : memref<40x128xf32, #tpu.memory_space<vmem>>) target_semaphore(%arg19 : memref<!tpu.dma_semaphore, #tpu.memory_space<semaphore_mem>>)
    %dma_start3A_22 = arith.constant 40 : i32
    %dma_start3A_23 = tpu.memref_slice %arg7[%dma_start3A_22] : memref<10000xi32, #tpu.memory_space<vmem>> -> memref<40xi32, #tpu.memory_space<vmem>>
    %dma_start3A_24 = arith.constant 0 : i32
    %dma_start3A_25 = arith.constant 0 : i32
    %dma_start3A_26 = tpu.memref_slice %arg2[%dma_start3A_24, %dma_start3A_25] : memref<10000x128xf32, #tpu.memory_space<hbm>> -> memref<10000x128xf32, #tpu.memory_space<hbm>>
    tpu.enqueue_indirect_dma source(%dma_start3A_26 : memref<10000x128xf32, #tpu.memory_space<hbm>>) target(%arg9 : memref<40x128xf32, #tpu.memory_space<vmem>>) offsets(%dma_start3A_23 : memref<40xi32, #tpu.memory_space<vmem>>) semaphore(%arg18 : memref<!tpu.dma_semaphore, #tpu.memory_space<semaphore_mem>>)
    %add3A_27 = arith.constant 40 : i32
    %add3A_28 = arith.addi %mul3A_2, %add3A_27 : i32
    %dma_start3A_29 = arith.constant 0 : i32
    %dma_start3A_30 = tpu.memref_slice %arg3[%add3A_28, %dma_start3A_29] : memref<320000x128xf32, #tpu.memory_space<hbm>> -> memref<40x128xf32, #tpu.memory_space<hbm>>
    %dma_start3A_31 = arith.constant 0 : i32
    %dma_start3A_32 = tpu.memref_slice %arg3[%add3A_28, %dma_start3A_31] : memref<320000x128xf32, #tpu.memory_space<hbm>> -> memref<40x128xf32, #tpu.memory_space<hbm>>
    tpu.enqueue_dma source(%dma_start3A_32 : memref<40x128xf32, #tpu.memory_space<hbm>>) target(%arg11 : memref<40x128xf32, #tpu.memory_space<vmem>>) target_semaphore(%arg20 : memref<!tpu.dma_semaphore, #tpu.memory_space<semaphore_mem>>)
    %scan3A_33 = arith.constant 0 : i32
    %scan3A_34 = arith.constant 125 : i32
    %scan3A_35 = arith.addi %scan3A_33, %scan3A_34 : i32
    %scan3A_36 = arith.constant 1 : i32
    scf.for %scan3A_49 = %scan3A_33 to %scan3A_35 step %scan3A_36  : i32 {
      %mul3A_50 = arith.constant 1 : i32
      %mul3A_51 = arith.muli %scan3A_49, %mul3A_50 : i32
      %add3A_52 = arith.constant 0 : i32
      %add3A_53 = arith.addi %add3A_52, %mul3A_51 : i32
      %mul3A_54 = arith.constant 2 : i32
      %mul3A_55 = arith.muli %mul3A_54, %add3A_53 : i32
      %add3A_56 = arith.constant 0 : i32
      %add3A_57 = arith.addi %mul3A_55, %add3A_56 : i32
      %dma_wait3A_58 = arith.constant 0 : i32
      %dma_wait3A_59 = tpu.memref_slice %arg7[%dma_wait3A_58] : memref<10000xi32, #tpu.memory_space<vmem>> -> memref<40xi32, #tpu.memory_space<vmem>>
      %dma_wait3A_60 = arith.constant 0 : i32
      %dma_wait3A_61 = arith.constant 0 : i32
      %dma_wait3A_62 = tpu.memref_slice %arg2[%dma_wait3A_60, %dma_wait3A_61] : memref<10000x128xf32, #tpu.memory_space<hbm>> -> memref<10000x128xf32, #tpu.memory_space<hbm>>
      tpu.wait_indirect_dma semaphore(%arg17 : memref<!tpu.dma_semaphore, #tpu.memory_space<semaphore_mem>>) src(%dma_wait3A_62 : memref<10000x128xf32, #tpu.memory_space<hbm>>) dst(%arg8 : memref<40x128xf32, #tpu.memory_space<vmem>>)
      %dma_wait3A_63 = arith.constant 0 : i32
      %dma_wait3A_64 = arith.constant 0 : i32
      %dma_wait3A_65 = tpu.memref_slice %arg3[%dma_wait3A_63, %dma_wait3A_64] : memref<320000x128xf32, #tpu.memory_space<hbm>> -> memref<40x128xf32, #tpu.memory_space<hbm>>
      %dma_wait3A_66 = arith.constant 0 : i32
      %dma_wait3A_67 = arith.constant 0 : i32
      %dma_wait3A_68 = tpu.memref_slice %arg3[%dma_wait3A_66, %dma_wait3A_67] : memref<320000x128xf32, #tpu.memory_space<hbm>> -> memref<40x128xf32, #tpu.memory_space<hbm>>
      tpu.wait_dma2 semaphore(%arg19 : memref<!tpu.dma_semaphore, #tpu.memory_space<semaphore_mem>>) src(%dma_wait3A_68 : memref<40x128xf32, #tpu.memory_space<hbm>>) dst(%arg10 : memref<40x128xf32, #tpu.memory_space<vmem>>)
      %gt3A = arith.constant 0 : i32
      %gt3A_69 = arith.cmpi sgt, %add3A_53, %gt3A : i32
      %convert_element_type3A = arith.extui %gt3A_69 : i1 to i32
      %cond3A = arith.constant 0 : i32
      %cond3A_70 = arith.cmpi ne, %convert_element_type3A, %cond3A : i32
      scf.if %cond3A_70 {
        %dma_wait3A_138 = arith.constant 0 : i32
        %dma_wait3A_139 = arith.constant 0 : i32
        %dma_wait3A_140 = tpu.memref_slice %arg16[%dma_wait3A_138, %dma_wait3A_139] : memref<10000x128xf32, #tpu.memory_space<vmem_shared>> -> memref<10000x128xf32, #tpu.memory_space<vmem_shared>>
        tpu.wait_indirect_dma semaphore(%arg21 : memref<!tpu.dma_semaphore, #tpu.memory_space<semaphore_mem>>) src(%arg12 : memref<40x128xf32, #tpu.memory_space<vmem>>) dst(%dma_wait3A_140 : memref<10000x128xf32, #tpu.memory_space<vmem_shared>>)
      } else {
      }
      %mul3A_71 = arith.constant 40 : i32
      %mul3A_72 = arith.muli %add3A_57, %mul3A_71 : i32
      %add3A_73 = arith.addi %mul3A_2, %mul3A_72 : i32
      %dma_start3A_74 = tpu.memref_slice %arg5[%add3A_73] : memref<320000xi32, #tpu.memory_space<hbm>> -> memref<40xi32, #tpu.memory_space<hbm>>
      %dma_start3A_75 = tpu.memref_slice %arg5[%add3A_73] : memref<320000xi32, #tpu.memory_space<hbm>> -> memref<40xi32, #tpu.memory_space<hbm>>
      tpu.enqueue_dma source(%dma_start3A_75 : memref<40xi32, #tpu.memory_space<hbm>>) target(%arg14 : memref<40xi32, #tpu.memory_space<vmem>>) target_semaphore(%arg23 : memref<!tpu.dma_semaphore, #tpu.memory_space<semaphore_mem>>)
      %scan3A_76 = arith.constant 0 : i32
      %scan3A_77 = arith.constant 40 : i32
      %scan3A_78 = arith.addi %scan3A_76, %scan3A_77 : i32
      %scan3A_79 = arith.constant 1 : i32
      scf.for %scan3A_138 = %scan3A_76 to %scan3A_78 step %scan3A_79  : i32 {
        %mul3A_139 = arith.constant 1 : i32
        %mul3A_140 = arith.muli %scan3A_138, %mul3A_139 : i32
        %add3A_141 = arith.constant 0 : i32
        %add3A_142 = arith.addi %add3A_141, %mul3A_140 : i32
        %get3A = arith.index_cast %add3A_142 : i32 to index
        %get3A_143 = arith.constant 0 : index
        %get3A_144 = tpu.vector_load %arg8[%get3A, %get3A_143] {strides = array<i32>} : memref<40x128xf32, #tpu.memory_space<vmem>>, vector<1x16xf32>,
        %get3A_145 = vector.shape_cast %get3A_144 : vector<1x16xf32> to vector<16xf32>
        %get3A_146 = arith.index_cast %add3A_142 : i32 to index
        %get3A_147 = arith.constant 0 : index
        %get3A_148 = tpu.vector_load %arg10[%get3A_146, %get3A_147] {strides = array<i32>} : memref<40x128xf32, #tpu.memory_space<vmem>>, vector<1x16xf32>,
        %get3A_149 = vector.shape_cast %get3A_148 : vector<1x16xf32> to vector<16xf32>
        %add3A_150 = arith.addf %get3A_145, %get3A_149 : vector<16xf32>
        %max3A = arith.constant 0.000000e+00 : f32
        %max3A_151 = vector.broadcast %max3A : f32 to vector<16xf32>
        %max3A_152 = arith.maximumf %add3A_150, %max3A_151 : vector<16xf32>
        %swap3A = arith.index_cast %add3A_142 : i32 to index
        %swap3A_153 = arith.constant 0 : index
        %swap3A_154 = tpu.vector_load %arg12[%swap3A, %swap3A_153] {strides = array<i32>} : memref<40x128xf32, #tpu.memory_space<vmem>>, vector<1x16xf32>,
        %swap3A_155 = vector.shape_cast %swap3A_154 : vector<1x16xf32> to vector<16xf32>
        %swap3A_156 = vector.shape_cast %max3A_152 : vector<16xf32> to vector<1x16xf32>
        tpu.vector_store %arg12[%swap3A, %swap3A_153], %swap3A_156 {strides = array<i32>} : memref<40x128xf32, #tpu.memory_space<vmem>>, vector<1x16xf32>,
        %get3A_157 = arith.index_cast %add3A_142 : i32 to index
        %get3A_158 = arith.constant 16 : index
        %get3A_159 = tpu.vector_load %arg8[%get3A_157, %get3A_158] {strides = array<i32>} : memref<40x128xf32, #tpu.memory_space<vmem>>, vector<1x16xf32>,
        %get3A_160 = vector.shape_cast %get3A_159 : vector<1x16xf32> to vector<16xf32>
        %get3A_161 = arith.index_cast %add3A_142 : i32 to index
        %get3A_162 = arith.constant 16 : index
        %get3A_163 = tpu.vector_load %arg10[%get3A_161, %get3A_162] {strides = array<i32>} : memref<40x128xf32, #tpu.memory_space<vmem>>, vector<1x16xf32>,
        %get3A_164 = vector.shape_cast %get3A_163 : vector<1x16xf32> to vector<16xf32>
        %add3A_165 = arith.addf %get3A_160, %get3A_164 : vector<16xf32>
        %max3A_166 = arith.constant 0.000000e+00 : f32
        %max3A_167 = vector.broadcast %max3A_166 : f32 to vector<16xf32>
        %max3A_168 = arith.maximumf %add3A_165, %max3A_167 : vector<16xf32>
        %swap3A_169 = arith.index_cast %add3A_142 : i32 to index
        %swap3A_170 = arith.constant 16 : index
        %swap3A_171 = tpu.vector_load %arg12[%swap3A_169, %swap3A_170] {strides = array<i32>} : memref<40x128xf32, #tpu.memory_space<vmem>>, vector<1x16xf32>,
        %swap3A_172 = vector.shape_cast %swap3A_171 : vector<1x16xf32> to vector<16xf32>
        %swap3A_173 = vector.shape_cast %max3A_168 : vector<16xf32> to vector<1x16xf32>
        tpu.vector_store %arg12[%swap3A_169, %swap3A_170], %swap3A_173 {strides = array<i32>} : memref<40x128xf32, #tpu.memory_space<vmem>>, vector<1x16xf32>,
        %get3A_174 = arith.index_cast %add3A_142 : i32 to index
        %get3A_175 = arith.constant 32 : index
        %get3A_176 = tpu.vector_load %arg8[%get3A_174, %get3A_175] {strides = array<i32>} : memref<40x128xf32, #tpu.memory_space<vmem>>, vector<1x16xf32>,
        %get3A_177 = vector.shape_cast %get3A_176 : vector<1x16xf32> to vector<16xf32>
        %get3A_178 = arith.index_cast %add3A_142 : i32 to index
        %get3A_179 = arith.constant 32 : index
        %get3A_180 = tpu.vector_load %arg10[%get3A_178, %get3A_179] {strides = array<i32>} : memref<40x128xf32, #tpu.memory_space<vmem>>, vector<1x16xf32>,
        %get3A_181 = vector.shape_cast %get3A_180 : vector<1x16xf32> to vector<16xf32>
        %add3A_182 = arith.addf %get3A_177, %get3A_181 : vector<16xf32>
        %max3A_183 = arith.constant 0.000000e+00 : f32
        %max3A_184 = vector.broadcast %max3A_183 : f32 to vector<16xf32>
        %max3A_185 = arith.maximumf %add3A_182, %max3A_184 : vector<16xf32>
        %swap3A_186 = arith.index_cast %add3A_142 : i32 to index
        %swap3A_187 = arith.constant 32 : index
        %swap3A_188 = tpu.vector_load %arg12[%swap3A_186, %swap3A_187] {strides = array<i32>} : memref<40x128xf32, #tpu.memory_space<vmem>>, vector<1x16xf32>,
        %swap3A_189 = vector.shape_cast %swap3A_188 : vector<1x16xf32> to vector<16xf32>
        %swap3A_190 = vector.shape_cast %max3A_185 : vector<16xf32> to vector<1x16xf32>
        tpu.vector_store %arg12[%swap3A_186, %swap3A_187], %swap3A_190 {strides = array<i32>} : memref<40x128xf32, #tpu.memory_space<vmem>>, vector<1x16xf32>,
        %get3A_191 = arith.index_cast %add3A_142 : i32 to index
        %get3A_192 = arith.constant 48 : index
        %get3A_193 = tpu.vector_load %arg8[%get3A_191, %get3A_192] {strides = array<i32>} : memref<40x128xf32, #tpu.memory_space<vmem>>, vector<1x16xf32>,
        %get3A_194 = vector.shape_cast %get3A_193 : vector<1x16xf32> to vector<16xf32>
        %get3A_195 = arith.index_cast %add3A_142 : i32 to index
        %get3A_196 = arith.constant 48 : index
        %get3A_197 = tpu.vector_load %arg10[%get3A_195, %get3A_196] {strides = array<i32>} : memref<40x128xf32, #tpu.memory_space<vmem>>, vector<1x16xf32>,
        %get3A_198 = vector.shape_cast %get3A_197 : vector<1x16xf32> to vector<16xf32>
        %add3A_199 = arith.addf %get3A_194, %get3A_198 : vector<16xf32>
        %max3A_200 = arith.constant 0.000000e+00 : f32
        %max3A_201 = vector.broadcast %max3A_200 : f32 to vector<16xf32>
        %max3A_202 = arith.maximumf %add3A_199, %max3A_201 : vector<16xf32>
        %swap3A_203 = arith.index_cast %add3A_142 : i32 to index
        %swap3A_204 = arith.constant 48 : index
        %swap3A_205 = tpu.vector_load %arg12[%swap3A_203, %swap3A_204] {strides = array<i32>} : memref<40x128xf32, #tpu.memory_space<vmem>>, vector<1x16xf32>,
        %swap3A_206 = vector.shape_cast %swap3A_205 : vector<1x16xf32> to vector<16xf32>
        %swap3A_207 = vector.shape_cast %max3A_202 : vector<16xf32> to vector<1x16xf32>
        tpu.vector_store %arg12[%swap3A_203, %swap3A_204], %swap3A_207 {strides = array<i32>} : memref<40x128xf32, #tpu.memory_space<vmem>>, vector<1x16xf32>,
        %get3A_208 = arith.index_cast %add3A_142 : i32 to index
        %get3A_209 = arith.constant 64 : index
        %get3A_210 = tpu.vector_load %arg8[%get3A_208, %get3A_209] {strides = array<i32>} : memref<40x128xf32, #tpu.memory_space<vmem>>, vector<1x16xf32>,
        %get3A_211 = vector.shape_cast %get3A_210 : vector<1x16xf32> to vector<16xf32>
        %get3A_212 = arith.index_cast %add3A_142 : i32 to index
        %get3A_213 = arith.constant 64 : index
        %get3A_214 = tpu.vector_load %arg10[%get3A_212, %get3A_213] {strides = array<i32>} : memref<40x128xf32, #tpu.memory_space<vmem>>, vector<1x16xf32>,
        %get3A_215 = vector.shape_cast %get3A_214 : vector<1x16xf32> to vector<16xf32>
        %add3A_216 = arith.addf %get3A_211, %get3A_215 : vector<16xf32>
        %max3A_217 = arith.constant 0.000000e+00 : f32
        %max3A_218 = vector.broadcast %max3A_217 : f32 to vector<16xf32>
        %max3A_219 = arith.maximumf %add3A_216, %max3A_218 : vector<16xf32>
        %swap3A_220 = arith.index_cast %add3A_142 : i32 to index
        %swap3A_221 = arith.constant 64 : index
        %swap3A_222 = tpu.vector_load %arg12[%swap3A_220, %swap3A_221] {strides = array<i32>} : memref<40x128xf32, #tpu.memory_space<vmem>>, vector<1x16xf32>,
        %swap3A_223 = vector.shape_cast %swap3A_222 : vector<1x16xf32> to vector<16xf32>
        %swap3A_224 = vector.shape_cast %max3A_219 : vector<16xf32> to vector<1x16xf32>
        tpu.vector_store %arg12[%swap3A_220, %swap3A_221], %swap3A_224 {strides = array<i32>} : memref<40x128xf32, #tpu.memory_space<vmem>>, vector<1x16xf32>,
        %get3A_225 = arith.index_cast %add3A_142 : i32 to index
        %get3A_226 = arith.constant 80 : index
        %get3A_227 = tpu.vector_load %arg8[%get3A_225, %get3A_226] {strides = array<i32>} : memref<40x128xf32, #tpu.memory_space<vmem>>, vector<1x16xf32>,
        %get3A_228 = vector.shape_cast %get3A_227 : vector<1x16xf32> to vector<16xf32>
        %get3A_229 = arith.index_cast %add3A_142 : i32 to index
        %get3A_230 = arith.constant 80 : index
        %get3A_231 = tpu.vector_load %arg10[%get3A_229, %get3A_230] {strides = array<i32>} : memref<40x128xf32, #tpu.memory_space<vmem>>, vector<1x16xf32>,
        %get3A_232 = vector.shape_cast %get3A_231 : vector<1x16xf32> to vector<16xf32>
        %add3A_233 = arith.addf %get3A_228, %get3A_232 : vector<16xf32>
        %max3A_234 = arith.constant 0.000000e+00 : f32
        %max3A_235 = vector.broadcast %max3A_234 : f32 to vector<16xf32>
        %max3A_236 = arith.maximumf %add3A_233, %max3A_235 : vector<16xf32>
        %swap3A_237 = arith.index_cast %add3A_142 : i32 to index
        %swap3A_238 = arith.constant 80 : index
        %swap3A_239 = tpu.vector_load %arg12[%swap3A_237, %swap3A_238] {strides = array<i32>} : memref<40x128xf32, #tpu.memory_space<vmem>>, vector<1x16xf32>,
        %swap3A_240 = vector.shape_cast %swap3A_239 : vector<1x16xf32> to vector<16xf32>
        %swap3A_241 = vector.shape_cast %max3A_236 : vector<16xf32> to vector<1x16xf32>
        tpu.vector_store %arg12[%swap3A_237, %swap3A_238], %swap3A_241 {strides = array<i32>} : memref<40x128xf32, #tpu.memory_space<vmem>>, vector<1x16xf32>,
        %get3A_242 = arith.index_cast %add3A_142 : i32 to index
        %get3A_243 = arith.constant 96 : index
        %get3A_244 = tpu.vector_load %arg8[%get3A_242, %get3A_243] {strides = array<i32>} : memref<40x128xf32, #tpu.memory_space<vmem>>, vector<1x16xf32>,
        %get3A_245 = vector.shape_cast %get3A_244 : vector<1x16xf32> to vector<16xf32>
        %get3A_246 = arith.index_cast %add3A_142 : i32 to index
        %get3A_247 = arith.constant 96 : index
        %get3A_248 = tpu.vector_load %arg10[%get3A_246, %get3A_247] {strides = array<i32>} : memref<40x128xf32, #tpu.memory_space<vmem>>, vector<1x16xf32>,
        %get3A_249 = vector.shape_cast %get3A_248 : vector<1x16xf32> to vector<16xf32>
        %add3A_250 = arith.addf %get3A_245, %get3A_249 : vector<16xf32>
        %max3A_251 = arith.constant 0.000000e+00 : f32
        %max3A_252 = vector.broadcast %max3A_251 : f32 to vector<16xf32>
        %max3A_253 = arith.maximumf %add3A_250, %max3A_252 : vector<16xf32>
        %swap3A_254 = arith.index_cast %add3A_142 : i32 to index
        %swap3A_255 = arith.constant 96 : index
        %swap3A_256 = tpu.vector_load %arg12[%swap3A_254, %swap3A_255] {strides = array<i32>} : memref<40x128xf32, #tpu.memory_space<vmem>>, vector<1x16xf32>,
        %swap3A_257 = vector.shape_cast %swap3A_256 : vector<1x16xf32> to vector<16xf32>
        %swap3A_258 = vector.shape_cast %max3A_253 : vector<16xf32> to vector<1x16xf32>
        tpu.vector_store %arg12[%swap3A_254, %swap3A_255], %swap3A_258 {strides = array<i32>} : memref<40x128xf32, #tpu.memory_space<vmem>>, vector<1x16xf32>,
        %get3A_259 = arith.index_cast %add3A_142 : i32 to index
        %get3A_260 = arith.constant 112 : index
        %get3A_261 = tpu.vector_load %arg8[%get3A_259, %get3A_260] {strides = array<i32>} : memref<40x128xf32, #tpu.memory_space<vmem>>, vector<1x16xf32>,
        %get3A_262 = vector.shape_cast %get3A_261 : vector<1x16xf32> to vector<16xf32>
        %get3A_263 = arith.index_cast %add3A_142 : i32 to index
        %get3A_264 = arith.constant 112 : index
        %get3A_265 = tpu.vector_load %arg10[%get3A_263, %get3A_264] {strides = array<i32>} : memref<40x128xf32, #tpu.memory_space<vmem>>, vector<1x16xf32>,
        %get3A_266 = vector.shape_cast %get3A_265 : vector<1x16xf32> to vector<16xf32>
        %add3A_267 = arith.addf %get3A_262, %get3A_266 : vector<16xf32>
        %max3A_268 = arith.constant 0.000000e+00 : f32
        %max3A_269 = vector.broadcast %max3A_268 : f32 to vector<16xf32>
        %max3A_270 = arith.maximumf %add3A_267, %max3A_269 : vector<16xf32>
        %swap3A_271 = arith.index_cast %add3A_142 : i32 to index
        %swap3A_272 = arith.constant 112 : index
        %swap3A_273 = tpu.vector_load %arg12[%swap3A_271, %swap3A_272] {strides = array<i32>} : memref<40x128xf32, #tpu.memory_space<vmem>>, vector<1x16xf32>,
        %swap3A_274 = vector.shape_cast %swap3A_273 : vector<1x16xf32> to vector<16xf32>
        %swap3A_275 = vector.shape_cast %max3A_270 : vector<16xf32> to vector<1x16xf32>
        tpu.vector_store %arg12[%swap3A_271, %swap3A_272], %swap3A_275 {strides = array<i32>} : memref<40x128xf32, #tpu.memory_space<vmem>>, vector<1x16xf32>,
      }
      %scan3A_80 = arith.constant 40 : i32
      %add3A_81 = arith.constant 2 : i32
      %add3A_82 = arith.addi %add3A_57, %add3A_81 : i32
      %lt3A = arith.constant 250 : i32
      %lt3A_83 = arith.cmpi slt, %add3A_82, %lt3A : i32
      %convert_element_type3A_84 = arith.extui %lt3A_83 : i1 to i32
      %cond3A_85 = arith.constant 0 : i32
      %cond3A_86 = arith.cmpi ne, %convert_element_type3A_84, %cond3A_85 : i32
      scf.if %cond3A_86 {
        %mul3A_138 = arith.constant 40 : i32
        %mul3A_139 = arith.muli %add3A_82, %mul3A_138 : i32
        %dma_start3A_140 = tpu.memref_slice %arg7[%mul3A_139] : memref<10000xi32, #tpu.memory_space<vmem>> -> memref<40xi32, #tpu.memory_space<vmem>>
        %dma_start3A_141 = arith.constant 0 : i32
        %dma_start3A_142 = arith.constant 0 : i32
        %dma_start3A_143 = tpu.memref_slice %arg2[%dma_start3A_141, %dma_start3A_142] : memref<10000x128xf32, #tpu.memory_space<hbm>> -> memref<10000x128xf32, #tpu.memory_space<hbm>>
        tpu.enqueue_indirect_dma source(%dma_start3A_143 : memref<10000x128xf32, #tpu.memory_space<hbm>>) target(%arg8 : memref<40x128xf32, #tpu.memory_space<vmem>>) offsets(%dma_start3A_140 : memref<40xi32, #tpu.memory_space<vmem>>) semaphore(%arg17 : memref<!tpu.dma_semaphore, #tpu.memory_space<semaphore_mem>>)
        %add3A_144 = arith.addi %mul3A_2, %mul3A_139 : i32
        %dma_start3A_145 = arith.constant 0 : i32
        %dma_start3A_146 = tpu.memref_slice %arg3[%add3A_144, %dma_start3A_145] : memref<320000x128xf32, #tpu.memory_space<hbm>> -> memref<40x128xf32, #tpu.memory_space<hbm>>
        %dma_start3A_147 = arith.constant 0 : i32
        %dma_start3A_148 = tpu.memref_slice %arg3[%add3A_144, %dma_start3A_147] : memref<320000x128xf32, #tpu.memory_space<hbm>> -> memref<40x128xf32, #tpu.memory_space<hbm>>
        tpu.enqueue_dma source(%dma_start3A_148 : memref<40x128xf32, #tpu.memory_space<hbm>>) target(%arg10 : memref<40x128xf32, #tpu.memory_space<vmem>>) target_semaphore(%arg19 : memref<!tpu.dma_semaphore, #tpu.memory_space<semaphore_mem>>)
      } else {
      }
      %dma_wait3A_87 = arith.constant 0 : i32
      %dma_wait3A_88 = tpu.memref_slice %arg5[%dma_wait3A_87] : memref<320000xi32, #tpu.memory_space<hbm>> -> memref<40xi32, #tpu.memory_space<hbm>>
      %dma_wait3A_89 = arith.constant 0 : i32
      %dma_wait3A_90 = tpu.memref_slice %arg5[%dma_wait3A_89] : memref<320000xi32, #tpu.memory_space<hbm>> -> memref<40xi32, #tpu.memory_space<hbm>>
      tpu.wait_dma2 semaphore(%arg23 : memref<!tpu.dma_semaphore, #tpu.memory_space<semaphore_mem>>) src(%dma_wait3A_90 : memref<40xi32, #tpu.memory_space<hbm>>) dst(%arg14 : memref<40xi32, #tpu.memory_space<vmem>>)
      %dma_start3A_91 = arith.constant 0 : i32
      %dma_start3A_92 = arith.constant 0 : i32
      %dma_start3A_93 = tpu.memref_slice %arg16[%dma_start3A_91, %dma_start3A_92] : memref<10000x128xf32, #tpu.memory_space<vmem_shared>> -> memref<10000x128xf32, #tpu.memory_space<vmem_shared>>
      tpu.enqueue_indirect_dma source(%arg12 : memref<40x128xf32, #tpu.memory_space<vmem>>) target(%dma_start3A_93 : memref<10000x128xf32, #tpu.memory_space<vmem_shared>>) offsets(%arg14 : memref<40xi32, #tpu.memory_space<vmem>>) semaphore(%arg21 : memref<!tpu.dma_semaphore, #tpu.memory_space<semaphore_mem>>) {add = true}
      %mul3A_94 = arith.constant 2 : i32
      %mul3A_95 = arith.muli %mul3A_94, %add3A_53 : i32
      %add3A_96 = arith.constant 1 : i32
      %add3A_97 = arith.addi %mul3A_95, %add3A_96 : i32
      %dma_wait3A_98 = arith.constant 0 : i32
      %dma_wait3A_99 = tpu.memref_slice %arg7[%dma_wait3A_98] : memref<10000xi32, #tpu.memory_space<vmem>> -> memref<40xi32, #tpu.memory_space<vmem>>
      %dma_wait3A_100 = arith.constant 0 : i32
      %dma_wait3A_101 = arith.constant 0 : i32
      %dma_wait3A_102 = tpu.memref_slice %arg2[%dma_wait3A_100, %dma_wait3A_101] : memref<10000x128xf32, #tpu.memory_space<hbm>> -> memref<10000x128xf32, #tpu.memory_space<hbm>>
      tpu.wait_indirect_dma semaphore(%arg18 : memref<!tpu.dma_semaphore, #tpu.memory_space<semaphore_mem>>) src(%dma_wait3A_102 : memref<10000x128xf32, #tpu.memory_space<hbm>>) dst(%arg9 : memref<40x128xf32, #tpu.memory_space<vmem>>)
      %dma_wait3A_103 = arith.constant 0 : i32
      %dma_wait3A_104 = arith.constant 0 : i32
      %dma_wait3A_105 = tpu.memref_slice %arg3[%dma_wait3A_103, %dma_wait3A_104] : memref<320000x128xf32, #tpu.memory_space<hbm>> -> memref<40x128xf32, #tpu.memory_space<hbm>>
      %dma_wait3A_106 = arith.constant 0 : i32
      %dma_wait3A_107 = arith.constant 0 : i32
      %dma_wait3A_108 = tpu.memref_slice %arg3[%dma_wait3A_106, %dma_wait3A_107] : memref<320000x128xf32, #tpu.memory_space<hbm>> -> memref<40x128xf32, #tpu.memory_space<hbm>>
      tpu.wait_dma2 semaphore(%arg20 : memref<!tpu.dma_semaphore, #tpu.memory_space<semaphore_mem>>) src(%dma_wait3A_108 : memref<40x128xf32, #tpu.memory_space<hbm>>) dst(%arg11 : memref<40x128xf32, #tpu.memory_space<vmem>>)
      %gt3A_109 = arith.constant 0 : i32
      %gt3A_110 = arith.cmpi sgt, %add3A_53, %gt3A_109 : i32
      %convert_element_type3A_111 = arith.extui %gt3A_110 : i1 to i32
      %cond3A_112 = arith.constant 0 : i32
      %cond3A_113 = arith.cmpi ne, %convert_element_type3A_111, %cond3A_112 : i32
      scf.if %cond3A_113 {
        %dma_wait3A_138 = arith.constant 0 : i32
        %dma_wait3A_139 = arith.constant 0 : i32
        %dma_wait3A_140 = tpu.memref_slice %arg16[%dma_wait3A_138, %dma_wait3A_139] : memref<10000x128xf32, #tpu.memory_space<vmem_shared>> -> memref<10000x128xf32, #tpu.memory_space<vmem_shared>>
        tpu.wait_indirect_dma semaphore(%arg22 : memref<!tpu.dma_semaphore, #tpu.memory_space<semaphore_mem>>) src(%arg13 : memref<40x128xf32, #tpu.memory_space<vmem>>) dst(%dma_wait3A_140 : memref<10000x128xf32, #tpu.memory_space<vmem_shared>>)
      } else {
      }
      %mul3A_114 = arith.constant 40 : i32
      %mul3A_115 = arith.muli %add3A_97, %mul3A_114 : i32
      %add3A_116 = arith.addi %mul3A_2, %mul3A_115 : i32
      %dma_start3A_117 = tpu.memref_slice %arg5[%add3A_116] : memref<320000xi32, #tpu.memory_space<hbm>> -> memref<40xi32, #tpu.memory_space<hbm>>
      %dma_start3A_118 = tpu.memref_slice %arg5[%add3A_116] : memref<320000xi32, #tpu.memory_space<hbm>> -> memref<40xi32, #tpu.memory_space<hbm>>
      tpu.enqueue_dma source(%dma_start3A_118 : memref<40xi32, #tpu.memory_space<hbm>>) target(%arg15 : memref<40xi32, #tpu.memory_space<vmem>>) target_semaphore(%arg24 : memref<!tpu.dma_semaphore, #tpu.memory_space<semaphore_mem>>)
      %scan3A_119 = arith.constant 0 : i32
      %scan3A_120 = arith.constant 40 : i32
      %scan3A_121 = arith.addi %scan3A_119, %scan3A_120 : i32
      %scan3A_122 = arith.constant 1 : i32
      scf.for %scan3A_138 = %scan3A_119 to %scan3A_121 step %scan3A_122  : i32 {
        %mul3A_139 = arith.constant 1 : i32
        %mul3A_140 = arith.muli %scan3A_138, %mul3A_139 : i32
        %add3A_141 = arith.constant 0 : i32
        %add3A_142 = arith.addi %add3A_141, %mul3A_140 : i32
        %get3A = arith.index_cast %add3A_142 : i32 to index
        %get3A_143 = arith.constant 0 : index
        %get3A_144 = tpu.vector_load %arg9[%get3A, %get3A_143] {strides = array<i32>} : memref<40x128xf32, #tpu.memory_space<vmem>>, vector<1x16xf32>,
        %get3A_145 = vector.shape_cast %get3A_144 : vector<1x16xf32> to vector<16xf32>
        %get3A_146 = arith.index_cast %add3A_142 : i32 to index
        %get3A_147 = arith.constant 0 : index
        %get3A_148 = tpu.vector_load %arg11[%get3A_146, %get3A_147] {strides = array<i32>} : memref<40x128xf32, #tpu.memory_space<vmem>>, vector<1x16xf32>,
        %get3A_149 = vector.shape_cast %get3A_148 : vector<1x16xf32> to vector<16xf32>
        %add3A_150 = arith.addf %get3A_145, %get3A_149 : vector<16xf32>
        %max3A = arith.constant 0.000000e+00 : f32
        %max3A_151 = vector.broadcast %max3A : f32 to vector<16xf32>
        %max3A_152 = arith.maximumf %add3A_150, %max3A_151 : vector<16xf32>
        %swap3A = arith.index_cast %add3A_142 : i32 to index
        %swap3A_153 = arith.constant 0 : index
        %swap3A_154 = tpu.vector_load %arg13[%swap3A, %swap3A_153] {strides = array<i32>} : memref<40x128xf32, #tpu.memory_space<vmem>>, vector<1x16xf32>,
        %swap3A_155 = vector.shape_cast %swap3A_154 : vector<1x16xf32> to vector<16xf32>
        %swap3A_156 = vector.shape_cast %max3A_152 : vector<16xf32> to vector<1x16xf32>
        tpu.vector_store %arg13[%swap3A, %swap3A_153], %swap3A_156 {strides = array<i32>} : memref<40x128xf32, #tpu.memory_space<vmem>>, vector<1x16xf32>,
        %get3A_157 = arith.index_cast %add3A_142 : i32 to index
        %get3A_158 = arith.constant 16 : index
        %get3A_159 = tpu.vector_load %arg9[%get3A_157, %get3A_158] {strides = array<i32>} : memref<40x128xf32, #tpu.memory_space<vmem>>, vector<1x16xf32>,
        %get3A_160 = vector.shape_cast %get3A_159 : vector<1x16xf32> to vector<16xf32>
        %get3A_161 = arith.index_cast %add3A_142 : i32 to index
        %get3A_162 = arith.constant 16 : index
        %get3A_163 = tpu.vector_load %arg11[%get3A_161, %get3A_162] {strides = array<i32>} : memref<40x128xf32, #tpu.memory_space<vmem>>, vector<1x16xf32>,
        %get3A_164 = vector.shape_cast %get3A_163 : vector<1x16xf32> to vector<16xf32>
        %add3A_165 = arith.addf %get3A_160, %get3A_164 : vector<16xf32>
        %max3A_166 = arith.constant 0.000000e+00 : f32
        %max3A_167 = vector.broadcast %max3A_166 : f32 to vector<16xf32>
        %max3A_168 = arith.maximumf %add3A_165, %max3A_167 : vector<16xf32>
        %swap3A_169 = arith.index_cast %add3A_142 : i32 to index
        %swap3A_170 = arith.constant 16 : index
        %swap3A_171 = tpu.vector_load %arg13[%swap3A_169, %swap3A_170] {strides = array<i32>} : memref<40x128xf32, #tpu.memory_space<vmem>>, vector<1x16xf32>,
        %swap3A_172 = vector.shape_cast %swap3A_171 : vector<1x16xf32> to vector<16xf32>
        %swap3A_173 = vector.shape_cast %max3A_168 : vector<16xf32> to vector<1x16xf32>
        tpu.vector_store %arg13[%swap3A_169, %swap3A_170], %swap3A_173 {strides = array<i32>} : memref<40x128xf32, #tpu.memory_space<vmem>>, vector<1x16xf32>,
        %get3A_174 = arith.index_cast %add3A_142 : i32 to index
        %get3A_175 = arith.constant 32 : index
        %get3A_176 = tpu.vector_load %arg9[%get3A_174, %get3A_175] {strides = array<i32>} : memref<40x128xf32, #tpu.memory_space<vmem>>, vector<1x16xf32>,
        %get3A_177 = vector.shape_cast %get3A_176 : vector<1x16xf32> to vector<16xf32>
        %get3A_178 = arith.index_cast %add3A_142 : i32 to index
        %get3A_179 = arith.constant 32 : index
        %get3A_180 = tpu.vector_load %arg11[%get3A_178, %get3A_179] {strides = array<i32>} : memref<40x128xf32, #tpu.memory_space<vmem>>, vector<1x16xf32>,
        %get3A_181 = vector.shape_cast %get3A_180 : vector<1x16xf32> to vector<16xf32>
        %add3A_182 = arith.addf %get3A_177, %get3A_181 : vector<16xf32>
        %max3A_183 = arith.constant 0.000000e+00 : f32
        %max3A_184 = vector.broadcast %max3A_183 : f32 to vector<16xf32>
        %max3A_185 = arith.maximumf %add3A_182, %max3A_184 : vector<16xf32>
        %swap3A_186 = arith.index_cast %add3A_142 : i32 to index
        %swap3A_187 = arith.constant 32 : index
        %swap3A_188 = tpu.vector_load %arg13[%swap3A_186, %swap3A_187] {strides = array<i32>} : memref<40x128xf32, #tpu.memory_space<vmem>>, vector<1x16xf32>,
        %swap3A_189 = vector.shape_cast %swap3A_188 : vector<1x16xf32> to vector<16xf32>
        %swap3A_190 = vector.shape_cast %max3A_185 : vector<16xf32> to vector<1x16xf32>
        tpu.vector_store %arg13[%swap3A_186, %swap3A_187], %swap3A_190 {strides = array<i32>} : memref<40x128xf32, #tpu.memory_space<vmem>>, vector<1x16xf32>,
        %get3A_191 = arith.index_cast %add3A_142 : i32 to index
        %get3A_192 = arith.constant 48 : index
        %get3A_193 = tpu.vector_load %arg9[%get3A_191, %get3A_192] {strides = array<i32>} : memref<40x128xf32, #tpu.memory_space<vmem>>, vector<1x16xf32>,
        %get3A_194 = vector.shape_cast %get3A_193 : vector<1x16xf32> to vector<16xf32>
        %get3A_195 = arith.index_cast %add3A_142 : i32 to index
        %get3A_196 = arith.constant 48 : index
        %get3A_197 = tpu.vector_load %arg11[%get3A_195, %get3A_196] {strides = array<i32>} : memref<40x128xf32, #tpu.memory_space<vmem>>, vector<1x16xf32>,
        %get3A_198 = vector.shape_cast %get3A_197 : vector<1x16xf32> to vector<16xf32>
        %add3A_199 = arith.addf %get3A_194, %get3A_198 : vector<16xf32>
        %max3A_200 = arith.constant 0.000000e+00 : f32
        %max3A_201 = vector.broadcast %max3A_200 : f32 to vector<16xf32>
        %max3A_202 = arith.maximumf %add3A_199, %max3A_201 : vector<16xf32>
        %swap3A_203 = arith.index_cast %add3A_142 : i32 to index
        %swap3A_204 = arith.constant 48 : index
        %swap3A_205 = tpu.vector_load %arg13[%swap3A_203, %swap3A_204] {strides = array<i32>} : memref<40x128xf32, #tpu.memory_space<vmem>>, vector<1x16xf32>,
        %swap3A_206 = vector.shape_cast %swap3A_205 : vector<1x16xf32> to vector<16xf32>
        %swap3A_207 = vector.shape_cast %max3A_202 : vector<16xf32> to vector<1x16xf32>
        tpu.vector_store %arg13[%swap3A_203, %swap3A_204], %swap3A_207 {strides = array<i32>} : memref<40x128xf32, #tpu.memory_space<vmem>>, vector<1x16xf32>,
        %get3A_208 = arith.index_cast %add3A_142 : i32 to index
        %get3A_209 = arith.constant 64 : index
        %get3A_210 = tpu.vector_load %arg9[%get3A_208, %get3A_209] {strides = array<i32>} : memref<40x128xf32, #tpu.memory_space<vmem>>, vector<1x16xf32>,
        %get3A_211 = vector.shape_cast %get3A_210 : vector<1x16xf32> to vector<16xf32>
        %get3A_212 = arith.index_cast %add3A_142 : i32 to index
        %get3A_213 = arith.constant 64 : index
        %get3A_214 = tpu.vector_load %arg11[%get3A_212, %get3A_213] {strides = array<i32>} : memref<40x128xf32, #tpu.memory_space<vmem>>, vector<1x16xf32>,
        %get3A_215 = vector.shape_cast %get3A_214 : vector<1x16xf32> to vector<16xf32>
        %add3A_216 = arith.addf %get3A_211, %get3A_215 : vector<16xf32>
        %max3A_217 = arith.constant 0.000000e+00 : f32
        %max3A_218 = vector.broadcast %max3A_217 : f32 to vector<16xf32>
        %max3A_219 = arith.maximumf %add3A_216, %max3A_218 : vector<16xf32>
        %swap3A_220 = arith.index_cast %add3A_142 : i32 to index
        %swap3A_221 = arith.constant 64 : index
        %swap3A_222 = tpu.vector_load %arg13[%swap3A_220, %swap3A_221] {strides = array<i32>} : memref<40x128xf32, #tpu.memory_space<vmem>>, vector<1x16xf32>,
        %swap3A_223 = vector.shape_cast %swap3A_222 : vector<1x16xf32> to vector<16xf32>
        %swap3A_224 = vector.shape_cast %max3A_219 : vector<16xf32> to vector<1x16xf32>
        tpu.vector_store %arg13[%swap3A_220, %swap3A_221], %swap3A_224 {strides = array<i32>} : memref<40x128xf32, #tpu.memory_space<vmem>>, vector<1x16xf32>,
        %get3A_225 = arith.index_cast %add3A_142 : i32 to index
        %get3A_226 = arith.constant 80 : index
        %get3A_227 = tpu.vector_load %arg9[%get3A_225, %get3A_226] {strides = array<i32>} : memref<40x128xf32, #tpu.memory_space<vmem>>, vector<1x16xf32>,
        %get3A_228 = vector.shape_cast %get3A_227 : vector<1x16xf32> to vector<16xf32>
        %get3A_229 = arith.index_cast %add3A_142 : i32 to index
        %get3A_230 = arith.constant 80 : index
        %get3A_231 = tpu.vector_load %arg11[%get3A_229, %get3A_230] {strides = array<i32>} : memref<40x128xf32, #tpu.memory_space<vmem>>, vector<1x16xf32>,
        %get3A_232 = vector.shape_cast %get3A_231 : vector<1x16xf32> to vector<16xf32>
        %add3A_233 = arith.addf %get3A_228, %get3A_232 : vector<16xf32>
        %max3A_234 = arith.constant 0.000000e+00 : f32
        %max3A_235 = vector.broadcast %max3A_234 : f32 to vector<16xf32>
        %max3A_236 = arith.maximumf %add3A_233, %max3A_235 : vector<16xf32>
        %swap3A_237 = arith.index_cast %add3A_142 : i32 to index
        %swap3A_238 = arith.constant 80 : index
        %swap3A_239 = tpu.vector_load %arg13[%swap3A_237, %swap3A_238] {strides = array<i32>} : memref<40x128xf32, #tpu.memory_space<vmem>>, vector<1x16xf32>,
        %swap3A_240 = vector.shape_cast %swap3A_239 : vector<1x16xf32> to vector<16xf32>
        %swap3A_241 = vector.shape_cast %max3A_236 : vector<16xf32> to vector<1x16xf32>
        tpu.vector_store %arg13[%swap3A_237, %swap3A_238], %swap3A_241 {strides = array<i32>} : memref<40x128xf32, #tpu.memory_space<vmem>>, vector<1x16xf32>,
        %get3A_242 = arith.index_cast %add3A_142 : i32 to index
        %get3A_243 = arith.constant 96 : index
        %get3A_244 = tpu.vector_load %arg9[%get3A_242, %get3A_243] {strides = array<i32>} : memref<40x128xf32, #tpu.memory_space<vmem>>, vector<1x16xf32>,
        %get3A_245 = vector.shape_cast %get3A_244 : vector<1x16xf32> to vector<16xf32>
        %get3A_246 = arith.index_cast %add3A_142 : i32 to index
        %get3A_247 = arith.constant 96 : index
        %get3A_248 = tpu.vector_load %arg11[%get3A_246, %get3A_247] {strides = array<i32>} : memref<40x128xf32, #tpu.memory_space<vmem>>, vector<1x16xf32>,
        %get3A_249 = vector.shape_cast %get3A_248 : vector<1x16xf32> to vector<16xf32>
        %add3A_250 = arith.addf %get3A_245, %get3A_249 : vector<16xf32>
        %max3A_251 = arith.constant 0.000000e+00 : f32
        %max3A_252 = vector.broadcast %max3A_251 : f32 to vector<16xf32>
        %max3A_253 = arith.maximumf %add3A_250, %max3A_252 : vector<16xf32>
        %swap3A_254 = arith.index_cast %add3A_142 : i32 to index
        %swap3A_255 = arith.constant 96 : index
        %swap3A_256 = tpu.vector_load %arg13[%swap3A_254, %swap3A_255] {strides = array<i32>} : memref<40x128xf32, #tpu.memory_space<vmem>>, vector<1x16xf32>,
        %swap3A_257 = vector.shape_cast %swap3A_256 : vector<1x16xf32> to vector<16xf32>
        %swap3A_258 = vector.shape_cast %max3A_253 : vector<16xf32> to vector<1x16xf32>
        tpu.vector_store %arg13[%swap3A_254, %swap3A_255], %swap3A_258 {strides = array<i32>} : memref<40x128xf32, #tpu.memory_space<vmem>>, vector<1x16xf32>,
        %get3A_259 = arith.index_cast %add3A_142 : i32 to index
        %get3A_260 = arith.constant 112 : index
        %get3A_261 = tpu.vector_load %arg9[%get3A_259, %get3A_260] {strides = array<i32>} : memref<40x128xf32, #tpu.memory_space<vmem>>, vector<1x16xf32>,
        %get3A_262 = vector.shape_cast %get3A_261 : vector<1x16xf32> to vector<16xf32>
        %get3A_263 = arith.index_cast %add3A_142 : i32 to index
        %get3A_264 = arith.constant 112 : index
        %get3A_265 = tpu.vector_load %arg11[%get3A_263, %get3A_264] {strides = array<i32>} : memref<40x128xf32, #tpu.memory_space<vmem>>, vector<1x16xf32>,
        %get3A_266 = vector.shape_cast %get3A_265 : vector<1x16xf32> to vector<16xf32>
        %add3A_267 = arith.addf %get3A_262, %get3A_266 : vector<16xf32>
        %max3A_268 = arith.constant 0.000000e+00 : f32
        %max3A_269 = vector.broadcast %max3A_268 : f32 to vector<16xf32>
        %max3A_270 = arith.maximumf %add3A_267, %max3A_269 : vector<16xf32>
        %swap3A_271 = arith.index_cast %add3A_142 : i32 to index
        %swap3A_272 = arith.constant 112 : index
        %swap3A_273 = tpu.vector_load %arg13[%swap3A_271, %swap3A_272] {strides = array<i32>} : memref<40x128xf32, #tpu.memory_space<vmem>>, vector<1x16xf32>,
        %swap3A_274 = vector.shape_cast %swap3A_273 : vector<1x16xf32> to vector<16xf32>
        %swap3A_275 = vector.shape_cast %max3A_270 : vector<16xf32> to vector<1x16xf32>
        tpu.vector_store %arg13[%swap3A_271, %swap3A_272], %swap3A_275 {strides = array<i32>} : memref<40x128xf32, #tpu.memory_space<vmem>>, vector<1x16xf32>,
      }
      %scan3A_123 = arith.constant 40 : i32
      %add3A_124 = arith.constant 2 : i32
      %add3A_125 = arith.addi %add3A_97, %add3A_124 : i32
      %lt3A_126 = arith.constant 250 : i32
      %lt3A_127 = arith.cmpi slt, %add3A_125, %lt3A_126 : i32
      %convert_element_type3A_128 = arith.extui %lt3A_127 : i1 to i32
      %cond3A_129 = arith.constant 0 : i32
      %cond3A_130 = arith.cmpi ne, %convert_element_type3A_128, %cond3A_129 : i32
      scf.if %cond3A_130 {
        %mul3A_138 = arith.constant 40 : i32
        %mul3A_139 = arith.muli %add3A_125, %mul3A_138 : i32
        %dma_start3A_140 = tpu.memref_slice %arg7[%mul3A_139] : memref<10000xi32, #tpu.memory_space<vmem>> -> memref<40xi32, #tpu.memory_space<vmem>>
        %dma_start3A_141 = arith.constant 0 : i32
        %dma_start3A_142 = arith.constant 0 : i32
        %dma_start3A_143 = tpu.memref_slice %arg2[%dma_start3A_141, %dma_start3A_142] : memref<10000x128xf32, #tpu.memory_space<hbm>> -> memref<10000x128xf32, #tpu.memory_space<hbm>>
        tpu.enqueue_indirect_dma source(%dma_start3A_143 : memref<10000x128xf32, #tpu.memory_space<hbm>>) target(%arg9 : memref<40x128xf32, #tpu.memory_space<vmem>>) offsets(%dma_start3A_140 : memref<40xi32, #tpu.memory_space<vmem>>) semaphore(%arg18 : memref<!tpu.dma_semaphore, #tpu.memory_space<semaphore_mem>>)
        %add3A_144 = arith.addi %mul3A_2, %mul3A_139 : i32
        %dma_start3A_145 = arith.constant 0 : i32
        %dma_start3A_146 = tpu.memref_slice %arg3[%add3A_144, %dma_start3A_145] : memref<320000x128xf32, #tpu.memory_space<hbm>> -> memref<40x128xf32, #tpu.memory_space<hbm>>
        %dma_start3A_147 = arith.constant 0 : i32
        %dma_start3A_148 = tpu.memref_slice %arg3[%add3A_144, %dma_start3A_147] : memref<320000x128xf32, #tpu.memory_space<hbm>> -> memref<40x128xf32, #tpu.memory_space<hbm>>
        tpu.enqueue_dma source(%dma_start3A_148 : memref<40x128xf32, #tpu.memory_space<hbm>>) target(%arg11 : memref<40x128xf32, #tpu.memory_space<vmem>>) target_semaphore(%arg20 : memref<!tpu.dma_semaphore, #tpu.memory_space<semaphore_mem>>)
      } else {
      }
      %dma_wait3A_131 = arith.constant 0 : i32
      %dma_wait3A_132 = tpu.memref_slice %arg5[%dma_wait3A_131] : memref<320000xi32, #tpu.memory_space<hbm>> -> memref<40xi32, #tpu.memory_space<hbm>>
      %dma_wait3A_133 = arith.constant 0 : i32
      %dma_wait3A_134 = tpu.memref_slice %arg5[%dma_wait3A_133] : memref<320000xi32, #tpu.memory_space<hbm>> -> memref<40xi32, #tpu.memory_space<hbm>>
      tpu.wait_dma2 semaphore(%arg24 : memref<!tpu.dma_semaphore, #tpu.memory_space<semaphore_mem>>) src(%dma_wait3A_134 : memref<40xi32, #tpu.memory_space<hbm>>) dst(%arg15 : memref<40xi32, #tpu.memory_space<vmem>>)
      %dma_start3A_135 = arith.constant 0 : i32
      %dma_start3A_136 = arith.constant 0 : i32
      %dma_start3A_137 = tpu.memref_slice %arg16[%dma_start3A_135, %dma_start3A_136] : memref<10000x128xf32, #tpu.memory_space<vmem_shared>> -> memref<10000x128xf32, #tpu.memory_space<vmem_shared>>
      tpu.enqueue_indirect_dma source(%arg13 : memref<40x128xf32, #tpu.memory_space<vmem>>) target(%dma_start3A_137 : memref<10000x128xf32, #tpu.memory_space<vmem_shared>>) offsets(%arg15 : memref<40xi32, #tpu.memory_space<vmem>>) semaphore(%arg22 : memref<!tpu.dma_semaphore, #tpu.memory_space<semaphore_mem>>) {add = true}
    }
    %scan3A_37 = arith.constant 125 : i32
    %dma_wait3A = arith.constant 0 : i32
    %dma_wait3A_38 = arith.constant 0 : i32
    %dma_wait3A_39 = tpu.memref_slice %arg16[%dma_wait3A, %dma_wait3A_38] : memref<10000x128xf32, #tpu.memory_space<vmem_shared>> -> memref<10000x128xf32, #tpu.memory_space<vmem_shared>>
    tpu.wait_indirect_dma semaphore(%arg21 : memref<!tpu.dma_semaphore, #tpu.memory_space<semaphore_mem>>) src(%arg12 : memref<40x128xf32, #tpu.memory_space<vmem>>) dst(%dma_wait3A_39 : memref<10000x128xf32, #tpu.memory_space<vmem_shared>>)
    %dma_wait3A_40 = arith.constant 0 : i32
    %dma_wait3A_41 = arith.constant 0 : i32
    %dma_wait3A_42 = tpu.memref_slice %arg16[%dma_wait3A_40, %dma_wait3A_41] : memref<10000x128xf32, #tpu.memory_space<vmem_shared>> -> memref<10000x128xf32, #tpu.memory_space<vmem_shared>>
    tpu.wait_indirect_dma semaphore(%arg22 : memref<!tpu.dma_semaphore, #tpu.memory_space<semaphore_mem>>) src(%arg13 : memref<40x128xf32, #tpu.memory_space<vmem>>) dst(%dma_wait3A_42 : memref<10000x128xf32, #tpu.memory_space<vmem_shared>>)
    %barrier3A_43 = arith.constant 0 : index
    tpu.barrier barrier_id(%barrier3A_43)
    %scan3A_44 = arith.constant 0 : i32
    %scan3A_45 = arith.constant 4 : i32
    %scan3A_46 = arith.addi %scan3A_44, %scan3A_45 : i32
    %scan3A_47 = arith.constant 1 : i32
    scf.for %scan3A_49 = %scan3A_44 to %scan3A_46 step %scan3A_47  : i32 {
      %mul3A_50 = arith.constant 1 : i32
      %mul3A_51 = arith.muli %scan3A_49, %mul3A_50 : i32
      %add3A_52 = arith.constant 0 : i32
      %add3A_53 = arith.addi %add3A_52, %mul3A_51 : i32
      %mul3A_54 = arith.constant 16 : i32
      %mul3A_55 = arith.muli %add3A_53, %mul3A_54 : i32
      %add3A_56 = arith.addi %arg1, %mul3A_55 : i32
      %lt3A = arith.constant 50 : i32
      %lt3A_57 = arith.cmpi slt, %add3A_56, %lt3A : i32
      %convert_element_type3A = arith.extui %lt3A_57 : i1 to i32
      %cond3A = arith.constant 0 : i32
      %cond3A_58 = arith.cmpi ne, %convert_element_type3A, %cond3A : i32
      scf.if %cond3A_58 {
        %mul3A_59 = arith.constant 200 : i32
        %mul3A_60 = arith.muli %add3A_56, %mul3A_59 : i32
        "tpu.region"() ({
          %run_scoped3A = tpu.sem_alloc : memref<!tpu.dma_semaphore, #tpu.memory_space<semaphore_mem>>
          %dma_start3A_61 = arith.constant 0 : i32
          %dma_start3A_62 = tpu.memref_slice %arg6[%arg0, %mul3A_60, %dma_start3A_61] : memref<2x10000x128xf32, #tpu.memory_space<hbm>> -> memref<1x200x128xf32, #tpu.memory_space<hbm>>
          %dma_start3A_63 = tpu.memref_squeeze %dma_start3A_62 : memref<1x200x128xf32, #tpu.memory_space<hbm>> -> memref<200x128xf32, #tpu.memory_space<hbm>>
          %dma_start3A_64 = arith.constant 0 : i32
          %dma_start3A_65 = tpu.memref_slice %arg16[%mul3A_60, %dma_start3A_64] : memref<10000x128xf32, #tpu.memory_space<vmem_shared>> -> memref<200x128xf32, #tpu.memory_space<vmem_shared>>
          tpu.enqueue_dma source(%dma_start3A_65 : memref<200x128xf32, #tpu.memory_space<vmem_shared>>) target(%dma_start3A_63 : memref<200x128xf32, #tpu.memory_space<hbm>>) target_semaphore(%run_scoped3A : memref<!tpu.dma_semaphore, #tpu.memory_space<semaphore_mem>>)
          %dma_wait3A_66 = arith.constant 0 : i32
          %dma_wait3A_67 = tpu.memref_slice %arg6[%arg0, %mul3A_60, %dma_wait3A_66] : memref<2x10000x128xf32, #tpu.memory_space<hbm>> -> memref<1x200x128xf32, #tpu.memory_space<hbm>>
          %dma_wait3A_68 = tpu.memref_squeeze %dma_wait3A_67 : memref<1x200x128xf32, #tpu.memory_space<hbm>> -> memref<200x128xf32, #tpu.memory_space<hbm>>
          %dma_wait3A_69 = arith.constant 0 : i32
          %dma_wait3A_70 = tpu.memref_slice %arg16[%mul3A_60, %dma_wait3A_69] : memref<10000x128xf32, #tpu.memory_space<vmem_shared>> -> memref<200x128xf32, #tpu.memory_space<vmem_shared>>
          tpu.wait_dma2 semaphore(%run_scoped3A : memref<!tpu.dma_semaphore, #tpu.memory_space<semaphore_mem>>) src(%dma_wait3A_70 : memref<200x128xf32, #tpu.memory_space<vmem_shared>>) dst(%dma_wait3A_68 : memref<200x128xf32, #tpu.memory_space<hbm>>)
          tpu.yield
        }) : () -> ()
      } else {
      }
    }
    %scan3A_48 = arith.constant 4 : i32
    return
  }
}

#map = affine_map<(d0, d1) -> (0, 0)>
#map1 = affine_map<(d0, d1) -> (0)>
#map2 = affine_map<(d0, d1) -> (0, 0, 0)>
module attributes {stable_mosaic.version = 14 : i64} {
  func.func @_sc_message(%arg0: i32, %arg1: i32, %arg2: memref<10000x128xf32, #tpu.memory_space<hbm>>, %arg3: memref<320000x128xf32, #tpu.memory_space<hbm>>, %arg4: memref<320000xi32, #tpu.memory_space<hbm>>, %arg5: memref<320000xi32, #tpu.memory_space<hbm>>, %arg6: memref<2x10000x128xf32, #tpu.memory_space<hbm>>, %arg7: memref<10000xi32, #tpu.memory_space<vmem>>, %arg8: memref<40x128xf32, #tpu.memory_space<vmem>>, %arg9: memref<40x128xf32, #tpu.memory_space<vmem>>, %arg10: memref<40x128xf32, #tpu.memory_space<vmem>>, %arg11: memref<40x128xf32, #tpu.memory_space<vmem>>, %arg12: memref<40x128xf32, #tpu.memory_space<vmem>>, %arg13: memref<40x128xf32, #tpu.memory_space<vmem>>, %arg14: memref<40xi32, #tpu.memory_space<vmem>>, %arg15: memref<40xi32, #tpu.memory_space<vmem>>, %arg16: memref<10000x128xf32, #tpu.memory_space<vmem_shared>>, %arg17: memref<!tpu.dma_semaphore, #tpu.memory_space<semaphore_mem>>, %arg18: memref<!tpu.dma_semaphore, #tpu.memory_space<semaphore_mem>>, %arg19: memref<!tpu.dma_semaphore, #tpu.memory_space<semaphore_mem>>, %arg20: memref<!tpu.dma_semaphore, #tpu.memory_space<semaphore_mem>>, %arg21: memref<!tpu.dma_semaphore, #tpu.memory_space<semaphore_mem>>, %arg22: memref<!tpu.dma_semaphore, #tpu.memory_space<semaphore_mem>>, %arg23: memref<!tpu.dma_semaphore, #tpu.memory_space<semaphore_mem>>, %arg24: memref<!tpu.dma_semaphore, #tpu.memory_space<semaphore_mem>>) attributes {dimension_semantics = [#tpu.dimension_semantics<core_parallel>, #tpu.dimension_semantics<subcore_parallel>], iteration_bounds = array<i64: 2, 16>, scalar_prefetch = 0 : i64, scratch_operands = 18 : i64, tpu.core_type = #tpu.core_type<sc_vector_subcore>, window_params = [{transform_indices = #map}, {transform_indices = #map}, {transform_indices = #map1}, {transform_indices = #map1}, {transform_indices = #map2}]} {
    %mul3A = arith.constant 2 : i32
    %mul3A_0 = arith.muli %arg1, %mul3A : i32
    %add3A = arith.addi %mul3A_0, %arg0 : i32
    %mul3A_1 = arith.constant 10000 : i32
    %mul3A_2 = arith.muli %add3A, %mul3A_1 : i32
    "tpu.region"() ({
      %run_scoped3A = tpu.sem_alloc : memref<!tpu.dma_semaphore, #tpu.memory_space<semaphore_mem>>
      %dma_start3A_49 = tpu.memref_slice %arg4[%mul3A_2] : memref<320000xi32, #tpu.memory_space<hbm>> -> memref<10000xi32, #tpu.memory_space<hbm>>
      %dma_start3A_50 = tpu.memref_slice %arg4[%mul3A_2] : memref<320000xi32, #tpu.memory_space<hbm>> -> memref<10000xi32, #tpu.memory_space<hbm>>
      tpu.enqueue_dma source(%dma_start3A_50 : memref<10000xi32, #tpu.memory_space<hbm>>) target(%arg7 : memref<10000xi32, #tpu.memory_space<vmem>>) target_semaphore(%run_scoped3A : memref<!tpu.dma_semaphore, #tpu.memory_space<semaphore_mem>>)
      %dma_wait3A_51 = tpu.memref_slice %arg4[%mul3A_2] : memref<320000xi32, #tpu.memory_space<hbm>> -> memref<10000xi32, #tpu.memory_space<hbm>>
      %dma_wait3A_52 = tpu.memref_slice %arg4[%mul3A_2] : memref<320000xi32, #tpu.memory_space<hbm>> -> memref<10000xi32, #tpu.memory_space<hbm>>
      tpu.wait_dma2 semaphore(%run_scoped3A : memref<!tpu.dma_semaphore, #tpu.memory_space<semaphore_mem>>) src(%dma_wait3A_52 : memref<10000xi32, #tpu.memory_space<hbm>>) dst(%arg7 : memref<10000xi32, #tpu.memory_space<vmem>>)
      tpu.yield
    }) : () -> ()
    %scan3A = arith.constant 0 : i32
    %scan3A_3 = arith.constant 40 : i32
    %scan3A_4 = arith.addi %scan3A, %scan3A_3 : i32
    %scan3A_5 = arith.constant 1 : i32
    scf.for %scan3A_49 = %scan3A to %scan3A_4 step %scan3A_5  : i32 {
      %mul3A_50 = arith.constant 1 : i32
      %mul3A_51 = arith.muli %scan3A_49, %mul3A_50 : i32
      %add3A_52 = arith.constant 0 : i32
      %add3A_53 = arith.addi %add3A_52, %mul3A_51 : i32
      %broadcast_in_dim3A = arith.constant 0.000000e+00 : f32
      %broadcast_in_dim3A_54 = vector.broadcast %broadcast_in_dim3A : f32 to vector<16xf32>
      %swap3A = arith.index_cast %add3A_53 : i32 to index
      %swap3A_55 = arith.constant 0 : index
      %swap3A_56 = tpu.vector_load %arg8[%swap3A, %swap3A_55] {strides = array<i32>} : memref<40x128xf32, #tpu.memory_space<vmem>>, vector<1x16xf32>,
      %swap3A_57 = vector.shape_cast %swap3A_56 : vector<1x16xf32> to vector<16xf32>
      %swap3A_58 = vector.shape_cast %broadcast_in_dim3A_54 : vector<16xf32> to vector<1x16xf32>
      tpu.vector_store %arg8[%swap3A, %swap3A_55], %swap3A_58 {strides = array<i32>} : memref<40x128xf32, #tpu.memory_space<vmem>>, vector<1x16xf32>,
      %broadcast_in_dim3A_59 = arith.constant 0.000000e+00 : f32
      %broadcast_in_dim3A_60 = vector.broadcast %broadcast_in_dim3A_59 : f32 to vector<16xf32>
      %swap3A_61 = arith.index_cast %add3A_53 : i32 to index
      %swap3A_62 = arith.constant 16 : index
      %swap3A_63 = tpu.vector_load %arg8[%swap3A_61, %swap3A_62] {strides = array<i32>} : memref<40x128xf32, #tpu.memory_space<vmem>>, vector<1x16xf32>,
      %swap3A_64 = vector.shape_cast %swap3A_63 : vector<1x16xf32> to vector<16xf32>
      %swap3A_65 = vector.shape_cast %broadcast_in_dim3A_60 : vector<16xf32> to vector<1x16xf32>
      tpu.vector_store %arg8[%swap3A_61, %swap3A_62], %swap3A_65 {strides = array<i32>} : memref<40x128xf32, #tpu.memory_space<vmem>>, vector<1x16xf32>,
      %broadcast_in_dim3A_66 = arith.constant 0.000000e+00 : f32
      %broadcast_in_dim3A_67 = vector.broadcast %broadcast_in_dim3A_66 : f32 to vector<16xf32>
      %swap3A_68 = arith.index_cast %add3A_53 : i32 to index
      %swap3A_69 = arith.constant 32 : index
      %swap3A_70 = tpu.vector_load %arg8[%swap3A_68, %swap3A_69] {strides = array<i32>} : memref<40x128xf32, #tpu.memory_space<vmem>>, vector<1x16xf32>,
      %swap3A_71 = vector.shape_cast %swap3A_70 : vector<1x16xf32> to vector<16xf32>
      %swap3A_72 = vector.shape_cast %broadcast_in_dim3A_67 : vector<16xf32> to vector<1x16xf32>
      tpu.vector_store %arg8[%swap3A_68, %swap3A_69], %swap3A_72 {strides = array<i32>} : memref<40x128xf32, #tpu.memory_space<vmem>>, vector<1x16xf32>,
      %broadcast_in_dim3A_73 = arith.constant 0.000000e+00 : f32
      %broadcast_in_dim3A_74 = vector.broadcast %broadcast_in_dim3A_73 : f32 to vector<16xf32>
      %swap3A_75 = arith.index_cast %add3A_53 : i32 to index
      %swap3A_76 = arith.constant 48 : index
      %swap3A_77 = tpu.vector_load %arg8[%swap3A_75, %swap3A_76] {strides = array<i32>} : memref<40x128xf32, #tpu.memory_space<vmem>>, vector<1x16xf32>,
      %swap3A_78 = vector.shape_cast %swap3A_77 : vector<1x16xf32> to vector<16xf32>
      %swap3A_79 = vector.shape_cast %broadcast_in_dim3A_74 : vector<16xf32> to vector<1x16xf32>
      tpu.vector_store %arg8[%swap3A_75, %swap3A_76], %swap3A_79 {strides = array<i32>} : memref<40x128xf32, #tpu.memory_space<vmem>>, vector<1x16xf32>,
      %broadcast_in_dim3A_80 = arith.constant 0.000000e+00 : f32
      %broadcast_in_dim3A_81 = vector.broadcast %broadcast_in_dim3A_80 : f32 to vector<16xf32>
      %swap3A_82 = arith.index_cast %add3A_53 : i32 to index
      %swap3A_83 = arith.constant 64 : index
      %swap3A_84 = tpu.vector_load %arg8[%swap3A_82, %swap3A_83] {strides = array<i32>} : memref<40x128xf32, #tpu.memory_space<vmem>>, vector<1x16xf32>,
      %swap3A_85 = vector.shape_cast %swap3A_84 : vector<1x16xf32> to vector<16xf32>
      %swap3A_86 = vector.shape_cast %broadcast_in_dim3A_81 : vector<16xf32> to vector<1x16xf32>
      tpu.vector_store %arg8[%swap3A_82, %swap3A_83], %swap3A_86 {strides = array<i32>} : memref<40x128xf32, #tpu.memory_space<vmem>>, vector<1x16xf32>,
      %broadcast_in_dim3A_87 = arith.constant 0.000000e+00 : f32
      %broadcast_in_dim3A_88 = vector.broadcast %broadcast_in_dim3A_87 : f32 to vector<16xf32>
      %swap3A_89 = arith.index_cast %add3A_53 : i32 to index
      %swap3A_90 = arith.constant 80 : index
      %swap3A_91 = tpu.vector_load %arg8[%swap3A_89, %swap3A_90] {strides = array<i32>} : memref<40x128xf32, #tpu.memory_space<vmem>>, vector<1x16xf32>,
      %swap3A_92 = vector.shape_cast %swap3A_91 : vector<1x16xf32> to vector<16xf32>
      %swap3A_93 = vector.shape_cast %broadcast_in_dim3A_88 : vector<16xf32> to vector<1x16xf32>
      tpu.vector_store %arg8[%swap3A_89, %swap3A_90], %swap3A_93 {strides = array<i32>} : memref<40x128xf32, #tpu.memory_space<vmem>>, vector<1x16xf32>,
      %broadcast_in_dim3A_94 = arith.constant 0.000000e+00 : f32
      %broadcast_in_dim3A_95 = vector.broadcast %broadcast_in_dim3A_94 : f32 to vector<16xf32>
      %swap3A_96 = arith.index_cast %add3A_53 : i32 to index
      %swap3A_97 = arith.constant 96 : index
      %swap3A_98 = tpu.vector_load %arg8[%swap3A_96, %swap3A_97] {strides = array<i32>} : memref<40x128xf32, #tpu.memory_space<vmem>>, vector<1x16xf32>,
      %swap3A_99 = vector.shape_cast %swap3A_98 : vector<1x16xf32> to vector<16xf32>
      %swap3A_100 = vector.shape_cast %broadcast_in_dim3A_95 : vector<16xf32> to vector<1x16xf32>
      tpu.vector_store %arg8[%swap3A_96, %swap3A_97], %swap3A_100 {strides = array<i32>} : memref<40x128xf32, #tpu.memory_space<vmem>>, vector<1x16xf32>,
      %broadcast_in_dim3A_101 = arith.constant 0.000000e+00 : f32
      %broadcast_in_dim3A_102 = vector.broadcast %broadcast_in_dim3A_101 : f32 to vector<16xf32>
      %swap3A_103 = arith.index_cast %add3A_53 : i32 to index
      %swap3A_104 = arith.constant 112 : index
      %swap3A_105 = tpu.vector_load %arg8[%swap3A_103, %swap3A_104] {strides = array<i32>} : memref<40x128xf32, #tpu.memory_space<vmem>>, vector<1x16xf32>,
      %swap3A_106 = vector.shape_cast %swap3A_105 : vector<1x16xf32> to vector<16xf32>
      %swap3A_107 = vector.shape_cast %broadcast_in_dim3A_102 : vector<16xf32> to vector<1x16xf32>
      tpu.vector_store %arg8[%swap3A_103, %swap3A_104], %swap3A_107 {strides = array<i32>} : memref<40x128xf32, #tpu.memory_space<vmem>>, vector<1x16xf32>,
    }
    %scan3A_6 = arith.constant 40 : i32
    %scan3A_7 = arith.constant 0 : i32
    %scan3A_8 = arith.constant 16 : i32
    %scan3A_9 = arith.addi %scan3A_7, %scan3A_8 : i32
    %scan3A_10 = arith.constant 1 : i32
    scf.for %scan3A_49 = %scan3A_7 to %scan3A_9 step %scan3A_10  : i32 {
      %mul3A_50 = arith.constant 1 : i32
      %mul3A_51 = arith.muli %scan3A_49, %mul3A_50 : i32
      %add3A_52 = arith.constant 0 : i32
      %add3A_53 = arith.addi %add3A_52, %mul3A_51 : i32
      %mul3A_54 = arith.constant 16 : i32
      %mul3A_55 = arith.muli %add3A_53, %mul3A_54 : i32
      %add3A_56 = arith.addi %arg1, %mul3A_55 : i32
      %lt3A = arith.constant 250 : i32
      %lt3A_57 = arith.cmpi slt, %add3A_56, %lt3A : i32
      %convert_element_type3A = arith.extui %lt3A_57 : i1 to i32
      %cond3A = arith.constant 0 : i32
      %cond3A_58 = arith.cmpi ne, %convert_element_type3A, %cond3A : i32
      scf.if %cond3A_58 {
        %mul3A_59 = arith.constant 40 : i32
        %mul3A_60 = arith.muli %add3A_56, %mul3A_59 : i32
        "tpu.region"() ({
          %run_scoped3A = tpu.sem_alloc : memref<!tpu.dma_semaphore, #tpu.memory_space<semaphore_mem>>
          %dma_start3A_61 = arith.constant 0 : i32
          %dma_start3A_62 = tpu.memref_slice %arg16[%mul3A_60, %dma_start3A_61] : memref<10000x128xf32, #tpu.memory_space<vmem_shared>> -> memref<40x128xf32, #tpu.memory_space<vmem_shared>>
          %dma_start3A_63 = arith.constant 0 : i32
          %dma_start3A_64 = tpu.memref_slice %arg16[%mul3A_60, %dma_start3A_63] : memref<10000x128xf32, #tpu.memory_space<vmem_shared>> -> memref<40x128xf32, #tpu.memory_space<vmem_shared>>
          tpu.enqueue_dma source(%arg8 : memref<40x128xf32, #tpu.memory_space<vmem>>) target(%dma_start3A_64 : memref<40x128xf32, #tpu.memory_space<vmem_shared>>) target_semaphore(%run_scoped3A : memref<!tpu.dma_semaphore, #tpu.memory_space<semaphore_mem>>)
          %dma_wait3A_65 = arith.constant 0 : i32
          %dma_wait3A_66 = tpu.memref_slice %arg16[%mul3A_60, %dma_wait3A_65] : memref<10000x128xf32, #tpu.memory_space<vmem_shared>> -> memref<40x128xf32, #tpu.memory_space<vmem_shared>>
          %dma_wait3A_67 = arith.constant 0 : i32
          %dma_wait3A_68 = tpu.memref_slice %arg16[%mul3A_60, %dma_wait3A_67] : memref<10000x128xf32, #tpu.memory_space<vmem_shared>> -> memref<40x128xf32, #tpu.memory_space<vmem_shared>>
          tpu.wait_dma2 semaphore(%run_scoped3A : memref<!tpu.dma_semaphore, #tpu.memory_space<semaphore_mem>>) src(%arg8 : memref<40x128xf32, #tpu.memory_space<vmem>>) dst(%dma_wait3A_68 : memref<40x128xf32, #tpu.memory_space<vmem_shared>>)
          tpu.yield
        }) : () -> ()
      } else {
      }
    }
    %scan3A_11 = arith.constant 16 : i32
    %barrier3A = arith.constant 0 : index
    tpu.barrier barrier_id(%barrier3A)
    %dma_start3A = arith.constant 0 : i32
    %dma_start3A_12 = tpu.memref_slice %arg7[%dma_start3A] : memref<10000xi32, #tpu.memory_space<vmem>> -> memref<40xi32, #tpu.memory_space<vmem>>
    %dma_start3A_13 = arith.constant 0 : i32
    %dma_start3A_14 = arith.constant 0 : i32
    %dma_start3A_15 = tpu.memref_slice %arg2[%dma_start3A_13, %dma_start3A_14] : memref<10000x128xf32, #tpu.memory_space<hbm>> -> memref<10000x128xf32, #tpu.memory_space<hbm>>
    tpu.enqueue_indirect_dma source(%dma_start3A_15 : memref<10000x128xf32, #tpu.memory_space<hbm>>) target(%arg8 : memref<40x128xf32, #tpu.memory_space<vmem>>) offsets(%dma_start3A_12 : memref<40xi32, #tpu.memory_space<vmem>>) semaphore(%arg17 : memref<!tpu.dma_semaphore, #tpu.memory_space<semaphore_mem>>)
    %add3A_16 = arith.constant 0 : i32
    %add3A_17 = arith.addi %mul3A_2, %add3A_16 : i32
    %dma_start3A_18 = arith.constant 0 : i32
    %dma_start3A_19 = tpu.memref_slice %arg3[%add3A_17, %dma_start3A_18] : memref<320000x128xf32, #tpu.memory_space<hbm>> -> memref<40x128xf32, #tpu.memory_space<hbm>>
    %dma_start3A_20 = arith.constant 0 : i32
    %dma_start3A_21 = tpu.memref_slice %arg3[%add3A_17, %dma_start3A_20] : memref<320000x128xf32, #tpu.memory_space<hbm>> -> memref<40x128xf32, #tpu.memory_space<hbm>>
    tpu.enqueue_dma source(%dma_start3A_21 : memref<40x128xf32, #tpu.memory_space<hbm>>) target(%arg10 : memref<40x128xf32, #tpu.memory_space<vmem>>) target_semaphore(%arg19 : memref<!tpu.dma_semaphore, #tpu.memory_space<semaphore_mem>>)
    %dma_start3A_22 = arith.constant 40 : i32
    %dma_start3A_23 = tpu.memref_slice %arg7[%dma_start3A_22] : memref<10000xi32, #tpu.memory_space<vmem>> -> memref<40xi32, #tpu.memory_space<vmem>>
    %dma_start3A_24 = arith.constant 0 : i32
    %dma_start3A_25 = arith.constant 0 : i32
    %dma_start3A_26 = tpu.memref_slice %arg2[%dma_start3A_24, %dma_start3A_25] : memref<10000x128xf32, #tpu.memory_space<hbm>> -> memref<10000x128xf32, #tpu.memory_space<hbm>>
    tpu.enqueue_indirect_dma source(%dma_start3A_26 : memref<10000x128xf32, #tpu.memory_space<hbm>>) target(%arg9 : memref<40x128xf32, #tpu.memory_space<vmem>>) offsets(%dma_start3A_23 : memref<40xi32, #tpu.memory_space<vmem>>) semaphore(%arg18 : memref<!tpu.dma_semaphore, #tpu.memory_space<semaphore_mem>>)
    %add3A_27 = arith.constant 40 : i32
    %add3A_28 = arith.addi %mul3A_2, %add3A_27 : i32
    %dma_start3A_29 = arith.constant 0 : i32
    %dma_start3A_30 = tpu.memref_slice %arg3[%add3A_28, %dma_start3A_29] : memref<320000x128xf32, #tpu.memory_space<hbm>> -> memref<40x128xf32, #tpu.memory_space<hbm>>
    %dma_start3A_31 = arith.constant 0 : i32
    %dma_start3A_32 = tpu.memref_slice %arg3[%add3A_28, %dma_start3A_31] : memref<320000x128xf32, #tpu.memory_space<hbm>> -> memref<40x128xf32, #tpu.memory_space<hbm>>
    tpu.enqueue_dma source(%dma_start3A_32 : memref<40x128xf32, #tpu.memory_space<hbm>>) target(%arg11 : memref<40x128xf32, #tpu.memory_space<vmem>>) target_semaphore(%arg20 : memref<!tpu.dma_semaphore, #tpu.memory_space<semaphore_mem>>)
    %scan3A_33 = arith.constant 0 : i32
    %scan3A_34 = arith.constant 125 : i32
    %scan3A_35 = arith.addi %scan3A_33, %scan3A_34 : i32
    %scan3A_36 = arith.constant 1 : i32
    scf.for %scan3A_49 = %scan3A_33 to %scan3A_35 step %scan3A_36  : i32 {
      %mul3A_50 = arith.constant 1 : i32
      %mul3A_51 = arith.muli %scan3A_49, %mul3A_50 : i32
      %add3A_52 = arith.constant 0 : i32
      %add3A_53 = arith.addi %add3A_52, %mul3A_51 : i32
      %mul3A_54 = arith.constant 2 : i32
      %mul3A_55 = arith.muli %mul3A_54, %add3A_53 : i32
      %add3A_56 = arith.constant 0 : i32
      %add3A_57 = arith.addi %mul3A_55, %add3A_56 : i32
      %dma_wait3A_58 = arith.constant 0 : i32
      %dma_wait3A_59 = tpu.memref_slice %arg7[%dma_wait3A_58] : memref<10000xi32, #tpu.memory_space<vmem>> -> memref<40xi32, #tpu.memory_space<vmem>>
      %dma_wait3A_60 = arith.constant 0 : i32
      %dma_wait3A_61 = arith.constant 0 : i32
      %dma_wait3A_62 = tpu.memref_slice %arg2[%dma_wait3A_60, %dma_wait3A_61] : memref<10000x128xf32, #tpu.memory_space<hbm>> -> memref<10000x128xf32, #tpu.memory_space<hbm>>
      tpu.wait_indirect_dma semaphore(%arg17 : memref<!tpu.dma_semaphore, #tpu.memory_space<semaphore_mem>>) src(%dma_wait3A_62 : memref<10000x128xf32, #tpu.memory_space<hbm>>) dst(%arg8 : memref<40x128xf32, #tpu.memory_space<vmem>>)
      %dma_wait3A_63 = arith.constant 0 : i32
      %dma_wait3A_64 = arith.constant 0 : i32
      %dma_wait3A_65 = tpu.memref_slice %arg3[%dma_wait3A_63, %dma_wait3A_64] : memref<320000x128xf32, #tpu.memory_space<hbm>> -> memref<40x128xf32, #tpu.memory_space<hbm>>
      %dma_wait3A_66 = arith.constant 0 : i32
      %dma_wait3A_67 = arith.constant 0 : i32
      %dma_wait3A_68 = tpu.memref_slice %arg3[%dma_wait3A_66, %dma_wait3A_67] : memref<320000x128xf32, #tpu.memory_space<hbm>> -> memref<40x128xf32, #tpu.memory_space<hbm>>
      tpu.wait_dma2 semaphore(%arg19 : memref<!tpu.dma_semaphore, #tpu.memory_space<semaphore_mem>>) src(%dma_wait3A_68 : memref<40x128xf32, #tpu.memory_space<hbm>>) dst(%arg10 : memref<40x128xf32, #tpu.memory_space<vmem>>)
      %gt3A = arith.constant 0 : i32
      %gt3A_69 = arith.cmpi sgt, %add3A_53, %gt3A : i32
      %convert_element_type3A = arith.extui %gt3A_69 : i1 to i32
      %cond3A = arith.constant 0 : i32
      %cond3A_70 = arith.cmpi ne, %convert_element_type3A, %cond3A : i32
      scf.if %cond3A_70 {
        %dma_wait3A_138 = arith.constant 0 : i32
        %dma_wait3A_139 = arith.constant 0 : i32
        %dma_wait3A_140 = tpu.memref_slice %arg16[%dma_wait3A_138, %dma_wait3A_139] : memref<10000x128xf32, #tpu.memory_space<vmem_shared>> -> memref<10000x128xf32, #tpu.memory_space<vmem_shared>>
        tpu.wait_indirect_dma semaphore(%arg21 : memref<!tpu.dma_semaphore, #tpu.memory_space<semaphore_mem>>) src(%arg12 : memref<40x128xf32, #tpu.memory_space<vmem>>) dst(%dma_wait3A_140 : memref<10000x128xf32, #tpu.memory_space<vmem_shared>>)
      } else {
      }
      %mul3A_71 = arith.constant 40 : i32
      %mul3A_72 = arith.muli %add3A_57, %mul3A_71 : i32
      %add3A_73 = arith.addi %mul3A_2, %mul3A_72 : i32
      %dma_start3A_74 = tpu.memref_slice %arg5[%add3A_73] : memref<320000xi32, #tpu.memory_space<hbm>> -> memref<40xi32, #tpu.memory_space<hbm>>
      %dma_start3A_75 = tpu.memref_slice %arg5[%add3A_73] : memref<320000xi32, #tpu.memory_space<hbm>> -> memref<40xi32, #tpu.memory_space<hbm>>
      tpu.enqueue_dma source(%dma_start3A_75 : memref<40xi32, #tpu.memory_space<hbm>>) target(%arg14 : memref<40xi32, #tpu.memory_space<vmem>>) target_semaphore(%arg23 : memref<!tpu.dma_semaphore, #tpu.memory_space<semaphore_mem>>)
      %scan3A_76 = arith.constant 0 : i32
      %scan3A_77 = arith.constant 40 : i32
      %scan3A_78 = arith.addi %scan3A_76, %scan3A_77 : i32
      %scan3A_79 = arith.constant 1 : i32
      scf.for %scan3A_138 = %scan3A_76 to %scan3A_78 step %scan3A_79  : i32 {
        %mul3A_139 = arith.constant 1 : i32
        %mul3A_140 = arith.muli %scan3A_138, %mul3A_139 : i32
        %add3A_141 = arith.constant 0 : i32
        %add3A_142 = arith.addi %add3A_141, %mul3A_140 : i32
        %get3A = arith.index_cast %add3A_142 : i32 to index
        %get3A_143 = arith.constant 0 : index
        %get3A_144 = tpu.vector_load %arg8[%get3A, %get3A_143] {strides = array<i32>} : memref<40x128xf32, #tpu.memory_space<vmem>>, vector<1x16xf32>,
        %get3A_145 = vector.shape_cast %get3A_144 : vector<1x16xf32> to vector<16xf32>
        %get3A_146 = arith.index_cast %add3A_142 : i32 to index
        %get3A_147 = arith.constant 0 : index
        %get3A_148 = tpu.vector_load %arg10[%get3A_146, %get3A_147] {strides = array<i32>} : memref<40x128xf32, #tpu.memory_space<vmem>>, vector<1x16xf32>,
        %get3A_149 = vector.shape_cast %get3A_148 : vector<1x16xf32> to vector<16xf32>
        %add3A_150 = arith.addf %get3A_145, %get3A_149 : vector<16xf32>
        %max3A = arith.constant 0.000000e+00 : f32
        %max3A_151 = vector.broadcast %max3A : f32 to vector<16xf32>
        %max3A_152 = arith.maximumf %add3A_150, %max3A_151 : vector<16xf32>
        %swap3A = arith.index_cast %add3A_142 : i32 to index
        %swap3A_153 = arith.constant 0 : index
        %swap3A_154 = tpu.vector_load %arg12[%swap3A, %swap3A_153] {strides = array<i32>} : memref<40x128xf32, #tpu.memory_space<vmem>>, vector<1x16xf32>,
        %swap3A_155 = vector.shape_cast %swap3A_154 : vector<1x16xf32> to vector<16xf32>
        %swap3A_156 = vector.shape_cast %max3A_152 : vector<16xf32> to vector<1x16xf32>
        tpu.vector_store %arg12[%swap3A, %swap3A_153], %swap3A_156 {strides = array<i32>} : memref<40x128xf32, #tpu.memory_space<vmem>>, vector<1x16xf32>,
        %get3A_157 = arith.index_cast %add3A_142 : i32 to index
        %get3A_158 = arith.constant 16 : index
        %get3A_159 = tpu.vector_load %arg8[%get3A_157, %get3A_158] {strides = array<i32>} : memref<40x128xf32, #tpu.memory_space<vmem>>, vector<1x16xf32>,
        %get3A_160 = vector.shape_cast %get3A_159 : vector<1x16xf32> to vector<16xf32>
        %get3A_161 = arith.index_cast %add3A_142 : i32 to index
        %get3A_162 = arith.constant 16 : index
        %get3A_163 = tpu.vector_load %arg10[%get3A_161, %get3A_162] {strides = array<i32>} : memref<40x128xf32, #tpu.memory_space<vmem>>, vector<1x16xf32>,
        %get3A_164 = vector.shape_cast %get3A_163 : vector<1x16xf32> to vector<16xf32>
        %add3A_165 = arith.addf %get3A_160, %get3A_164 : vector<16xf32>
        %max3A_166 = arith.constant 0.000000e+00 : f32
        %max3A_167 = vector.broadcast %max3A_166 : f32 to vector<16xf32>
        %max3A_168 = arith.maximumf %add3A_165, %max3A_167 : vector<16xf32>
        %swap3A_169 = arith.index_cast %add3A_142 : i32 to index
        %swap3A_170 = arith.constant 16 : index
        %swap3A_171 = tpu.vector_load %arg12[%swap3A_169, %swap3A_170] {strides = array<i32>} : memref<40x128xf32, #tpu.memory_space<vmem>>, vector<1x16xf32>,
        %swap3A_172 = vector.shape_cast %swap3A_171 : vector<1x16xf32> to vector<16xf32>
        %swap3A_173 = vector.shape_cast %max3A_168 : vector<16xf32> to vector<1x16xf32>
        tpu.vector_store %arg12[%swap3A_169, %swap3A_170], %swap3A_173 {strides = array<i32>} : memref<40x128xf32, #tpu.memory_space<vmem>>, vector<1x16xf32>,
        %get3A_174 = arith.index_cast %add3A_142 : i32 to index
        %get3A_175 = arith.constant 32 : index
        %get3A_176 = tpu.vector_load %arg8[%get3A_174, %get3A_175] {strides = array<i32>} : memref<40x128xf32, #tpu.memory_space<vmem>>, vector<1x16xf32>,
        %get3A_177 = vector.shape_cast %get3A_176 : vector<1x16xf32> to vector<16xf32>
        %get3A_178 = arith.index_cast %add3A_142 : i32 to index
        %get3A_179 = arith.constant 32 : index
        %get3A_180 = tpu.vector_load %arg10[%get3A_178, %get3A_179] {strides = array<i32>} : memref<40x128xf32, #tpu.memory_space<vmem>>, vector<1x16xf32>,
        %get3A_181 = vector.shape_cast %get3A_180 : vector<1x16xf32> to vector<16xf32>
        %add3A_182 = arith.addf %get3A_177, %get3A_181 : vector<16xf32>
        %max3A_183 = arith.constant 0.000000e+00 : f32
        %max3A_184 = vector.broadcast %max3A_183 : f32 to vector<16xf32>
        %max3A_185 = arith.maximumf %add3A_182, %max3A_184 : vector<16xf32>
        %swap3A_186 = arith.index_cast %add3A_142 : i32 to index
        %swap3A_187 = arith.constant 32 : index
        %swap3A_188 = tpu.vector_load %arg12[%swap3A_186, %swap3A_187] {strides = array<i32>} : memref<40x128xf32, #tpu.memory_space<vmem>>, vector<1x16xf32>,
        %swap3A_189 = vector.shape_cast %swap3A_188 : vector<1x16xf32> to vector<16xf32>
        %swap3A_190 = vector.shape_cast %max3A_185 : vector<16xf32> to vector<1x16xf32>
        tpu.vector_store %arg12[%swap3A_186, %swap3A_187], %swap3A_190 {strides = array<i32>} : memref<40x128xf32, #tpu.memory_space<vmem>>, vector<1x16xf32>,
        %get3A_191 = arith.index_cast %add3A_142 : i32 to index
        %get3A_192 = arith.constant 48 : index
        %get3A_193 = tpu.vector_load %arg8[%get3A_191, %get3A_192] {strides = array<i32>} : memref<40x128xf32, #tpu.memory_space<vmem>>, vector<1x16xf32>,
        %get3A_194 = vector.shape_cast %get3A_193 : vector<1x16xf32> to vector<16xf32>
        %get3A_195 = arith.index_cast %add3A_142 : i32 to index
        %get3A_196 = arith.constant 48 : index
        %get3A_197 = tpu.vector_load %arg10[%get3A_195, %get3A_196] {strides = array<i32>} : memref<40x128xf32, #tpu.memory_space<vmem>>, vector<1x16xf32>,
        %get3A_198 = vector.shape_cast %get3A_197 : vector<1x16xf32> to vector<16xf32>
        %add3A_199 = arith.addf %get3A_194, %get3A_198 : vector<16xf32>
        %max3A_200 = arith.constant 0.000000e+00 : f32
        %max3A_201 = vector.broadcast %max3A_200 : f32 to vector<16xf32>
        %max3A_202 = arith.maximumf %add3A_199, %max3A_201 : vector<16xf32>
        %swap3A_203 = arith.index_cast %add3A_142 : i32 to index
        %swap3A_204 = arith.constant 48 : index
        %swap3A_205 = tpu.vector_load %arg12[%swap3A_203, %swap3A_204] {strides = array<i32>} : memref<40x128xf32, #tpu.memory_space<vmem>>, vector<1x16xf32>,
        %swap3A_206 = vector.shape_cast %swap3A_205 : vector<1x16xf32> to vector<16xf32>
        %swap3A_207 = vector.shape_cast %max3A_202 : vector<16xf32> to vector<1x16xf32>
        tpu.vector_store %arg12[%swap3A_203, %swap3A_204], %swap3A_207 {strides = array<i32>} : memref<40x128xf32, #tpu.memory_space<vmem>>, vector<1x16xf32>,
        %get3A_208 = arith.index_cast %add3A_142 : i32 to index
        %get3A_209 = arith.constant 64 : index
        %get3A_210 = tpu.vector_load %arg8[%get3A_208, %get3A_209] {strides = array<i32>} : memref<40x128xf32, #tpu.memory_space<vmem>>, vector<1x16xf32>,
        %get3A_211 = vector.shape_cast %get3A_210 : vector<1x16xf32> to vector<16xf32>
        %get3A_212 = arith.index_cast %add3A_142 : i32 to index
        %get3A_213 = arith.constant 64 : index
        %get3A_214 = tpu.vector_load %arg10[%get3A_212, %get3A_213] {strides = array<i32>} : memref<40x128xf32, #tpu.memory_space<vmem>>, vector<1x16xf32>,
        %get3A_215 = vector.shape_cast %get3A_214 : vector<1x16xf32> to vector<16xf32>
        %add3A_216 = arith.addf %get3A_211, %get3A_215 : vector<16xf32>
        %max3A_217 = arith.constant 0.000000e+00 : f32
        %max3A_218 = vector.broadcast %max3A_217 : f32 to vector<16xf32>
        %max3A_219 = arith.maximumf %add3A_216, %max3A_218 : vector<16xf32>
        %swap3A_220 = arith.index_cast %add3A_142 : i32 to index
        %swap3A_221 = arith.constant 64 : index
        %swap3A_222 = tpu.vector_load %arg12[%swap3A_220, %swap3A_221] {strides = array<i32>} : memref<40x128xf32, #tpu.memory_space<vmem>>, vector<1x16xf32>,
        %swap3A_223 = vector.shape_cast %swap3A_222 : vector<1x16xf32> to vector<16xf32>
        %swap3A_224 = vector.shape_cast %max3A_219 : vector<16xf32> to vector<1x16xf32>
        tpu.vector_store %arg12[%swap3A_220, %swap3A_221], %swap3A_224 {strides = array<i32>} : memref<40x128xf32, #tpu.memory_space<vmem>>, vector<1x16xf32>,
        %get3A_225 = arith.index_cast %add3A_142 : i32 to index
        %get3A_226 = arith.constant 80 : index
        %get3A_227 = tpu.vector_load %arg8[%get3A_225, %get3A_226] {strides = array<i32>} : memref<40x128xf32, #tpu.memory_space<vmem>>, vector<1x16xf32>,
        %get3A_228 = vector.shape_cast %get3A_227 : vector<1x16xf32> to vector<16xf32>
        %get3A_229 = arith.index_cast %add3A_142 : i32 to index
        %get3A_230 = arith.constant 80 : index
        %get3A_231 = tpu.vector_load %arg10[%get3A_229, %get3A_230] {strides = array<i32>} : memref<40x128xf32, #tpu.memory_space<vmem>>, vector<1x16xf32>,
        %get3A_232 = vector.shape_cast %get3A_231 : vector<1x16xf32> to vector<16xf32>
        %add3A_233 = arith.addf %get3A_228, %get3A_232 : vector<16xf32>
        %max3A_234 = arith.constant 0.000000e+00 : f32
        %max3A_235 = vector.broadcast %max3A_234 : f32 to vector<16xf32>
        %max3A_236 = arith.maximumf %add3A_233, %max3A_235 : vector<16xf32>
        %swap3A_237 = arith.index_cast %add3A_142 : i32 to index
        %swap3A_238 = arith.constant 80 : index
        %swap3A_239 = tpu.vector_load %arg12[%swap3A_237, %swap3A_238] {strides = array<i32>} : memref<40x128xf32, #tpu.memory_space<vmem>>, vector<1x16xf32>,
        %swap3A_240 = vector.shape_cast %swap3A_239 : vector<1x16xf32> to vector<16xf32>
        %swap3A_241 = vector.shape_cast %max3A_236 : vector<16xf32> to vector<1x16xf32>
        tpu.vector_store %arg12[%swap3A_237, %swap3A_238], %swap3A_241 {strides = array<i32>} : memref<40x128xf32, #tpu.memory_space<vmem>>, vector<1x16xf32>,
        %get3A_242 = arith.index_cast %add3A_142 : i32 to index
        %get3A_243 = arith.constant 96 : index
        %get3A_244 = tpu.vector_load %arg8[%get3A_242, %get3A_243] {strides = array<i32>} : memref<40x128xf32, #tpu.memory_space<vmem>>, vector<1x16xf32>,
        %get3A_245 = vector.shape_cast %get3A_244 : vector<1x16xf32> to vector<16xf32>
        %get3A_246 = arith.index_cast %add3A_142 : i32 to index
        %get3A_247 = arith.constant 96 : index
        %get3A_248 = tpu.vector_load %arg10[%get3A_246, %get3A_247] {strides = array<i32>} : memref<40x128xf32, #tpu.memory_space<vmem>>, vector<1x16xf32>,
        %get3A_249 = vector.shape_cast %get3A_248 : vector<1x16xf32> to vector<16xf32>
        %add3A_250 = arith.addf %get3A_245, %get3A_249 : vector<16xf32>
        %max3A_251 = arith.constant 0.000000e+00 : f32
        %max3A_252 = vector.broadcast %max3A_251 : f32 to vector<16xf32>
        %max3A_253 = arith.maximumf %add3A_250, %max3A_252 : vector<16xf32>
        %swap3A_254 = arith.index_cast %add3A_142 : i32 to index
        %swap3A_255 = arith.constant 96 : index
        %swap3A_256 = tpu.vector_load %arg12[%swap3A_254, %swap3A_255] {strides = array<i32>} : memref<40x128xf32, #tpu.memory_space<vmem>>, vector<1x16xf32>,
        %swap3A_257 = vector.shape_cast %swap3A_256 : vector<1x16xf32> to vector<16xf32>
        %swap3A_258 = vector.shape_cast %max3A_253 : vector<16xf32> to vector<1x16xf32>
        tpu.vector_store %arg12[%swap3A_254, %swap3A_255], %swap3A_258 {strides = array<i32>} : memref<40x128xf32, #tpu.memory_space<vmem>>, vector<1x16xf32>,
        %get3A_259 = arith.index_cast %add3A_142 : i32 to index
        %get3A_260 = arith.constant 112 : index
        %get3A_261 = tpu.vector_load %arg8[%get3A_259, %get3A_260] {strides = array<i32>} : memref<40x128xf32, #tpu.memory_space<vmem>>, vector<1x16xf32>,
        %get3A_262 = vector.shape_cast %get3A_261 : vector<1x16xf32> to vector<16xf32>
        %get3A_263 = arith.index_cast %add3A_142 : i32 to index
        %get3A_264 = arith.constant 112 : index
        %get3A_265 = tpu.vector_load %arg10[%get3A_263, %get3A_264] {strides = array<i32>} : memref<40x128xf32, #tpu.memory_space<vmem>>, vector<1x16xf32>,
        %get3A_266 = vector.shape_cast %get3A_265 : vector<1x16xf32> to vector<16xf32>
        %add3A_267 = arith.addf %get3A_262, %get3A_266 : vector<16xf32>
        %max3A_268 = arith.constant 0.000000e+00 : f32
        %max3A_269 = vector.broadcast %max3A_268 : f32 to vector<16xf32>
        %max3A_270 = arith.maximumf %add3A_267, %max3A_269 : vector<16xf32>
        %swap3A_271 = arith.index_cast %add3A_142 : i32 to index
        %swap3A_272 = arith.constant 112 : index
        %swap3A_273 = tpu.vector_load %arg12[%swap3A_271, %swap3A_272] {strides = array<i32>} : memref<40x128xf32, #tpu.memory_space<vmem>>, vector<1x16xf32>,
        %swap3A_274 = vector.shape_cast %swap3A_273 : vector<1x16xf32> to vector<16xf32>
        %swap3A_275 = vector.shape_cast %max3A_270 : vector<16xf32> to vector<1x16xf32>
        tpu.vector_store %arg12[%swap3A_271, %swap3A_272], %swap3A_275 {strides = array<i32>} : memref<40x128xf32, #tpu.memory_space<vmem>>, vector<1x16xf32>,
      }
      %scan3A_80 = arith.constant 40 : i32
      %add3A_81 = arith.constant 2 : i32
      %add3A_82 = arith.addi %add3A_57, %add3A_81 : i32
      %lt3A = arith.constant 250 : i32
      %lt3A_83 = arith.cmpi slt, %add3A_82, %lt3A : i32
      %convert_element_type3A_84 = arith.extui %lt3A_83 : i1 to i32
      %cond3A_85 = arith.constant 0 : i32
      %cond3A_86 = arith.cmpi ne, %convert_element_type3A_84, %cond3A_85 : i32
      scf.if %cond3A_86 {
        %mul3A_138 = arith.constant 40 : i32
        %mul3A_139 = arith.muli %add3A_82, %mul3A_138 : i32
        %dma_start3A_140 = tpu.memref_slice %arg7[%mul3A_139] : memref<10000xi32, #tpu.memory_space<vmem>> -> memref<40xi32, #tpu.memory_space<vmem>>
        %dma_start3A_141 = arith.constant 0 : i32
        %dma_start3A_142 = arith.constant 0 : i32
        %dma_start3A_143 = tpu.memref_slice %arg2[%dma_start3A_141, %dma_start3A_142] : memref<10000x128xf32, #tpu.memory_space<hbm>> -> memref<10000x128xf32, #tpu.memory_space<hbm>>
        tpu.enqueue_indirect_dma source(%dma_start3A_143 : memref<10000x128xf32, #tpu.memory_space<hbm>>) target(%arg8 : memref<40x128xf32, #tpu.memory_space<vmem>>) offsets(%dma_start3A_140 : memref<40xi32, #tpu.memory_space<vmem>>) semaphore(%arg17 : memref<!tpu.dma_semaphore, #tpu.memory_space<semaphore_mem>>)
        %add3A_144 = arith.addi %mul3A_2, %mul3A_139 : i32
        %dma_start3A_145 = arith.constant 0 : i32
        %dma_start3A_146 = tpu.memref_slice %arg3[%add3A_144, %dma_start3A_145] : memref<320000x128xf32, #tpu.memory_space<hbm>> -> memref<40x128xf32, #tpu.memory_space<hbm>>
        %dma_start3A_147 = arith.constant 0 : i32
        %dma_start3A_148 = tpu.memref_slice %arg3[%add3A_144, %dma_start3A_147] : memref<320000x128xf32, #tpu.memory_space<hbm>> -> memref<40x128xf32, #tpu.memory_space<hbm>>
        tpu.enqueue_dma source(%dma_start3A_148 : memref<40x128xf32, #tpu.memory_space<hbm>>) target(%arg10 : memref<40x128xf32, #tpu.memory_space<vmem>>) target_semaphore(%arg19 : memref<!tpu.dma_semaphore, #tpu.memory_space<semaphore_mem>>)
      } else {
      }
      %dma_wait3A_87 = arith.constant 0 : i32
      %dma_wait3A_88 = tpu.memref_slice %arg5[%dma_wait3A_87] : memref<320000xi32, #tpu.memory_space<hbm>> -> memref<40xi32, #tpu.memory_space<hbm>>
      %dma_wait3A_89 = arith.constant 0 : i32
      %dma_wait3A_90 = tpu.memref_slice %arg5[%dma_wait3A_89] : memref<320000xi32, #tpu.memory_space<hbm>> -> memref<40xi32, #tpu.memory_space<hbm>>
      tpu.wait_dma2 semaphore(%arg23 : memref<!tpu.dma_semaphore, #tpu.memory_space<semaphore_mem>>) src(%dma_wait3A_90 : memref<40xi32, #tpu.memory_space<hbm>>) dst(%arg14 : memref<40xi32, #tpu.memory_space<vmem>>)
      %dma_start3A_91 = arith.constant 0 : i32
      %dma_start3A_92 = arith.constant 0 : i32
      %dma_start3A_93 = tpu.memref_slice %arg16[%dma_start3A_91, %dma_start3A_92] : memref<10000x128xf32, #tpu.memory_space<vmem_shared>> -> memref<10000x128xf32, #tpu.memory_space<vmem_shared>>
      tpu.enqueue_indirect_dma source(%arg12 : memref<40x128xf32, #tpu.memory_space<vmem>>) target(%dma_start3A_93 : memref<10000x128xf32, #tpu.memory_space<vmem_shared>>) offsets(%arg14 : memref<40xi32, #tpu.memory_space<vmem>>) semaphore(%arg21 : memref<!tpu.dma_semaphore, #tpu.memory_space<semaphore_mem>>) {add = true}
      %mul3A_94 = arith.constant 2 : i32
      %mul3A_95 = arith.muli %mul3A_94, %add3A_53 : i32
      %add3A_96 = arith.constant 1 : i32
      %add3A_97 = arith.addi %mul3A_95, %add3A_96 : i32
      %dma_wait3A_98 = arith.constant 0 : i32
      %dma_wait3A_99 = tpu.memref_slice %arg7[%dma_wait3A_98] : memref<10000xi32, #tpu.memory_space<vmem>> -> memref<40xi32, #tpu.memory_space<vmem>>
      %dma_wait3A_100 = arith.constant 0 : i32
      %dma_wait3A_101 = arith.constant 0 : i32
      %dma_wait3A_102 = tpu.memref_slice %arg2[%dma_wait3A_100, %dma_wait3A_101] : memref<10000x128xf32, #tpu.memory_space<hbm>> -> memref<10000x128xf32, #tpu.memory_space<hbm>>
      tpu.wait_indirect_dma semaphore(%arg18 : memref<!tpu.dma_semaphore, #tpu.memory_space<semaphore_mem>>) src(%dma_wait3A_102 : memref<10000x128xf32, #tpu.memory_space<hbm>>) dst(%arg9 : memref<40x128xf32, #tpu.memory_space<vmem>>)
      %dma_wait3A_103 = arith.constant 0 : i32
      %dma_wait3A_104 = arith.constant 0 : i32
      %dma_wait3A_105 = tpu.memref_slice %arg3[%dma_wait3A_103, %dma_wait3A_104] : memref<320000x128xf32, #tpu.memory_space<hbm>> -> memref<40x128xf32, #tpu.memory_space<hbm>>
      %dma_wait3A_106 = arith.constant 0 : i32
      %dma_wait3A_107 = arith.constant 0 : i32
      %dma_wait3A_108 = tpu.memref_slice %arg3[%dma_wait3A_106, %dma_wait3A_107] : memref<320000x128xf32, #tpu.memory_space<hbm>> -> memref<40x128xf32, #tpu.memory_space<hbm>>
      tpu.wait_dma2 semaphore(%arg20 : memref<!tpu.dma_semaphore, #tpu.memory_space<semaphore_mem>>) src(%dma_wait3A_108 : memref<40x128xf32, #tpu.memory_space<hbm>>) dst(%arg11 : memref<40x128xf32, #tpu.memory_space<vmem>>)
      %gt3A_109 = arith.constant 0 : i32
      %gt3A_110 = arith.cmpi sgt, %add3A_53, %gt3A_109 : i32
      %convert_element_type3A_111 = arith.extui %gt3A_110 : i1 to i32
      %cond3A_112 = arith.constant 0 : i32
      %cond3A_113 = arith.cmpi ne, %convert_element_type3A_111, %cond3A_112 : i32
      scf.if %cond3A_113 {
        %dma_wait3A_138 = arith.constant 0 : i32
        %dma_wait3A_139 = arith.constant 0 : i32
        %dma_wait3A_140 = tpu.memref_slice %arg16[%dma_wait3A_138, %dma_wait3A_139] : memref<10000x128xf32, #tpu.memory_space<vmem_shared>> -> memref<10000x128xf32, #tpu.memory_space<vmem_shared>>
        tpu.wait_indirect_dma semaphore(%arg22 : memref<!tpu.dma_semaphore, #tpu.memory_space<semaphore_mem>>) src(%arg13 : memref<40x128xf32, #tpu.memory_space<vmem>>) dst(%dma_wait3A_140 : memref<10000x128xf32, #tpu.memory_space<vmem_shared>>)
      } else {
      }
      %mul3A_114 = arith.constant 40 : i32
      %mul3A_115 = arith.muli %add3A_97, %mul3A_114 : i32
      %add3A_116 = arith.addi %mul3A_2, %mul3A_115 : i32
      %dma_start3A_117 = tpu.memref_slice %arg5[%add3A_116] : memref<320000xi32, #tpu.memory_space<hbm>> -> memref<40xi32, #tpu.memory_space<hbm>>
      %dma_start3A_118 = tpu.memref_slice %arg5[%add3A_116] : memref<320000xi32, #tpu.memory_space<hbm>> -> memref<40xi32, #tpu.memory_space<hbm>>
      tpu.enqueue_dma source(%dma_start3A_118 : memref<40xi32, #tpu.memory_space<hbm>>) target(%arg15 : memref<40xi32, #tpu.memory_space<vmem>>) target_semaphore(%arg24 : memref<!tpu.dma_semaphore, #tpu.memory_space<semaphore_mem>>)
      %scan3A_119 = arith.constant 0 : i32
      %scan3A_120 = arith.constant 40 : i32
      %scan3A_121 = arith.addi %scan3A_119, %scan3A_120 : i32
      %scan3A_122 = arith.constant 1 : i32
      scf.for %scan3A_138 = %scan3A_119 to %scan3A_121 step %scan3A_122  : i32 {
        %mul3A_139 = arith.constant 1 : i32
        %mul3A_140 = arith.muli %scan3A_138, %mul3A_139 : i32
        %add3A_141 = arith.constant 0 : i32
        %add3A_142 = arith.addi %add3A_141, %mul3A_140 : i32
        %get3A = arith.index_cast %add3A_142 : i32 to index
        %get3A_143 = arith.constant 0 : index
        %get3A_144 = tpu.vector_load %arg9[%get3A, %get3A_143] {strides = array<i32>} : memref<40x128xf32, #tpu.memory_space<vmem>>, vector<1x16xf32>,
        %get3A_145 = vector.shape_cast %get3A_144 : vector<1x16xf32> to vector<16xf32>
        %get3A_146 = arith.index_cast %add3A_142 : i32 to index
        %get3A_147 = arith.constant 0 : index
        %get3A_148 = tpu.vector_load %arg11[%get3A_146, %get3A_147] {strides = array<i32>} : memref<40x128xf32, #tpu.memory_space<vmem>>, vector<1x16xf32>,
        %get3A_149 = vector.shape_cast %get3A_148 : vector<1x16xf32> to vector<16xf32>
        %add3A_150 = arith.addf %get3A_145, %get3A_149 : vector<16xf32>
        %max3A = arith.constant 0.000000e+00 : f32
        %max3A_151 = vector.broadcast %max3A : f32 to vector<16xf32>
        %max3A_152 = arith.maximumf %add3A_150, %max3A_151 : vector<16xf32>
        %swap3A = arith.index_cast %add3A_142 : i32 to index
        %swap3A_153 = arith.constant 0 : index
        %swap3A_154 = tpu.vector_load %arg13[%swap3A, %swap3A_153] {strides = array<i32>} : memref<40x128xf32, #tpu.memory_space<vmem>>, vector<1x16xf32>,
        %swap3A_155 = vector.shape_cast %swap3A_154 : vector<1x16xf32> to vector<16xf32>
        %swap3A_156 = vector.shape_cast %max3A_152 : vector<16xf32> to vector<1x16xf32>
        tpu.vector_store %arg13[%swap3A, %swap3A_153], %swap3A_156 {strides = array<i32>} : memref<40x128xf32, #tpu.memory_space<vmem>>, vector<1x16xf32>,
        %get3A_157 = arith.index_cast %add3A_142 : i32 to index
        %get3A_158 = arith.constant 16 : index
        %get3A_159 = tpu.vector_load %arg9[%get3A_157, %get3A_158] {strides = array<i32>} : memref<40x128xf32, #tpu.memory_space<vmem>>, vector<1x16xf32>,
        %get3A_160 = vector.shape_cast %get3A_159 : vector<1x16xf32> to vector<16xf32>
        %get3A_161 = arith.index_cast %add3A_142 : i32 to index
        %get3A_162 = arith.constant 16 : index
        %get3A_163 = tpu.vector_load %arg11[%get3A_161, %get3A_162] {strides = array<i32>} : memref<40x128xf32, #tpu.memory_space<vmem>>, vector<1x16xf32>,
        %get3A_164 = vector.shape_cast %get3A_163 : vector<1x16xf32> to vector<16xf32>
        %add3A_165 = arith.addf %get3A_160, %get3A_164 : vector<16xf32>
        %max3A_166 = arith.constant 0.000000e+00 : f32
        %max3A_167 = vector.broadcast %max3A_166 : f32 to vector<16xf32>
        %max3A_168 = arith.maximumf %add3A_165, %max3A_167 : vector<16xf32>
        %swap3A_169 = arith.index_cast %add3A_142 : i32 to index
        %swap3A_170 = arith.constant 16 : index
        %swap3A_171 = tpu.vector_load %arg13[%swap3A_169, %swap3A_170] {strides = array<i32>} : memref<40x128xf32, #tpu.memory_space<vmem>>, vector<1x16xf32>,
        %swap3A_172 = vector.shape_cast %swap3A_171 : vector<1x16xf32> to vector<16xf32>
        %swap3A_173 = vector.shape_cast %max3A_168 : vector<16xf32> to vector<1x16xf32>
        tpu.vector_store %arg13[%swap3A_169, %swap3A_170], %swap3A_173 {strides = array<i32>} : memref<40x128xf32, #tpu.memory_space<vmem>>, vector<1x16xf32>,
        %get3A_174 = arith.index_cast %add3A_142 : i32 to index
        %get3A_175 = arith.constant 32 : index
        %get3A_176 = tpu.vector_load %arg9[%get3A_174, %get3A_175] {strides = array<i32>} : memref<40x128xf32, #tpu.memory_space<vmem>>, vector<1x16xf32>,
        %get3A_177 = vector.shape_cast %get3A_176 : vector<1x16xf32> to vector<16xf32>
        %get3A_178 = arith.index_cast %add3A_142 : i32 to index
        %get3A_179 = arith.constant 32 : index
        %get3A_180 = tpu.vector_load %arg11[%get3A_178, %get3A_179] {strides = array<i32>} : memref<40x128xf32, #tpu.memory_space<vmem>>, vector<1x16xf32>,
        %get3A_181 = vector.shape_cast %get3A_180 : vector<1x16xf32> to vector<16xf32>
        %add3A_182 = arith.addf %get3A_177, %get3A_181 : vector<16xf32>
        %max3A_183 = arith.constant 0.000000e+00 : f32
        %max3A_184 = vector.broadcast %max3A_183 : f32 to vector<16xf32>
        %max3A_185 = arith.maximumf %add3A_182, %max3A_184 : vector<16xf32>
        %swap3A_186 = arith.index_cast %add3A_142 : i32 to index
        %swap3A_187 = arith.constant 32 : index
        %swap3A_188 = tpu.vector_load %arg13[%swap3A_186, %swap3A_187] {strides = array<i32>} : memref<40x128xf32, #tpu.memory_space<vmem>>, vector<1x16xf32>,
        %swap3A_189 = vector.shape_cast %swap3A_188 : vector<1x16xf32> to vector<16xf32>
        %swap3A_190 = vector.shape_cast %max3A_185 : vector<16xf32> to vector<1x16xf32>
        tpu.vector_store %arg13[%swap3A_186, %swap3A_187], %swap3A_190 {strides = array<i32>} : memref<40x128xf32, #tpu.memory_space<vmem>>, vector<1x16xf32>,
        %get3A_191 = arith.index_cast %add3A_142 : i32 to index
        %get3A_192 = arith.constant 48 : index
        %get3A_193 = tpu.vector_load %arg9[%get3A_191, %get3A_192] {strides = array<i32>} : memref<40x128xf32, #tpu.memory_space<vmem>>, vector<1x16xf32>,
        %get3A_194 = vector.shape_cast %get3A_193 : vector<1x16xf32> to vector<16xf32>
        %get3A_195 = arith.index_cast %add3A_142 : i32 to index
        %get3A_196 = arith.constant 48 : index
        %get3A_197 = tpu.vector_load %arg11[%get3A_195, %get3A_196] {strides = array<i32>} : memref<40x128xf32, #tpu.memory_space<vmem>>, vector<1x16xf32>,
        %get3A_198 = vector.shape_cast %get3A_197 : vector<1x16xf32> to vector<16xf32>
        %add3A_199 = arith.addf %get3A_194, %get3A_198 : vector<16xf32>
        %max3A_200 = arith.constant 0.000000e+00 : f32
        %max3A_201 = vector.broadcast %max3A_200 : f32 to vector<16xf32>
        %max3A_202 = arith.maximumf %add3A_199, %max3A_201 : vector<16xf32>
        %swap3A_203 = arith.index_cast %add3A_142 : i32 to index
        %swap3A_204 = arith.constant 48 : index
        %swap3A_205 = tpu.vector_load %arg13[%swap3A_203, %swap3A_204] {strides = array<i32>} : memref<40x128xf32, #tpu.memory_space<vmem>>, vector<1x16xf32>,
        %swap3A_206 = vector.shape_cast %swap3A_205 : vector<1x16xf32> to vector<16xf32>
        %swap3A_207 = vector.shape_cast %max3A_202 : vector<16xf32> to vector<1x16xf32>
        tpu.vector_store %arg13[%swap3A_203, %swap3A_204], %swap3A_207 {strides = array<i32>} : memref<40x128xf32, #tpu.memory_space<vmem>>, vector<1x16xf32>,
        %get3A_208 = arith.index_cast %add3A_142 : i32 to index
        %get3A_209 = arith.constant 64 : index
        %get3A_210 = tpu.vector_load %arg9[%get3A_208, %get3A_209] {strides = array<i32>} : memref<40x128xf32, #tpu.memory_space<vmem>>, vector<1x16xf32>,
        %get3A_211 = vector.shape_cast %get3A_210 : vector<1x16xf32> to vector<16xf32>
        %get3A_212 = arith.index_cast %add3A_142 : i32 to index
        %get3A_213 = arith.constant 64 : index
        %get3A_214 = tpu.vector_load %arg11[%get3A_212, %get3A_213] {strides = array<i32>} : memref<40x128xf32, #tpu.memory_space<vmem>>, vector<1x16xf32>,
        %get3A_215 = vector.shape_cast %get3A_214 : vector<1x16xf32> to vector<16xf32>
        %add3A_216 = arith.addf %get3A_211, %get3A_215 : vector<16xf32>
        %max3A_217 = arith.constant 0.000000e+00 : f32
        %max3A_218 = vector.broadcast %max3A_217 : f32 to vector<16xf32>
        %max3A_219 = arith.maximumf %add3A_216, %max3A_218 : vector<16xf32>
        %swap3A_220 = arith.index_cast %add3A_142 : i32 to index
        %swap3A_221 = arith.constant 64 : index
        %swap3A_222 = tpu.vector_load %arg13[%swap3A_220, %swap3A_221] {strides = array<i32>} : memref<40x128xf32, #tpu.memory_space<vmem>>, vector<1x16xf32>,
        %swap3A_223 = vector.shape_cast %swap3A_222 : vector<1x16xf32> to vector<16xf32>
        %swap3A_224 = vector.shape_cast %max3A_219 : vector<16xf32> to vector<1x16xf32>
        tpu.vector_store %arg13[%swap3A_220, %swap3A_221], %swap3A_224 {strides = array<i32>} : memref<40x128xf32, #tpu.memory_space<vmem>>, vector<1x16xf32>,
        %get3A_225 = arith.index_cast %add3A_142 : i32 to index
        %get3A_226 = arith.constant 80 : index
        %get3A_227 = tpu.vector_load %arg9[%get3A_225, %get3A_226] {strides = array<i32>} : memref<40x128xf32, #tpu.memory_space<vmem>>, vector<1x16xf32>,
        %get3A_228 = vector.shape_cast %get3A_227 : vector<1x16xf32> to vector<16xf32>
        %get3A_229 = arith.index_cast %add3A_142 : i32 to index
        %get3A_230 = arith.constant 80 : index
        %get3A_231 = tpu.vector_load %arg11[%get3A_229, %get3A_230] {strides = array<i32>} : memref<40x128xf32, #tpu.memory_space<vmem>>, vector<1x16xf32>,
        %get3A_232 = vector.shape_cast %get3A_231 : vector<1x16xf32> to vector<16xf32>
        %add3A_233 = arith.addf %get3A_228, %get3A_232 : vector<16xf32>
        %max3A_234 = arith.constant 0.000000e+00 : f32
        %max3A_235 = vector.broadcast %max3A_234 : f32 to vector<16xf32>
        %max3A_236 = arith.maximumf %add3A_233, %max3A_235 : vector<16xf32>
        %swap3A_237 = arith.index_cast %add3A_142 : i32 to index
        %swap3A_238 = arith.constant 80 : index
        %swap3A_239 = tpu.vector_load %arg13[%swap3A_237, %swap3A_238] {strides = array<i32>} : memref<40x128xf32, #tpu.memory_space<vmem>>, vector<1x16xf32>,
        %swap3A_240 = vector.shape_cast %swap3A_239 : vector<1x16xf32> to vector<16xf32>
        %swap3A_241 = vector.shape_cast %max3A_236 : vector<16xf32> to vector<1x16xf32>
        tpu.vector_store %arg13[%swap3A_237, %swap3A_238], %swap3A_241 {strides = array<i32>} : memref<40x128xf32, #tpu.memory_space<vmem>>, vector<1x16xf32>,
        %get3A_242 = arith.index_cast %add3A_142 : i32 to index
        %get3A_243 = arith.constant 96 : index
        %get3A_244 = tpu.vector_load %arg9[%get3A_242, %get3A_243] {strides = array<i32>} : memref<40x128xf32, #tpu.memory_space<vmem>>, vector<1x16xf32>,
        %get3A_245 = vector.shape_cast %get3A_244 : vector<1x16xf32> to vector<16xf32>
        %get3A_246 = arith.index_cast %add3A_142 : i32 to index
        %get3A_247 = arith.constant 96 : index
        %get3A_248 = tpu.vector_load %arg11[%get3A_246, %get3A_247] {strides = array<i32>} : memref<40x128xf32, #tpu.memory_space<vmem>>, vector<1x16xf32>,
        %get3A_249 = vector.shape_cast %get3A_248 : vector<1x16xf32> to vector<16xf32>
        %add3A_250 = arith.addf %get3A_245, %get3A_249 : vector<16xf32>
        %max3A_251 = arith.constant 0.000000e+00 : f32
        %max3A_252 = vector.broadcast %max3A_251 : f32 to vector<16xf32>
        %max3A_253 = arith.maximumf %add3A_250, %max3A_252 : vector<16xf32>
        %swap3A_254 = arith.index_cast %add3A_142 : i32 to index
        %swap3A_255 = arith.constant 96 : index
        %swap3A_256 = tpu.vector_load %arg13[%swap3A_254, %swap3A_255] {strides = array<i32>} : memref<40x128xf32, #tpu.memory_space<vmem>>, vector<1x16xf32>,
        %swap3A_257 = vector.shape_cast %swap3A_256 : vector<1x16xf32> to vector<16xf32>
        %swap3A_258 = vector.shape_cast %max3A_253 : vector<16xf32> to vector<1x16xf32>
        tpu.vector_store %arg13[%swap3A_254, %swap3A_255], %swap3A_258 {strides = array<i32>} : memref<40x128xf32, #tpu.memory_space<vmem>>, vector<1x16xf32>,
        %get3A_259 = arith.index_cast %add3A_142 : i32 to index
        %get3A_260 = arith.constant 112 : index
        %get3A_261 = tpu.vector_load %arg9[%get3A_259, %get3A_260] {strides = array<i32>} : memref<40x128xf32, #tpu.memory_space<vmem>>, vector<1x16xf32>,
        %get3A_262 = vector.shape_cast %get3A_261 : vector<1x16xf32> to vector<16xf32>
        %get3A_263 = arith.index_cast %add3A_142 : i32 to index
        %get3A_264 = arith.constant 112 : index
        %get3A_265 = tpu.vector_load %arg11[%get3A_263, %get3A_264] {strides = array<i32>} : memref<40x128xf32, #tpu.memory_space<vmem>>, vector<1x16xf32>,
        %get3A_266 = vector.shape_cast %get3A_265 : vector<1x16xf32> to vector<16xf32>
        %add3A_267 = arith.addf %get3A_262, %get3A_266 : vector<16xf32>
        %max3A_268 = arith.constant 0.000000e+00 : f32
        %max3A_269 = vector.broadcast %max3A_268 : f32 to vector<16xf32>
        %max3A_270 = arith.maximumf %add3A_267, %max3A_269 : vector<16xf32>
        %swap3A_271 = arith.index_cast %add3A_142 : i32 to index
        %swap3A_272 = arith.constant 112 : index
        %swap3A_273 = tpu.vector_load %arg13[%swap3A_271, %swap3A_272] {strides = array<i32>} : memref<40x128xf32, #tpu.memory_space<vmem>>, vector<1x16xf32>,
        %swap3A_274 = vector.shape_cast %swap3A_273 : vector<1x16xf32> to vector<16xf32>
        %swap3A_275 = vector.shape_cast %max3A_270 : vector<16xf32> to vector<1x16xf32>
        tpu.vector_store %arg13[%swap3A_271, %swap3A_272], %swap3A_275 {strides = array<i32>} : memref<40x128xf32, #tpu.memory_space<vmem>>, vector<1x16xf32>,
      }
      %scan3A_123 = arith.constant 40 : i32
      %add3A_124 = arith.constant 2 : i32
      %add3A_125 = arith.addi %add3A_97, %add3A_124 : i32
      %lt3A_126 = arith.constant 250 : i32
      %lt3A_127 = arith.cmpi slt, %add3A_125, %lt3A_126 : i32
      %convert_element_type3A_128 = arith.extui %lt3A_127 : i1 to i32
      %cond3A_129 = arith.constant 0 : i32
      %cond3A_130 = arith.cmpi ne, %convert_element_type3A_128, %cond3A_129 : i32
      scf.if %cond3A_130 {
        %mul3A_138 = arith.constant 40 : i32
        %mul3A_139 = arith.muli %add3A_125, %mul3A_138 : i32
        %dma_start3A_140 = tpu.memref_slice %arg7[%mul3A_139] : memref<10000xi32, #tpu.memory_space<vmem>> -> memref<40xi32, #tpu.memory_space<vmem>>
        %dma_start3A_141 = arith.constant 0 : i32
        %dma_start3A_142 = arith.constant 0 : i32
        %dma_start3A_143 = tpu.memref_slice %arg2[%dma_start3A_141, %dma_start3A_142] : memref<10000x128xf32, #tpu.memory_space<hbm>> -> memref<10000x128xf32, #tpu.memory_space<hbm>>
        tpu.enqueue_indirect_dma source(%dma_start3A_143 : memref<10000x128xf32, #tpu.memory_space<hbm>>) target(%arg9 : memref<40x128xf32, #tpu.memory_space<vmem>>) offsets(%dma_start3A_140 : memref<40xi32, #tpu.memory_space<vmem>>) semaphore(%arg18 : memref<!tpu.dma_semaphore, #tpu.memory_space<semaphore_mem>>)
        %add3A_144 = arith.addi %mul3A_2, %mul3A_139 : i32
        %dma_start3A_145 = arith.constant 0 : i32
        %dma_start3A_146 = tpu.memref_slice %arg3[%add3A_144, %dma_start3A_145] : memref<320000x128xf32, #tpu.memory_space<hbm>> -> memref<40x128xf32, #tpu.memory_space<hbm>>
        %dma_start3A_147 = arith.constant 0 : i32
        %dma_start3A_148 = tpu.memref_slice %arg3[%add3A_144, %dma_start3A_147] : memref<320000x128xf32, #tpu.memory_space<hbm>> -> memref<40x128xf32, #tpu.memory_space<hbm>>
        tpu.enqueue_dma source(%dma_start3A_148 : memref<40x128xf32, #tpu.memory_space<hbm>>) target(%arg11 : memref<40x128xf32, #tpu.memory_space<vmem>>) target_semaphore(%arg20 : memref<!tpu.dma_semaphore, #tpu.memory_space<semaphore_mem>>)
      } else {
      }
      %dma_wait3A_131 = arith.constant 0 : i32
      %dma_wait3A_132 = tpu.memref_slice %arg5[%dma_wait3A_131] : memref<320000xi32, #tpu.memory_space<hbm>> -> memref<40xi32, #tpu.memory_space<hbm>>
      %dma_wait3A_133 = arith.constant 0 : i32
      %dma_wait3A_134 = tpu.memref_slice %arg5[%dma_wait3A_133] : memref<320000xi32, #tpu.memory_space<hbm>> -> memref<40xi32, #tpu.memory_space<hbm>>
      tpu.wait_dma2 semaphore(%arg24 : memref<!tpu.dma_semaphore, #tpu.memory_space<semaphore_mem>>) src(%dma_wait3A_134 : memref<40xi32, #tpu.memory_space<hbm>>) dst(%arg15 : memref<40xi32, #tpu.memory_space<vmem>>)
      %dma_start3A_135 = arith.constant 0 : i32
      %dma_start3A_136 = arith.constant 0 : i32
      %dma_start3A_137 = tpu.memref_slice %arg16[%dma_start3A_135, %dma_start3A_136] : memref<10000x128xf32, #tpu.memory_space<vmem_shared>> -> memref<10000x128xf32, #tpu.memory_space<vmem_shared>>
      tpu.enqueue_indirect_dma source(%arg13 : memref<40x128xf32, #tpu.memory_space<vmem>>) target(%dma_start3A_137 : memref<10000x128xf32, #tpu.memory_space<vmem_shared>>) offsets(%arg15 : memref<40xi32, #tpu.memory_space<vmem>>) semaphore(%arg22 : memref<!tpu.dma_semaphore, #tpu.memory_space<semaphore_mem>>) {add = true}
    }
    %scan3A_37 = arith.constant 125 : i32
    %dma_wait3A = arith.constant 0 : i32
    %dma_wait3A_38 = arith.constant 0 : i32
    %dma_wait3A_39 = tpu.memref_slice %arg16[%dma_wait3A, %dma_wait3A_38] : memref<10000x128xf32, #tpu.memory_space<vmem_shared>> -> memref<10000x128xf32, #tpu.memory_space<vmem_shared>>
    tpu.wait_indirect_dma semaphore(%arg21 : memref<!tpu.dma_semaphore, #tpu.memory_space<semaphore_mem>>) src(%arg12 : memref<40x128xf32, #tpu.memory_space<vmem>>) dst(%dma_wait3A_39 : memref<10000x128xf32, #tpu.memory_space<vmem_shared>>)
    %dma_wait3A_40 = arith.constant 0 : i32
    %dma_wait3A_41 = arith.constant 0 : i32
    %dma_wait3A_42 = tpu.memref_slice %arg16[%dma_wait3A_40, %dma_wait3A_41] : memref<10000x128xf32, #tpu.memory_space<vmem_shared>> -> memref<10000x128xf32, #tpu.memory_space<vmem_shared>>
    tpu.wait_indirect_dma semaphore(%arg22 : memref<!tpu.dma_semaphore, #tpu.memory_space<semaphore_mem>>) src(%arg13 : memref<40x128xf32, #tpu.memory_space<vmem>>) dst(%dma_wait3A_42 : memref<10000x128xf32, #tpu.memory_space<vmem_shared>>)
    %barrier3A_43 = arith.constant 0 : index
    tpu.barrier barrier_id(%barrier3A_43)
    %scan3A_44 = arith.constant 0 : i32
    %scan3A_45 = arith.constant 4 : i32
    %scan3A_46 = arith.addi %scan3A_44, %scan3A_45 : i32
    %scan3A_47 = arith.constant 1 : i32
    scf.for %scan3A_49 = %scan3A_44 to %scan3A_46 step %scan3A_47  : i32 {
      %mul3A_50 = arith.constant 1 : i32
      %mul3A_51 = arith.muli %scan3A_49, %mul3A_50 : i32
      %add3A_52 = arith.constant 0 : i32
      %add3A_53 = arith.addi %add3A_52, %mul3A_51 : i32
      %mul3A_54 = arith.constant 16 : i32
      %mul3A_55 = arith.muli %add3A_53, %mul3A_54 : i32
      %add3A_56 = arith.addi %arg1, %mul3A_55 : i32
      %lt3A = arith.constant 50 : i32
      %lt3A_57 = arith.cmpi slt, %add3A_56, %lt3A : i32
      %convert_element_type3A = arith.extui %lt3A_57 : i1 to i32
      %cond3A = arith.constant 0 : i32
      %cond3A_58 = arith.cmpi ne, %convert_element_type3A, %cond3A : i32
      scf.if %cond3A_58 {
        %mul3A_59 = arith.constant 200 : i32
        %mul3A_60 = arith.muli %add3A_56, %mul3A_59 : i32
        "tpu.region"() ({
          %run_scoped3A = tpu.sem_alloc : memref<!tpu.dma_semaphore, #tpu.memory_space<semaphore_mem>>
          %dma_start3A_61 = arith.constant 0 : i32
          %dma_start3A_62 = tpu.memref_slice %arg6[%arg0, %mul3A_60, %dma_start3A_61] : memref<2x10000x128xf32, #tpu.memory_space<hbm>> -> memref<1x200x128xf32, #tpu.memory_space<hbm>>
          %dma_start3A_63 = tpu.memref_squeeze %dma_start3A_62 : memref<1x200x128xf32, #tpu.memory_space<hbm>> -> memref<200x128xf32, #tpu.memory_space<hbm>>
          %dma_start3A_64 = arith.constant 0 : i32
          %dma_start3A_65 = tpu.memref_slice %arg16[%mul3A_60, %dma_start3A_64] : memref<10000x128xf32, #tpu.memory_space<vmem_shared>> -> memref<200x128xf32, #tpu.memory_space<vmem_shared>>
          tpu.enqueue_dma source(%dma_start3A_65 : memref<200x128xf32, #tpu.memory_space<vmem_shared>>) target(%dma_start3A_63 : memref<200x128xf32, #tpu.memory_space<hbm>>) target_semaphore(%run_scoped3A : memref<!tpu.dma_semaphore, #tpu.memory_space<semaphore_mem>>)
          %dma_wait3A_66 = arith.constant 0 : i32
          %dma_wait3A_67 = tpu.memref_slice %arg6[%arg0, %mul3A_60, %dma_wait3A_66] : memref<2x10000x128xf32, #tpu.memory_space<hbm>> -> memref<1x200x128xf32, #tpu.memory_space<hbm>>
          %dma_wait3A_68 = tpu.memref_squeeze %dma_wait3A_67 : memref<1x200x128xf32, #tpu.memory_space<hbm>> -> memref<200x128xf32, #tpu.memory_space<hbm>>
          %dma_wait3A_69 = arith.constant 0 : i32
          %dma_wait3A_70 = tpu.memref_slice %arg16[%mul3A_60, %dma_wait3A_69] : memref<10000x128xf32, #tpu.memory_space<vmem_shared>> -> memref<200x128xf32, #tpu.memory_space<vmem_shared>>
          tpu.wait_dma2 semaphore(%run_scoped3A : memref<!tpu.dma_semaphore, #tpu.memory_space<semaphore_mem>>) src(%dma_wait3A_70 : memref<200x128xf32, #tpu.memory_space<vmem_shared>>) dst(%dma_wait3A_68 : memref<200x128xf32, #tpu.memory_space<hbm>>)
          tpu.yield
        }) : () -> ()
      } else {
      }
    }
    %scan3A_48 = arith.constant 4 : i32
    return
  }
}

#map = affine_map<(d0, d1) -> (0, 0)>
#map1 = affine_map<(d0, d1) -> (0)>
#map2 = affine_map<(d0, d1) -> (0, 0, 0)>
module attributes {stable_mosaic.version = 14 : i64} {
  func.func @_sc_message(%arg0: i32, %arg1: i32, %arg2: memref<10000x128xf32, #tpu.memory_space<hbm>>, %arg3: memref<320000x128xf32, #tpu.memory_space<hbm>>, %arg4: memref<320000xi32, #tpu.memory_space<hbm>>, %arg5: memref<320000xi32, #tpu.memory_space<hbm>>, %arg6: memref<2x10000x128xf32, #tpu.memory_space<hbm>>, %arg7: memref<10000xi32, #tpu.memory_space<vmem>>, %arg8: memref<40x128xf32, #tpu.memory_space<vmem>>, %arg9: memref<40x128xf32, #tpu.memory_space<vmem>>, %arg10: memref<40x128xf32, #tpu.memory_space<vmem>>, %arg11: memref<40x128xf32, #tpu.memory_space<vmem>>, %arg12: memref<40x128xf32, #tpu.memory_space<vmem>>, %arg13: memref<40x128xf32, #tpu.memory_space<vmem>>, %arg14: memref<40xi32, #tpu.memory_space<vmem>>, %arg15: memref<40xi32, #tpu.memory_space<vmem>>, %arg16: memref<10000x128xf32, #tpu.memory_space<vmem_shared>>, %arg17: memref<!tpu.dma_semaphore, #tpu.memory_space<semaphore_mem>>, %arg18: memref<!tpu.dma_semaphore, #tpu.memory_space<semaphore_mem>>, %arg19: memref<!tpu.dma_semaphore, #tpu.memory_space<semaphore_mem>>, %arg20: memref<!tpu.dma_semaphore, #tpu.memory_space<semaphore_mem>>, %arg21: memref<!tpu.dma_semaphore, #tpu.memory_space<semaphore_mem>>, %arg22: memref<!tpu.dma_semaphore, #tpu.memory_space<semaphore_mem>>, %arg23: memref<!tpu.dma_semaphore, #tpu.memory_space<semaphore_mem>>, %arg24: memref<!tpu.dma_semaphore, #tpu.memory_space<semaphore_mem>>) attributes {dimension_semantics = [#tpu.dimension_semantics<core_parallel>, #tpu.dimension_semantics<subcore_parallel>], iteration_bounds = array<i64: 2, 16>, scalar_prefetch = 0 : i64, scratch_operands = 18 : i64, tpu.core_type = #tpu.core_type<sc_vector_subcore>, window_params = [{transform_indices = #map}, {transform_indices = #map}, {transform_indices = #map1}, {transform_indices = #map1}, {transform_indices = #map2}]} {
    %mul3A = arith.constant 2 : i32
    %mul3A_0 = arith.muli %arg1, %mul3A : i32
    %add3A = arith.addi %mul3A_0, %arg0 : i32
    %mul3A_1 = arith.constant 10000 : i32
    %mul3A_2 = arith.muli %add3A, %mul3A_1 : i32
    "tpu.region"() ({
      %run_scoped3A = tpu.sem_alloc : memref<!tpu.dma_semaphore, #tpu.memory_space<semaphore_mem>>
      %dma_start3A_49 = tpu.memref_slice %arg4[%mul3A_2] : memref<320000xi32, #tpu.memory_space<hbm>> -> memref<10000xi32, #tpu.memory_space<hbm>>
      %dma_start3A_50 = tpu.memref_slice %arg4[%mul3A_2] : memref<320000xi32, #tpu.memory_space<hbm>> -> memref<10000xi32, #tpu.memory_space<hbm>>
      tpu.enqueue_dma source(%dma_start3A_50 : memref<10000xi32, #tpu.memory_space<hbm>>) target(%arg7 : memref<10000xi32, #tpu.memory_space<vmem>>) target_semaphore(%run_scoped3A : memref<!tpu.dma_semaphore, #tpu.memory_space<semaphore_mem>>)
      %dma_wait3A_51 = tpu.memref_slice %arg4[%mul3A_2] : memref<320000xi32, #tpu.memory_space<hbm>> -> memref<10000xi32, #tpu.memory_space<hbm>>
      %dma_wait3A_52 = tpu.memref_slice %arg4[%mul3A_2] : memref<320000xi32, #tpu.memory_space<hbm>> -> memref<10000xi32, #tpu.memory_space<hbm>>
      tpu.wait_dma2 semaphore(%run_scoped3A : memref<!tpu.dma_semaphore, #tpu.memory_space<semaphore_mem>>) src(%dma_wait3A_52 : memref<10000xi32, #tpu.memory_space<hbm>>) dst(%arg7 : memref<10000xi32, #tpu.memory_space<vmem>>)
      tpu.yield
    }) : () -> ()
    %scan3A = arith.constant 0 : i32
    %scan3A_3 = arith.constant 40 : i32
    %scan3A_4 = arith.addi %scan3A, %scan3A_3 : i32
    %scan3A_5 = arith.constant 1 : i32
    scf.for %scan3A_49 = %scan3A to %scan3A_4 step %scan3A_5  : i32 {
      %mul3A_50 = arith.constant 1 : i32
      %mul3A_51 = arith.muli %scan3A_49, %mul3A_50 : i32
      %add3A_52 = arith.constant 0 : i32
      %add3A_53 = arith.addi %add3A_52, %mul3A_51 : i32
      %broadcast_in_dim3A = arith.constant 0.000000e+00 : f32
      %broadcast_in_dim3A_54 = vector.broadcast %broadcast_in_dim3A : f32 to vector<16xf32>
      %swap3A = arith.index_cast %add3A_53 : i32 to index
      %swap3A_55 = arith.constant 0 : index
      %swap3A_56 = tpu.vector_load %arg8[%swap3A, %swap3A_55] {strides = array<i32>} : memref<40x128xf32, #tpu.memory_space<vmem>>, vector<1x16xf32>,
      %swap3A_57 = vector.shape_cast %swap3A_56 : vector<1x16xf32> to vector<16xf32>
      %swap3A_58 = vector.shape_cast %broadcast_in_dim3A_54 : vector<16xf32> to vector<1x16xf32>
      tpu.vector_store %arg8[%swap3A, %swap3A_55], %swap3A_58 {strides = array<i32>} : memref<40x128xf32, #tpu.memory_space<vmem>>, vector<1x16xf32>,
      %broadcast_in_dim3A_59 = arith.constant 0.000000e+00 : f32
      %broadcast_in_dim3A_60 = vector.broadcast %broadcast_in_dim3A_59 : f32 to vector<16xf32>
      %swap3A_61 = arith.index_cast %add3A_53 : i32 to index
      %swap3A_62 = arith.constant 16 : index
      %swap3A_63 = tpu.vector_load %arg8[%swap3A_61, %swap3A_62] {strides = array<i32>} : memref<40x128xf32, #tpu.memory_space<vmem>>, vector<1x16xf32>,
      %swap3A_64 = vector.shape_cast %swap3A_63 : vector<1x16xf32> to vector<16xf32>
      %swap3A_65 = vector.shape_cast %broadcast_in_dim3A_60 : vector<16xf32> to vector<1x16xf32>
      tpu.vector_store %arg8[%swap3A_61, %swap3A_62], %swap3A_65 {strides = array<i32>} : memref<40x128xf32, #tpu.memory_space<vmem>>, vector<1x16xf32>,
      %broadcast_in_dim3A_66 = arith.constant 0.000000e+00 : f32
      %broadcast_in_dim3A_67 = vector.broadcast %broadcast_in_dim3A_66 : f32 to vector<16xf32>
      %swap3A_68 = arith.index_cast %add3A_53 : i32 to index
      %swap3A_69 = arith.constant 32 : index
      %swap3A_70 = tpu.vector_load %arg8[%swap3A_68, %swap3A_69] {strides = array<i32>} : memref<40x128xf32, #tpu.memory_space<vmem>>, vector<1x16xf32>,
      %swap3A_71 = vector.shape_cast %swap3A_70 : vector<1x16xf32> to vector<16xf32>
      %swap3A_72 = vector.shape_cast %broadcast_in_dim3A_67 : vector<16xf32> to vector<1x16xf32>
      tpu.vector_store %arg8[%swap3A_68, %swap3A_69], %swap3A_72 {strides = array<i32>} : memref<40x128xf32, #tpu.memory_space<vmem>>, vector<1x16xf32>,
      %broadcast_in_dim3A_73 = arith.constant 0.000000e+00 : f32
      %broadcast_in_dim3A_74 = vector.broadcast %broadcast_in_dim3A_73 : f32 to vector<16xf32>
      %swap3A_75 = arith.index_cast %add3A_53 : i32 to index
      %swap3A_76 = arith.constant 48 : index
      %swap3A_77 = tpu.vector_load %arg8[%swap3A_75, %swap3A_76] {strides = array<i32>} : memref<40x128xf32, #tpu.memory_space<vmem>>, vector<1x16xf32>,
      %swap3A_78 = vector.shape_cast %swap3A_77 : vector<1x16xf32> to vector<16xf32>
      %swap3A_79 = vector.shape_cast %broadcast_in_dim3A_74 : vector<16xf32> to vector<1x16xf32>
      tpu.vector_store %arg8[%swap3A_75, %swap3A_76], %swap3A_79 {strides = array<i32>} : memref<40x128xf32, #tpu.memory_space<vmem>>, vector<1x16xf32>,
      %broadcast_in_dim3A_80 = arith.constant 0.000000e+00 : f32
      %broadcast_in_dim3A_81 = vector.broadcast %broadcast_in_dim3A_80 : f32 to vector<16xf32>
      %swap3A_82 = arith.index_cast %add3A_53 : i32 to index
      %swap3A_83 = arith.constant 64 : index
      %swap3A_84 = tpu.vector_load %arg8[%swap3A_82, %swap3A_83] {strides = array<i32>} : memref<40x128xf32, #tpu.memory_space<vmem>>, vector<1x16xf32>,
      %swap3A_85 = vector.shape_cast %swap3A_84 : vector<1x16xf32> to vector<16xf32>
      %swap3A_86 = vector.shape_cast %broadcast_in_dim3A_81 : vector<16xf32> to vector<1x16xf32>
      tpu.vector_store %arg8[%swap3A_82, %swap3A_83], %swap3A_86 {strides = array<i32>} : memref<40x128xf32, #tpu.memory_space<vmem>>, vector<1x16xf32>,
      %broadcast_in_dim3A_87 = arith.constant 0.000000e+00 : f32
      %broadcast_in_dim3A_88 = vector.broadcast %broadcast_in_dim3A_87 : f32 to vector<16xf32>
      %swap3A_89 = arith.index_cast %add3A_53 : i32 to index
      %swap3A_90 = arith.constant 80 : index
      %swap3A_91 = tpu.vector_load %arg8[%swap3A_89, %swap3A_90] {strides = array<i32>} : memref<40x128xf32, #tpu.memory_space<vmem>>, vector<1x16xf32>,
      %swap3A_92 = vector.shape_cast %swap3A_91 : vector<1x16xf32> to vector<16xf32>
      %swap3A_93 = vector.shape_cast %broadcast_in_dim3A_88 : vector<16xf32> to vector<1x16xf32>
      tpu.vector_store %arg8[%swap3A_89, %swap3A_90], %swap3A_93 {strides = array<i32>} : memref<40x128xf32, #tpu.memory_space<vmem>>, vector<1x16xf32>,
      %broadcast_in_dim3A_94 = arith.constant 0.000000e+00 : f32
      %broadcast_in_dim3A_95 = vector.broadcast %broadcast_in_dim3A_94 : f32 to vector<16xf32>
      %swap3A_96 = arith.index_cast %add3A_53 : i32 to index
      %swap3A_97 = arith.constant 96 : index
      %swap3A_98 = tpu.vector_load %arg8[%swap3A_96, %swap3A_97] {strides = array<i32>} : memref<40x128xf32, #tpu.memory_space<vmem>>, vector<1x16xf32>,
      %swap3A_99 = vector.shape_cast %swap3A_98 : vector<1x16xf32> to vector<16xf32>
      %swap3A_100 = vector.shape_cast %broadcast_in_dim3A_95 : vector<16xf32> to vector<1x16xf32>
      tpu.vector_store %arg8[%swap3A_96, %swap3A_97], %swap3A_100 {strides = array<i32>} : memref<40x128xf32, #tpu.memory_space<vmem>>, vector<1x16xf32>,
      %broadcast_in_dim3A_101 = arith.constant 0.000000e+00 : f32
      %broadcast_in_dim3A_102 = vector.broadcast %broadcast_in_dim3A_101 : f32 to vector<16xf32>
      %swap3A_103 = arith.index_cast %add3A_53 : i32 to index
      %swap3A_104 = arith.constant 112 : index
      %swap3A_105 = tpu.vector_load %arg8[%swap3A_103, %swap3A_104] {strides = array<i32>} : memref<40x128xf32, #tpu.memory_space<vmem>>, vector<1x16xf32>,
      %swap3A_106 = vector.shape_cast %swap3A_105 : vector<1x16xf32> to vector<16xf32>
      %swap3A_107 = vector.shape_cast %broadcast_in_dim3A_102 : vector<16xf32> to vector<1x16xf32>
      tpu.vector_store %arg8[%swap3A_103, %swap3A_104], %swap3A_107 {strides = array<i32>} : memref<40x128xf32, #tpu.memory_space<vmem>>, vector<1x16xf32>,
    }
    %scan3A_6 = arith.constant 40 : i32
    %scan3A_7 = arith.constant 0 : i32
    %scan3A_8 = arith.constant 16 : i32
    %scan3A_9 = arith.addi %scan3A_7, %scan3A_8 : i32
    %scan3A_10 = arith.constant 1 : i32
    scf.for %scan3A_49 = %scan3A_7 to %scan3A_9 step %scan3A_10  : i32 {
      %mul3A_50 = arith.constant 1 : i32
      %mul3A_51 = arith.muli %scan3A_49, %mul3A_50 : i32
      %add3A_52 = arith.constant 0 : i32
      %add3A_53 = arith.addi %add3A_52, %mul3A_51 : i32
      %mul3A_54 = arith.constant 16 : i32
      %mul3A_55 = arith.muli %add3A_53, %mul3A_54 : i32
      %add3A_56 = arith.addi %arg1, %mul3A_55 : i32
      %lt3A = arith.constant 250 : i32
      %lt3A_57 = arith.cmpi slt, %add3A_56, %lt3A : i32
      %convert_element_type3A = arith.extui %lt3A_57 : i1 to i32
      %cond3A = arith.constant 0 : i32
      %cond3A_58 = arith.cmpi ne, %convert_element_type3A, %cond3A : i32
      scf.if %cond3A_58 {
        %mul3A_59 = arith.constant 40 : i32
        %mul3A_60 = arith.muli %add3A_56, %mul3A_59 : i32
        "tpu.region"() ({
          %run_scoped3A = tpu.sem_alloc : memref<!tpu.dma_semaphore, #tpu.memory_space<semaphore_mem>>
          %dma_start3A_61 = arith.constant 0 : i32
          %dma_start3A_62 = tpu.memref_slice %arg16[%mul3A_60, %dma_start3A_61] : memref<10000x128xf32, #tpu.memory_space<vmem_shared>> -> memref<40x128xf32, #tpu.memory_space<vmem_shared>>
          %dma_start3A_63 = arith.constant 0 : i32
          %dma_start3A_64 = tpu.memref_slice %arg16[%mul3A_60, %dma_start3A_63] : memref<10000x128xf32, #tpu.memory_space<vmem_shared>> -> memref<40x128xf32, #tpu.memory_space<vmem_shared>>
          tpu.enqueue_dma source(%arg8 : memref<40x128xf32, #tpu.memory_space<vmem>>) target(%dma_start3A_64 : memref<40x128xf32, #tpu.memory_space<vmem_shared>>) target_semaphore(%run_scoped3A : memref<!tpu.dma_semaphore, #tpu.memory_space<semaphore_mem>>)
          %dma_wait3A_65 = arith.constant 0 : i32
          %dma_wait3A_66 = tpu.memref_slice %arg16[%mul3A_60, %dma_wait3A_65] : memref<10000x128xf32, #tpu.memory_space<vmem_shared>> -> memref<40x128xf32, #tpu.memory_space<vmem_shared>>
          %dma_wait3A_67 = arith.constant 0 : i32
          %dma_wait3A_68 = tpu.memref_slice %arg16[%mul3A_60, %dma_wait3A_67] : memref<10000x128xf32, #tpu.memory_space<vmem_shared>> -> memref<40x128xf32, #tpu.memory_space<vmem_shared>>
          tpu.wait_dma2 semaphore(%run_scoped3A : memref<!tpu.dma_semaphore, #tpu.memory_space<semaphore_mem>>) src(%arg8 : memref<40x128xf32, #tpu.memory_space<vmem>>) dst(%dma_wait3A_68 : memref<40x128xf32, #tpu.memory_space<vmem_shared>>)
          tpu.yield
        }) : () -> ()
      } else {
      }
    }
    %scan3A_11 = arith.constant 16 : i32
    %barrier3A = arith.constant 0 : index
    tpu.barrier barrier_id(%barrier3A)
    %dma_start3A = arith.constant 0 : i32
    %dma_start3A_12 = tpu.memref_slice %arg7[%dma_start3A] : memref<10000xi32, #tpu.memory_space<vmem>> -> memref<40xi32, #tpu.memory_space<vmem>>
    %dma_start3A_13 = arith.constant 0 : i32
    %dma_start3A_14 = arith.constant 0 : i32
    %dma_start3A_15 = tpu.memref_slice %arg2[%dma_start3A_13, %dma_start3A_14] : memref<10000x128xf32, #tpu.memory_space<hbm>> -> memref<10000x128xf32, #tpu.memory_space<hbm>>
    tpu.enqueue_indirect_dma source(%dma_start3A_15 : memref<10000x128xf32, #tpu.memory_space<hbm>>) target(%arg8 : memref<40x128xf32, #tpu.memory_space<vmem>>) offsets(%dma_start3A_12 : memref<40xi32, #tpu.memory_space<vmem>>) semaphore(%arg17 : memref<!tpu.dma_semaphore, #tpu.memory_space<semaphore_mem>>)
    %add3A_16 = arith.constant 0 : i32
    %add3A_17 = arith.addi %mul3A_2, %add3A_16 : i32
    %dma_start3A_18 = arith.constant 0 : i32
    %dma_start3A_19 = tpu.memref_slice %arg3[%add3A_17, %dma_start3A_18] : memref<320000x128xf32, #tpu.memory_space<hbm>> -> memref<40x128xf32, #tpu.memory_space<hbm>>
    %dma_start3A_20 = arith.constant 0 : i32
    %dma_start3A_21 = tpu.memref_slice %arg3[%add3A_17, %dma_start3A_20] : memref<320000x128xf32, #tpu.memory_space<hbm>> -> memref<40x128xf32, #tpu.memory_space<hbm>>
    tpu.enqueue_dma source(%dma_start3A_21 : memref<40x128xf32, #tpu.memory_space<hbm>>) target(%arg10 : memref<40x128xf32, #tpu.memory_space<vmem>>) target_semaphore(%arg19 : memref<!tpu.dma_semaphore, #tpu.memory_space<semaphore_mem>>)
    %dma_start3A_22 = arith.constant 40 : i32
    %dma_start3A_23 = tpu.memref_slice %arg7[%dma_start3A_22] : memref<10000xi32, #tpu.memory_space<vmem>> -> memref<40xi32, #tpu.memory_space<vmem>>
    %dma_start3A_24 = arith.constant 0 : i32
    %dma_start3A_25 = arith.constant 0 : i32
    %dma_start3A_26 = tpu.memref_slice %arg2[%dma_start3A_24, %dma_start3A_25] : memref<10000x128xf32, #tpu.memory_space<hbm>> -> memref<10000x128xf32, #tpu.memory_space<hbm>>
    tpu.enqueue_indirect_dma source(%dma_start3A_26 : memref<10000x128xf32, #tpu.memory_space<hbm>>) target(%arg9 : memref<40x128xf32, #tpu.memory_space<vmem>>) offsets(%dma_start3A_23 : memref<40xi32, #tpu.memory_space<vmem>>) semaphore(%arg18 : memref<!tpu.dma_semaphore, #tpu.memory_space<semaphore_mem>>)
    %add3A_27 = arith.constant 40 : i32
    %add3A_28 = arith.addi %mul3A_2, %add3A_27 : i32
    %dma_start3A_29 = arith.constant 0 : i32
    %dma_start3A_30 = tpu.memref_slice %arg3[%add3A_28, %dma_start3A_29] : memref<320000x128xf32, #tpu.memory_space<hbm>> -> memref<40x128xf32, #tpu.memory_space<hbm>>
    %dma_start3A_31 = arith.constant 0 : i32
    %dma_start3A_32 = tpu.memref_slice %arg3[%add3A_28, %dma_start3A_31] : memref<320000x128xf32, #tpu.memory_space<hbm>> -> memref<40x128xf32, #tpu.memory_space<hbm>>
    tpu.enqueue_dma source(%dma_start3A_32 : memref<40x128xf32, #tpu.memory_space<hbm>>) target(%arg11 : memref<40x128xf32, #tpu.memory_space<vmem>>) target_semaphore(%arg20 : memref<!tpu.dma_semaphore, #tpu.memory_space<semaphore_mem>>)
    %scan3A_33 = arith.constant 0 : i32
    %scan3A_34 = arith.constant 125 : i32
    %scan3A_35 = arith.addi %scan3A_33, %scan3A_34 : i32
    %scan3A_36 = arith.constant 1 : i32
    scf.for %scan3A_49 = %scan3A_33 to %scan3A_35 step %scan3A_36  : i32 {
      %mul3A_50 = arith.constant 1 : i32
      %mul3A_51 = arith.muli %scan3A_49, %mul3A_50 : i32
      %add3A_52 = arith.constant 0 : i32
      %add3A_53 = arith.addi %add3A_52, %mul3A_51 : i32
      %mul3A_54 = arith.constant 2 : i32
      %mul3A_55 = arith.muli %mul3A_54, %add3A_53 : i32
      %add3A_56 = arith.constant 0 : i32
      %add3A_57 = arith.addi %mul3A_55, %add3A_56 : i32
      %dma_wait3A_58 = arith.constant 0 : i32
      %dma_wait3A_59 = tpu.memref_slice %arg7[%dma_wait3A_58] : memref<10000xi32, #tpu.memory_space<vmem>> -> memref<40xi32, #tpu.memory_space<vmem>>
      %dma_wait3A_60 = arith.constant 0 : i32
      %dma_wait3A_61 = arith.constant 0 : i32
      %dma_wait3A_62 = tpu.memref_slice %arg2[%dma_wait3A_60, %dma_wait3A_61] : memref<10000x128xf32, #tpu.memory_space<hbm>> -> memref<10000x128xf32, #tpu.memory_space<hbm>>
      tpu.wait_indirect_dma semaphore(%arg17 : memref<!tpu.dma_semaphore, #tpu.memory_space<semaphore_mem>>) src(%dma_wait3A_62 : memref<10000x128xf32, #tpu.memory_space<hbm>>) dst(%arg8 : memref<40x128xf32, #tpu.memory_space<vmem>>)
      %dma_wait3A_63 = arith.constant 0 : i32
      %dma_wait3A_64 = arith.constant 0 : i32
      %dma_wait3A_65 = tpu.memref_slice %arg3[%dma_wait3A_63, %dma_wait3A_64] : memref<320000x128xf32, #tpu.memory_space<hbm>> -> memref<40x128xf32, #tpu.memory_space<hbm>>
      %dma_wait3A_66 = arith.constant 0 : i32
      %dma_wait3A_67 = arith.constant 0 : i32
      %dma_wait3A_68 = tpu.memref_slice %arg3[%dma_wait3A_66, %dma_wait3A_67] : memref<320000x128xf32, #tpu.memory_space<hbm>> -> memref<40x128xf32, #tpu.memory_space<hbm>>
      tpu.wait_dma2 semaphore(%arg19 : memref<!tpu.dma_semaphore, #tpu.memory_space<semaphore_mem>>) src(%dma_wait3A_68 : memref<40x128xf32, #tpu.memory_space<hbm>>) dst(%arg10 : memref<40x128xf32, #tpu.memory_space<vmem>>)
      %gt3A = arith.constant 0 : i32
      %gt3A_69 = arith.cmpi sgt, %add3A_53, %gt3A : i32
      %convert_element_type3A = arith.extui %gt3A_69 : i1 to i32
      %cond3A = arith.constant 0 : i32
      %cond3A_70 = arith.cmpi ne, %convert_element_type3A, %cond3A : i32
      scf.if %cond3A_70 {
        %dma_wait3A_138 = arith.constant 0 : i32
        %dma_wait3A_139 = arith.constant 0 : i32
        %dma_wait3A_140 = tpu.memref_slice %arg16[%dma_wait3A_138, %dma_wait3A_139] : memref<10000x128xf32, #tpu.memory_space<vmem_shared>> -> memref<10000x128xf32, #tpu.memory_space<vmem_shared>>
        tpu.wait_indirect_dma semaphore(%arg21 : memref<!tpu.dma_semaphore, #tpu.memory_space<semaphore_mem>>) src(%arg12 : memref<40x128xf32, #tpu.memory_space<vmem>>) dst(%dma_wait3A_140 : memref<10000x128xf32, #tpu.memory_space<vmem_shared>>)
      } else {
      }
      %mul3A_71 = arith.constant 40 : i32
      %mul3A_72 = arith.muli %add3A_57, %mul3A_71 : i32
      %add3A_73 = arith.addi %mul3A_2, %mul3A_72 : i32
      %dma_start3A_74 = tpu.memref_slice %arg5[%add3A_73] : memref<320000xi32, #tpu.memory_space<hbm>> -> memref<40xi32, #tpu.memory_space<hbm>>
      %dma_start3A_75 = tpu.memref_slice %arg5[%add3A_73] : memref<320000xi32, #tpu.memory_space<hbm>> -> memref<40xi32, #tpu.memory_space<hbm>>
      tpu.enqueue_dma source(%dma_start3A_75 : memref<40xi32, #tpu.memory_space<hbm>>) target(%arg14 : memref<40xi32, #tpu.memory_space<vmem>>) target_semaphore(%arg23 : memref<!tpu.dma_semaphore, #tpu.memory_space<semaphore_mem>>)
      %scan3A_76 = arith.constant 0 : i32
      %scan3A_77 = arith.constant 40 : i32
      %scan3A_78 = arith.addi %scan3A_76, %scan3A_77 : i32
      %scan3A_79 = arith.constant 1 : i32
      scf.for %scan3A_138 = %scan3A_76 to %scan3A_78 step %scan3A_79  : i32 {
        %mul3A_139 = arith.constant 1 : i32
        %mul3A_140 = arith.muli %scan3A_138, %mul3A_139 : i32
        %add3A_141 = arith.constant 0 : i32
        %add3A_142 = arith.addi %add3A_141, %mul3A_140 : i32
        %get3A = arith.index_cast %add3A_142 : i32 to index
        %get3A_143 = arith.constant 0 : index
        %get3A_144 = tpu.vector_load %arg8[%get3A, %get3A_143] {strides = array<i32>} : memref<40x128xf32, #tpu.memory_space<vmem>>, vector<1x16xf32>,
        %get3A_145 = vector.shape_cast %get3A_144 : vector<1x16xf32> to vector<16xf32>
        %get3A_146 = arith.index_cast %add3A_142 : i32 to index
        %get3A_147 = arith.constant 0 : index
        %get3A_148 = tpu.vector_load %arg10[%get3A_146, %get3A_147] {strides = array<i32>} : memref<40x128xf32, #tpu.memory_space<vmem>>, vector<1x16xf32>,
        %get3A_149 = vector.shape_cast %get3A_148 : vector<1x16xf32> to vector<16xf32>
        %add3A_150 = arith.addf %get3A_145, %get3A_149 : vector<16xf32>
        %max3A = arith.constant 0.000000e+00 : f32
        %max3A_151 = vector.broadcast %max3A : f32 to vector<16xf32>
        %max3A_152 = arith.maximumf %add3A_150, %max3A_151 : vector<16xf32>
        %swap3A = arith.index_cast %add3A_142 : i32 to index
        %swap3A_153 = arith.constant 0 : index
        %swap3A_154 = tpu.vector_load %arg12[%swap3A, %swap3A_153] {strides = array<i32>} : memref<40x128xf32, #tpu.memory_space<vmem>>, vector<1x16xf32>,
        %swap3A_155 = vector.shape_cast %swap3A_154 : vector<1x16xf32> to vector<16xf32>
        %swap3A_156 = vector.shape_cast %max3A_152 : vector<16xf32> to vector<1x16xf32>
        tpu.vector_store %arg12[%swap3A, %swap3A_153], %swap3A_156 {strides = array<i32>} : memref<40x128xf32, #tpu.memory_space<vmem>>, vector<1x16xf32>,
        %get3A_157 = arith.index_cast %add3A_142 : i32 to index
        %get3A_158 = arith.constant 16 : index
        %get3A_159 = tpu.vector_load %arg8[%get3A_157, %get3A_158] {strides = array<i32>} : memref<40x128xf32, #tpu.memory_space<vmem>>, vector<1x16xf32>,
        %get3A_160 = vector.shape_cast %get3A_159 : vector<1x16xf32> to vector<16xf32>
        %get3A_161 = arith.index_cast %add3A_142 : i32 to index
        %get3A_162 = arith.constant 16 : index
        %get3A_163 = tpu.vector_load %arg10[%get3A_161, %get3A_162] {strides = array<i32>} : memref<40x128xf32, #tpu.memory_space<vmem>>, vector<1x16xf32>,
        %get3A_164 = vector.shape_cast %get3A_163 : vector<1x16xf32> to vector<16xf32>
        %add3A_165 = arith.addf %get3A_160, %get3A_164 : vector<16xf32>
        %max3A_166 = arith.constant 0.000000e+00 : f32
        %max3A_167 = vector.broadcast %max3A_166 : f32 to vector<16xf32>
        %max3A_168 = arith.maximumf %add3A_165, %max3A_167 : vector<16xf32>
        %swap3A_169 = arith.index_cast %add3A_142 : i32 to index
        %swap3A_170 = arith.constant 16 : index
        %swap3A_171 = tpu.vector_load %arg12[%swap3A_169, %swap3A_170] {strides = array<i32>} : memref<40x128xf32, #tpu.memory_space<vmem>>, vector<1x16xf32>,
        %swap3A_172 = vector.shape_cast %swap3A_171 : vector<1x16xf32> to vector<16xf32>
        %swap3A_173 = vector.shape_cast %max3A_168 : vector<16xf32> to vector<1x16xf32>
        tpu.vector_store %arg12[%swap3A_169, %swap3A_170], %swap3A_173 {strides = array<i32>} : memref<40x128xf32, #tpu.memory_space<vmem>>, vector<1x16xf32>,
        %get3A_174 = arith.index_cast %add3A_142 : i32 to index
        %get3A_175 = arith.constant 32 : index
        %get3A_176 = tpu.vector_load %arg8[%get3A_174, %get3A_175] {strides = array<i32>} : memref<40x128xf32, #tpu.memory_space<vmem>>, vector<1x16xf32>,
        %get3A_177 = vector.shape_cast %get3A_176 : vector<1x16xf32> to vector<16xf32>
        %get3A_178 = arith.index_cast %add3A_142 : i32 to index
        %get3A_179 = arith.constant 32 : index
        %get3A_180 = tpu.vector_load %arg10[%get3A_178, %get3A_179] {strides = array<i32>} : memref<40x128xf32, #tpu.memory_space<vmem>>, vector<1x16xf32>,
        %get3A_181 = vector.shape_cast %get3A_180 : vector<1x16xf32> to vector<16xf32>
        %add3A_182 = arith.addf %get3A_177, %get3A_181 : vector<16xf32>
        %max3A_183 = arith.constant 0.000000e+00 : f32
        %max3A_184 = vector.broadcast %max3A_183 : f32 to vector<16xf32>
        %max3A_185 = arith.maximumf %add3A_182, %max3A_184 : vector<16xf32>
        %swap3A_186 = arith.index_cast %add3A_142 : i32 to index
        %swap3A_187 = arith.constant 32 : index
        %swap3A_188 = tpu.vector_load %arg12[%swap3A_186, %swap3A_187] {strides = array<i32>} : memref<40x128xf32, #tpu.memory_space<vmem>>, vector<1x16xf32>,
        %swap3A_189 = vector.shape_cast %swap3A_188 : vector<1x16xf32> to vector<16xf32>
        %swap3A_190 = vector.shape_cast %max3A_185 : vector<16xf32> to vector<1x16xf32>
        tpu.vector_store %arg12[%swap3A_186, %swap3A_187], %swap3A_190 {strides = array<i32>} : memref<40x128xf32, #tpu.memory_space<vmem>>, vector<1x16xf32>,
        %get3A_191 = arith.index_cast %add3A_142 : i32 to index
        %get3A_192 = arith.constant 48 : index
        %get3A_193 = tpu.vector_load %arg8[%get3A_191, %get3A_192] {strides = array<i32>} : memref<40x128xf32, #tpu.memory_space<vmem>>, vector<1x16xf32>,
        %get3A_194 = vector.shape_cast %get3A_193 : vector<1x16xf32> to vector<16xf32>
        %get3A_195 = arith.index_cast %add3A_142 : i32 to index
        %get3A_196 = arith.constant 48 : index
        %get3A_197 = tpu.vector_load %arg10[%get3A_195, %get3A_196] {strides = array<i32>} : memref<40x128xf32, #tpu.memory_space<vmem>>, vector<1x16xf32>,
        %get3A_198 = vector.shape_cast %get3A_197 : vector<1x16xf32> to vector<16xf32>
        %add3A_199 = arith.addf %get3A_194, %get3A_198 : vector<16xf32>
        %max3A_200 = arith.constant 0.000000e+00 : f32
        %max3A_201 = vector.broadcast %max3A_200 : f32 to vector<16xf32>
        %max3A_202 = arith.maximumf %add3A_199, %max3A_201 : vector<16xf32>
        %swap3A_203 = arith.index_cast %add3A_142 : i32 to index
        %swap3A_204 = arith.constant 48 : index
        %swap3A_205 = tpu.vector_load %arg12[%swap3A_203, %swap3A_204] {strides = array<i32>} : memref<40x128xf32, #tpu.memory_space<vmem>>, vector<1x16xf32>,
        %swap3A_206 = vector.shape_cast %swap3A_205 : vector<1x16xf32> to vector<16xf32>
        %swap3A_207 = vector.shape_cast %max3A_202 : vector<16xf32> to vector<1x16xf32>
        tpu.vector_store %arg12[%swap3A_203, %swap3A_204], %swap3A_207 {strides = array<i32>} : memref<40x128xf32, #tpu.memory_space<vmem>>, vector<1x16xf32>,
        %get3A_208 = arith.index_cast %add3A_142 : i32 to index
        %get3A_209 = arith.constant 64 : index
        %get3A_210 = tpu.vector_load %arg8[%get3A_208, %get3A_209] {strides = array<i32>} : memref<40x128xf32, #tpu.memory_space<vmem>>, vector<1x16xf32>,
        %get3A_211 = vector.shape_cast %get3A_210 : vector<1x16xf32> to vector<16xf32>
        %get3A_212 = arith.index_cast %add3A_142 : i32 to index
        %get3A_213 = arith.constant 64 : index
        %get3A_214 = tpu.vector_load %arg10[%get3A_212, %get3A_213] {strides = array<i32>} : memref<40x128xf32, #tpu.memory_space<vmem>>, vector<1x16xf32>,
        %get3A_215 = vector.shape_cast %get3A_214 : vector<1x16xf32> to vector<16xf32>
        %add3A_216 = arith.addf %get3A_211, %get3A_215 : vector<16xf32>
        %max3A_217 = arith.constant 0.000000e+00 : f32
        %max3A_218 = vector.broadcast %max3A_217 : f32 to vector<16xf32>
        %max3A_219 = arith.maximumf %add3A_216, %max3A_218 : vector<16xf32>
        %swap3A_220 = arith.index_cast %add3A_142 : i32 to index
        %swap3A_221 = arith.constant 64 : index
        %swap3A_222 = tpu.vector_load %arg12[%swap3A_220, %swap3A_221] {strides = array<i32>} : memref<40x128xf32, #tpu.memory_space<vmem>>, vector<1x16xf32>,
        %swap3A_223 = vector.shape_cast %swap3A_222 : vector<1x16xf32> to vector<16xf32>
        %swap3A_224 = vector.shape_cast %max3A_219 : vector<16xf32> to vector<1x16xf32>
        tpu.vector_store %arg12[%swap3A_220, %swap3A_221], %swap3A_224 {strides = array<i32>} : memref<40x128xf32, #tpu.memory_space<vmem>>, vector<1x16xf32>,
        %get3A_225 = arith.index_cast %add3A_142 : i32 to index
        %get3A_226 = arith.constant 80 : index
        %get3A_227 = tpu.vector_load %arg8[%get3A_225, %get3A_226] {strides = array<i32>} : memref<40x128xf32, #tpu.memory_space<vmem>>, vector<1x16xf32>,
        %get3A_228 = vector.shape_cast %get3A_227 : vector<1x16xf32> to vector<16xf32>
        %get3A_229 = arith.index_cast %add3A_142 : i32 to index
        %get3A_230 = arith.constant 80 : index
        %get3A_231 = tpu.vector_load %arg10[%get3A_229, %get3A_230] {strides = array<i32>} : memref<40x128xf32, #tpu.memory_space<vmem>>, vector<1x16xf32>,
        %get3A_232 = vector.shape_cast %get3A_231 : vector<1x16xf32> to vector<16xf32>
        %add3A_233 = arith.addf %get3A_228, %get3A_232 : vector<16xf32>
        %max3A_234 = arith.constant 0.000000e+00 : f32
        %max3A_235 = vector.broadcast %max3A_234 : f32 to vector<16xf32>
        %max3A_236 = arith.maximumf %add3A_233, %max3A_235 : vector<16xf32>
        %swap3A_237 = arith.index_cast %add3A_142 : i32 to index
        %swap3A_238 = arith.constant 80 : index
        %swap3A_239 = tpu.vector_load %arg12[%swap3A_237, %swap3A_238] {strides = array<i32>} : memref<40x128xf32, #tpu.memory_space<vmem>>, vector<1x16xf32>,
        %swap3A_240 = vector.shape_cast %swap3A_239 : vector<1x16xf32> to vector<16xf32>
        %swap3A_241 = vector.shape_cast %max3A_236 : vector<16xf32> to vector<1x16xf32>
        tpu.vector_store %arg12[%swap3A_237, %swap3A_238], %swap3A_241 {strides = array<i32>} : memref<40x128xf32, #tpu.memory_space<vmem>>, vector<1x16xf32>,
        %get3A_242 = arith.index_cast %add3A_142 : i32 to index
        %get3A_243 = arith.constant 96 : index
        %get3A_244 = tpu.vector_load %arg8[%get3A_242, %get3A_243] {strides = array<i32>} : memref<40x128xf32, #tpu.memory_space<vmem>>, vector<1x16xf32>,
        %get3A_245 = vector.shape_cast %get3A_244 : vector<1x16xf32> to vector<16xf32>
        %get3A_246 = arith.index_cast %add3A_142 : i32 to index
        %get3A_247 = arith.constant 96 : index
        %get3A_248 = tpu.vector_load %arg10[%get3A_246, %get3A_247] {strides = array<i32>} : memref<40x128xf32, #tpu.memory_space<vmem>>, vector<1x16xf32>,
        %get3A_249 = vector.shape_cast %get3A_248 : vector<1x16xf32> to vector<16xf32>
        %add3A_250 = arith.addf %get3A_245, %get3A_249 : vector<16xf32>
        %max3A_251 = arith.constant 0.000000e+00 : f32
        %max3A_252 = vector.broadcast %max3A_251 : f32 to vector<16xf32>
        %max3A_253 = arith.maximumf %add3A_250, %max3A_252 : vector<16xf32>
        %swap3A_254 = arith.index_cast %add3A_142 : i32 to index
        %swap3A_255 = arith.constant 96 : index
        %swap3A_256 = tpu.vector_load %arg12[%swap3A_254, %swap3A_255] {strides = array<i32>} : memref<40x128xf32, #tpu.memory_space<vmem>>, vector<1x16xf32>,
        %swap3A_257 = vector.shape_cast %swap3A_256 : vector<1x16xf32> to vector<16xf32>
        %swap3A_258 = vector.shape_cast %max3A_253 : vector<16xf32> to vector<1x16xf32>
        tpu.vector_store %arg12[%swap3A_254, %swap3A_255], %swap3A_258 {strides = array<i32>} : memref<40x128xf32, #tpu.memory_space<vmem>>, vector<1x16xf32>,
        %get3A_259 = arith.index_cast %add3A_142 : i32 to index
        %get3A_260 = arith.constant 112 : index
        %get3A_261 = tpu.vector_load %arg8[%get3A_259, %get3A_260] {strides = array<i32>} : memref<40x128xf32, #tpu.memory_space<vmem>>, vector<1x16xf32>,
        %get3A_262 = vector.shape_cast %get3A_261 : vector<1x16xf32> to vector<16xf32>
        %get3A_263 = arith.index_cast %add3A_142 : i32 to index
        %get3A_264 = arith.constant 112 : index
        %get3A_265 = tpu.vector_load %arg10[%get3A_263, %get3A_264] {strides = array<i32>} : memref<40x128xf32, #tpu.memory_space<vmem>>, vector<1x16xf32>,
        %get3A_266 = vector.shape_cast %get3A_265 : vector<1x16xf32> to vector<16xf32>
        %add3A_267 = arith.addf %get3A_262, %get3A_266 : vector<16xf32>
        %max3A_268 = arith.constant 0.000000e+00 : f32
        %max3A_269 = vector.broadcast %max3A_268 : f32 to vector<16xf32>
        %max3A_270 = arith.maximumf %add3A_267, %max3A_269 : vector<16xf32>
        %swap3A_271 = arith.index_cast %add3A_142 : i32 to index
        %swap3A_272 = arith.constant 112 : index
        %swap3A_273 = tpu.vector_load %arg12[%swap3A_271, %swap3A_272] {strides = array<i32>} : memref<40x128xf32, #tpu.memory_space<vmem>>, vector<1x16xf32>,
        %swap3A_274 = vector.shape_cast %swap3A_273 : vector<1x16xf32> to vector<16xf32>
        %swap3A_275 = vector.shape_cast %max3A_270 : vector<16xf32> to vector<1x16xf32>
        tpu.vector_store %arg12[%swap3A_271, %swap3A_272], %swap3A_275 {strides = array<i32>} : memref<40x128xf32, #tpu.memory_space<vmem>>, vector<1x16xf32>,
      }
      %scan3A_80 = arith.constant 40 : i32
      %add3A_81 = arith.constant 2 : i32
      %add3A_82 = arith.addi %add3A_57, %add3A_81 : i32
      %lt3A = arith.constant 250 : i32
      %lt3A_83 = arith.cmpi slt, %add3A_82, %lt3A : i32
      %convert_element_type3A_84 = arith.extui %lt3A_83 : i1 to i32
      %cond3A_85 = arith.constant 0 : i32
      %cond3A_86 = arith.cmpi ne, %convert_element_type3A_84, %cond3A_85 : i32
      scf.if %cond3A_86 {
        %mul3A_138 = arith.constant 40 : i32
        %mul3A_139 = arith.muli %add3A_82, %mul3A_138 : i32
        %dma_start3A_140 = tpu.memref_slice %arg7[%mul3A_139] : memref<10000xi32, #tpu.memory_space<vmem>> -> memref<40xi32, #tpu.memory_space<vmem>>
        %dma_start3A_141 = arith.constant 0 : i32
        %dma_start3A_142 = arith.constant 0 : i32
        %dma_start3A_143 = tpu.memref_slice %arg2[%dma_start3A_141, %dma_start3A_142] : memref<10000x128xf32, #tpu.memory_space<hbm>> -> memref<10000x128xf32, #tpu.memory_space<hbm>>
        tpu.enqueue_indirect_dma source(%dma_start3A_143 : memref<10000x128xf32, #tpu.memory_space<hbm>>) target(%arg8 : memref<40x128xf32, #tpu.memory_space<vmem>>) offsets(%dma_start3A_140 : memref<40xi32, #tpu.memory_space<vmem>>) semaphore(%arg17 : memref<!tpu.dma_semaphore, #tpu.memory_space<semaphore_mem>>)
        %add3A_144 = arith.addi %mul3A_2, %mul3A_139 : i32
        %dma_start3A_145 = arith.constant 0 : i32
        %dma_start3A_146 = tpu.memref_slice %arg3[%add3A_144, %dma_start3A_145] : memref<320000x128xf32, #tpu.memory_space<hbm>> -> memref<40x128xf32, #tpu.memory_space<hbm>>
        %dma_start3A_147 = arith.constant 0 : i32
        %dma_start3A_148 = tpu.memref_slice %arg3[%add3A_144, %dma_start3A_147] : memref<320000x128xf32, #tpu.memory_space<hbm>> -> memref<40x128xf32, #tpu.memory_space<hbm>>
        tpu.enqueue_dma source(%dma_start3A_148 : memref<40x128xf32, #tpu.memory_space<hbm>>) target(%arg10 : memref<40x128xf32, #tpu.memory_space<vmem>>) target_semaphore(%arg19 : memref<!tpu.dma_semaphore, #tpu.memory_space<semaphore_mem>>)
      } else {
      }
      %dma_wait3A_87 = arith.constant 0 : i32
      %dma_wait3A_88 = tpu.memref_slice %arg5[%dma_wait3A_87] : memref<320000xi32, #tpu.memory_space<hbm>> -> memref<40xi32, #tpu.memory_space<hbm>>
      %dma_wait3A_89 = arith.constant 0 : i32
      %dma_wait3A_90 = tpu.memref_slice %arg5[%dma_wait3A_89] : memref<320000xi32, #tpu.memory_space<hbm>> -> memref<40xi32, #tpu.memory_space<hbm>>
      tpu.wait_dma2 semaphore(%arg23 : memref<!tpu.dma_semaphore, #tpu.memory_space<semaphore_mem>>) src(%dma_wait3A_90 : memref<40xi32, #tpu.memory_space<hbm>>) dst(%arg14 : memref<40xi32, #tpu.memory_space<vmem>>)
      %dma_start3A_91 = arith.constant 0 : i32
      %dma_start3A_92 = arith.constant 0 : i32
      %dma_start3A_93 = tpu.memref_slice %arg16[%dma_start3A_91, %dma_start3A_92] : memref<10000x128xf32, #tpu.memory_space<vmem_shared>> -> memref<10000x128xf32, #tpu.memory_space<vmem_shared>>
      tpu.enqueue_indirect_dma source(%arg12 : memref<40x128xf32, #tpu.memory_space<vmem>>) target(%dma_start3A_93 : memref<10000x128xf32, #tpu.memory_space<vmem_shared>>) offsets(%arg14 : memref<40xi32, #tpu.memory_space<vmem>>) semaphore(%arg21 : memref<!tpu.dma_semaphore, #tpu.memory_space<semaphore_mem>>) {add = true}
      %mul3A_94 = arith.constant 2 : i32
      %mul3A_95 = arith.muli %mul3A_94, %add3A_53 : i32
      %add3A_96 = arith.constant 1 : i32
      %add3A_97 = arith.addi %mul3A_95, %add3A_96 : i32
      %dma_wait3A_98 = arith.constant 0 : i32
      %dma_wait3A_99 = tpu.memref_slice %arg7[%dma_wait3A_98] : memref<10000xi32, #tpu.memory_space<vmem>> -> memref<40xi32, #tpu.memory_space<vmem>>
      %dma_wait3A_100 = arith.constant 0 : i32
      %dma_wait3A_101 = arith.constant 0 : i32
      %dma_wait3A_102 = tpu.memref_slice %arg2[%dma_wait3A_100, %dma_wait3A_101] : memref<10000x128xf32, #tpu.memory_space<hbm>> -> memref<10000x128xf32, #tpu.memory_space<hbm>>
      tpu.wait_indirect_dma semaphore(%arg18 : memref<!tpu.dma_semaphore, #tpu.memory_space<semaphore_mem>>) src(%dma_wait3A_102 : memref<10000x128xf32, #tpu.memory_space<hbm>>) dst(%arg9 : memref<40x128xf32, #tpu.memory_space<vmem>>)
      %dma_wait3A_103 = arith.constant 0 : i32
      %dma_wait3A_104 = arith.constant 0 : i32
      %dma_wait3A_105 = tpu.memref_slice %arg3[%dma_wait3A_103, %dma_wait3A_104] : memref<320000x128xf32, #tpu.memory_space<hbm>> -> memref<40x128xf32, #tpu.memory_space<hbm>>
      %dma_wait3A_106 = arith.constant 0 : i32
      %dma_wait3A_107 = arith.constant 0 : i32
      %dma_wait3A_108 = tpu.memref_slice %arg3[%dma_wait3A_106, %dma_wait3A_107] : memref<320000x128xf32, #tpu.memory_space<hbm>> -> memref<40x128xf32, #tpu.memory_space<hbm>>
      tpu.wait_dma2 semaphore(%arg20 : memref<!tpu.dma_semaphore, #tpu.memory_space<semaphore_mem>>) src(%dma_wait3A_108 : memref<40x128xf32, #tpu.memory_space<hbm>>) dst(%arg11 : memref<40x128xf32, #tpu.memory_space<vmem>>)
      %gt3A_109 = arith.constant 0 : i32
      %gt3A_110 = arith.cmpi sgt, %add3A_53, %gt3A_109 : i32
      %convert_element_type3A_111 = arith.extui %gt3A_110 : i1 to i32
      %cond3A_112 = arith.constant 0 : i32
      %cond3A_113 = arith.cmpi ne, %convert_element_type3A_111, %cond3A_112 : i32
      scf.if %cond3A_113 {
        %dma_wait3A_138 = arith.constant 0 : i32
        %dma_wait3A_139 = arith.constant 0 : i32
        %dma_wait3A_140 = tpu.memref_slice %arg16[%dma_wait3A_138, %dma_wait3A_139] : memref<10000x128xf32, #tpu.memory_space<vmem_shared>> -> memref<10000x128xf32, #tpu.memory_space<vmem_shared>>
        tpu.wait_indirect_dma semaphore(%arg22 : memref<!tpu.dma_semaphore, #tpu.memory_space<semaphore_mem>>) src(%arg13 : memref<40x128xf32, #tpu.memory_space<vmem>>) dst(%dma_wait3A_140 : memref<10000x128xf32, #tpu.memory_space<vmem_shared>>)
      } else {
      }
      %mul3A_114 = arith.constant 40 : i32
      %mul3A_115 = arith.muli %add3A_97, %mul3A_114 : i32
      %add3A_116 = arith.addi %mul3A_2, %mul3A_115 : i32
      %dma_start3A_117 = tpu.memref_slice %arg5[%add3A_116] : memref<320000xi32, #tpu.memory_space<hbm>> -> memref<40xi32, #tpu.memory_space<hbm>>
      %dma_start3A_118 = tpu.memref_slice %arg5[%add3A_116] : memref<320000xi32, #tpu.memory_space<hbm>> -> memref<40xi32, #tpu.memory_space<hbm>>
      tpu.enqueue_dma source(%dma_start3A_118 : memref<40xi32, #tpu.memory_space<hbm>>) target(%arg15 : memref<40xi32, #tpu.memory_space<vmem>>) target_semaphore(%arg24 : memref<!tpu.dma_semaphore, #tpu.memory_space<semaphore_mem>>)
      %scan3A_119 = arith.constant 0 : i32
      %scan3A_120 = arith.constant 40 : i32
      %scan3A_121 = arith.addi %scan3A_119, %scan3A_120 : i32
      %scan3A_122 = arith.constant 1 : i32
      scf.for %scan3A_138 = %scan3A_119 to %scan3A_121 step %scan3A_122  : i32 {
        %mul3A_139 = arith.constant 1 : i32
        %mul3A_140 = arith.muli %scan3A_138, %mul3A_139 : i32
        %add3A_141 = arith.constant 0 : i32
        %add3A_142 = arith.addi %add3A_141, %mul3A_140 : i32
        %get3A = arith.index_cast %add3A_142 : i32 to index
        %get3A_143 = arith.constant 0 : index
        %get3A_144 = tpu.vector_load %arg9[%get3A, %get3A_143] {strides = array<i32>} : memref<40x128xf32, #tpu.memory_space<vmem>>, vector<1x16xf32>,
        %get3A_145 = vector.shape_cast %get3A_144 : vector<1x16xf32> to vector<16xf32>
        %get3A_146 = arith.index_cast %add3A_142 : i32 to index
        %get3A_147 = arith.constant 0 : index
        %get3A_148 = tpu.vector_load %arg11[%get3A_146, %get3A_147] {strides = array<i32>} : memref<40x128xf32, #tpu.memory_space<vmem>>, vector<1x16xf32>,
        %get3A_149 = vector.shape_cast %get3A_148 : vector<1x16xf32> to vector<16xf32>
        %add3A_150 = arith.addf %get3A_145, %get3A_149 : vector<16xf32>
        %max3A = arith.constant 0.000000e+00 : f32
        %max3A_151 = vector.broadcast %max3A : f32 to vector<16xf32>
        %max3A_152 = arith.maximumf %add3A_150, %max3A_151 : vector<16xf32>
        %swap3A = arith.index_cast %add3A_142 : i32 to index
        %swap3A_153 = arith.constant 0 : index
        %swap3A_154 = tpu.vector_load %arg13[%swap3A, %swap3A_153] {strides = array<i32>} : memref<40x128xf32, #tpu.memory_space<vmem>>, vector<1x16xf32>,
        %swap3A_155 = vector.shape_cast %swap3A_154 : vector<1x16xf32> to vector<16xf32>
        %swap3A_156 = vector.shape_cast %max3A_152 : vector<16xf32> to vector<1x16xf32>
        tpu.vector_store %arg13[%swap3A, %swap3A_153], %swap3A_156 {strides = array<i32>} : memref<40x128xf32, #tpu.memory_space<vmem>>, vector<1x16xf32>,
        %get3A_157 = arith.index_cast %add3A_142 : i32 to index
        %get3A_158 = arith.constant 16 : index
        %get3A_159 = tpu.vector_load %arg9[%get3A_157, %get3A_158] {strides = array<i32>} : memref<40x128xf32, #tpu.memory_space<vmem>>, vector<1x16xf32>,
        %get3A_160 = vector.shape_cast %get3A_159 : vector<1x16xf32> to vector<16xf32>
        %get3A_161 = arith.index_cast %add3A_142 : i32 to index
        %get3A_162 = arith.constant 16 : index
        %get3A_163 = tpu.vector_load %arg11[%get3A_161, %get3A_162] {strides = array<i32>} : memref<40x128xf32, #tpu.memory_space<vmem>>, vector<1x16xf32>,
        %get3A_164 = vector.shape_cast %get3A_163 : vector<1x16xf32> to vector<16xf32>
        %add3A_165 = arith.addf %get3A_160, %get3A_164 : vector<16xf32>
        %max3A_166 = arith.constant 0.000000e+00 : f32
        %max3A_167 = vector.broadcast %max3A_166 : f32 to vector<16xf32>
        %max3A_168 = arith.maximumf %add3A_165, %max3A_167 : vector<16xf32>
        %swap3A_169 = arith.index_cast %add3A_142 : i32 to index
        %swap3A_170 = arith.constant 16 : index
        %swap3A_171 = tpu.vector_load %arg13[%swap3A_169, %swap3A_170] {strides = array<i32>} : memref<40x128xf32, #tpu.memory_space<vmem>>, vector<1x16xf32>,
        %swap3A_172 = vector.shape_cast %swap3A_171 : vector<1x16xf32> to vector<16xf32>
        %swap3A_173 = vector.shape_cast %max3A_168 : vector<16xf32> to vector<1x16xf32>
        tpu.vector_store %arg13[%swap3A_169, %swap3A_170], %swap3A_173 {strides = array<i32>} : memref<40x128xf32, #tpu.memory_space<vmem>>, vector<1x16xf32>,
        %get3A_174 = arith.index_cast %add3A_142 : i32 to index
        %get3A_175 = arith.constant 32 : index
        %get3A_176 = tpu.vector_load %arg9[%get3A_174, %get3A_175] {strides = array<i32>} : memref<40x128xf32, #tpu.memory_space<vmem>>, vector<1x16xf32>,
        %get3A_177 = vector.shape_cast %get3A_176 : vector<1x16xf32> to vector<16xf32>
        %get3A_178 = arith.index_cast %add3A_142 : i32 to index
        %get3A_179 = arith.constant 32 : index
        %get3A_180 = tpu.vector_load %arg11[%get3A_178, %get3A_179] {strides = array<i32>} : memref<40x128xf32, #tpu.memory_space<vmem>>, vector<1x16xf32>,
        %get3A_181 = vector.shape_cast %get3A_180 : vector<1x16xf32> to vector<16xf32>
        %add3A_182 = arith.addf %get3A_177, %get3A_181 : vector<16xf32>
        %max3A_183 = arith.constant 0.000000e+00 : f32
        %max3A_184 = vector.broadcast %max3A_183 : f32 to vector<16xf32>
        %max3A_185 = arith.maximumf %add3A_182, %max3A_184 : vector<16xf32>
        %swap3A_186 = arith.index_cast %add3A_142 : i32 to index
        %swap3A_187 = arith.constant 32 : index
        %swap3A_188 = tpu.vector_load %arg13[%swap3A_186, %swap3A_187] {strides = array<i32>} : memref<40x128xf32, #tpu.memory_space<vmem>>, vector<1x16xf32>,
        %swap3A_189 = vector.shape_cast %swap3A_188 : vector<1x16xf32> to vector<16xf32>
        %swap3A_190 = vector.shape_cast %max3A_185 : vector<16xf32> to vector<1x16xf32>
        tpu.vector_store %arg13[%swap3A_186, %swap3A_187], %swap3A_190 {strides = array<i32>} : memref<40x128xf32, #tpu.memory_space<vmem>>, vector<1x16xf32>,
        %get3A_191 = arith.index_cast %add3A_142 : i32 to index
        %get3A_192 = arith.constant 48 : index
        %get3A_193 = tpu.vector_load %arg9[%get3A_191, %get3A_192] {strides = array<i32>} : memref<40x128xf32, #tpu.memory_space<vmem>>, vector<1x16xf32>,
        %get3A_194 = vector.shape_cast %get3A_193 : vector<1x16xf32> to vector<16xf32>
        %get3A_195 = arith.index_cast %add3A_142 : i32 to index
        %get3A_196 = arith.constant 48 : index
        %get3A_197 = tpu.vector_load %arg11[%get3A_195, %get3A_196] {strides = array<i32>} : memref<40x128xf32, #tpu.memory_space<vmem>>, vector<1x16xf32>,
        %get3A_198 = vector.shape_cast %get3A_197 : vector<1x16xf32> to vector<16xf32>
        %add3A_199 = arith.addf %get3A_194, %get3A_198 : vector<16xf32>
        %max3A_200 = arith.constant 0.000000e+00 : f32
        %max3A_201 = vector.broadcast %max3A_200 : f32 to vector<16xf32>
        %max3A_202 = arith.maximumf %add3A_199, %max3A_201 : vector<16xf32>
        %swap3A_203 = arith.index_cast %add3A_142 : i32 to index
        %swap3A_204 = arith.constant 48 : index
        %swap3A_205 = tpu.vector_load %arg13[%swap3A_203, %swap3A_204] {strides = array<i32>} : memref<40x128xf32, #tpu.memory_space<vmem>>, vector<1x16xf32>,
        %swap3A_206 = vector.shape_cast %swap3A_205 : vector<1x16xf32> to vector<16xf32>
        %swap3A_207 = vector.shape_cast %max3A_202 : vector<16xf32> to vector<1x16xf32>
        tpu.vector_store %arg13[%swap3A_203, %swap3A_204], %swap3A_207 {strides = array<i32>} : memref<40x128xf32, #tpu.memory_space<vmem>>, vector<1x16xf32>,
        %get3A_208 = arith.index_cast %add3A_142 : i32 to index
        %get3A_209 = arith.constant 64 : index
        %get3A_210 = tpu.vector_load %arg9[%get3A_208, %get3A_209] {strides = array<i32>} : memref<40x128xf32, #tpu.memory_space<vmem>>, vector<1x16xf32>,
        %get3A_211 = vector.shape_cast %get3A_210 : vector<1x16xf32> to vector<16xf32>
        %get3A_212 = arith.index_cast %add3A_142 : i32 to index
        %get3A_213 = arith.constant 64 : index
        %get3A_214 = tpu.vector_load %arg11[%get3A_212, %get3A_213] {strides = array<i32>} : memref<40x128xf32, #tpu.memory_space<vmem>>, vector<1x16xf32>,
        %get3A_215 = vector.shape_cast %get3A_214 : vector<1x16xf32> to vector<16xf32>
        %add3A_216 = arith.addf %get3A_211, %get3A_215 : vector<16xf32>
        %max3A_217 = arith.constant 0.000000e+00 : f32
        %max3A_218 = vector.broadcast %max3A_217 : f32 to vector<16xf32>
        %max3A_219 = arith.maximumf %add3A_216, %max3A_218 : vector<16xf32>
        %swap3A_220 = arith.index_cast %add3A_142 : i32 to index
        %swap3A_221 = arith.constant 64 : index
        %swap3A_222 = tpu.vector_load %arg13[%swap3A_220, %swap3A_221] {strides = array<i32>} : memref<40x128xf32, #tpu.memory_space<vmem>>, vector<1x16xf32>,
        %swap3A_223 = vector.shape_cast %swap3A_222 : vector<1x16xf32> to vector<16xf32>
        %swap3A_224 = vector.shape_cast %max3A_219 : vector<16xf32> to vector<1x16xf32>
        tpu.vector_store %arg13[%swap3A_220, %swap3A_221], %swap3A_224 {strides = array<i32>} : memref<40x128xf32, #tpu.memory_space<vmem>>, vector<1x16xf32>,
        %get3A_225 = arith.index_cast %add3A_142 : i32 to index
        %get3A_226 = arith.constant 80 : index
        %get3A_227 = tpu.vector_load %arg9[%get3A_225, %get3A_226] {strides = array<i32>} : memref<40x128xf32, #tpu.memory_space<vmem>>, vector<1x16xf32>,
        %get3A_228 = vector.shape_cast %get3A_227 : vector<1x16xf32> to vector<16xf32>
        %get3A_229 = arith.index_cast %add3A_142 : i32 to index
        %get3A_230 = arith.constant 80 : index
        %get3A_231 = tpu.vector_load %arg11[%get3A_229, %get3A_230] {strides = array<i32>} : memref<40x128xf32, #tpu.memory_space<vmem>>, vector<1x16xf32>,
        %get3A_232 = vector.shape_cast %get3A_231 : vector<1x16xf32> to vector<16xf32>
        %add3A_233 = arith.addf %get3A_228, %get3A_232 : vector<16xf32>
        %max3A_234 = arith.constant 0.000000e+00 : f32
        %max3A_235 = vector.broadcast %max3A_234 : f32 to vector<16xf32>
        %max3A_236 = arith.maximumf %add3A_233, %max3A_235 : vector<16xf32>
        %swap3A_237 = arith.index_cast %add3A_142 : i32 to index
        %swap3A_238 = arith.constant 80 : index
        %swap3A_239 = tpu.vector_load %arg13[%swap3A_237, %swap3A_238] {strides = array<i32>} : memref<40x128xf32, #tpu.memory_space<vmem>>, vector<1x16xf32>,
        %swap3A_240 = vector.shape_cast %swap3A_239 : vector<1x16xf32> to vector<16xf32>
        %swap3A_241 = vector.shape_cast %max3A_236 : vector<16xf32> to vector<1x16xf32>
        tpu.vector_store %arg13[%swap3A_237, %swap3A_238], %swap3A_241 {strides = array<i32>} : memref<40x128xf32, #tpu.memory_space<vmem>>, vector<1x16xf32>,
        %get3A_242 = arith.index_cast %add3A_142 : i32 to index
        %get3A_243 = arith.constant 96 : index
        %get3A_244 = tpu.vector_load %arg9[%get3A_242, %get3A_243] {strides = array<i32>} : memref<40x128xf32, #tpu.memory_space<vmem>>, vector<1x16xf32>,
        %get3A_245 = vector.shape_cast %get3A_244 : vector<1x16xf32> to vector<16xf32>
        %get3A_246 = arith.index_cast %add3A_142 : i32 to index
        %get3A_247 = arith.constant 96 : index
        %get3A_248 = tpu.vector_load %arg11[%get3A_246, %get3A_247] {strides = array<i32>} : memref<40x128xf32, #tpu.memory_space<vmem>>, vector<1x16xf32>,
        %get3A_249 = vector.shape_cast %get3A_248 : vector<1x16xf32> to vector<16xf32>
        %add3A_250 = arith.addf %get3A_245, %get3A_249 : vector<16xf32>
        %max3A_251 = arith.constant 0.000000e+00 : f32
        %max3A_252 = vector.broadcast %max3A_251 : f32 to vector<16xf32>
        %max3A_253 = arith.maximumf %add3A_250, %max3A_252 : vector<16xf32>
        %swap3A_254 = arith.index_cast %add3A_142 : i32 to index
        %swap3A_255 = arith.constant 96 : index
        %swap3A_256 = tpu.vector_load %arg13[%swap3A_254, %swap3A_255] {strides = array<i32>} : memref<40x128xf32, #tpu.memory_space<vmem>>, vector<1x16xf32>,
        %swap3A_257 = vector.shape_cast %swap3A_256 : vector<1x16xf32> to vector<16xf32>
        %swap3A_258 = vector.shape_cast %max3A_253 : vector<16xf32> to vector<1x16xf32>
        tpu.vector_store %arg13[%swap3A_254, %swap3A_255], %swap3A_258 {strides = array<i32>} : memref<40x128xf32, #tpu.memory_space<vmem>>, vector<1x16xf32>,
        %get3A_259 = arith.index_cast %add3A_142 : i32 to index
        %get3A_260 = arith.constant 112 : index
        %get3A_261 = tpu.vector_load %arg9[%get3A_259, %get3A_260] {strides = array<i32>} : memref<40x128xf32, #tpu.memory_space<vmem>>, vector<1x16xf32>,
        %get3A_262 = vector.shape_cast %get3A_261 : vector<1x16xf32> to vector<16xf32>
        %get3A_263 = arith.index_cast %add3A_142 : i32 to index
        %get3A_264 = arith.constant 112 : index
        %get3A_265 = tpu.vector_load %arg11[%get3A_263, %get3A_264] {strides = array<i32>} : memref<40x128xf32, #tpu.memory_space<vmem>>, vector<1x16xf32>,
        %get3A_266 = vector.shape_cast %get3A_265 : vector<1x16xf32> to vector<16xf32>
        %add3A_267 = arith.addf %get3A_262, %get3A_266 : vector<16xf32>
        %max3A_268 = arith.constant 0.000000e+00 : f32
        %max3A_269 = vector.broadcast %max3A_268 : f32 to vector<16xf32>
        %max3A_270 = arith.maximumf %add3A_267, %max3A_269 : vector<16xf32>
        %swap3A_271 = arith.index_cast %add3A_142 : i32 to index
        %swap3A_272 = arith.constant 112 : index
        %swap3A_273 = tpu.vector_load %arg13[%swap3A_271, %swap3A_272] {strides = array<i32>} : memref<40x128xf32, #tpu.memory_space<vmem>>, vector<1x16xf32>,
        %swap3A_274 = vector.shape_cast %swap3A_273 : vector<1x16xf32> to vector<16xf32>
        %swap3A_275 = vector.shape_cast %max3A_270 : vector<16xf32> to vector<1x16xf32>
        tpu.vector_store %arg13[%swap3A_271, %swap3A_272], %swap3A_275 {strides = array<i32>} : memref<40x128xf32, #tpu.memory_space<vmem>>, vector<1x16xf32>,
      }
      %scan3A_123 = arith.constant 40 : i32
      %add3A_124 = arith.constant 2 : i32
      %add3A_125 = arith.addi %add3A_97, %add3A_124 : i32
      %lt3A_126 = arith.constant 250 : i32
      %lt3A_127 = arith.cmpi slt, %add3A_125, %lt3A_126 : i32
      %convert_element_type3A_128 = arith.extui %lt3A_127 : i1 to i32
      %cond3A_129 = arith.constant 0 : i32
      %cond3A_130 = arith.cmpi ne, %convert_element_type3A_128, %cond3A_129 : i32
      scf.if %cond3A_130 {
        %mul3A_138 = arith.constant 40 : i32
        %mul3A_139 = arith.muli %add3A_125, %mul3A_138 : i32
        %dma_start3A_140 = tpu.memref_slice %arg7[%mul3A_139] : memref<10000xi32, #tpu.memory_space<vmem>> -> memref<40xi32, #tpu.memory_space<vmem>>
        %dma_start3A_141 = arith.constant 0 : i32
        %dma_start3A_142 = arith.constant 0 : i32
        %dma_start3A_143 = tpu.memref_slice %arg2[%dma_start3A_141, %dma_start3A_142] : memref<10000x128xf32, #tpu.memory_space<hbm>> -> memref<10000x128xf32, #tpu.memory_space<hbm>>
        tpu.enqueue_indirect_dma source(%dma_start3A_143 : memref<10000x128xf32, #tpu.memory_space<hbm>>) target(%arg9 : memref<40x128xf32, #tpu.memory_space<vmem>>) offsets(%dma_start3A_140 : memref<40xi32, #tpu.memory_space<vmem>>) semaphore(%arg18 : memref<!tpu.dma_semaphore, #tpu.memory_space<semaphore_mem>>)
        %add3A_144 = arith.addi %mul3A_2, %mul3A_139 : i32
        %dma_start3A_145 = arith.constant 0 : i32
        %dma_start3A_146 = tpu.memref_slice %arg3[%add3A_144, %dma_start3A_145] : memref<320000x128xf32, #tpu.memory_space<hbm>> -> memref<40x128xf32, #tpu.memory_space<hbm>>
        %dma_start3A_147 = arith.constant 0 : i32
        %dma_start3A_148 = tpu.memref_slice %arg3[%add3A_144, %dma_start3A_147] : memref<320000x128xf32, #tpu.memory_space<hbm>> -> memref<40x128xf32, #tpu.memory_space<hbm>>
        tpu.enqueue_dma source(%dma_start3A_148 : memref<40x128xf32, #tpu.memory_space<hbm>>) target(%arg11 : memref<40x128xf32, #tpu.memory_space<vmem>>) target_semaphore(%arg20 : memref<!tpu.dma_semaphore, #tpu.memory_space<semaphore_mem>>)
      } else {
      }
      %dma_wait3A_131 = arith.constant 0 : i32
      %dma_wait3A_132 = tpu.memref_slice %arg5[%dma_wait3A_131] : memref<320000xi32, #tpu.memory_space<hbm>> -> memref<40xi32, #tpu.memory_space<hbm>>
      %dma_wait3A_133 = arith.constant 0 : i32
      %dma_wait3A_134 = tpu.memref_slice %arg5[%dma_wait3A_133] : memref<320000xi32, #tpu.memory_space<hbm>> -> memref<40xi32, #tpu.memory_space<hbm>>
      tpu.wait_dma2 semaphore(%arg24 : memref<!tpu.dma_semaphore, #tpu.memory_space<semaphore_mem>>) src(%dma_wait3A_134 : memref<40xi32, #tpu.memory_space<hbm>>) dst(%arg15 : memref<40xi32, #tpu.memory_space<vmem>>)
      %dma_start3A_135 = arith.constant 0 : i32
      %dma_start3A_136 = arith.constant 0 : i32
      %dma_start3A_137 = tpu.memref_slice %arg16[%dma_start3A_135, %dma_start3A_136] : memref<10000x128xf32, #tpu.memory_space<vmem_shared>> -> memref<10000x128xf32, #tpu.memory_space<vmem_shared>>
      tpu.enqueue_indirect_dma source(%arg13 : memref<40x128xf32, #tpu.memory_space<vmem>>) target(%dma_start3A_137 : memref<10000x128xf32, #tpu.memory_space<vmem_shared>>) offsets(%arg15 : memref<40xi32, #tpu.memory_space<vmem>>) semaphore(%arg22 : memref<!tpu.dma_semaphore, #tpu.memory_space<semaphore_mem>>) {add = true}
    }
    %scan3A_37 = arith.constant 125 : i32
    %dma_wait3A = arith.constant 0 : i32
    %dma_wait3A_38 = arith.constant 0 : i32
    %dma_wait3A_39 = tpu.memref_slice %arg16[%dma_wait3A, %dma_wait3A_38] : memref<10000x128xf32, #tpu.memory_space<vmem_shared>> -> memref<10000x128xf32, #tpu.memory_space<vmem_shared>>
    tpu.wait_indirect_dma semaphore(%arg21 : memref<!tpu.dma_semaphore, #tpu.memory_space<semaphore_mem>>) src(%arg12 : memref<40x128xf32, #tpu.memory_space<vmem>>) dst(%dma_wait3A_39 : memref<10000x128xf32, #tpu.memory_space<vmem_shared>>)
    %dma_wait3A_40 = arith.constant 0 : i32
    %dma_wait3A_41 = arith.constant 0 : i32
    %dma_wait3A_42 = tpu.memref_slice %arg16[%dma_wait3A_40, %dma_wait3A_41] : memref<10000x128xf32, #tpu.memory_space<vmem_shared>> -> memref<10000x128xf32, #tpu.memory_space<vmem_shared>>
    tpu.wait_indirect_dma semaphore(%arg22 : memref<!tpu.dma_semaphore, #tpu.memory_space<semaphore_mem>>) src(%arg13 : memref<40x128xf32, #tpu.memory_space<vmem>>) dst(%dma_wait3A_42 : memref<10000x128xf32, #tpu.memory_space<vmem_shared>>)
    %barrier3A_43 = arith.constant 0 : index
    tpu.barrier barrier_id(%barrier3A_43)
    %scan3A_44 = arith.constant 0 : i32
    %scan3A_45 = arith.constant 4 : i32
    %scan3A_46 = arith.addi %scan3A_44, %scan3A_45 : i32
    %scan3A_47 = arith.constant 1 : i32
    scf.for %scan3A_49 = %scan3A_44 to %scan3A_46 step %scan3A_47  : i32 {
      %mul3A_50 = arith.constant 1 : i32
      %mul3A_51 = arith.muli %scan3A_49, %mul3A_50 : i32
      %add3A_52 = arith.constant 0 : i32
      %add3A_53 = arith.addi %add3A_52, %mul3A_51 : i32
      %mul3A_54 = arith.constant 16 : i32
      %mul3A_55 = arith.muli %add3A_53, %mul3A_54 : i32
      %add3A_56 = arith.addi %arg1, %mul3A_55 : i32
      %lt3A = arith.constant 50 : i32
      %lt3A_57 = arith.cmpi slt, %add3A_56, %lt3A : i32
      %convert_element_type3A = arith.extui %lt3A_57 : i1 to i32
      %cond3A = arith.constant 0 : i32
      %cond3A_58 = arith.cmpi ne, %convert_element_type3A, %cond3A : i32
      scf.if %cond3A_58 {
        %mul3A_59 = arith.constant 200 : i32
        %mul3A_60 = arith.muli %add3A_56, %mul3A_59 : i32
        "tpu.region"() ({
          %run_scoped3A = tpu.sem_alloc : memref<!tpu.dma_semaphore, #tpu.memory_space<semaphore_mem>>
          %dma_start3A_61 = arith.constant 0 : i32
          %dma_start3A_62 = tpu.memref_slice %arg6[%arg0, %mul3A_60, %dma_start3A_61] : memref<2x10000x128xf32, #tpu.memory_space<hbm>> -> memref<1x200x128xf32, #tpu.memory_space<hbm>>
          %dma_start3A_63 = tpu.memref_squeeze %dma_start3A_62 : memref<1x200x128xf32, #tpu.memory_space<hbm>> -> memref<200x128xf32, #tpu.memory_space<hbm>>
          %dma_start3A_64 = arith.constant 0 : i32
          %dma_start3A_65 = tpu.memref_slice %arg16[%mul3A_60, %dma_start3A_64] : memref<10000x128xf32, #tpu.memory_space<vmem_shared>> -> memref<200x128xf32, #tpu.memory_space<vmem_shared>>
          tpu.enqueue_dma source(%dma_start3A_65 : memref<200x128xf32, #tpu.memory_space<vmem_shared>>) target(%dma_start3A_63 : memref<200x128xf32, #tpu.memory_space<hbm>>) target_semaphore(%run_scoped3A : memref<!tpu.dma_semaphore, #tpu.memory_space<semaphore_mem>>)
          %dma_wait3A_66 = arith.constant 0 : i32
          %dma_wait3A_67 = tpu.memref_slice %arg6[%arg0, %mul3A_60, %dma_wait3A_66] : memref<2x10000x128xf32, #tpu.memory_space<hbm>> -> memref<1x200x128xf32, #tpu.memory_space<hbm>>
          %dma_wait3A_68 = tpu.memref_squeeze %dma_wait3A_67 : memref<1x200x128xf32, #tpu.memory_space<hbm>> -> memref<200x128xf32, #tpu.memory_space<hbm>>
          %dma_wait3A_69 = arith.constant 0 : i32
          %dma_wait3A_70 = tpu.memref_slice %arg16[%mul3A_60, %dma_wait3A_69] : memref<10000x128xf32, #tpu.memory_space<vmem_shared>> -> memref<200x128xf32, #tpu.memory_space<vmem_shared>>
          tpu.wait_dma2 semaphore(%run_scoped3A : memref<!tpu.dma_semaphore, #tpu.memory_space<semaphore_mem>>) src(%dma_wait3A_70 : memref<200x128xf32, #tpu.memory_space<vmem_shared>>) dst(%dma_wait3A_68 : memref<200x128xf32, #tpu.memory_space<hbm>>)
          tpu.yield
        }) : () -> ()
      } else {
      }
    }
    %scan3A_48 = arith.constant 4 : i32
    return
  }
}

#map = affine_map<(d0, d1) -> (0, 0)>
#map1 = affine_map<(d0, d1) -> (0)>
module attributes {stable_mosaic.version = 14 : i64} {
  func.func @_sc_pair_gather(%arg0: i32, %arg1: i32, %arg2: memref<10000x128xf32, #tpu.memory_space<hbm>>, %arg3: memref<16384xi32, #tpu.memory_space<hbm>>, %arg4: memref<16384xi32, #tpu.memory_space<hbm>>, %arg5: memref<16384x256xf32, #tpu.memory_space<hbm>>, %arg6: memref<128xi32, #tpu.memory_space<vmem>>, %arg7: memref<128xi32, #tpu.memory_space<vmem>>, %arg8: memref<128x128xf32, #tpu.memory_space<vmem>>, %arg9: memref<128x128xf32, #tpu.memory_space<vmem>>, %arg10: memref<!tpu.dma_semaphore, #tpu.memory_space<semaphore_mem>>, %arg11: memref<!tpu.dma_semaphore, #tpu.memory_space<semaphore_mem>>, %arg12: memref<!tpu.dma_semaphore, #tpu.memory_space<semaphore_mem>>) attributes {dimension_semantics = [#tpu.dimension_semantics<core_parallel>, #tpu.dimension_semantics<subcore_parallel>], iteration_bounds = array<i64: 2, 16>, scalar_prefetch = 0 : i64, scratch_operands = 7 : i64, tpu.core_type = #tpu.core_type<sc_vector_subcore>, window_params = [{transform_indices = #map}, {transform_indices = #map1}, {transform_indices = #map1}, {transform_indices = #map}]} {
    %mul3A = arith.constant 2 : i32
    %mul3A_0 = arith.muli %arg1, %mul3A : i32
    %add3A = arith.addi %mul3A_0, %arg0 : i32
    %scan3A = arith.constant 0 : i32
    %scan3A_1 = arith.constant 4 : i32
    %scan3A_2 = arith.addi %scan3A, %scan3A_1 : i32
    %scan3A_3 = arith.constant 1 : i32
    scf.for %scan3A_5 = %scan3A to %scan3A_2 step %scan3A_3  : i32 {
      %mul3A_6 = arith.constant 1 : i32
      %mul3A_7 = arith.muli %scan3A_5, %mul3A_6 : i32
      %add3A_8 = arith.constant 0 : i32
      %add3A_9 = arith.addi %add3A_8, %mul3A_7 : i32
      %mul3A_10 = arith.constant 512 : i32
      %mul3A_11 = arith.muli %add3A, %mul3A_10 : i32
      %mul3A_12 = arith.constant 128 : i32
      %mul3A_13 = arith.muli %add3A_9, %mul3A_12 : i32
      %add3A_14 = arith.addi %mul3A_11, %mul3A_13 : i32
      "tpu.region"() ({
        %run_scoped3A = tpu.sem_alloc : memref<!tpu.dma_semaphore, #tpu.memory_space<semaphore_mem>>
        %dma_start3A_41 = tpu.memref_slice %arg3[%add3A_14] : memref<16384xi32, #tpu.memory_space<hbm>> -> memref<128xi32, #tpu.memory_space<hbm>>
        %dma_start3A_42 = tpu.memref_slice %arg3[%add3A_14] : memref<16384xi32, #tpu.memory_space<hbm>> -> memref<128xi32, #tpu.memory_space<hbm>>
        tpu.enqueue_dma source(%dma_start3A_42 : memref<128xi32, #tpu.memory_space<hbm>>) target(%arg6 : memref<128xi32, #tpu.memory_space<vmem>>) target_semaphore(%run_scoped3A : memref<!tpu.dma_semaphore, #tpu.memory_space<semaphore_mem>>)
        %dma_wait3A_43 = tpu.memref_slice %arg3[%add3A_14] : memref<16384xi32, #tpu.memory_space<hbm>> -> memref<128xi32, #tpu.memory_space<hbm>>
        %dma_wait3A_44 = tpu.memref_slice %arg3[%add3A_14] : memref<16384xi32, #tpu.memory_space<hbm>> -> memref<128xi32, #tpu.memory_space<hbm>>
        tpu.wait_dma2 semaphore(%run_scoped3A : memref<!tpu.dma_semaphore, #tpu.memory_space<semaphore_mem>>) src(%dma_wait3A_44 : memref<128xi32, #tpu.memory_space<hbm>>) dst(%arg6 : memref<128xi32, #tpu.memory_space<vmem>>)
        tpu.yield
      }) : () -> ()
      "tpu.region"() ({
        %run_scoped3A = tpu.sem_alloc : memref<!tpu.dma_semaphore, #tpu.memory_space<semaphore_mem>>
        %dma_start3A_41 = tpu.memref_slice %arg4[%add3A_14] : memref<16384xi32, #tpu.memory_space<hbm>> -> memref<128xi32, #tpu.memory_space<hbm>>
        %dma_start3A_42 = tpu.memref_slice %arg4[%add3A_14] : memref<16384xi32, #tpu.memory_space<hbm>> -> memref<128xi32, #tpu.memory_space<hbm>>
        tpu.enqueue_dma source(%dma_start3A_42 : memref<128xi32, #tpu.memory_space<hbm>>) target(%arg7 : memref<128xi32, #tpu.memory_space<vmem>>) target_semaphore(%run_scoped3A : memref<!tpu.dma_semaphore, #tpu.memory_space<semaphore_mem>>)
        %dma_wait3A_43 = tpu.memref_slice %arg4[%add3A_14] : memref<16384xi32, #tpu.memory_space<hbm>> -> memref<128xi32, #tpu.memory_space<hbm>>
        %dma_wait3A_44 = tpu.memref_slice %arg4[%add3A_14] : memref<16384xi32, #tpu.memory_space<hbm>> -> memref<128xi32, #tpu.memory_space<hbm>>
        tpu.wait_dma2 semaphore(%run_scoped3A : memref<!tpu.dma_semaphore, #tpu.memory_space<semaphore_mem>>) src(%dma_wait3A_44 : memref<128xi32, #tpu.memory_space<hbm>>) dst(%arg7 : memref<128xi32, #tpu.memory_space<vmem>>)
        tpu.yield
      }) : () -> ()
      %dma_start3A = arith.constant 0 : i32
      %dma_start3A_15 = arith.constant 0 : i32
      %dma_start3A_16 = tpu.memref_slice %arg2[%dma_start3A, %dma_start3A_15] : memref<10000x128xf32, #tpu.memory_space<hbm>> -> memref<10000x128xf32, #tpu.memory_space<hbm>>
      tpu.enqueue_indirect_dma source(%dma_start3A_16 : memref<10000x128xf32, #tpu.memory_space<hbm>>) target(%arg8 : memref<128x128xf32, #tpu.memory_space<vmem>>) offsets(%arg6 : memref<128xi32, #tpu.memory_space<vmem>>) semaphore(%arg10 : memref<!tpu.dma_semaphore, #tpu.memory_space<semaphore_mem>>)
      %dma_wait3A = arith.constant 0 : i32
      %dma_wait3A_17 = arith.constant 0 : i32
      %dma_wait3A_18 = tpu.memref_slice %arg2[%dma_wait3A, %dma_wait3A_17] : memref<10000x128xf32, #tpu.memory_space<hbm>> -> memref<10000x128xf32, #tpu.memory_space<hbm>>
      tpu.wait_indirect_dma semaphore(%arg10 : memref<!tpu.dma_semaphore, #tpu.memory_space<semaphore_mem>>) src(%dma_wait3A_18 : memref<10000x128xf32, #tpu.memory_space<hbm>>) dst(%arg8 : memref<128x128xf32, #tpu.memory_space<vmem>>)
      %dma_start3A_19 = arith.constant 0 : i32
      %dma_start3A_20 = arith.constant 0 : i32
      %dma_start3A_21 = tpu.memref_slice %arg2[%dma_start3A_19, %dma_start3A_20] : memref<10000x128xf32, #tpu.memory_space<hbm>> -> memref<10000x128xf32, #tpu.memory_space<hbm>>
      tpu.enqueue_indirect_dma source(%dma_start3A_21 : memref<10000x128xf32, #tpu.memory_space<hbm>>) target(%arg9 : memref<128x128xf32, #tpu.memory_space<vmem>>) offsets(%arg7 : memref<128xi32, #tpu.memory_space<vmem>>) semaphore(%arg10 : memref<!tpu.dma_semaphore, #tpu.memory_space<semaphore_mem>>)
      %dma_wait3A_22 = arith.constant 0 : i32
      %dma_wait3A_23 = arith.constant 0 : i32
      %dma_wait3A_24 = tpu.memref_slice %arg2[%dma_wait3A_22, %dma_wait3A_23] : memref<10000x128xf32, #tpu.memory_space<hbm>> -> memref<10000x128xf32, #tpu.memory_space<hbm>>
      tpu.wait_indirect_dma semaphore(%arg10 : memref<!tpu.dma_semaphore, #tpu.memory_space<semaphore_mem>>) src(%dma_wait3A_24 : memref<10000x128xf32, #tpu.memory_space<hbm>>) dst(%arg9 : memref<128x128xf32, #tpu.memory_space<vmem>>)
      %dma_start3A_25 = arith.constant 0 : i32
      %dma_start3A_26 = tpu.memref_slice %arg5[%add3A_14, %dma_start3A_25] : memref<16384x256xf32, #tpu.memory_space<hbm>> -> memref<128x128xf32, #tpu.memory_space<hbm>>
      %dma_start3A_27 = arith.constant 0 : i32
      %dma_start3A_28 = tpu.memref_slice %arg5[%add3A_14, %dma_start3A_27] : memref<16384x256xf32, #tpu.memory_space<hbm>> -> memref<128x128xf32, #tpu.memory_space<hbm>>
      tpu.enqueue_dma source(%arg8 : memref<128x128xf32, #tpu.memory_space<vmem>>) target(%dma_start3A_28 : memref<128x128xf32, #tpu.memory_space<hbm>>) target_semaphore(%arg11 : memref<!tpu.dma_semaphore, #tpu.memory_space<semaphore_mem>>)
      %dma_start3A_29 = arith.constant 128 : i32
      %dma_start3A_30 = tpu.memref_slice %arg5[%add3A_14, %dma_start3A_29] : memref<16384x256xf32, #tpu.memory_space<hbm>> -> memref<128x128xf32, #tpu.memory_space<hbm>>
      %dma_start3A_31 = arith.constant 128 : i32
      %dma_start3A_32 = tpu.memref_slice %arg5[%add3A_14, %dma_start3A_31] : memref<16384x256xf32, #tpu.memory_space<hbm>> -> memref<128x128xf32, #tpu.memory_space<hbm>>
      tpu.enqueue_dma source(%arg9 : memref<128x128xf32, #tpu.memory_space<vmem>>) target(%dma_start3A_32 : memref<128x128xf32, #tpu.memory_space<hbm>>) target_semaphore(%arg12 : memref<!tpu.dma_semaphore, #tpu.memory_space<semaphore_mem>>)
      %dma_wait3A_33 = arith.constant 0 : i32
      %dma_wait3A_34 = tpu.memref_slice %arg5[%add3A_14, %dma_wait3A_33] : memref<16384x256xf32, #tpu.memory_space<hbm>> -> memref<128x128xf32, #tpu.memory_space<hbm>>
      %dma_wait3A_35 = arith.constant 0 : i32
      %dma_wait3A_36 = tpu.memref_slice %arg5[%add3A_14, %dma_wait3A_35] : memref<16384x256xf32, #tpu.memory_space<hbm>> -> memref<128x128xf32, #tpu.memory_space<hbm>>
      tpu.wait_dma2 semaphore(%arg11 : memref<!tpu.dma_semaphore, #tpu.memory_space<semaphore_mem>>) src(%arg8 : memref<128x128xf32, #tpu.memory_space<vmem>>) dst(%dma_wait3A_36 : memref<128x128xf32, #tpu.memory_space<hbm>>)
      %dma_wait3A_37 = arith.constant 128 : i32
      %dma_wait3A_38 = tpu.memref_slice %arg5[%add3A_14, %dma_wait3A_37] : memref<16384x256xf32, #tpu.memory_space<hbm>> -> memref<128x128xf32, #tpu.memory_space<hbm>>
      %dma_wait3A_39 = arith.constant 128 : i32
      %dma_wait3A_40 = tpu.memref_slice %arg5[%add3A_14, %dma_wait3A_39] : memref<16384x256xf32, #tpu.memory_space<hbm>> -> memref<128x128xf32, #tpu.memory_space<hbm>>
      tpu.wait_dma2 semaphore(%arg12 : memref<!tpu.dma_semaphore, #tpu.memory_space<semaphore_mem>>) src(%arg9 : memref<128x128xf32, #tpu.memory_space<vmem>>) dst(%dma_wait3A_40 : memref<128x128xf32, #tpu.memory_space<hbm>>)
    }
    %scan3A_4 = arith.constant 4 : i32
    return
  }
}

module attributes {stable_mosaic.version = 14 : i64} {
  func.func @_ea_encode_body(%arg0: i32, %arg1: memref<8000x16xf32, #tpu.memory_space<vmem>>, %arg2: memref<16x128xf32, #tpu.memory_space<vmem>>, %arg3: memref<1x128xf32, #tpu.memory_space<vmem>>, %arg4: memref<8000x128xbf16, #tpu.memory_space<vmem>>) attributes {dimension_semantics = [#tpu.dimension_semantics<arbitrary>], iteration_bounds = array<i64: 40>, scalar_prefetch = 0 : i64, scratch_operands = 0 : i64, tpu.core_type = #tpu.core_type<tc>, window_params = [{transform_indices = @transform_0, window_bounds = array<i64: 8000, 16>}, {pipeline_mode = #tpu.pipeline_mode<synchronous>, transform_indices = @transform_1, window_bounds = array<i64: 16, 128>}, {pipeline_mode = #tpu.pipeline_mode<synchronous>, transform_indices = @transform_2, window_bounds = array<i64: 1, 128>}, {transform_indices = @transform_3, window_bounds = array<i64: 8000, 128>}]} {
    %get3A = arith.constant 0 : index
    %get3A_0 = arith.constant 0 : index
    %get3A_1 = vector.load %arg1[%get3A, %get3A_0] : memref<8000x16xf32, #tpu.memory_space<vmem>>, vector<8000x16xf32>
    %get3A_2 = arith.constant 0 : index
    %get3A_3 = arith.constant 0 : index
    %get3A_4 = vector.load %arg2[%get3A_2, %get3A_3] : memref<16x128xf32, #tpu.memory_space<vmem>>, vector<16x128xf32>
    %dot_general3A = arith.constant dense<0.000000e+00> : vector<8000x128xf32>
    %dot_general3A_5 = tpu.matmul %get3A_1, %get3A_4, %dot_general3A {dimension_numbers = #tpu.dot_dimension_numbers<[1], [0], [0], [1], [0, 0, 1, 1], [], []>, transpose_lhs_hint = false} : vector<8000x16xf32>, vector<16x128xf32>, vector<8000x128xf32> -> vector<8000x128xf32>
    %get3A_6 = arith.constant 0 : index
    %get3A_7 = arith.constant 0 : index
    %get3A_8 = vector.load %arg3[%get3A_6, %get3A_7] : memref<1x128xf32, #tpu.memory_space<vmem>>, vector<1x128xf32>
    %add3A = vector.broadcast %get3A_8 : vector<1x128xf32> to vector<8000x128xf32>
    %add3A_9 = arith.addf %dot_general3A_5, %add3A : vector<8000x128xf32>
    %convert_element_type3A = arith.truncf %add3A_9 : vector<8000x128xf32> to vector<8000x128xbf16>
    %swap3A = arith.constant 0 : index
    %swap3A_10 = arith.constant 0 : index
    %swap3A_11 = vector.load %arg4[%swap3A, %swap3A_10] : memref<8000x128xbf16, #tpu.memory_space<vmem>>, vector<8000x128xbf16>
    tpu.vector_store %arg4[%swap3A, %swap3A_10], %convert_element_type3A {strides = array<i32>} : memref<8000x128xbf16, #tpu.memory_space<vmem>>, vector<8000x128xbf16>,
    return
  }
  func.func @transform_0(%arg0: i32) -> (i32, i32) {
    %c0_i32 = arith.constant 0 : i32
    %c0_i32_0 = arith.constant 0 : i32
    return %arg0, %c0_i32 : i32, i32
  }
  func.func @transform_1(%arg0: i32) -> (i32, i32) {
    %c0_i32 = arith.constant 0 : i32
    %c0_i32_0 = arith.constant 0 : i32
    %c0_i32_1 = arith.constant 0 : i32
    return %c0_i32, %c0_i32_0 : i32, i32
  }
  func.func @transform_2(%arg0: i32) -> (i32, i32) {
    %c0_i32 = arith.constant 0 : i32
    %c0_i32_0 = arith.constant 0 : i32
    %c0_i32_1 = arith.constant 0 : i32
    return %c0_i32, %c0_i32_0 : i32, i32
  }
  func.func @transform_3(%arg0: i32) -> (i32, i32) {
    %c0_i32 = arith.constant 0 : i32
    %c0_i32_0 = arith.constant 0 : i32
    return %arg0, %c0_i32 : i32, i32
  }
}

module attributes {stable_mosaic.version = 14 : i64} {
  func.func @_matmul_bias_body(%arg0: i32, %arg1: memref<4000x128xbf16, #tpu.memory_space<vmem>>, %arg2: memref<128x128xbf16, #tpu.memory_space<vmem>>, %arg3: memref<1x128xf32, #tpu.memory_space<vmem>>, %arg4: memref<4000x128xf32, #tpu.memory_space<vmem>>) attributes {dimension_semantics = [#tpu.dimension_semantics<arbitrary>], iteration_bounds = array<i64: 80>, scalar_prefetch = 0 : i64, scratch_operands = 0 : i64, tpu.core_type = #tpu.core_type<tc>, window_params = [{transform_indices = @transform_0, window_bounds = array<i64: 4000, 128>}, {pipeline_mode = #tpu.pipeline_mode<synchronous>, transform_indices = @transform_1, window_bounds = array<i64: 128, 128>}, {pipeline_mode = #tpu.pipeline_mode<synchronous>, transform_indices = @transform_2, window_bounds = array<i64: 1, 128>}, {transform_indices = @transform_3, window_bounds = array<i64: 4000, 128>}]} {
    %get3A = arith.constant 0 : index
    %get3A_0 = arith.constant 0 : index
    %get3A_1 = vector.load %arg1[%get3A, %get3A_0] : memref<4000x128xbf16, #tpu.memory_space<vmem>>, vector<4000x128xbf16>
    %get3A_2 = arith.constant 0 : index
    %get3A_3 = arith.constant 0 : index
    %get3A_4 = vector.load %arg2[%get3A_2, %get3A_3] : memref<128x128xbf16, #tpu.memory_space<vmem>>, vector<128x128xbf16>
    %dot_general3A = arith.constant dense<0.000000e+00> : vector<4000x128xf32>
    %dot_general3A_5 = tpu.matmul %get3A_1, %get3A_4, %dot_general3A {dimension_numbers = #tpu.dot_dimension_numbers<[1], [0], [0], [1], [0, 0, 1, 1], [], []>, transpose_lhs_hint = false} : vector<4000x128xbf16>, vector<128x128xbf16>, vector<4000x128xf32> -> vector<4000x128xf32>
    %get3A_6 = arith.constant 0 : index
    %get3A_7 = arith.constant 0 : index
    %get3A_8 = vector.load %arg3[%get3A_6, %get3A_7] : memref<1x128xf32, #tpu.memory_space<vmem>>, vector<1x128xf32>
    %add3A = vector.broadcast %get3A_8 : vector<1x128xf32> to vector<4000x128xf32>
    %add3A_9 = arith.addf %dot_general3A_5, %add3A : vector<4000x128xf32>
    %swap3A = arith.constant 0 : index
    %swap3A_10 = arith.constant 0 : index
    %swap3A_11 = vector.load %arg4[%swap3A, %swap3A_10] : memref<4000x128xf32, #tpu.memory_space<vmem>>, vector<4000x128xf32>
    tpu.vector_store %arg4[%swap3A, %swap3A_10], %add3A_9 {strides = array<i32>} : memref<4000x128xf32, #tpu.memory_space<vmem>>, vector<4000x128xf32>,
    return
  }
  func.func @transform_0(%arg0: i32) -> (i32, i32) {
    %c0_i32 = arith.constant 0 : i32
    %c0_i32_0 = arith.constant 0 : i32
    return %arg0, %c0_i32 : i32, i32
  }
  func.func @transform_1(%arg0: i32) -> (i32, i32) {
    %c0_i32 = arith.constant 0 : i32
    %c0_i32_0 = arith.constant 0 : i32
    %c0_i32_1 = arith.constant 0 : i32
    return %c0_i32, %c0_i32_0 : i32, i32
  }
  func.func @transform_2(%arg0: i32) -> (i32, i32) {
    %c0_i32 = arith.constant 0 : i32
    %c0_i32_0 = arith.constant 0 : i32
    %c0_i32_1 = arith.constant 0 : i32
    return %c0_i32, %c0_i32_0 : i32, i32
  }
  func.func @transform_3(%arg0: i32) -> (i32, i32) {
    %c0_i32 = arith.constant 0 : i32
    %c0_i32_0 = arith.constant 0 : i32
    return %arg0, %c0_i32 : i32, i32
  }
}

module attributes {stable_mosaic.version = 14 : i64} {
  func.func @_matmul_bias_body(%arg0: i32, %arg1: memref<2000x128xf32, #tpu.memory_space<vmem>>, %arg2: memref<128x128xf32, #tpu.memory_space<vmem>>, %arg3: memref<1x128xf32, #tpu.memory_space<vmem>>, %arg4: memref<2000x128xf32, #tpu.memory_space<vmem>>) attributes {dimension_semantics = [#tpu.dimension_semantics<arbitrary>], iteration_bounds = array<i64: 5>, scalar_prefetch = 0 : i64, scratch_operands = 0 : i64, tpu.core_type = #tpu.core_type<tc>, window_params = [{transform_indices = @transform_0, window_bounds = array<i64: 2000, 128>}, {pipeline_mode = #tpu.pipeline_mode<synchronous>, transform_indices = @transform_1, window_bounds = array<i64: 128, 128>}, {pipeline_mode = #tpu.pipeline_mode<synchronous>, transform_indices = @transform_2, window_bounds = array<i64: 1, 128>}, {transform_indices = @transform_3, window_bounds = array<i64: 2000, 128>}]} {
    %get3A = arith.constant 0 : index
    %get3A_0 = arith.constant 0 : index
    %get3A_1 = vector.load %arg1[%get3A, %get3A_0] : memref<2000x128xf32, #tpu.memory_space<vmem>>, vector<2000x128xf32>
    %get3A_2 = arith.constant 0 : index
    %get3A_3 = arith.constant 0 : index
    %get3A_4 = vector.load %arg2[%get3A_2, %get3A_3] : memref<128x128xf32, #tpu.memory_space<vmem>>, vector<128x128xf32>
    %dot_general3A = arith.constant dense<0.000000e+00> : vector<2000x128xf32>
    %dot_general3A_5 = tpu.matmul %get3A_1, %get3A_4, %dot_general3A {dimension_numbers = #tpu.dot_dimension_numbers<[1], [0], [0], [1], [0, 0, 1, 1], [], []>, transpose_lhs_hint = false} : vector<2000x128xf32>, vector<128x128xf32>, vector<2000x128xf32> -> vector<2000x128xf32>
    %get3A_6 = arith.constant 0 : index
    %get3A_7 = arith.constant 0 : index
    %get3A_8 = vector.load %arg3[%get3A_6, %get3A_7] : memref<1x128xf32, #tpu.memory_space<vmem>>, vector<1x128xf32>
    %add3A = vector.broadcast %get3A_8 : vector<1x128xf32> to vector<2000x128xf32>
    %add3A_9 = arith.addf %dot_general3A_5, %add3A : vector<2000x128xf32>
    %swap3A = arith.constant 0 : index
    %swap3A_10 = arith.constant 0 : index
    %swap3A_11 = vector.load %arg4[%swap3A, %swap3A_10] : memref<2000x128xf32, #tpu.memory_space<vmem>>, vector<2000x128xf32>
    tpu.vector_store %arg4[%swap3A, %swap3A_10], %add3A_9 {strides = array<i32>} : memref<2000x128xf32, #tpu.memory_space<vmem>>, vector<2000x128xf32>,
    return
  }
  func.func @transform_0(%arg0: i32) -> (i32, i32) {
    %c0_i32 = arith.constant 0 : i32
    %c0_i32_0 = arith.constant 0 : i32
    return %arg0, %c0_i32 : i32, i32
  }
  func.func @transform_1(%arg0: i32) -> (i32, i32) {
    %c0_i32 = arith.constant 0 : i32
    %c0_i32_0 = arith.constant 0 : i32
    %c0_i32_1 = arith.constant 0 : i32
    return %c0_i32, %c0_i32_0 : i32, i32
  }
  func.func @transform_2(%arg0: i32) -> (i32, i32) {
    %c0_i32 = arith.constant 0 : i32
    %c0_i32_0 = arith.constant 0 : i32
    %c0_i32_1 = arith.constant 0 : i32
    return %c0_i32, %c0_i32_0 : i32, i32
  }
  func.func @transform_3(%arg0: i32) -> (i32, i32) {
    %c0_i32 = arith.constant 0 : i32
    %c0_i32_0 = arith.constant 0 : i32
    return %arg0, %c0_i32 : i32, i32
  }
}

module attributes {stable_mosaic.version = 14 : i64} {
  func.func @_node_update_body(%arg0: i32, %arg1: memref<2000x128xf32, #tpu.memory_space<vmem>>, %arg2: memref<2x2000x128xf32, #tpu.memory_space<vmem>>, %arg3: memref<128x128xf32, #tpu.memory_space<vmem>>, %arg4: memref<1x128xf32, #tpu.memory_space<vmem>>, %arg5: memref<128x128xf32, #tpu.memory_space<vmem>>, %arg6: memref<1x128xf32, #tpu.memory_space<vmem>>, %arg7: memref<1x128xf32, #tpu.memory_space<vmem>>, %arg8: memref<1x128xf32, #tpu.memory_space<vmem>>, %arg9: memref<1x128xf32, #tpu.memory_space<vmem>>, %arg10: memref<1x128xf32, #tpu.memory_space<vmem>>, %arg11: memref<2000x128xf32, #tpu.memory_space<vmem>>) attributes {dimension_semantics = [#tpu.dimension_semantics<arbitrary>], iteration_bounds = array<i64: 5>, scalar_prefetch = 0 : i64, scratch_operands = 0 : i64, tpu.core_type = #tpu.core_type<tc>, window_params = [{transform_indices = @transform_0, window_bounds = array<i64: 2000, 128>}, {transform_indices = @transform_1, window_bounds = array<i64: 2, 2000, 128>}, {pipeline_mode = #tpu.pipeline_mode<synchronous>, transform_indices = @transform_2, window_bounds = array<i64: 128, 128>}, {pipeline_mode = #tpu.pipeline_mode<synchronous>, transform_indices = @transform_3, window_bounds = array<i64: 1, 128>}, {pipeline_mode = #tpu.pipeline_mode<synchronous>, transform_indices = @transform_4, window_bounds = array<i64: 128, 128>}, {pipeline_mode = #tpu.pipeline_mode<synchronous>, transform_indices = @transform_5, window_bounds = array<i64: 1, 128>}, {pipeline_mode = #tpu.pipeline_mode<synchronous>, transform_indices = @transform_6, window_bounds = array<i64: 1, 128>}, {pipeline_mode = #tpu.pipeline_mode<synchronous>, transform_indices = @transform_7, window_bounds = array<i64: 1, 128>}, {pipeline_mode = #tpu.pipeline_mode<synchronous>, transform_indices = @transform_8, window_bounds = array<i64: 1, 128>}, {pipeline_mode = #tpu.pipeline_mode<synchronous>, transform_indices = @transform_9, window_bounds = array<i64: 1, 128>}, {transform_indices = @transform_10, window_bounds = array<i64: 2000, 128>}]} {
    %get3A = arith.constant 0 : index
    %get3A_0 = arith.constant 0 : index
    %get3A_1 = vector.load %arg1[%get3A, %get3A_0] : memref<2000x128xf32, #tpu.memory_space<vmem>>, vector<2000x128xf32>
    %get3A_2 = arith.constant 0 : index
    %get3A_3 = arith.constant 0 : index
    %get3A_4 = arith.constant 0 : index
    %get3A_5 = vector.load %arg2[%get3A_2, %get3A_3, %get3A_4] : memref<2x2000x128xf32, #tpu.memory_space<vmem>>, vector<1x2000x128xf32>
    %get3A_6 = vector.shape_cast %get3A_5 : vector<1x2000x128xf32> to vector<2000x128xf32>
    %get3A_7 = arith.constant 1 : index
    %get3A_8 = arith.constant 0 : index
    %get3A_9 = arith.constant 0 : index
    %get3A_10 = vector.load %arg2[%get3A_7, %get3A_8, %get3A_9] : memref<2x2000x128xf32, #tpu.memory_space<vmem>>, vector<1x2000x128xf32>
    %get3A_11 = vector.shape_cast %get3A_10 : vector<1x2000x128xf32> to vector<2000x128xf32>
    %add3A = arith.addf %get3A_6, %get3A_11 : vector<2000x128xf32>
    %add3A_12 = arith.addf %get3A_1, %add3A : vector<2000x128xf32>
    %get3A_13 = arith.constant 0 : index
    %get3A_14 = arith.constant 0 : index
    %get3A_15 = vector.load %arg3[%get3A_13, %get3A_14] : memref<128x128xf32, #tpu.memory_space<vmem>>, vector<128x128xf32>
    %dot_general3A = arith.constant dense<0.000000e+00> : vector<2000x128xf32>
    %dot_general3A_16 = tpu.matmul %add3A_12, %get3A_15, %dot_general3A {dimension_numbers = #tpu.dot_dimension_numbers<[1], [0], [0], [1], [0, 0, 1, 1], [], []>, transpose_lhs_hint = false} : vector<2000x128xf32>, vector<128x128xf32>, vector<2000x128xf32> -> vector<2000x128xf32>
    %get3A_17 = arith.constant 0 : index
    %get3A_18 = arith.constant 0 : index
    %get3A_19 = vector.load %arg4[%get3A_17, %get3A_18] : memref<1x128xf32, #tpu.memory_space<vmem>>, vector<1x128xf32>
    %add3A_20 = vector.broadcast %get3A_19 : vector<1x128xf32> to vector<2000x128xf32>
    %add3A_21 = arith.addf %dot_general3A_16, %add3A_20 : vector<2000x128xf32>
    %max3A = arith.constant 0.000000e+00 : f32
    %max3A_22 = vector.broadcast %max3A : f32 to vector<2000x128xf32>
    %max3A_23 = arith.maximumf %add3A_21, %max3A_22 : vector<2000x128xf32>
    %get3A_24 = arith.constant 0 : index
    %get3A_25 = arith.constant 0 : index
    %get3A_26 = vector.load %arg5[%get3A_24, %get3A_25] : memref<128x128xf32, #tpu.memory_space<vmem>>, vector<128x128xf32>
    %dot_general3A_27 = arith.constant dense<0.000000e+00> : vector<2000x128xf32>
    %dot_general3A_28 = tpu.matmul %max3A_23, %get3A_26, %dot_general3A_27 {dimension_numbers = #tpu.dot_dimension_numbers<[1], [0], [0], [1], [0, 0, 1, 1], [], []>, transpose_lhs_hint = false} : vector<2000x128xf32>, vector<128x128xf32>, vector<2000x128xf32> -> vector<2000x128xf32>
    %get3A_29 = arith.constant 0 : index
    %get3A_30 = arith.constant 0 : index
    %get3A_31 = vector.load %arg6[%get3A_29, %get3A_30] : memref<1x128xf32, #tpu.memory_space<vmem>>, vector<1x128xf32>
    %add3A_32 = vector.broadcast %get3A_31 : vector<1x128xf32> to vector<2000x128xf32>
    %add3A_33 = arith.addf %dot_general3A_28, %add3A_32 : vector<2000x128xf32>
    %reduce_sum3A = arith.constant dense<0.000000e+00> : vector<2000xf32>
    %reduce_sum3A_34 = vector.multi_reduction <add>, %add3A_33, %reduce_sum3A [1] : vector<2000x128xf32> to vector<2000xf32>
    %broadcast_in_dim3A = vector.shape_cast %reduce_sum3A_34 : vector<2000xf32> to vector<2000x1xf32>
    %div3A = arith.constant 1.280000e+02 : f32
    %div3A_35 = vector.broadcast %div3A : f32 to vector<2000x1xf32>
    %div3A_36 = arith.divf %broadcast_in_dim3A, %div3A_35 : vector<2000x1xf32>
    %sub3A = vector.broadcast %div3A_36 : vector<2000x1xf32> to vector<2000x128xf32>
    %sub3A_37 = arith.subf %add3A_33, %sub3A : vector<2000x128xf32>
    %integer_pow3A = arith.mulf %sub3A_37, %sub3A_37 : vector<2000x128xf32>
    %reduce_sum3A_38 = arith.constant dense<0.000000e+00> : vector<2000xf32>
    %reduce_sum3A_39 = vector.multi_reduction <add>, %integer_pow3A, %reduce_sum3A_38 [1] : vector<2000x128xf32> to vector<2000xf32>
    %broadcast_in_dim3A_40 = vector.shape_cast %reduce_sum3A_39 : vector<2000xf32> to vector<2000x1xf32>
    %div3A_41 = arith.constant 1.280000e+02 : f32
    %div3A_42 = vector.broadcast %div3A_41 : f32 to vector<2000x1xf32>
    %div3A_43 = arith.divf %broadcast_in_dim3A_40, %div3A_42 : vector<2000x1xf32>
    %sub3A_44 = vector.broadcast %div3A_36 : vector<2000x1xf32> to vector<2000x128xf32>
    %sub3A_45 = arith.subf %add3A_33, %sub3A_44 : vector<2000x128xf32>
    %add3A_46 = arith.constant 9.99999974E-6 : f32
    %add3A_47 = vector.broadcast %add3A_46 : f32 to vector<2000x1xf32>
    %add3A_48 = arith.addf %div3A_43, %add3A_47 : vector<2000x1xf32>
    %sqrt3A = math.sqrt %add3A_48 : vector<2000x1xf32>
    %div3A_49 = vector.broadcast %sqrt3A : vector<2000x1xf32> to vector<2000x128xf32>
    %div3A_50 = arith.divf %sub3A_45, %div3A_49 : vector<2000x128xf32>
    %get3A_51 = arith.constant 0 : index
    %get3A_52 = arith.constant 0 : index
    %get3A_53 = vector.load %arg7[%get3A_51, %get3A_52] : memref<1x128xf32, #tpu.memory_space<vmem>>, vector<1x128xf32>
    %mul3A = vector.broadcast %get3A_53 : vector<1x128xf32> to vector<2000x128xf32>
    %mul3A_54 = arith.mulf %div3A_50, %mul3A : vector<2000x128xf32>
    %get3A_55 = arith.constant 0 : index
    %get3A_56 = arith.constant 0 : index
    %get3A_57 = vector.load %arg8[%get3A_55, %get3A_56] : memref<1x128xf32, #tpu.memory_space<vmem>>, vector<1x128xf32>
    %add3A_58 = vector.broadcast %get3A_57 : vector<1x128xf32> to vector<2000x128xf32>
    %add3A_59 = arith.addf %mul3A_54, %add3A_58 : vector<2000x128xf32>
    %sqrt3A_60 = arith.constant 1.000010e+00 : f32
    %sqrt3A_61 = math.sqrt %sqrt3A_60 : f32
    %div3A_62 = vector.broadcast %sqrt3A_61 : f32 to vector<2000x128xf32>
    %div3A_63 = arith.divf %add3A_59, %div3A_62 : vector<2000x128xf32>
    %get3A_64 = arith.constant 0 : index
    %get3A_65 = arith.constant 0 : index
    %get3A_66 = vector.load %arg9[%get3A_64, %get3A_65] : memref<1x128xf32, #tpu.memory_space<vmem>>, vector<1x128xf32>
    %mul3A_67 = vector.broadcast %get3A_66 : vector<1x128xf32> to vector<2000x128xf32>
    %mul3A_68 = arith.mulf %div3A_63, %mul3A_67 : vector<2000x128xf32>
    %get3A_69 = arith.constant 0 : index
    %get3A_70 = arith.constant 0 : index
    %get3A_71 = vector.load %arg10[%get3A_69, %get3A_70] : memref<1x128xf32, #tpu.memory_space<vmem>>, vector<1x128xf32>
    %add3A_72 = vector.broadcast %get3A_71 : vector<1x128xf32> to vector<2000x128xf32>
    %add3A_73 = arith.addf %mul3A_68, %add3A_72 : vector<2000x128xf32>
    %max3A_74 = arith.constant 0.000000e+00 : f32
    %max3A_75 = vector.broadcast %max3A_74 : f32 to vector<2000x128xf32>
    %max3A_76 = arith.maximumf %add3A_73, %max3A_75 : vector<2000x128xf32>
    %swap3A = arith.constant 0 : index
    %swap3A_77 = arith.constant 0 : index
    %swap3A_78 = vector.load %arg11[%swap3A, %swap3A_77] : memref<2000x128xf32, #tpu.memory_space<vmem>>, vector<2000x128xf32>
    tpu.vector_store %arg11[%swap3A, %swap3A_77], %max3A_76 {strides = array<i32>} : memref<2000x128xf32, #tpu.memory_space<vmem>>, vector<2000x128xf32>,
    return
  }
  func.func @transform_0(%arg0: i32) -> (i32, i32) {
    %c0_i32 = arith.constant 0 : i32
    %c0_i32_0 = arith.constant 0 : i32
    return %arg0, %c0_i32 : i32, i32
  }
  func.func @transform_1(%arg0: i32) -> (i32, i32, i32) {
    %c0_i32 = arith.constant 0 : i32
    %c0_i32_0 = arith.constant 0 : i32
    %c0_i32_1 = arith.constant 0 : i32
    return %c0_i32, %arg0, %c0_i32_0 : i32, i32, i32
  }
  func.func @transform_2(%arg0: i32) -> (i32, i32) {
    %c0_i32 = arith.constant 0 : i32
    %c0_i32_0 = arith.constant 0 : i32
    %c0_i32_1 = arith.constant 0 : i32
    return %c0_i32, %c0_i32_0 : i32, i32
  }
  func.func @transform_3(%arg0: i32) -> (i32, i32) {
    %c0_i32 = arith.constant 0 : i32
    %c0_i32_0 = arith.constant 0 : i32
    %c0_i32_1 = arith.constant 0 : i32
    return %c0_i32, %c0_i32_0 : i32, i32
  }
  func.func @transform_4(%arg0: i32) -> (i32, i32) {
    %c0_i32 = arith.constant 0 : i32
    %c0_i32_0 = arith.constant 0 : i32
    %c0_i32_1 = arith.constant 0 : i32
    return %c0_i32, %c0_i32_0 : i32, i32
  }
  func.func @transform_5(%arg0: i32) -> (i32, i32) {
    %c0_i32 = arith.constant 0 : i32
    %c0_i32_0 = arith.constant 0 : i32
    %c0_i32_1 = arith.constant 0 : i32
    return %c0_i32, %c0_i32_0 : i32, i32
  }
  func.func @transform_6(%arg0: i32) -> (i32, i32) {
    %c0_i32 = arith.constant 0 : i32
    %c0_i32_0 = arith.constant 0 : i32
    %c0_i32_1 = arith.constant 0 : i32
    return %c0_i32, %c0_i32_0 : i32, i32
  }
  func.func @transform_7(%arg0: i32) -> (i32, i32) {
    %c0_i32 = arith.constant 0 : i32
    %c0_i32_0 = arith.constant 0 : i32
    %c0_i32_1 = arith.constant 0 : i32
    return %c0_i32, %c0_i32_0 : i32, i32
  }
  func.func @transform_8(%arg0: i32) -> (i32, i32) {
    %c0_i32 = arith.constant 0 : i32
    %c0_i32_0 = arith.constant 0 : i32
    %c0_i32_1 = arith.constant 0 : i32
    return %c0_i32, %c0_i32_0 : i32, i32
  }
  func.func @transform_9(%arg0: i32) -> (i32, i32) {
    %c0_i32 = arith.constant 0 : i32
    %c0_i32_0 = arith.constant 0 : i32
    %c0_i32_1 = arith.constant 0 : i32
    return %c0_i32, %c0_i32_0 : i32, i32
  }
  func.func @transform_10(%arg0: i32) -> (i32, i32) {
    %c0_i32 = arith.constant 0 : i32
    %c0_i32_0 = arith.constant 0 : i32
    return %arg0, %c0_i32 : i32, i32
  }
}

module attributes {stable_mosaic.version = 14 : i64} {
  func.func @_head_body(%arg0: i32, %arg1: memref<2048x256xf32, #tpu.memory_space<vmem>>, %arg2: memref<256x128xf32, #tpu.memory_space<vmem>>, %arg3: memref<1x128xf32, #tpu.memory_space<vmem>>, %arg4: memref<128x64xf32, #tpu.memory_space<vmem>>, %arg5: memref<1x64xf32, #tpu.memory_space<vmem>>, %arg6: memref<64x1xf32, #tpu.memory_space<vmem>>, %arg7: memref<1x1xf32, #tpu.memory_space<vmem>>, %arg8: memref<2048x1xf32, #tpu.memory_space<vmem>>) attributes {dimension_semantics = [#tpu.dimension_semantics<arbitrary>], iteration_bounds = array<i64: 8>, scalar_prefetch = 0 : i64, scratch_operands = 0 : i64, tpu.core_type = #tpu.core_type<tc>, window_params = [{transform_indices = @transform_0, window_bounds = array<i64: 2048, 256>}, {pipeline_mode = #tpu.pipeline_mode<synchronous>, transform_indices = @transform_1, window_bounds = array<i64: 256, 128>}, {pipeline_mode = #tpu.pipeline_mode<synchronous>, transform_indices = @transform_2, window_bounds = array<i64: 1, 128>}, {pipeline_mode = #tpu.pipeline_mode<synchronous>, transform_indices = @transform_3, window_bounds = array<i64: 128, 64>}, {pipeline_mode = #tpu.pipeline_mode<synchronous>, transform_indices = @transform_4, window_bounds = array<i64: 1, 64>}, {pipeline_mode = #tpu.pipeline_mode<synchronous>, transform_indices = @transform_5, window_bounds = array<i64: 64, 1>}, {pipeline_mode = #tpu.pipeline_mode<synchronous>, transform_indices = @transform_6, window_bounds = array<i64: 1, 1>}, {transform_indices = @transform_7, window_bounds = array<i64: 2048, 1>}]} {
    %get3A = arith.constant 0 : index
    %get3A_0 = arith.constant 0 : index
    %get3A_1 = vector.load %arg1[%get3A, %get3A_0] : memref<2048x256xf32, #tpu.memory_space<vmem>>, vector<2048x256xf32>
    %get3A_2 = arith.constant 0 : index
    %get3A_3 = arith.constant 0 : index
    %get3A_4 = vector.load %arg2[%get3A_2, %get3A_3] : memref<256x128xf32, #tpu.memory_space<vmem>>, vector<256x128xf32>
    %dot_general3A = arith.constant dense<0.000000e+00> : vector<2048x128xf32>
    %dot_general3A_5 = tpu.matmul %get3A_1, %get3A_4, %dot_general3A {dimension_numbers = #tpu.dot_dimension_numbers<[1], [0], [0], [1], [0, 0, 1, 1], [], []>, transpose_lhs_hint = false} : vector<2048x256xf32>, vector<256x128xf32>, vector<2048x128xf32> -> vector<2048x128xf32>
    %get3A_6 = arith.constant 0 : index
    %get3A_7 = arith.constant 0 : index
    %get3A_8 = vector.load %arg3[%get3A_6, %get3A_7] : memref<1x128xf32, #tpu.memory_space<vmem>>, vector<1x128xf32>
    %add3A = vector.broadcast %get3A_8 : vector<1x128xf32> to vector<2048x128xf32>
    %add3A_9 = arith.addf %dot_general3A_5, %add3A : vector<2048x128xf32>
    %max3A = arith.constant 0.000000e+00 : f32
    %max3A_10 = vector.broadcast %max3A : f32 to vector<2048x128xf32>
    %max3A_11 = arith.maximumf %add3A_9, %max3A_10 : vector<2048x128xf32>
    %get3A_12 = arith.constant 0 : index
    %get3A_13 = arith.constant 0 : index
    %get3A_14 = vector.load %arg4[%get3A_12, %get3A_13] : memref<128x64xf32, #tpu.memory_space<vmem>>, vector<128x64xf32>
    %dot_general3A_15 = arith.constant dense<0.000000e+00> : vector<2048x64xf32>
    %dot_general3A_16 = tpu.matmul %max3A_11, %get3A_14, %dot_general3A_15 {dimension_numbers = #tpu.dot_dimension_numbers<[1], [0], [0], [1], [0, 0, 1, 1], [], []>, transpose_lhs_hint = false} : vector<2048x128xf32>, vector<128x64xf32>, vector<2048x64xf32> -> vector<2048x64xf32>
    %get3A_17 = arith.constant 0 : index
    %get3A_18 = arith.constant 0 : index
    %get3A_19 = vector.load %arg5[%get3A_17, %get3A_18] : memref<1x64xf32, #tpu.memory_space<vmem>>, vector<1x64xf32>
    %add3A_20 = vector.broadcast %get3A_19 : vector<1x64xf32> to vector<2048x64xf32>
    %add3A_21 = arith.addf %dot_general3A_16, %add3A_20 : vector<2048x64xf32>
    %max3A_22 = arith.constant 0.000000e+00 : f32
    %max3A_23 = vector.broadcast %max3A_22 : f32 to vector<2048x64xf32>
    %max3A_24 = arith.maximumf %add3A_21, %max3A_23 : vector<2048x64xf32>
    %get3A_25 = arith.constant 0 : index
    %get3A_26 = arith.constant 0 : index
    %get3A_27 = vector.load %arg6[%get3A_25, %get3A_26] : memref<64x1xf32, #tpu.memory_space<vmem>>, vector<64x1xf32>
    %dot_general3A_28 = arith.constant dense<0.000000e+00> : vector<2048x1xf32>
    %dot_general3A_29 = tpu.matmul %max3A_24, %get3A_27, %dot_general3A_28 {dimension_numbers = #tpu.dot_dimension_numbers<[1], [0], [0], [1], [0, 0, 1, 1], [], []>, transpose_lhs_hint = false} : vector<2048x64xf32>, vector<64x1xf32>, vector<2048x1xf32> -> vector<2048x1xf32>
    %get3A_30 = arith.constant 0 : index
    %get3A_31 = arith.constant 0 : index
    %get3A_32 = vector.load %arg7[%get3A_30, %get3A_31] : memref<1x1xf32, #tpu.memory_space<vmem>>, vector<1x1xf32>
    %add3A_33 = vector.broadcast %get3A_32 : vector<1x1xf32> to vector<2048x1xf32>
    %add3A_34 = arith.addf %dot_general3A_29, %add3A_33 : vector<2048x1xf32>
    %swap3A = arith.constant 0 : index
    %swap3A_35 = arith.constant 0 : index
    %swap3A_36 = vector.load %arg8[%swap3A, %swap3A_35] : memref<2048x1xf32, #tpu.memory_space<vmem>>, vector<2048x1xf32>
    tpu.vector_store %arg8[%swap3A, %swap3A_35], %add3A_34 {strides = array<i32>} : memref<2048x1xf32, #tpu.memory_space<vmem>>, vector<2048x1xf32>,
    return
  }
  func.func @transform_0(%arg0: i32) -> (i32, i32) {
    %c0_i32 = arith.constant 0 : i32
    %c0_i32_0 = arith.constant 0 : i32
    return %arg0, %c0_i32 : i32, i32
  }
  func.func @transform_1(%arg0: i32) -> (i32, i32) {
    %c0_i32 = arith.constant 0 : i32
    %c0_i32_0 = arith.constant 0 : i32
    %c0_i32_1 = arith.constant 0 : i32
    return %c0_i32, %c0_i32_0 : i32, i32
  }
  func.func @transform_2(%arg0: i32) -> (i32, i32) {
    %c0_i32 = arith.constant 0 : i32
    %c0_i32_0 = arith.constant 0 : i32
    %c0_i32_1 = arith.constant 0 : i32
    return %c0_i32, %c0_i32_0 : i32, i32
  }
  func.func @transform_3(%arg0: i32) -> (i32, i32) {
    %c0_i32 = arith.constant 0 : i32
    %c0_i32_0 = arith.constant 0 : i32
    %c0_i32_1 = arith.constant 0 : i32
    return %c0_i32, %c0_i32_0 : i32, i32
  }
  func.func @transform_4(%arg0: i32) -> (i32, i32) {
    %c0_i32 = arith.constant 0 : i32
    %c0_i32_0 = arith.constant 0 : i32
    %c0_i32_1 = arith.constant 0 : i32
    return %c0_i32, %c0_i32_0 : i32, i32
  }
  func.func @transform_5(%arg0: i32) -> (i32, i32) {
    %c0_i32 = arith.constant 0 : i32
    %c0_i32_0 = arith.constant 0 : i32
    %c0_i32_1 = arith.constant 0 : i32
    return %c0_i32, %c0_i32_0 : i32, i32
  }
  func.func @transform_6(%arg0: i32) -> (i32, i32) {
    %c0_i32 = arith.constant 0 : i32
    %c0_i32_0 = arith.constant 0 : i32
    %c0_i32_1 = arith.constant 0 : i32
    return %c0_i32, %c0_i32_0 : i32, i32
  }
  func.func @transform_7(%arg0: i32) -> (i32, i32) {
    %c0_i32 = arith.constant 0 : i32
    %c0_i32_0 = arith.constant 0 : i32
    return %arg0, %c0_i32 : i32, i32
  }
}

</mosaic_0001>

<sc_bundles>
// kernel: kernel.18.cloned.1.call-start
scs
__scs_entry_jumppad:
0x0: {  	(pc) =	sbr.rel $0x88, $3  }
0x1: {  	(tag) =	ssettag $0x0;
	lr =	simm.s32 $0x1  }
0x2: {  	[smem:$0x3F89] =	sst lr;
	_ =	strace $0xD0000000  }
0x3: {  	_ = 	snop  }
0x4: {  	_ = 	snop  }
0x5: {  	_ = 	snop  }
0x6: {  	_ = 	snop  }
0x7: {  	_ = 	snop  }
__scs_overlays_trampoline_lowered:
0x8: {  	[smem:$0x3F98] =	sst s0  }
0x9: {  	[smem:$0x3F99] =	sst s1  }
0xa: {  	[smem:$0x3F9A] =	sst s2  }
0xb: {  	[smem:$0x3F9B] =	sst s3  }
0xc: {  	[smem:$0x3F9C] =	sst s4  }
0xd: {  	[smem:$0x3F9D] =	sst s5  }
0xe: {  	[smem:$0x3F9E] =	sst s6  }
0xf: {  	[smem:$0x3F9F] =	sst s7  }
0x10: {  	[smem:$0x3FA0] =	sst s8  }
0x11: {  	[smem:$0x3FA1] =	sst s9;
	s0 =	simm.s32 @!p0 $0x0  }
0x12: {  	s1 =	sld [smem:$0x3F87];
	s0 =	simm.s32 @p0 $0x1  }
0x13: {  	[smem:$0x3FA2] =	sst s0;
	s0 =	simm.s32 @!p1 $0x0  }
0x14: {  	s2 =	sld [smem:$0x3F86];
	s0 =	simm.s32 @p1 $0x1  }
0x15: {  	[smem:$0x3FA3] =	sst s0;
	s0 =	simm.s32 @!p2 $0x0  }
0x16: {  	s3 =	sld [smem:$0x3FDB];
	s0 =	simm.s32 @p2 $0x1  }
0x17: {  	s4 =	simm.s32 $0x1BF5;
	[smem:$0x3FA5] =	sst s0  }
0x18: {  	s0 =	sld [smem:$0x3F88];
	_ =	swait.ge [sflag:s4], $0x0  }
0x19: {  	s7 =	sld [smem:$0x3F89]  }
0x1a: {  	s8 =	sadd.s32 $0xFFFFE003, lr  }
0x1b: {  	s9 =	sadd.s32 $0xFFFFFEF7, lr;
	s5 =	simm.s32 $0xFFFFFFFF;
	p2 =	slt.u32 s8, $0xFFFFF086  }
0x1c: {  	p1 =	slt.u32 s9, $0xF7A;
	s5 =	simm.s32 @!p2 $0x0  }
0x1d: {  	s5 =	simm.s32 @p1 $0x1;
	p0 =	seq.s32 s7, s2  }
0x1e: {  	s7 =	smul.u32 @!p0 $0xF7A, s2;
	p2 =	seq.s32 @!p0 s5, $0x0  }
0x1f: {  	s9 =	smul.u32 $0xF7A, s1;
	s8 =	simm.s32 @!p0 $0x1BF5;
	p2 =	por !p2, p0  }
0x20: {  	[sflag:s8] =	ssyncset.s32 @!p0 $0xFFFFF086;
	s6 =	sadd.s32 @!p0 s3, s7;
	s7 =	simm.s32 @!p0 $0x108  }
0x21: {  	s3 =	sadd.s32 s3, s9;
	s6 =	sadd.s32 @!p0 $0x88, s6;
	s7 =	simm.s32 @p2 $0x1082  }
0x22: {  	[simem:s7], [sflag:s8] =	dma.local @!p0 [hbm:s6], $0xF7A  }
0x23: {  	s9 =	sor.u32 $0xD0000000, s2;
	s6 =	simm.s32 $0x108;
	_ =	swait.ge @!p0 [sflag:s8], $0x0  }
0x24: {  	s3 =	sadd.s32 $0x88, s3;
	s6 =	simm.s32 @!p1 $0x1082;
	[sflag:s4] =	ssyncset.s32 $0xFFFFF086  }
0x25: {  	[simem:s6], [sflag:s4] =	dma.local [hbm:s3], $0xF7A  }
0x26: {  	[smem:$0x3F89] =	sst s1;
	(tag) =	ssettag s2;
	_ =	strace s9  }
0x27: {  	s1 =	sld [smem:$0x3F99]  }
0x28: {  	s2 =	sld [smem:$0x3F9A]  }
0x29: {  	s4 =	sld [smem:$0x3F9C]  }
0x2a: {  	p0 =	seq.s32 s5, $0x0;
	s5 =	sld [smem:$0x3F9D]  }
0x2b: {  	s6 =	sld [smem:$0x3F9E]  }
0x2c: {  	s7 =	sld [smem:$0x3F9F]  }
0x2d: {  	s3 =	simm.s32 $0x108;
	s8 =	sld [smem:$0x3FA0]  }
0x2e: {  	s3 =	simm.s32 @!p0 $0x1082;
	s9 =	sld [smem:$0x3FA1]  }
0x2f: {  	lr =	sadd.s32 s0, s3;
	s0 =	sld [smem:$0x3F98]  }
0x30: {  	s3 =	sld [smem:$0x3F9B]  }
0x31: {  	[smem:$0x3FA4] =	sst s10  }
0x32: {  	s10 =	sld [smem:$0x3FA2];
	_ =	sdelay $0x3  }
0x33: {  	p0 =	seq.s32 s10, $0x1;
	s10 =	sld [smem:$0x3FA4];
	_ =	sdelay $0x3  }
0x34: {  	[smem:$0x3FA4] =	sst s10  }
0x35: {  	s10 =	sld [smem:$0x3FA3];
	_ =	sdelay $0x3  }
0x36: {  	p1 =	seq.s32 s10, $0x1;
	s10 =	sld [smem:$0x3FA4];
	_ =	sdelay $0x3  }
0x37: {  	[smem:$0x3FA4] =	sst s10  }
0x38: {  	s10 =	sld [smem:$0x3FA5]  }
0x39: {  	_ = 	snop;
	(pc) =	sbr.ind lr, $3  }
0x3a: {  	_ = 	snop  }
0x3b: {  	_ = 	snop  }
0x3c: {  	p2 =	seq.s32 s10, $0x1;
	s10 =	sld [smem:$0x3FA4]  }
0x3d: {  	_ =	shalt  }
0x3e: {  	_ =	shalt  }
0x3f: {  	_ =	shalt  }
0x40: {  	_ =	shalt  }
0x41: {  	_ =	shalt  }
0x42: {  	_ =	shalt  }
0x43: {  	_ =	shalt  }
0x44: {  	_ =	shalt  }
0x45: {  	_ =	shalt  }
0x46: {  	_ =	shalt  }
0x47: {  	_ =	shalt  }
0x48: {  	_ =	shalt  }
0x49: {  	_ =	shalt  }
0x4a: {  	_ =	shalt  }
0x4b: {  	_ =	shalt  }
0x4c: {  	_ =	shalt  }
0x4d: {  	_ =	shalt  }
0x4e: {  	_ =	shalt  }
0x4f: {  	_ =	shalt  }
0x50: {  	_ =	shalt  }
0x51: {  	_ =	shalt  }
0x52: {  	_ =	shalt  }
0x53: {  	_ =	shalt  }
0x54: {  	_ =	shalt  }
0x55: {  	_ =	shalt  }
0x56: {  	_ =	shalt  }
0x57: {  	_ =	shalt  }
0x58: {  	_ =	shalt  }
0x59: {  	_ =	shalt  }
0x5a: {  	_ =	shalt  }
0x5b: {  	_ =	shalt  }
0x5c: {  	_ =	shalt  }
0x5d: {  	_ =	shalt  }
0x5e: {  	_ =	shalt  }
0x5f: {  	_ =	shalt  }
0x60: {  	_ =	shalt  }
0x61: {  	_ =	shalt  }
0x62: {  	_ =	shalt  }
0x63: {  	_ =	shalt  }
0x64: {  	_ =	shalt  }
0x65: {  	_ =	shalt  }
0x66: {  	_ =	shalt  }
0x67: {  	_ =	shalt  }
0x68: {  	_ =	shalt  }
0x69: {  	_ =	shalt  }
0x6a: {  	_ =	shalt  }
0x6b: {  	_ =	shalt  }
0x6c: {  	_ =	shalt  }
0x6d: {  	_ =	shalt  }
0x6e: {  	_ =	shalt  }
0x6f: {  	_ =	shalt  }
0x70: {  	_ =	shalt  }
0x71: {  	_ =	shalt  }
0x72: {  	_ =	shalt  }
0x73: {  	_ =	shalt  }
0x74: {  	_ =	shalt  }
0x75: {  	_ =	shalt  }
0x76: {  	_ =	shalt  }
0x77: {  	_ =	shalt  }
0x78: {  	_ =	shalt  }
0x79: {  	_ =	shalt  }
0x7a: {  	_ =	shalt  }
0x7b: {  	_ =	shalt  }
0x7c: {  	_ =	shalt  }
0x7d: {  	_ =	shalt  }
0x7e: {  	_ =	shalt  }
0x7f: {  	_ =	shalt  }
0x80: {  	_ =	shalt  }
0x81: {  	_ =	shalt  }
0x82: {  	_ =	shalt  }
0x83: {  	_ =	shalt  }
0x84: {  	_ =	shalt  }
0x85: {  	_ =	shalt  }
0x86: {  	_ =	shalt  }
0x87: {  	_ =	shalt  }
.Lfunc_end0:
.L_simem_size_0:
called_computation_lowered:
.L_overlay_start_0:
0x88: {  	s2 =	sld [smem:$0x3FD9]  }
0x89: {  	s3 =	sld [smem:$0x3FFE];
	_ =	sdelay $0x1  }
0x8a: {  	s1 =	srdreg.scid  }
0x8b: {  	s0 =	sand.u32 $0x1, s1  }
0x8c: {  	s16 =	sshll.u32 s0, $0xA;
	s2 =	sadd.s32 s3, s2  }
0x8d: {  	s2 =	sadd.s32 s2, s16  }
0x8e: {  	[smem:$0x3FB0] =	sst s2  }
0x8f: {  	_ = 	snop  }
0x90: {  	(tm) =	ssettm $0x1  }
0x91: {  	s17 =	sld [smem:$0x3FFB];
	_ =	sdelay $0x3  }
0x92: {  	_ =	strace s17  }
0x93: {  	s2 =	sld [smem:$0x3FFC];
	_ =	sdelay $0x3  }
0x94: {  	_ =	strace s2  }
0x95: {  	s2 =	sld [smem:$0x3FFD];
	_ =	sdelay $0x3  }
0x96: {  	_ =	strace s2  }
0x97: {  	_ =	strace $0x8FFFFFFF  }
0x98: {  	s18 =	sld [smem:$0x3FDB];
	_ =	sdelay $0x1  }
0x99: {  	s19 =	simm.s32 $_scs_section_size  }
0x9a: {  	s4 =	simm.s32 $_size__tile_overlayer_lowered;
	s5 =	simm.s32 $_tile_overlayer_lowered  }
0x9b: {  	s22 =	simm.s32 $0x1BFF;
	s21 =	sshll.u32 s5, $0x1;
	s2 =	sadd.s32 s19, s18  }
0x9c: {  	s6 =	simm.s32 $0x0;
	s20 =	sshll.u32 s4, $0x1;
	s4 =	sadd.s32 s21, s2  }
0x9d: {  	[timem:s6], [sflag:s22] =	dma.local [hbm:s4], s20  }
0x9e: {  	_ =	swait.ge [sflag:s22], s20  }
0x9f: {  	s3 =	ssub.s32 $0x0, s20;
	[sflag:s22] =	ssyncset.done $0x0  }
0xa0: {  	[sflag:s22] =	ssyncadd.s32 s3;
	_ =	sdelay $0x1  }
0xa1: {  	s23 =	simm.s32 $0x1B8B  }
0xa2: {  	_ =	swait.ge [sflag:s23], $0x1  }
0xa3: {  	[sflag:s23] =	ssyncset.done $0x0  }
0xa4: {  	s25 =	simm.s32 $0x1B8E;
	s24 =	sld [smem:$0x3FFE];
	[sflag:s23] =	ssyncadd.s32 $0xFFFFFFFF  }
0xa5: {  	s26 =	simm.s32 $execute0_lowered;
	[smem:$0x3FD2] =	sst s25  }
0xa6: {  	s4 =	sshll.u32 s26, $0x1;
	_ =	strace $0x80000046;
	[dreg:$0x1] =	wrdreg $0xFFFFFFFF  }
0xa7: {  	s28 =	simm.s32 $_size_execute0_lowered;
	s2 =	sadd.s32 s2, s4;
	[dreg:$0x0] =	wrdreg $0x0  }
0xa8: {  	s4 =	sshll.u32 s28, $0x1;
	[dreg:$0x2] =	wrdreg s2  }
0xa9: {  	[dreg:$0x3] =	wrdreg s4  }
0xaa: {  	[dreg:$0x4] =	wrdreg $0xC0  }
0xab: {  	_ =	task [dreg:s6], $0x5FFFF  }
0xac: {  	[dreg:$0x1] =	wrdreg $0xFFFFFFFF  }
0xad: {  	[dreg:$0x0] =	wrdreg $0x60  }
0xae: {  	[dreg:$0x2] =	wrdreg s24  }
0xaf: {  	[dreg:$0x3] =	wrdreg $0xA0800  }
0xb0: {  	[dreg:$0x4] =	wrdreg $0x9  }
0xb1: {  	_ =	task.clear_ibuf [dreg:s6], $0x5FFFF;
	_ =	strace $0x90000046  }
0xb2: {  	s29 =	simm.s32 $0x9;
	_ =	strace $0x80000048  }
0xb3: {  	_ =	swait.ge [sflag:s29], $0x1  }
0xb4: {  	[sflag:s29] =	ssyncadd.s32 $0xFFFFFFFF  }
0xb5: {  	_ =	strace $0x90000048  }
0xb6: {  	_ =	sfence  }
0xb7: {  	s30 =	sld [smem:$0x0];
	_ =	sdelay $0x2  }
0xb8: {  	s31 =	sshll.u32 s1, $0xD;
	s1 =	sshrl.u32 s1, $0x2  }
0xb9: {  	s3 =	sand.u32 $0x4000, s31;
	s1 =	sadd.s32 s1, s30  }
0xba: {  	s0 =	sor.u32 s3, s0;
	s1 =	sshll.u32 s1, $0x11  }
0xbb: {  	s0 =	sor.u32 s1, s0  }
0xbc: {  	s0 =	sadd.s32 $0x8F2B, s0  }
0xbd: {  	[sflag:s0] =	ssyncadd.remote.s32 $0x1  }
0xbe: {  	_ =	sfence.sel $0xFFFF  }
0xbf: {  	[dreg:$0x0] =	wrdreg $0xFFFFFFFF;
	(pc) =	sbr.abs _section_cstart, $3  }
0xc0: {  	[dreg:$0x1] =	wrdreg $0xFFFFFFFF  }
0xc1: {  	_ =	task.clear_ibuf [dreg:s6], $0x2FFFF;
	_ =	strace $0x9FFFFFFF  }
0xc2: {  	(tm) =	ssettm $0x7FFFFFFF  }
0xc3: {  	_ =	shalt  }
tec
execute0_lowered:
.L_overlay_start_1:
0x0: {  	(tag) =	ssettag $0x1  }
0x1: {  	s1 =	srdreg.scid;
	s3 =	rddreg [dreg:$0x0]  }
0x2: {  	s0 =	stileid.u32;
	s2 =	rddreg [dreg:$0x1]  }
0x3: {  	s5 =	simm.s32 $0x0;
	s1 =	sand.u32 $0x1, s1;
	s13 =	smul.u32 $0x6400, s0  }
0x4: {  	s4 =	sshll.u32 s0, $0x1;
	s16 =	smul.u32 $0x19000, s0;
	s17 =	sor.u32 $0x10, s0  }
0x5: {  	s8 =	sor.u32 s1, s4;
	s11 =	ssub.s32 $0x2, s1;
	s1 =	smul.u32 $0x138800, s1  }
0x6: {  	s29 =	simm.s32 $0x1;
	s19 =	sor.u32 $0x20, s0;
	s18 =	smul.u32 $0x6400, s17  }
0x7: {  	s30 =	simm.s32 $0x3;
	s31 =	simm.s32 $0x9F80;
	s20 =	smul.u32 $0x6400, s19  }
0x8: {  	s28 =	simm.s32 $0x8;
	[smem:$0x7FF] =	sst s5;
	s4 =	smul.u32 $0x2710, s8  }
0x9: {  	s5 =	sadd.s32 $0x771600, s3;
	s6 =	sadd.s32 $0x9C00, s3;
	s10 =	smul.u32 $0x27100, s8  }
0xa: {  	_ =	strace $0x80000047;
	s8 =	smul.u32 $0x138800, s8;
	s12 =	sshrl.u32 s11, $0x1  }
0xb: {  	s12 =	ssub.s32 s11, s12;
	s15 =	sadd.s32 s1, s13;
	s13 =	sadd.s32 s1, s20  }
0xc: {  	s20 =	simm.s32 $0x2;
	s7 =	sshrl.u32 s4, $0x3;
	s8 =	sshrl.u32 s8, $0x3  }
0xd: {  	s14 =	sadd.s32 s6, s10;
	s11 =	sadd.s32 $0x28, s4;
	s12 =	smax.u32 s12, $0x1  }
0xe: {  	s10 =	smul.u32 $0x19000, s17;
	s13 =	sshrl.u32 s13, $0x3;
	s9 =	sadd.s32 s7, s3  }
0xf: {  	s7 =	sadd.s32 $0x4ECA00, s3;
	s3 =	sadd.s32 $0x798800, s3;
	[dreg:$0x4] =	wrdreg s14  }
0x10: {  	s8 =	sadd.s32 s6, s8;
	[dreg:$0x6] =	wrdreg s12;
	s12 =	smul.u32 $0x19000, s19  }
0x11: {  	s14 =	sor.u32 $0x30, s0;
	s19 =	simm.s32 $0x28;
	s9 =	sadd.s32 $0x4F6800, s9  }
0x12: {  	s8 =	sadd.s32 $0x280, s8;
	s21 =	sshrl.u32 s10, $0x2;
	s22 =	smul.u32 $0x6400, s14  }
0x13: {  	s13 =	sadd.s32 s3, s13;
	p0 =	sgt.u32 s14, $0x31;
	[dreg:$0x3] =	wrdreg s9  }
0x14: {  	s10 =	simm.s32 $0x6;
	[dreg:$0x5] =	wrdreg s8;
	s8 =	sshrl.u32 s15, $0x3  }
0x15: {  	s9 =	sshrl.u32 s16, $0x2;
	s15 =	smul.u32 $0x19000, s14;
	s12 =	sshrl.u32 s12, $0x2  }
0x16: {  	s16 =	smul.u32 $0x5000, s0;
	[dreg:$0x9] =	wrdreg s13;
	s8 =	sadd.s32 s3, s8  }
0x17: {  	s9 =	sadd.s32 s9, s2;
	s12 =	sadd.s32 s12, s2;
	[dreg:$0x7] =	wrdreg s8  }
0x18: {  	s8 =	sadd.s32 s1, s18;
	s1 =	sadd.s32 s1, s22;
	s23 =	sshrl.u32 s15, $0x2  }
0x19: {  	s24 =	sshrl.u32 s16, $0x2;
	s18 =	simm.s32 $0x9;
	s25 =	sshrl.u32 s9, $0x3  }
0x1a: {  	s9 =	simm.s32 $0x5;
	s8 =	sshrl.u32 s8, $0x3;
	s1 =	sshrl.u32 s1, $0x3  }
0x1b: {  	s17 =	sadd.s32 s24, s2;
	[dreg:$0xb] =	wrdreg s25;
	s24 =	sshrl.u32 s12, $0x3  }
0x1c: {  	s12 =	simm.s32 $0x0;
	s8 =	sadd.s32 s3, s8;
	s1 =	sadd.s32 s3, s1  }
0x1d: {  	s3 =	simm.s32 $0x7780;
	[dreg:$0x8] =	wrdreg s8;
	s8 =	sadd.s32 s21, s2  }
0x1e: {  	[dreg:$0xa] =	wrdreg s1;
	s1 =	sadd.s32 s23, s2;
	s21 =	simm.s32 $0x4  }
0x1f: {  	s26 =	sshrl.u32 s8, $0x3;
	s25 =	sshrl.u32 @!p0 s1, $0x3;
	s1 =	simm.s32 $0x7  }
0x20: {  	v0 =	vimm.f32 $0.0e+00;
	s8 =	simm.s32 $0x8B80;
	[dreg:$0xc] =	wrdreg s26;
	s26 =	simm.s32 $0xA000  }
.LBB2_1:
0x21: {  	s13 =	simm.s32 $0x0;
	s14 =	rddreg [dreg:$0x3]  }
0x22: {  	[tilespmem:s13], [sflag:$0x9] =	stream.linear.gather [hbm4b:s14+s13], $0x2710, $0x38;
	[tilespmem:$0x1D900] =	vst v63  }
0x23: {  	_ =	swait.ge [sflag:s18], $0x2710  }
0x24: {  	[sflag:s18] =	ssyncset.done $0x0  }
0x25: {  	s13 =	simm.s32 $0x0;
	s14 =	simm.s32 $0x200;
	[sflag:s18] =	ssyncadd.s32 $0xFFFFD8F0  }
.LBB2_2:
0x26: {  	p1 =	sne.s32 s14, $0x4E00;
	[tilespmem:s13+$0x27F0] =	vst v0  }
0x27: {  	[tilespmem:s13+$0x2780] =	vst v0  }
0x28: {  	[tilespmem:s13+$0x2790] =	vst v0  }
.Ltmp0:
0x29: {  	[tilespmem:s13+$0x27A0] =	vst v0;
	(pc) =	sbr.rel @p1 .LBB2_2-.Ltmp0, $4  }
0x2a: {  	[tilespmem:s13+$0x27B0] =	vst v0  }
0x2b: {  	[tilespmem:s13+$0x27C0] =	vst v0  }
0x2c: {  	[tilespmem:s13+$0x27D0] =	vst v0  }
0x2d: {  	[tilespmem:s13+$0x27E0] =	vst v0;
	s13 =	sshra.s32 s14, $0x2;
	s14 =	sadd.s32 $0x200, s14  }
0x2e: {  	[tilespmem:s13+$0x27F0] =	vst v0  }
0x2f: {  	[tilespmem:s13+$0x2780] =	vst v0  }
0x30: {  	[tilespmem:s13+$0x2790] =	vst v0  }
0x31: {  	[tilespmem:s13+$0x27A0] =	vst v0  }
0x32: {  	[tilespmem:s13+$0x27B0] =	vst v0  }
0x33: {  	[tilespmem:s13+$0x27C0] =	vst v0;
	s14 =	sadd.s32 $0x0, s0  }
0x34: {  	[tilespmem:s13+$0x27D0] =	vst v0;
	p1 =	sgt.u32 s14, $0xF9  }
0x35: {  	[tilespmem:s13+$0x27E0] =	vst v0;
	s13 =	simm.s32 @!p1 $0x2780;
	s16 =	simm.s32 @!p1 $0x9  }
0x36: {  	[spmem:s17] =	stream.linear.scatter @!p1 [tilespmem:s13], [sflag:$0x9], $0x1400, $0x38;
	[tilespmem:$0x1D900] =	vst v63  }
0x37: {  	s15 =	simm.s32 $0x20;
	_ =	swait.ge @!p1 [sflag:s16], $0x1400  }
0x38: {  	s14 =	simm.s32 $0x10;
	s13 =	sadd.s32 $0x14000, s17;
	[sflag:s16] =	ssyncset.done @!p1 $0x0  }
.LBB2_4:
0x39: {  	s22 =	sadd.s32 s14, s0;
	s14 =	smov.u32 s15;
	s15 =	sadd.s32 $0x10, s15  }
0x3a: {  	[sflag:s16] =	ssyncadd.s32 @!p1 $0xFFFFEC00;
	p2 =	sne.s32 s15, $0x100  }
.Ltmp1:
0x3b: {  	p1 =	sgt.u32 s22, $0xF9;
	(pc) =	sbr.rel @p2 .LBB2_4-.Ltmp1, $4  }
0x3c: {  	s22 =	simm.s32 @!p1 $0x2780;
	s16 =	simm.s32 @!p1 $0x9  }
0x3d: {  	[spmem:s13] =	stream.linear.scatter @!p1 [tilespmem:s22], [sflag:$0x9], $0x1400, $0x38;
	[tilespmem:$0x1D900] =	vst v63  }
0x3e: {  	_ =	swait.ge @!p1 [sflag:s16], $0x1400  }
0x3f: {  	s13 =	sadd.s32 $0x14000, s13;
	[sflag:s16] =	ssyncset.done @!p1 $0x0  }
0x40: {  	s14 =	sadd.s32 s14, s0  }
0x41: {  	p2 =	sgt.u32 s14, $0xF9  }
0x42: {  	[sflag:s16] =	ssyncadd.s32 @!p1 $0xFFFFEC00;
	s14 =	simm.s32 @!p2 $0x2780;
	s15 =	simm.s32 @!p2 $0x9  }
0x43: {  	[spmem:s13] =	stream.linear.scatter @!p2 [tilespmem:s14], [sflag:$0x9], $0x1400, $0x38;
	[tilespmem:$0x1D900] =	vst v63  }
0x44: {  	_ =	swait.ge @!p2 [sflag:s15], $0x1400  }
0x45: {  	[sflag:s15] =	ssyncset.done @!p2 $0x0  }
0x46: {  	[sflag:s15] =	ssyncadd.s32 @!p2 $0xFFFFEC00  }
0x47: {  	s16 =	simm.s32 $0x2780;
	s13 =	simm.s32 $0x0;
	[bflag:$0x0] =	sbarrier.arrive $0xFFFF  }
0x48: {  	[tilespmem:s16], [sflag:$0x1] =	stream.indirect.gather [hbm4b:s5+s19], $0x80, s13, s19, $0xb8;
	[tilespmem:$0x1D900] =	vst v63  }
0x49: {  	s23 =	simm.s32 $0x4F80;
	s22 =	rddreg [dreg:$0x4]  }
0x4a: {  	[tilespmem:s23], [sflag:$0x3] =	stream.linear.gather [hbm4b:s22+s13], $0x1400, $0x38;
	[tilespmem:$0x1D900] =	vst v63  }
0x4b: {  	s16 =	simm.s32 $0x3B80  }
0x4c: {  	[tilespmem:s16], [sflag:$0x2] =	stream.indirect.gather [hbm4b:s5+s19], $0x80, s19, s19, $0xb8;
	[tilespmem:$0x1D900] =	vst v63  }
0x4d: {  	s14 =	simm.s32 $0x0;
	s22 =	rddreg [dreg:$0x5];
	s23 =	simm.s32 $0x6380  }
0x4e: {  	[tilespmem:s23], [sflag:$0x4] =	stream.linear.gather [hbm4b:s22+s13], $0x1400, $0x38;
	[tilespmem:$0x1D900] =	vst v63  }
.LBB2_6:
0x4f: {  	_ =	swait.ge [sflag:s29], $0x1400  }
0x50: {  	[sflag:s29] =	ssyncset.done $0x0  }
0x51: {  	[sflag:s29] =	ssyncadd.s32 $0xFFFFEC00  }
0x52: {  	_ =	swait.ge [sflag:s30], $0x1400  }
0x53: {  	p2 =	seq.s32 s14, $0x0;
	s15 =	smul.u32 $0x50, s14;
	[sflag:s30] =	ssyncset.done $0x0  }
0x54: {  	s16 =	simm.s32 @!p2 $0x5;
	[sflag:s30] =	ssyncadd.s32 $0xFFFFEC00  }
0x55: {  	s22 =	sadd.s32 s4, s15;
	_ =	swait.ge @!p2 [sflag:s16], $0x1400  }
0x56: {  	s22 =	sshrl.u32 s22, $0x3;
	[sflag:s16] =	ssyncset.done @!p2 $0x0  }
0x57: {  	s23 =	sadd.s32 s7, s22;
	[sflag:s16] =	ssyncadd.s32 @!p2 $0xFFFFEC00;
	s16 =	simm.s32 $0x0  }
0x58: {  	[tilespmem:s31], [sflag:$0x7] =	stream.linear.gather [hbm4b:s23+s13], $0x28, $0x38;
	[tilespmem:$0x1D900] =	vst v63  }
0x59: {  	v1 =	vld [tilespmem:s16+$0x27F0]  }
0x5a: {  	v2 =	vld [tilespmem:s16+$0x4FF0]  }
0x5b: {  	v3 =	vld [tilespmem:s16+$0x2780]  }
0x5c: {  	v4 =	vld [tilespmem:s16+$0x4F80]  }
0x5d: {  	v5 =	vld [tilespmem:s16+$0x2790]  }
0x5e: {  	v6 =	vld [tilespmem:s16+$0x4F90]  }
0x5f: {  	v7 =	vld [tilespmem:s16+$0x27A0]  }
0x60: {  	v1 =	vadd.f32 v2, v1;
	v2 =	vld [tilespmem:s16+$0x4FA0]  }
0x61: {  	v8 =	vld [tilespmem:s16+$0x27B0]  }
0x62: {  	v9 =	vld [tilespmem:s16+$0x4FB0];
	v3 =	vadd.f32 v4, v3  }
0x63: {  	v10 =	vld [tilespmem:s16+$0x27C0];
	v1 =	vmax.f32 v1, $0.0e+00  }
0x64: {  	[tilespmem:s16+$0x77F0] =	vst v1;
	v1 =	vmax.f32 v3, $0.0e+00;
	v3 =	vadd.f32 v6, v5;
	v6 =	vld [tilespmem:s16+$0x4FC0]  }
0x65: {  	v4 =	vld [tilespmem:s16+$0x4FD0];
	v2 =	vadd.f32 v2, v7  }
0x66: {  	[tilespmem:s16+$0x7780] =	vst v1;
	v1 =	vld [tilespmem:s16+$0x27D0];
	v3 =	vmax.f32 v3, $0.0e+00  }
0x67: {  	v5 =	vld [tilespmem:s16+$0x4FE0];
	v7 =	vadd.f32 v9, v8;
	[tilespmem:s16+$0x7790] =	vst v3;
	v3 =	vmax.f32 v2, $0.0e+00  }
0x68: {  	s22 =	simm.s32 $0x80;
	v2 =	vld [tilespmem:s16+$0x27E0];
	[tilespmem:s16+$0x77A0] =	vst v3  }
0x69: {  	s23 =	simm.s32 $0x400;
	v7 =	vmax.f32 v7, $0.0e+00;
	v6 =	vadd.f32 v6, v10;
	v3 =	vld [tilespmem:s22+$0x27F0]  }
.LBB2_7:
0x6a: {  	p1 =	sne.s32 s23, $0x4E00;
	v8 =	vld [tilespmem:s22+$0x4FF0];
	[tilespmem:s16+$0x77B0] =	vst v7  }
0x6b: {  	v7 =	vld [tilespmem:s22+$0x2780];
	v6 =	vmax.f32 v6, $0.0e+00;
	v1 =	vadd.f32 v4, v1  }
0x6c: {  	v4 =	vld [tilespmem:s22+$0x4F80];
	[tilespmem:s16+$0x77C0] =	vst v6  }
0x6d: {  	v6 =	vld [tilespmem:s22+$0x2790];
	v1 =	vmax.f32 v1, $0.0e+00;
	v2 =	vadd.f32 v5, v2  }
0x6e: {  	v5 =	vld [tilespmem:s22+$0x4F90];
	[tilespmem:s16+$0x77D0] =	vst v1  }
0x6f: {  	v1 =	vld [tilespmem:s22+$0x27A0];
	v3 =	vadd.f32 v8, v3;
	v2 =	vmax.f32 v2, $0.0e+00  }
0x70: {  	v8 =	vld [tilespmem:s22+$0x4FA0];
	[tilespmem:s16+$0x77E0] =	vst v2;
	s16 =	smov.u32 s22  }
0x71: {  	v2 =	vadd.f32 v4, v7;
	v7 =	vld [tilespmem:s16+$0x27B0];
	v3 =	vmax.f32 v3, $0.0e+00  }
0x72: {  	v9 =	vld [tilespmem:s16+$0x4FB0];
	[tilespmem:s16+$0x77F0] =	vst v3  }
0x73: {  	v2 =	vmax.f32 v2, $0.0e+00;
	v3 =	vadd.f32 v5, v6;
	v6 =	vld [tilespmem:s16+$0x27C0]  }
0x74: {  	[tilespmem:s16+$0x7780] =	vst v2;
	v10 =	vld [tilespmem:s16+$0x4FC0]  }
.Ltmp2:
0x75: {  	v2 =	vmax.f32 v3, $0.0e+00;
	v3 =	vadd.f32 v8, v1;
	v1 =	vld [tilespmem:s16+$0x27D0];
	(pc) =	sbr.rel @p1 .LBB2_7-.Ltmp2, $4  }
0x76: {  	[tilespmem:s16+$0x7790] =	vst v2;
	v4 =	vld [tilespmem:s16+$0x4FD0]  }
0x77: {  	v3 =	vmax.f32 v3, $0.0e+00;
	v7 =	vadd.f32 v9, v7;
	v2 =	vld [tilespmem:s16+$0x27E0]  }
0x78: {  	s22 =	sshra.s32 s23, $0x2;
	[tilespmem:s16+$0x77A0] =	vst v3;
	v5 =	vld [tilespmem:s16+$0x4FE0]  }
0x79: {  	s23 =	sadd.s32 $0x200, s23;
	v3 =	vld [tilespmem:s22+$0x27F0];
	v7 =	vmax.f32 v7, $0.0e+00;
	v6 =	vadd.f32 v10, v6  }
0x7a: {  	v8 =	vld [tilespmem:s22+$0x4FF0];
	[tilespmem:s16+$0x77B0] =	vst v7  }
0x7b: {  	v7 =	vld [tilespmem:s22+$0x2780];
	v6 =	vmax.f32 v6, $0.0e+00;
	v1 =	vadd.f32 v4, v1  }
0x7c: {  	v9 =	vld [tilespmem:s22+$0x4F80];
	[tilespmem:s16+$0x77C0] =	vst v6  }
0x7d: {  	v4 =	vld [tilespmem:s22+$0x2790];
	v1 =	vmax.f32 v1, $0.0e+00;
	v2 =	vadd.f32 v5, v2  }
0x7e: {  	v6 =	vld [tilespmem:s22+$0x4F90];
	[tilespmem:s16+$0x77D0] =	vst v1  }
0x7f: {  	v1 =	vld [tilespmem:s22+$0x27A0];
	v2 =	vmax.f32 v2, $0.0e+00  }
0x80: {  	v5 =	vld [tilespmem:s22+$0x4FA0];
	v3 =	vadd.f32 v8, v3;
	[tilespmem:s16+$0x77E0] =	vst v2  }
0x81: {  	v7 =	vadd.f32 v9, v7;
	v2 =	vld [tilespmem:s22+$0x27B0]  }
0x82: {  	v3 =	vmax.f32 v3, $0.0e+00;
	v8 =	vld [tilespmem:s22+$0x4FB0]  }
0x83: {  	[tilespmem:s22+$0x77F0] =	vst v3;
	v3 =	vmax.f32 v7, $0.0e+00;
	v7 =	vld [tilespmem:s22+$0x27C0]  }
0x84: {  	v4 =	vadd.f32 v6, v4;
	v6 =	vld [tilespmem:s22+$0x27D0]  }
0x85: {  	[tilespmem:s22+$0x7780] =	vst v3;
	v3 =	vld [tilespmem:s22+$0x4FC0];
	v1 =	vadd.f32 v5, v1  }
0x86: {  	v4 =	vmax.f32 v4, $0.0e+00;
	v5 =	vld [tilespmem:s22+$0x27E0]  }
0x87: {  	[tilespmem:s22+$0x7790] =	vst v4;
	v4 =	vld [tilespmem:s22+$0x4FD0];
	v1 =	vmax.f32 v1, $0.0e+00  }
0x88: {  	[tilespmem:s22+$0x77A0] =	vst v1;
	v1 =	vld [tilespmem:s22+$0x4FE0];
	_ =	sdelay $0x1  }
0x89: {  	v2 =	vadd.f32 v8, v2  }
0x8a: {  	v3 =	vadd.f32 v3, v7  }
0x8b: {  	v2 =	vmax.f32 v2, $0.0e+00;
	v4 =	vadd.f32 v4, v6  }
0x8c: {  	[tilespmem:s22+$0x77B0] =	vst v2;
	v2 =	vmax.f32 v3, $0.0e+00;
	v1 =	vadd.f32 v1, v5  }
0x8d: {  	[tilespmem:s22+$0x77C0] =	vst v2;
	v2 =	vmax.f32 v4, $0.0e+00  }
0x8e: {  	p1 =	seq.s32 s14, $0x7C;
	[tilespmem:s22+$0x77D0] =	vst v2;
	v1 =	vmax.f32 v1, $0.0e+00  }
0x8f: {  	s23 =	simm.s32 @!p1 $0x2780;
	s16 =	sadd.s32 @!p1 $0x50, s15;
	[tilespmem:s22+$0x77E0] =	vst v1;
	s22 =	simm.s32 @!p1 $0x28  }
0x90: {  	[tilespmem:s23], [sflag:$0x1] =	stream.indirect.gather @!p1 [hbm4b:s5+s22], $0x80, s16, s22, $0xb8;
	[tilespmem:$0x1D900] =	vst v63  }
0x91: {  	s16 =	sadd.s32 @!p1 s4, s16  }
0x92: {  	s16 =	sshll.u32 @!p1 s16, $0x4  }
0x93: {  	s22 =	simm.s32 @!p1 $0x0;
	s23 =	simm.s32 @!p1 $0x4F80;
	s16 =	sadd.s32 @!p1 s6, s16  }
0x94: {  	[tilespmem:s23], [sflag:$0x3] =	stream.linear.gather @!p1 [hbm4b:s16+s22], $0x1400, $0x38;
	[tilespmem:$0x1D900] =	vst v63  }
0x95: {  	_ =	swait.ge [sflag:s1], $0x28  }
0x96: {  	[sflag:s1] =	ssyncset.done $0x0  }
0x97: {  	[sflag:s1] =	ssyncadd.s32 $0xFFFFFFD8  }
0x98: {  	[spmem:s2] =	stream.indirect.scatter.add.f32 [tilespmem:s3], [sflag:$0x5], $0x80, s31, s19, $0xb8;
	[tilespmem:$0x1D900] =	vst v63  }
0x99: {  	_ =	swait.ge [sflag:s20], $0x1400  }
0x9a: {  	[sflag:s20] =	ssyncset.done $0x0  }
0x9b: {  	[sflag:s20] =	ssyncadd.s32 $0xFFFFEC00  }
0x9c: {  	_ =	swait.ge [sflag:s21], $0x1400  }
0x9d: {  	[sflag:s21] =	ssyncset.done $0x0  }
0x9e: {  	s16 =	simm.s32 @!p2 $0x6;
	[sflag:s21] =	ssyncadd.s32 $0xFFFFEC00  }
0x9f: {  	s23 =	sadd.s32 s15, s11;
	_ =	swait.ge @!p2 [sflag:s16], $0x1400  }
0xa0: {  	s22 =	sshrl.u32 s23, $0x3;
	s23 =	simm.s32 $0x0;
	[sflag:s16] =	ssyncset.done @!p2 $0x0  }
0xa1: {  	s22 =	sadd.s32 s7, s22;
	[sflag:s16] =	ssyncadd.s32 @!p2 $0xFFFFEC00;
	s16 =	simm.s32 $0x0  }
0xa2: {  	[tilespmem:s26], [sflag:$0x8] =	stream.linear.gather [hbm4b:s22+s23], $0x28, $0x38;
	[tilespmem:$0x1D900] =	vst v63  }
0xa3: {  	v1 =	vld [tilespmem:s16+$0x3BF0]  }
0xa4: {  	v2 =	vld [tilespmem:s16+$0x63F0]  }
0xa5: {  	v3 =	vld [tilespmem:s16+$0x3B80]  }
0xa6: {  	v4 =	vld [tilespmem:s16+$0x6380]  }
0xa7: {  	v5 =	vld [tilespmem:s16+$0x3B90]  }
0xa8: {  	v6 =	vld [tilespmem:s16+$0x6390]  }
0xa9: {  	v7 =	vld [tilespmem:s16+$0x3BA0]  }
0xaa: {  	v1 =	vadd.f32 v2, v1;
	v2 =	vld [tilespmem:s16+$0x63A0]  }
0xab: {  	v8 =	vld [tilespmem:s16+$0x3BB0]  }
0xac: {  	v63 =	vld [tilespmem:s16+$0x63B0];
	v3 =	vadd.f32 v4, v3  }
0xad: {  	v10 =	vld [tilespmem:s16+$0x3BC0];
	v1 =	vmax.f32 v1, $0.0e+00  }
0xae: {  	[tilespmem:s16+$0x8BF0] =	vst v1;
	v1 =	vmax.f32 v3, $0.0e+00;
	v3 =	vadd.f32 v6, v5;
	v6 =	vld [tilespmem:s16+$0x63C0]  }
0xaf: {  	v4 =	vld [tilespmem:s16+$0x63D0];
	v2 =	vadd.f32 v2, v7  }
0xb0: {  	[tilespmem:s16+$0x8B80] =	vst v1;
	v1 =	vld [tilespmem:s16+$0x3BD0];
	v3 =	vmax.f32 v3, $0.0e+00  }
0xb1: {  	v5 =	vld [tilespmem:s16+$0x63E0];
	v7 =	vadd.f32 v63, v8;
	[tilespmem:s16+$0x8B90] =	vst v3;
	v3 =	vmax.f32 v2, $0.0e+00  }
0xb2: {  	s22 =	simm.s32 $0x80;
	v2 =	vld [tilespmem:s16+$0x3BE0];
	[tilespmem:s16+$0x8BA0] =	vst v3  }
0xb3: {  	s23 =	simm.s32 $0x400;
	v7 =	vmax.f32 v7, $0.0e+00;
	v6 =	vadd.f32 v6, v10;
	v3 =	vld [tilespmem:s22+$0x3BF0]  }
.LBB2_9:
0xb4: {  	p2 =	sne.s32 s23, $0x4E00;
	v8 =	vld [tilespmem:s22+$0x63F0];
	[tilespmem:s16+$0x8BB0] =	vst v7  }
0xb5: {  	v7 =	vld [tilespmem:s22+$0x3B80];
	v6 =	vmax.f32 v6, $0.0e+00;
	v1 =	vadd.f32 v4, v1  }
0xb6: {  	v4 =	vld [tilespmem:s22+$0x6380];
	[tilespmem:s16+$0x8BC0] =	vst v6  }
0xb7: {  	v6 =	vld [tilespmem:s22+$0x3B90];
	v1 =	vmax.f32 v1, $0.0e+00;
	v2 =	vadd.f32 v5, v2  }
0xb8: {  	v5 =	vld [tilespmem:s22+$0x6390];
	[tilespmem:s16+$0x8BD0] =	vst v1  }
0xb9: {  	v1 =	vld [tilespmem:s22+$0x3BA0];
	v3 =	vadd.f32 v8, v3;
	v2 =	vmax.f32 v2, $0.0e+00  }
0xba: {  	v8 =	vld [tilespmem:s22+$0x63A0];
	[tilespmem:s16+$0x8BE0] =	vst v2;
	s16 =	smov.u32 s22  }
0xbb: {  	v2 =	vadd.f32 v4, v7;
	v7 =	vld [tilespmem:s16+$0x3BB0];
	v3 =	vmax.f32 v3, $0.0e+00  }
0xbc: {  	v9 =	vld [tilespmem:s16+$0x63B0];
	[tilespmem:s16+$0x8BF0] =	vst v3  }
0xbd: {  	v2 =	vmax.f32 v2, $0.0e+00;
	v3 =	vadd.f32 v5, v6;
	v6 =	vld [tilespmem:s16+$0x3BC0]  }
0xbe: {  	[tilespmem:s16+$0x8B80] =	vst v2;
	v10 =	vld [tilespmem:s16+$0x63C0]  }
.Ltmp3:
0xbf: {  	v2 =	vmax.f32 v3, $0.0e+00;
	v3 =	vadd.f32 v8, v1;
	v1 =	vld [tilespmem:s16+$0x3BD0];
	(pc) =	sbr.rel @p2 .LBB2_9-.Ltmp3, $4  }
0xc0: {  	[tilespmem:s16+$0x8B90] =	vst v2;
	v4 =	vld [tilespmem:s16+$0x63D0]  }
0xc1: {  	v3 =	vmax.f32 v3, $0.0e+00;
	v7 =	vadd.f32 v9, v7;
	v2 =	vld [tilespmem:s16+$0x3BE0]  }
0xc2: {  	s22 =	sshra.s32 s23, $0x2;
	[tilespmem:s16+$0x8BA0] =	vst v3;
	v5 =	vld [tilespmem:s16+$0x63E0]  }
0xc3: {  	s23 =	sadd.s32 $0x200, s23;
	v3 =	vld [tilespmem:s22+$0x3BF0];
	v7 =	vmax.f32 v7, $0.0e+00;
	v6 =	vadd.f32 v10, v6  }
0xc4: {  	v8 =	vld [tilespmem:s22+$0x63F0];
	[tilespmem:s16+$0x8BB0] =	vst v7  }
0xc5: {  	v7 =	vld [tilespmem:s22+$0x3B80];
	v6 =	vmax.f32 v6, $0.0e+00;
	v1 =	vadd.f32 v4, v1  }
0xc6: {  	v9 =	vld [tilespmem:s22+$0x6380];
	[tilespmem:s16+$0x8BC0] =	vst v6  }
0xc7: {  	v57 =	vld [tilespmem:s22+$0x3B90];
	v1 =	vmax.f32 v1, $0.0e+00;
	v2 =	vadd.f32 v5, v2  }
0xc8: {  	v6 =	vld [tilespmem:s22+$0x6390];
	[tilespmem:s16+$0x8BD0] =	vst v1  }
0xc9: {  	v1 =	vld [tilespmem:s22+$0x3BA0];
	v2 =	vmax.f32 v2, $0.0e+00  }
0xca: {  	v58 =	vld [tilespmem:s22+$0x63A0];
	[tilespmem:s16+$0x8BE0] =	vst v2  }
0xcb: {  	v2 =	vld [tilespmem:s22+$0x3BB0]  }
0xcc: {  	v3 =	vadd.f32 v8, v3;
	v59 =	vld [tilespmem:s22+$0x63B0]  }
0xcd: {  	v7 =	vadd.f32 v9, v7;
	v60 =	vld [tilespmem:s22+$0x3BC0]  }
0xce: {  	v3 =	vmax.f32 v3, $0.0e+00;
	v61 =	vld [tilespmem:s22+$0x3BD0]  }
0xcf: {  	v62 =	vld [tilespmem:s22+$0x63D0];
	[tilespmem:s22+$0x8BF0] =	vst v3;
	v3 =	vmax.f32 v7, $0.0e+00;
	v1 =	vadd.f32 v58, v1  }
0xd0: {  	[tilespmem:s22+$0x8B80] =	vst v3;
	v3 =	vld [tilespmem:s22+$0x63C0]  }
0xd1: {  	v63 =	vld [tilespmem:s22+$0x3BE0];
	v1 =	vmax.f32 v1, $0.0e+00  }
0xd2: {  	[tilespmem:s22+$0x8BA0] =	vst v1;
	v1 =	vld [tilespmem:s22+$0x63E0]  }
0xd3: {  	v4 =	vadd.f32 v6, v57  }
0xd4: {  	v2 =	vadd.f32 v59, v2  }
0xd5: {  	v4 =	vmax.f32 v4, $0.0e+00;
	v3 =	vadd.f32 v3, v60  }
0xd6: {  	[tilespmem:s22+$0x8B90] =	vst v4;
	v4 =	vadd.f32 v62, v61;
	v2 =	vmax.f32 v2, $0.0e+00  }
0xd7: {  	[tilespmem:s22+$0x8BB0] =	vst v2;
	v2 =	vmax.f32 v3, $0.0e+00;
	v1 =	vadd.f32 v1, v63  }
0xd8: {  	[tilespmem:s22+$0x8BC0] =	vst v2;
	v2 =	vmax.f32 v4, $0.0e+00  }
0xd9: {  	[tilespmem:s22+$0x8BD0] =	vst v2;
	v1 =	vmax.f32 v1, $0.0e+00  }
0xda: {  	s15 =	sadd.s32 @!p1 $0x78, s15;
	s16 =	simm.s32 @!p1 $0x28;
	[tilespmem:s22+$0x8BE0] =	vst v1;
	s22 =	simm.s32 @!p1 $0x3B80  }
0xdb: {  	[tilespmem:s22], [sflag:$0x2] =	stream.indirect.gather @!p1 [hbm4b:s5+s16], $0x80, s15, s16, $0xb8;
	[tilespmem:$0x1D900] =	vst v63  }
0xdc: {  	s15 =	sadd.s32 @!p1 s4, s15  }
0xdd: {  	s14 =	sadd.s32 $0x1, s14;
	s15 =	sshll.u32 @!p1 s15, $0x4  }
0xde: {  	s16 =	simm.s32 @!p1 $0x0;
	s22 =	simm.s32 @!p1 $0x6380;
	s15 =	sadd.s32 @!p1 s6, s15  }
0xdf: {  	[tilespmem:s22], [sflag:$0x4] =	stream.linear.gather @!p1 [hbm4b:s15+s16], $0x1400, $0x38;
	[tilespmem:$0x1D900] =	vst v63  }
0xe0: {  	p1 =	sne.s32 s14, $0x7D  }
.Ltmp4:
0xe1: {  	_ = 	snop;
	(pc) =	sbr.rel @p1 .LBB2_6-.Ltmp4, $4  }
0xe2: {  	_ =	swait.ge [sflag:s28], $0x28  }
0xe3: {  	[sflag:s28] =	ssyncset.done $0x0  }
0xe4: {  	[sflag:s28] =	ssyncadd.s32 $0xFFFFFFD8  }
0xe5: {  	[spmem:s2] =	stream.indirect.scatter.add.f32 [tilespmem:s8], [sflag:$0x6], $0x80, s26, s19, $0xb8;
	[tilespmem:$0x1D900] =	vst v63  }
0xe6: {  	_ =	swait.ge [sflag:s9], $0x1400  }
0xe7: {  	[sflag:s9] =	ssyncset.done $0x0  }
0xe8: {  	[sflag:s9] =	ssyncadd.s32 $0xFFFFEC00  }
0xe9: {  	_ =	swait.ge [sflag:s10], $0x1400  }
0xea: {  	[sflag:s10] =	ssyncset.done $0x0  }
0xeb: {  	[sflag:s10] =	ssyncadd.s32 $0xFFFFEC00  }
0xec: {  	[bflag:$0x0] =	sbarrier.arrive $0xFFFF  }
0xed: {  	s13 =	sshll.u32 s0, $0x6;
	s14 =	rddreg [dreg:$0x7]  }
0xee: {  	s13 =	sor.u32 $0x1C09, s13;
	s15 =	rddreg [dreg:$0xb]  }
0xef: {  	[hbm:s14], [sflag:s13] =	dma.local [spmem:s15], $0xC80  }
0xf0: {  	_ =	swait.ge [sflag:s18], $0xC80  }
0xf1: {  	[sflag:s18] =	ssyncset.done $0x0;
	s15 =	rddreg [dreg:$0x8]  }
0xf2: {  	s16 =	rddreg [dreg:$0xc];
	[sflag:s18] =	ssyncadd.s32 $0xFFFFF380  }
0xf3: {  	[hbm:s15], [sflag:s13] =	dma.local [spmem:s16], $0xC80  }
0xf4: {  	_ =	swait.ge [sflag:s18], $0xC80  }
0xf5: {  	[sflag:s18] =	ssyncset.done $0x0  }
0xf6: {  	s22 =	rddreg [dreg:$0x9];
	[sflag:s18] =	ssyncadd.s32 $0xFFFFF380  }
0xf7: {  	[hbm:s22], [sflag:s13] =	dma.local [spmem:s24], $0xC80  }
0xf8: {  	_ =	swait.ge [sflag:s18], $0xC80  }
0xf9: {  	[sflag:s18] =	ssyncset.done $0x0  }
0xfa: {  	s14 =	rddreg [dreg:$0xa];
	[sflag:s18] =	ssyncadd.s32 $0xFFFFF380  }
0xfb: {  	[hbm:s14], [sflag:s13] =	dma.local @!p0 [spmem:s25], $0xC80  }
0xfc: {  	s13 =	simm.s32 @!p0 $0x9  }
0xfd: {  	_ =	swait.ge @!p0 [sflag:s13], $0xC80  }
0xfe: {  	s12 =	sadd.s32 $0x1, s12;
	s23 =	rddreg [dreg:$0x6]  }
0xff: {  	p1 =	sne.s32 s12, s23  }
.Ltmp5:
0x100: {  	_ = 	snop;
	(pc) =	sbr.rel @p1 .LBB2_1-.Ltmp5, $3  }
0x101: {  	_ =	sdelay $0x1  }
0x102: {  	[sflag:s13] =	ssyncset.done @!p0 $0x0  }
0x103: {  	[sflag:s13] =	ssyncadd.s32 @!p0 $0xFFFFF380  }
0x104: {  	_ =	sfence.sel $0x180000  }
0x105: {  	[bflag:$0x0] =	sbarrier.arrive $0xFFFF  }
0x106: {  	_ =	strace $0x90000047  }
0x107: {  	[bflag:$0x2] =	sbarrier.arrive $0xFFFF  }
0x108: {  	p0 =	sne.s32 s0, $0x0;
	s0 =	rddreg [dreg:$0x2]  }
0x109: {  	s0 =	sadd.s32 @!p0 $0x100000, s0  }
0x10a: {  	[sflag:s0] =	ssyncadd.tile.s32 @!p0 $0x1;
	_ =	shalt  }
.Lfunc_end2:
_tile_overlayer_lowered:
.L_overlay_start_2:
0x10b: {  	(tag) =	ssettag $0x2  }
0x10c: {  	s0 =	rddreg [dreg:$0x0];
	s2 =	stileid.u32  }
0x10d: {  	s1 =	rddreg [dreg:$0x1];
	p0 =	sne.s32 s2, $0x0  }
0x10e: {  	s3 =	rddreg [dreg:$0x2];
	[bflag:$0x3] =	sbarrier.arrive $0xFFFF;
	s2 =	simm.s32 @!p0 $0x1C09  }
0x10f: {  	[timem:s3], [sflag:s2] =	dma.local @!p0 [hbm:s0], s1  }
0x110: {  	s0 =	simm.s32 @!p0 $0x9  }
0x111: {  	_ =	swait.ge @!p0 [sflag:s0], s1  }
0x112: {  	s1 =	ssub.s32 @!p0 $0x0, s1;
	[sflag:s0] =	ssyncset.done @!p0 $0x0  }
0x113: {  	[sflag:s0] =	ssyncadd.s32 @!p0 s1  }
0x114: {  	[bflag:$0x3] =	sbarrier.arrive $0xFFFF  }
0x115: {  	_ =	shalt  }

// kernel: kernel.21.cloned.1.call-start
scs
__scs_entry_jumppad:
0x0: {  	(pc) =	sbr.rel $0x88, $3  }
0x1: {  	(tag) =	ssettag $0x0;
	lr =	simm.s32 $0x1  }
0x2: {  	[smem:$0x3F89] =	sst lr;
	_ =	strace $0xD0000000  }
0x3: {  	_ = 	snop  }
0x4: {  	_ = 	snop  }
0x5: {  	_ = 	snop  }
0x6: {  	_ = 	snop  }
0x7: {  	_ = 	snop  }
__scs_overlays_trampoline_lowered:
0x8: {  	[smem:$0x3F98] =	sst s0  }
0x9: {  	[smem:$0x3F99] =	sst s1  }
0xa: {  	[smem:$0x3F9A] =	sst s2  }
0xb: {  	[smem:$0x3F9B] =	sst s3  }
0xc: {  	[smem:$0x3F9C] =	sst s4  }
0xd: {  	[smem:$0x3F9D] =	sst s5  }
0xe: {  	[smem:$0x3F9E] =	sst s6  }
0xf: {  	[smem:$0x3F9F] =	sst s7  }
0x10: {  	[smem:$0x3FA0] =	sst s8  }
0x11: {  	[smem:$0x3FA1] =	sst s9;
	s0 =	simm.s32 @!p0 $0x0  }
0x12: {  	s1 =	sld [smem:$0x3F87];
	s0 =	simm.s32 @p0 $0x1  }
0x13: {  	[smem:$0x3FA2] =	sst s0;
	s0 =	simm.s32 @!p1 $0x0  }
0x14: {  	s2 =	sld [smem:$0x3F86];
	s0 =	simm.s32 @p1 $0x1  }
0x15: {  	[smem:$0x3FA3] =	sst s0;
	s0 =	simm.s32 @!p2 $0x0  }
0x16: {  	s3 =	sld [smem:$0x3FDB];
	s0 =	simm.s32 @p2 $0x1  }
0x17: {  	s4 =	simm.s32 $0x1BF5;
	[smem:$0x3FA5] =	sst s0  }
0x18: {  	s0 =	sld [smem:$0x3F88];
	_ =	swait.ge [sflag:s4], $0x0  }
0x19: {  	s7 =	sld [smem:$0x3F89]  }
0x1a: {  	s8 =	sadd.s32 $0xFFFFE003, lr  }
0x1b: {  	s9 =	sadd.s32 $0xFFFFFEF7, lr;
	s5 =	simm.s32 $0xFFFFFFFF;
	p2 =	slt.u32 s8, $0xFFFFF086  }
0x1c: {  	p1 =	slt.u32 s9, $0xF7A;
	s5 =	simm.s32 @!p2 $0x0  }
0x1d: {  	s5 =	simm.s32 @p1 $0x1;
	p0 =	seq.s32 s7, s2  }
0x1e: {  	s7 =	smul.u32 @!p0 $0xF7A, s2;
	p2 =	seq.s32 @!p0 s5, $0x0  }
0x1f: {  	s9 =	smul.u32 $0xF7A, s1;
	s8 =	simm.s32 @!p0 $0x1BF5;
	p2 =	por !p2, p0  }
0x20: {  	[sflag:s8] =	ssyncset.s32 @!p0 $0xFFFFF086;
	s6 =	sadd.s32 @!p0 s3, s7;
	s7 =	simm.s32 @!p0 $0x108  }
0x21: {  	s3 =	sadd.s32 s3, s9;
	s6 =	sadd.s32 @!p0 $0x88, s6;
	s7 =	simm.s32 @p2 $0x1082  }
0x22: {  	[simem:s7], [sflag:s8] =	dma.local @!p0 [hbm:s6], $0xF7A  }
0x23: {  	s9 =	sor.u32 $0xD0000000, s2;
	s6 =	simm.s32 $0x108;
	_ =	swait.ge @!p0 [sflag:s8], $0x0  }
0x24: {  	s3 =	sadd.s32 $0x88, s3;
	s6 =	simm.s32 @!p1 $0x1082;
	[sflag:s4] =	ssyncset.s32 $0xFFFFF086  }
0x25: {  	[simem:s6], [sflag:s4] =	dma.local [hbm:s3], $0xF7A  }
0x26: {  	[smem:$0x3F89] =	sst s1;
	(tag) =	ssettag s2;
	_ =	strace s9  }
0x27: {  	s1 =	sld [smem:$0x3F99]  }
0x28: {  	s2 =	sld [smem:$0x3F9A]  }
0x29: {  	s4 =	sld [smem:$0x3F9C]  }
0x2a: {  	p0 =	seq.s32 s5, $0x0;
	s5 =	sld [smem:$0x3F9D]  }
0x2b: {  	s6 =	sld [smem:$0x3F9E]  }
0x2c: {  	s7 =	sld [smem:$0x3F9F]  }
0x2d: {  	s3 =	simm.s32 $0x108;
	s8 =	sld [smem:$0x3FA0]  }
0x2e: {  	s3 =	simm.s32 @!p0 $0x1082;
	s9 =	sld [smem:$0x3FA1]  }
0x2f: {  	lr =	sadd.s32 s0, s3;
	s0 =	sld [smem:$0x3F98]  }
0x30: {  	s3 =	sld [smem:$0x3F9B]  }
0x31: {  	[smem:$0x3FA4] =	sst s10  }
0x32: {  	s10 =	sld [smem:$0x3FA2];
	_ =	sdelay $0x3  }
0x33: {  	p0 =	seq.s32 s10, $0x1;
	s10 =	sld [smem:$0x3FA4];
	_ =	sdelay $0x3  }
0x34: {  	[smem:$0x3FA4] =	sst s10  }
0x35: {  	s10 =	sld [smem:$0x3FA3];
	_ =	sdelay $0x3  }
0x36: {  	p1 =	seq.s32 s10, $0x1;
	s10 =	sld [smem:$0x3FA4];
	_ =	sdelay $0x3  }
0x37: {  	[smem:$0x3FA4] =	sst s10  }
0x38: {  	s10 =	sld [smem:$0x3FA5]  }
0x39: {  	_ = 	snop;
	(pc) =	sbr.ind lr, $3  }
0x3a: {  	_ = 	snop  }
0x3b: {  	_ = 	snop  }
0x3c: {  	p2 =	seq.s32 s10, $0x1;
	s10 =	sld [smem:$0x3FA4]  }
0x3d: {  	_ =	shalt  }
0x3e: {  	_ =	shalt  }
0x3f: {  	_ =	shalt  }
0x40: {  	_ =	shalt  }
0x41: {  	_ =	shalt  }
0x42: {  	_ =	shalt  }
0x43: {  	_ =	shalt  }
0x44: {  	_ =	shalt  }
0x45: {  	_ =	shalt  }
0x46: {  	_ =	shalt  }
0x47: {  	_ =	shalt  }
0x48: {  	_ =	shalt  }
0x49: {  	_ =	shalt  }
0x4a: {  	_ =	shalt  }
0x4b: {  	_ =	shalt  }
0x4c: {  	_ =	shalt  }
0x4d: {  	_ =	shalt  }
0x4e: {  	_ =	shalt  }
0x4f: {  	_ =	shalt  }
0x50: {  	_ =	shalt  }
0x51: {  	_ =	shalt  }
0x52: {  	_ =	shalt  }
0x53: {  	_ =	shalt  }
0x54: {  	_ =	shalt  }
0x55: {  	_ =	shalt  }
0x56: {  	_ =	shalt  }
0x57: {  	_ =	shalt  }
0x58: {  	_ =	shalt  }
0x59: {  	_ =	shalt  }
0x5a: {  	_ =	shalt  }
0x5b: {  	_ =	shalt  }
0x5c: {  	_ =	shalt  }
0x5d: {  	_ =	shalt  }
0x5e: {  	_ =	shalt  }
0x5f: {  	_ =	shalt  }
0x60: {  	_ =	shalt  }
0x61: {  	_ =	shalt  }
0x62: {  	_ =	shalt  }
0x63: {  	_ =	shalt  }
0x64: {  	_ =	shalt  }
0x65: {  	_ =	shalt  }
0x66: {  	_ =	shalt  }
0x67: {  	_ =	shalt  }
0x68: {  	_ =	shalt  }
0x69: {  	_ =	shalt  }
0x6a: {  	_ =	shalt  }
0x6b: {  	_ =	shalt  }
0x6c: {  	_ =	shalt  }
0x6d: {  	_ =	shalt  }
0x6e: {  	_ =	shalt  }
0x6f: {  	_ =	shalt  }
0x70: {  	_ =	shalt  }
0x71: {  	_ =	shalt  }
0x72: {  	_ =	shalt  }
0x73: {  	_ =	shalt  }
0x74: {  	_ =	shalt  }
0x75: {  	_ =	shalt  }
0x76: {  	_ =	shalt  }
0x77: {  	_ =	shalt  }
0x78: {  	_ =	shalt  }
0x79: {  	_ =	shalt  }
0x7a: {  	_ =	shalt  }
0x7b: {  	_ =	shalt  }
0x7c: {  	_ =	shalt  }
0x7d: {  	_ =	shalt  }
0x7e: {  	_ =	shalt  }
0x7f: {  	_ =	shalt  }
0x80: {  	_ =	shalt  }
0x81: {  	_ =	shalt  }
0x82: {  	_ =	shalt  }
0x83: {  	_ =	shalt  }
0x84: {  	_ =	shalt  }
0x85: {  	_ =	shalt  }
0x86: {  	_ =	shalt  }
0x87: {  	_ =	shalt  }
.Lfunc_end0:
.L_simem_size_0:
called_computation.1_lowered:
.L_overlay_start_0:
0x88: {  	s2 =	sld [smem:$0x3FD9]  }
0x89: {  	s3 =	sld [smem:$0x3FFE];
	_ =	sdelay $0x1  }
0x8a: {  	s1 =	srdreg.scid  }
0x8b: {  	s0 =	sand.u32 $0x1, s1  }
0x8c: {  	s16 =	sshll.u32 s0, $0xA;
	s2 =	sadd.s32 s3, s2  }
0x8d: {  	s2 =	sadd.s32 s2, s16  }
0x8e: {  	[smem:$0x3FB0] =	sst s2  }
0x8f: {  	_ = 	snop  }
0x90: {  	(tm) =	ssettm $0x1  }
0x91: {  	s17 =	sld [smem:$0x3FFB];
	_ =	sdelay $0x3  }
0x92: {  	_ =	strace s17  }
0x93: {  	s2 =	sld [smem:$0x3FFC];
	_ =	sdelay $0x3  }
0x94: {  	_ =	strace s2  }
0x95: {  	s2 =	sld [smem:$0x3FFD];
	_ =	sdelay $0x3  }
0x96: {  	_ =	strace s2  }
0x97: {  	_ =	strace $0x8FFFFFFF  }
0x98: {  	s18 =	sld [smem:$0x3FDB];
	_ =	sdelay $0x1  }
0x99: {  	s19 =	simm.s32 $_scs_section_size  }
0x9a: {  	s4 =	simm.s32 $_size__tile_overlayer_lowered;
	s5 =	simm.s32 $_tile_overlayer_lowered  }
0x9b: {  	s22 =	simm.s32 $0x1BFF;
	s21 =	sshll.u32 s5, $0x1;
	s2 =	sadd.s32 s19, s18  }
0x9c: {  	s6 =	simm.s32 $0x0;
	s20 =	sshll.u32 s4, $0x1;
	s4 =	sadd.s32 s21, s2  }
0x9d: {  	[timem:s6], [sflag:s22] =	dma.local [hbm:s4], s20  }
0x9e: {  	_ =	swait.ge [sflag:s22], s20  }
0x9f: {  	s3 =	ssub.s32 $0x0, s20;
	[sflag:s22] =	ssyncset.done $0x0  }
0xa0: {  	[sflag:s22] =	ssyncadd.s32 s3;
	_ =	sdelay $0x1  }
0xa1: {  	s23 =	simm.s32 $0x1B8B  }
0xa2: {  	_ =	swait.ge [sflag:s23], $0x1  }
0xa3: {  	[sflag:s23] =	ssyncset.done $0x0  }
0xa4: {  	s25 =	simm.s32 $0x1B8E;
	s24 =	sld [smem:$0x3FFE];
	[sflag:s23] =	ssyncadd.s32 $0xFFFFFFFF  }
0xa5: {  	s26 =	simm.s32 $execute0_lowered;
	[smem:$0x3FD2] =	sst s25  }
0xa6: {  	s4 =	sshll.u32 s26, $0x1;
	_ =	strace $0x80000049;
	[dreg:$0x1] =	wrdreg $0xFFFFFFFF  }
0xa7: {  	s28 =	simm.s32 $_size_execute0_lowered;
	s2 =	sadd.s32 s2, s4;
	[dreg:$0x0] =	wrdreg $0x0  }
0xa8: {  	s4 =	sshll.u32 s28, $0x1;
	[dreg:$0x2] =	wrdreg s2  }
0xa9: {  	[dreg:$0x3] =	wrdreg s4  }
0xaa: {  	[dreg:$0x4] =	wrdreg $0xC0  }
0xab: {  	_ =	task [dreg:s6], $0x5FFFF  }
0xac: {  	[dreg:$0x1] =	wrdreg $0xFFFFFFFF  }
0xad: {  	[dreg:$0x0] =	wrdreg $0x60  }
0xae: {  	[dreg:$0x2] =	wrdreg s24  }
0xaf: {  	[dreg:$0x3] =	wrdreg $0xA0800  }
0xb0: {  	[dreg:$0x4] =	wrdreg $0x9  }
0xb1: {  	_ =	task.clear_ibuf [dreg:s6], $0x5FFFF;
	_ =	strace $0x90000049  }
0xb2: {  	s29 =	simm.s32 $0x9;
	_ =	strace $0x8000004B  }
0xb3: {  	_ =	swait.ge [sflag:s29], $0x1  }
0xb4: {  	[sflag:s29] =	ssyncadd.s32 $0xFFFFFFFF  }
0xb5: {  	_ =	strace $0x9000004B  }
0xb6: {  	_ =	sfence  }
0xb7: {  	s30 =	sld [smem:$0x0];
	_ =	sdelay $0x2  }
0xb8: {  	s31 =	sshll.u32 s1, $0xD;
	s1 =	sshrl.u32 s1, $0x2  }
0xb9: {  	s3 =	sand.u32 $0x4000, s31;
	s1 =	sadd.s32 s1, s30  }
0xba: {  	s0 =	sor.u32 s3, s0;
	s1 =	sshll.u32 s1, $0x11  }
0xbb: {  	s0 =	sor.u32 s1, s0  }
0xbc: {  	s0 =	sadd.s32 $0x8F2B, s0  }
0xbd: {  	[sflag:s0] =	ssyncadd.remote.s32 $0x1  }
0xbe: {  	_ =	sfence.sel $0xFFFF  }
0xbf: {  	[dreg:$0x0] =	wrdreg $0xFFFFFFFF;
	(pc) =	sbr.abs _section_cstart, $3  }
0xc0: {  	[dreg:$0x1] =	wrdreg $0xFFFFFFFF  }
0xc1: {  	_ =	task.clear_ibuf [dreg:s6], $0x2FFFF;
	_ =	strace $0x9FFFFFFF  }
0xc2: {  	(tm) =	ssettm $0x7FFFFFFF  }
0xc3: {  	_ =	shalt  }
tec
execute0_lowered:
.L_overlay_start_1:
0x0: {  	(tag) =	ssettag $0x1  }
0x1: {  	s1 =	srdreg.scid;
	s3 =	rddreg [dreg:$0x0]  }
0x2: {  	s0 =	stileid.u32;
	s2 =	rddreg [dreg:$0x1]  }
0x3: {  	s5 =	simm.s32 $0x0;
	s1 =	sand.u32 $0x1, s1;
	s13 =	smul.u32 $0x6400, s0  }
0x4: {  	s4 =	sshll.u32 s0, $0x1;
	s16 =	smul.u32 $0x19000, s0;
	s17 =	sor.u32 $0x10, s0  }
0x5: {  	s8 =	sor.u32 s1, s4;
	s11 =	ssub.s32 $0x2, s1;
	s1 =	smul.u32 $0x138800, s1  }
0x6: {  	s29 =	simm.s32 $0x1;
	s19 =	sor.u32 $0x20, s0;
	s18 =	smul.u32 $0x6400, s17  }
0x7: {  	s30 =	simm.s32 $0x3;
	s31 =	simm.s32 $0x9F80;
	s20 =	smul.u32 $0x6400, s19  }
0x8: {  	[smem:$0x7FF] =	sst s5;
	s5 =	sadd.s32 $0x771600, s3;
	s4 =	smul.u32 $0x2710, s8  }
0x9: {  	s28 =	simm.s32 $0x8;
	s6 =	sadd.s32 $0x7E6A00, s3;
	s10 =	smul.u32 $0x27100, s8  }
0xa: {  	_ =	strace $0x8000004A;
	s8 =	smul.u32 $0x138800, s8;
	s12 =	sshrl.u32 s11, $0x1  }
0xb: {  	s12 =	ssub.s32 s11, s12;
	s15 =	sadd.s32 s1, s13;
	s13 =	sadd.s32 s1, s20  }
0xc: {  	s20 =	simm.s32 $0x2;
	s7 =	sshrl.u32 s4, $0x3;
	s8 =	sshrl.u32 s8, $0x3  }
0xd: {  	s14 =	sadd.s32 s6, s10;
	s11 =	sadd.s32 $0x28, s4;
	s12 =	smax.u32 s12, $0x1  }
0xe: {  	s10 =	smul.u32 $0x19000, s17;
	s13 =	sshrl.u32 s13, $0x3;
	s9 =	sadd.s32 s7, s3  }
0xf: {  	s7 =	sadd.s32 $0x4ECA00, s3;
	s3 =	sadd.s32 $0x798800, s3;
	[dreg:$0x4] =	wrdreg s14  }
0x10: {  	s8 =	sadd.s32 s6, s8;
	[dreg:$0x6] =	wrdreg s12;
	s12 =	smul.u32 $0x19000, s19  }
0x11: {  	s14 =	sor.u32 $0x30, s0;
	s19 =	simm.s32 $0x28;
	s9 =	sadd.s32 $0x4F6800, s9  }
0x12: {  	s8 =	sadd.s32 $0x280, s8;
	s21 =	sshrl.u32 s10, $0x2;
	s22 =	smul.u32 $0x6400, s14  }
0x13: {  	s13 =	sadd.s32 s3, s13;
	p0 =	sgt.u32 s14, $0x31;
	[dreg:$0x3] =	wrdreg s9  }
0x14: {  	s10 =	simm.s32 $0x6;
	[dreg:$0x5] =	wrdreg s8;
	s8 =	sshrl.u32 s15, $0x3  }
0x15: {  	s9 =	sshrl.u32 s16, $0x2;
	s15 =	smul.u32 $0x19000, s14;
	s12 =	sshrl.u32 s12, $0x2  }
0x16: {  	s16 =	smul.u32 $0x5000, s0;
	[dreg:$0x9] =	wrdreg s13;
	s8 =	sadd.s32 s3, s8  }
0x17: {  	s9 =	sadd.s32 s9, s2;
	s12 =	sadd.s32 s12, s2;
	[dreg:$0x7] =	wrdreg s8  }
0x18: {  	s8 =	sadd.s32 s1, s18;
	s1 =	sadd.s32 s1, s22;
	s23 =	sshrl.u32 s15, $0x2  }
0x19: {  	s24 =	sshrl.u32 s16, $0x2;
	s18 =	simm.s32 $0x9;
	s25 =	sshrl.u32 s9, $0x3  }
0x1a: {  	s9 =	simm.s32 $0x5;
	s8 =	sshrl.u32 s8, $0x3;
	s1 =	sshrl.u32 s1, $0x3  }
0x1b: {  	s17 =	sadd.s32 s24, s2;
	[dreg:$0xb] =	wrdreg s25;
	s24 =	sshrl.u32 s12, $0x3  }
0x1c: {  	s12 =	simm.s32 $0x0;
	s8 =	sadd.s32 s3, s8;
	s1 =	sadd.s32 s3, s1  }
0x1d: {  	s3 =	simm.s32 $0x7780;
	[dreg:$0x8] =	wrdreg s8;
	s8 =	sadd.s32 s21, s2  }
0x1e: {  	[dreg:$0xa] =	wrdreg s1;
	s1 =	sadd.s32 s23, s2;
	s21 =	simm.s32 $0x4  }
0x1f: {  	s26 =	sshrl.u32 s8, $0x3;
	s25 =	sshrl.u32 @!p0 s1, $0x3;
	s1 =	simm.s32 $0x7  }
0x20: {  	v0 =	vimm.f32 $0.0e+00;
	s8 =	simm.s32 $0x8B80;
	[dreg:$0xc] =	wrdreg s26;
	s26 =	simm.s32 $0xA000  }
.LBB2_1:
0x21: {  	s13 =	simm.s32 $0x0;
	s14 =	rddreg [dreg:$0x3]  }
0x22: {  	[tilespmem:s13], [sflag:$0x9] =	stream.linear.gather [hbm4b:s14+s13], $0x2710, $0x38;
	[tilespmem:$0x1D900] =	vst v63  }
0x23: {  	_ =	swait.ge [sflag:s18], $0x2710  }
0x24: {  	[sflag:s18] =	ssyncset.done $0x0  }
0x25: {  	s13 =	simm.s32 $0x0;
	s14 =	simm.s32 $0x200;
	[sflag:s18] =	ssyncadd.s32 $0xFFFFD8F0  }
.LBB2_2:
0x26: {  	p1 =	sne.s32 s14, $0x4E00;
	[tilespmem:s13+$0x27F0] =	vst v0  }
0x27: {  	[tilespmem:s13+$0x2780] =	vst v0  }
0x28: {  	[tilespmem:s13+$0x2790] =	vst v0  }
.Ltmp0:
0x29: {  	[tilespmem:s13+$0x27A0] =	vst v0;
	(pc) =	sbr.rel @p1 .LBB2_2-.Ltmp0, $4  }
0x2a: {  	[tilespmem:s13+$0x27B0] =	vst v0  }
0x2b: {  	[tilespmem:s13+$0x27C0] =	vst v0  }
0x2c: {  	[tilespmem:s13+$0x27D0] =	vst v0  }
0x2d: {  	[tilespmem:s13+$0x27E0] =	vst v0;
	s13 =	sshra.s32 s14, $0x2;
	s14 =	sadd.s32 $0x200, s14  }
0x2e: {  	[tilespmem:s13+$0x27F0] =	vst v0  }
0x2f: {  	[tilespmem:s13+$0x2780] =	vst v0  }
0x30: {  	[tilespmem:s13+$0x2790] =	vst v0  }
0x31: {  	[tilespmem:s13+$0x27A0] =	vst v0  }
0x32: {  	[tilespmem:s13+$0x27B0] =	vst v0  }
0x33: {  	[tilespmem:s13+$0x27C0] =	vst v0;
	s14 =	sadd.s32 $0x0, s0  }
0x34: {  	[tilespmem:s13+$0x27D0] =	vst v0;
	p1 =	sgt.u32 s14, $0xF9  }
0x35: {  	[tilespmem:s13+$0x27E0] =	vst v0;
	s13 =	simm.s32 @!p1 $0x2780;
	s16 =	simm.s32 @!p1 $0x9  }
0x36: {  	[spmem:s17] =	stream.linear.scatter @!p1 [tilespmem:s13], [sflag:$0x9], $0x1400, $0x38;
	[tilespmem:$0x1D900] =	vst v63  }
0x37: {  	s15 =	simm.s32 $0x20;
	_ =	swait.ge @!p1 [sflag:s16], $0x1400  }
0x38: {  	s14 =	simm.s32 $0x10;
	s13 =	sadd.s32 $0x14000, s17;
	[sflag:s16] =	ssyncset.done @!p1 $0x0  }
.LBB2_4:
0x39: {  	s22 =	sadd.s32 s14, s0;
	s14 =	smov.u32 s15;
	s15 =	sadd.s32 $0x10, s15  }
0x3a: {  	[sflag:s16] =	ssyncadd.s32 @!p1 $0xFFFFEC00;
	p2 =	sne.s32 s15, $0x100  }
.Ltmp1:
0x3b: {  	p1 =	sgt.u32 s22, $0xF9;
	(pc) =	sbr.rel @p2 .LBB2_4-.Ltmp1, $4  }
0x3c: {  	s22 =	simm.s32 @!p1 $0x2780;
	s16 =	simm.s32 @!p1 $0x9  }
0x3d: {  	[spmem:s13] =	stream.linear.scatter @!p1 [tilespmem:s22], [sflag:$0x9], $0x1400, $0x38;
	[tilespmem:$0x1D900] =	vst v63  }
0x3e: {  	_ =	swait.ge @!p1 [sflag:s16], $0x1400  }
0x3f: {  	s13 =	sadd.s32 $0x14000, s13;
	[sflag:s16] =	ssyncset.done @!p1 $0x0  }
0x40: {  	s14 =	sadd.s32 s14, s0  }
0x41: {  	p2 =	sgt.u32 s14, $0xF9  }
0x42: {  	[sflag:s16] =	ssyncadd.s32 @!p1 $0xFFFFEC00;
	s14 =	simm.s32 @!p2 $0x2780;
	s15 =	simm.s32 @!p2 $0x9  }
0x43: {  	[spmem:s13] =	stream.linear.scatter @!p2 [tilespmem:s14], [sflag:$0x9], $0x1400, $0x38;
	[tilespmem:$0x1D900] =	vst v63  }
0x44: {  	_ =	swait.ge @!p2 [sflag:s15], $0x1400  }
0x45: {  	[sflag:s15] =	ssyncset.done @!p2 $0x0  }
0x46: {  	[sflag:s15] =	ssyncadd.s32 @!p2 $0xFFFFEC00  }
0x47: {  	s16 =	simm.s32 $0x2780;
	s13 =	simm.s32 $0x0;
	[bflag:$0x0] =	sbarrier.arrive $0xFFFF  }
0x48: {  	[tilespmem:s16], [sflag:$0x1] =	stream.indirect.gather [hbm4b:s5+s19], $0x80, s13, s19, $0xb8;
	[tilespmem:$0x1D900] =	vst v63  }
0x49: {  	s23 =	simm.s32 $0x4F80;
	s22 =	rddreg [dreg:$0x4]  }
0x4a: {  	[tilespmem:s23], [sflag:$0x3] =	stream.linear.gather [hbm4b:s22+s13], $0x1400, $0x38;
	[tilespmem:$0x1D900] =	vst v63  }
0x4b: {  	s16 =	simm.s32 $0x3B80  }
0x4c: {  	[tilespmem:s16], [sflag:$0x2] =	stream.indirect.gather [hbm4b:s5+s19], $0x80, s19, s19, $0xb8;
	[tilespmem:$0x1D900] =	vst v63  }
0x4d: {  	s14 =	simm.s32 $0x0;
	s22 =	rddreg [dreg:$0x5];
	s23 =	simm.s32 $0x6380  }
0x4e: {  	[tilespmem:s23], [sflag:$0x4] =	stream.linear.gather [hbm4b:s22+s13], $0x1400, $0x38;
	[tilespmem:$0x1D900] =	vst v63  }
.LBB2_6:
0x4f: {  	_ =	swait.ge [sflag:s29], $0x1400  }
0x50: {  	[sflag:s29] =	ssyncset.done $0x0  }
0x51: {  	[sflag:s29] =	ssyncadd.s32 $0xFFFFEC00  }
0x52: {  	_ =	swait.ge [sflag:s30], $0x1400  }
0x53: {  	p2 =	seq.s32 s14, $0x0;
	s15 =	smul.u32 $0x50, s14;
	[sflag:s30] =	ssyncset.done $0x0  }
0x54: {  	s16 =	simm.s32 @!p2 $0x5;
	[sflag:s30] =	ssyncadd.s32 $0xFFFFEC00  }
0x55: {  	s22 =	sadd.s32 s4, s15;
	_ =	swait.ge @!p2 [sflag:s16], $0x1400  }
0x56: {  	s22 =	sshrl.u32 s22, $0x3;
	[sflag:s16] =	ssyncset.done @!p2 $0x0  }
0x57: {  	s23 =	sadd.s32 s7, s22;
	[sflag:s16] =	ssyncadd.s32 @!p2 $0xFFFFEC00;
	s16 =	simm.s32 $0x0  }
0x58: {  	[tilespmem:s31], [sflag:$0x7] =	stream.linear.gather [hbm4b:s23+s13], $0x28, $0x38;
	[tilespmem:$0x1D900] =	vst v63  }
0x59: {  	v1 =	vld [tilespmem:s16+$0x27F0]  }
0x5a: {  	v2 =	vld [tilespmem:s16+$0x4FF0]  }
0x5b: {  	v3 =	vld [tilespmem:s16+$0x2780]  }
0x5c: {  	v4 =	vld [tilespmem:s16+$0x4F80]  }
0x5d: {  	v5 =	vld [tilespmem:s16+$0x2790]  }
0x5e: {  	v6 =	vld [tilespmem:s16+$0x4F90]  }
0x5f: {  	v7 =	vld [tilespmem:s16+$0x27A0]  }
0x60: {  	v1 =	vadd.f32 v2, v1;
	v2 =	vld [tilespmem:s16+$0x4FA0]  }
0x61: {  	v8 =	vld [tilespmem:s16+$0x27B0]  }
0x62: {  	v9 =	vld [tilespmem:s16+$0x4FB0];
	v3 =	vadd.f32 v4, v3  }
0x63: {  	v10 =	vld [tilespmem:s16+$0x27C0];
	v1 =	vmax.f32 v1, $0.0e+00  }
0x64: {  	[tilespmem:s16+$0x77F0] =	vst v1;
	v1 =	vmax.f32 v3, $0.0e+00;
	v3 =	vadd.f32 v6, v5;
	v6 =	vld [tilespmem:s16+$0x4FC0]  }
0x65: {  	v4 =	vld [tilespmem:s16+$0x4FD0];
	v2 =	vadd.f32 v2, v7  }
0x66: {  	[tilespmem:s16+$0x7780] =	vst v1;
	v1 =	vld [tilespmem:s16+$0x27D0];
	v3 =	vmax.f32 v3, $0.0e+00  }
0x67: {  	v5 =	vld [tilespmem:s16+$0x4FE0];
	v7 =	vadd.f32 v9, v8;
	[tilespmem:s16+$0x7790] =	vst v3;
	v3 =	vmax.f32 v2, $0.0e+00  }
0x68: {  	s22 =	simm.s32 $0x80;
	v2 =	vld [tilespmem:s16+$0x27E0];
	[tilespmem:s16+$0x77A0] =	vst v3  }
0x69: {  	s23 =	simm.s32 $0x400;
	v7 =	vmax.f32 v7, $0.0e+00;
	v6 =	vadd.f32 v6, v10;
	v3 =	vld [tilespmem:s22+$0x27F0]  }
.LBB2_7:
0x6a: {  	p1 =	sne.s32 s23, $0x4E00;
	v8 =	vld [tilespmem:s22+$0x4FF0];
	[tilespmem:s16+$0x77B0] =	vst v7  }
0x6b: {  	v7 =	vld [tilespmem:s22+$0x2780];
	v6 =	vmax.f32 v6, $0.0e+00;
	v1 =	vadd.f32 v4, v1  }
0x6c: {  	v4 =	vld [tilespmem:s22+$0x4F80];
	[tilespmem:s16+$0x77C0] =	vst v6  }
0x6d: {  	v6 =	vld [tilespmem:s22+$0x2790];
	v1 =	vmax.f32 v1, $0.0e+00;
	v2 =	vadd.f32 v5, v2  }
0x6e: {  	v5 =	vld [tilespmem:s22+$0x4F90];
	[tilespmem:s16+$0x77D0] =	vst v1  }
0x6f: {  	v1 =	vld [tilespmem:s22+$0x27A0];
	v3 =	vadd.f32 v8, v3;
	v2 =	vmax.f32 v2, $0.0e+00  }
0x70: {  	v8 =	vld [tilespmem:s22+$0x4FA0];
	[tilespmem:s16+$0x77E0] =	vst v2;
	s16 =	smov.u32 s22  }
0x71: {  	v2 =	vadd.f32 v4, v7;
	v7 =	vld [tilespmem:s16+$0x27B0];
	v3 =	vmax.f32 v3, $0.0e+00  }
0x72: {  	v9 =	vld [tilespmem:s16+$0x4FB0];
	[tilespmem:s16+$0x77F0] =	vst v3  }
0x73: {  	v2 =	vmax.f32 v2, $0.0e+00;
	v3 =	vadd.f32 v5, v6;
	v6 =	vld [tilespmem:s16+$0x27C0]  }
0x74: {  	[tilespmem:s16+$0x7780] =	vst v2;
	v10 =	vld [tilespmem:s16+$0x4FC0]  }
.Ltmp2:
0x75: {  	v2 =	vmax.f32 v3, $0.0e+00;
	v3 =	vadd.f32 v8, v1;
	v1 =	vld [tilespmem:s16+$0x27D0];
	(pc) =	sbr.rel @p1 .LBB2_7-.Ltmp2, $4  }
0x76: {  	[tilespmem:s16+$0x7790] =	vst v2;
	v4 =	vld [tilespmem:s16+$0x4FD0]  }
0x77: {  	v3 =	vmax.f32 v3, $0.0e+00;
	v7 =	vadd.f32 v9, v7;
	v2 =	vld [tilespmem:s16+$0x27E0]  }
0x78: {  	s22 =	sshra.s32 s23, $0x2;
	[tilespmem:s16+$0x77A0] =	vst v3;
	v5 =	vld [tilespmem:s16+$0x4FE0]  }
0x79: {  	s23 =	sadd.s32 $0x200, s23;
	v3 =	vld [tilespmem:s22+$0x27F0];
	v7 =	vmax.f32 v7, $0.0e+00;
	v6 =	vadd.f32 v10, v6  }
0x7a: {  	v8 =	vld [tilespmem:s22+$0x4FF0];
	[tilespmem:s16+$0x77B0] =	vst v7  }
0x7b: {  	v7 =	vld [tilespmem:s22+$0x2780];
	v6 =	vmax.f32 v6, $0.0e+00;
	v1 =	vadd.f32 v4, v1  }
0x7c: {  	v9 =	vld [tilespmem:s22+$0x4F80];
	[tilespmem:s16+$0x77C0] =	vst v6  }
0x7d: {  	v4 =	vld [tilespmem:s22+$0x2790];
	v1 =	vmax.f32 v1, $0.0e+00;
	v2 =	vadd.f32 v5, v2  }
0x7e: {  	v6 =	vld [tilespmem:s22+$0x4F90];
	[tilespmem:s16+$0x77D0] =	vst v1  }
0x7f: {  	v1 =	vld [tilespmem:s22+$0x27A0];
	v2 =	vmax.f32 v2, $0.0e+00  }
0x80: {  	v5 =	vld [tilespmem:s22+$0x4FA0];
	v3 =	vadd.f32 v8, v3;
	[tilespmem:s16+$0x77E0] =	vst v2  }
0x81: {  	v7 =	vadd.f32 v9, v7;
	v2 =	vld [tilespmem:s22+$0x27B0]  }
0x82: {  	v3 =	vmax.f32 v3, $0.0e+00;
	v8 =	vld [tilespmem:s22+$0x4FB0]  }
0x83: {  	[tilespmem:s22+$0x77F0] =	vst v3;
	v3 =	vmax.f32 v7, $0.0e+00;
	v7 =	vld [tilespmem:s22+$0x27C0]  }
0x84: {  	v4 =	vadd.f32 v6, v4;
	v6 =	vld [tilespmem:s22+$0x27D0]  }
0x85: {  	[tilespmem:s22+$0x7780] =	vst v3;
	v3 =	vld [tilespmem:s22+$0x4FC0];
	v1 =	vadd.f32 v5, v1  }
0x86: {  	v4 =	vmax.f32 v4, $0.0e+00;
	v5 =	vld [tilespmem:s22+$0x27E0]  }
0x87: {  	[tilespmem:s22+$0x7790] =	vst v4;
	v4 =	vld [tilespmem:s22+$0x4FD0];
	v1 =	vmax.f32 v1, $0.0e+00  }
0x88: {  	[tilespmem:s22+$0x77A0] =	vst v1;
	v1 =	vld [tilespmem:s22+$0x4FE0];
	_ =	sdelay $0x1  }
0x89: {  	v2 =	vadd.f32 v8, v2  }
0x8a: {  	v3 =	vadd.f32 v3, v7  }
0x8b: {  	v2 =	vmax.f32 v2, $0.0e+00;
	v4 =	vadd.f32 v4, v6  }
0x8c: {  	[tilespmem:s22+$0x77B0] =	vst v2;
	v2 =	vmax.f32 v3, $0.0e+00;
	v1 =	vadd.f32 v1, v5  }
0x8d: {  	[tilespmem:s22+$0x77C0] =	vst v2;
	v2 =	vmax.f32 v4, $0.0e+00  }
0x8e: {  	p1 =	seq.s32 s14, $0x7C;
	[tilespmem:s22+$0x77D0] =	vst v2;
	v1 =	vmax.f32 v1, $0.0e+00  }
0x8f: {  	s23 =	simm.s32 @!p1 $0x2780;
	s16 =	sadd.s32 @!p1 $0x50, s15;
	[tilespmem:s22+$0x77E0] =	vst v1;
	s22 =	simm.s32 @!p1 $0x28  }
0x90: {  	[tilespmem:s23], [sflag:$0x1] =	stream.indirect.gather @!p1 [hbm4b:s5+s22], $0x80, s16, s22, $0xb8;
	[tilespmem:$0x1D900] =	vst v63  }
0x91: {  	s16 =	sadd.s32 @!p1 s4, s16  }
0x92: {  	s16 =	sshll.u32 @!p1 s16, $0x4  }
0x93: {  	s22 =	simm.s32 @!p1 $0x0;
	s23 =	simm.s32 @!p1 $0x4F80;
	s16 =	sadd.s32 @!p1 s6, s16  }
0x94: {  	[tilespmem:s23], [sflag:$0x3] =	stream.linear.gather @!p1 [hbm4b:s16+s22], $0x1400, $0x38;
	[tilespmem:$0x1D900] =	vst v63  }
0x95: {  	_ =	swait.ge [sflag:s1], $0x28  }
0x96: {  	[sflag:s1] =	ssyncset.done $0x0  }
0x97: {  	[sflag:s1] =	ssyncadd.s32 $0xFFFFFFD8  }
0x98: {  	[spmem:s2] =	stream.indirect.scatter.add.f32 [tilespmem:s3], [sflag:$0x5], $0x80, s31, s19, $0xb8;
	[tilespmem:$0x1D900] =	vst v63  }
0x99: {  	_ =	swait.ge [sflag:s20], $0x1400  }
0x9a: {  	[sflag:s20] =	ssyncset.done $0x0  }
0x9b: {  	[sflag:s20] =	ssyncadd.s32 $0xFFFFEC00  }
0x9c: {  	_ =	swait.ge [sflag:s21], $0x1400  }
0x9d: {  	[sflag:s21] =	ssyncset.done $0x0  }
0x9e: {  	s16 =	simm.s32 @!p2 $0x6;
	[sflag:s21] =	ssyncadd.s32 $0xFFFFEC00  }
0x9f: {  	s23 =	sadd.s32 s15, s11;
	_ =	swait.ge @!p2 [sflag:s16], $0x1400  }
0xa0: {  	s22 =	sshrl.u32 s23, $0x3;
	s23 =	simm.s32 $0x0;
	[sflag:s16] =	ssyncset.done @!p2 $0x0  }
0xa1: {  	s22 =	sadd.s32 s7, s22;
	[sflag:s16] =	ssyncadd.s32 @!p2 $0xFFFFEC00;
	s16 =	simm.s32 $0x0  }
0xa2: {  	[tilespmem:s26], [sflag:$0x8] =	stream.linear.gather [hbm4b:s22+s23], $0x28, $0x38;
	[tilespmem:$0x1D900] =	vst v63  }
0xa3: {  	v1 =	vld [tilespmem:s16+$0x3BF0]  }
0xa4: {  	v2 =	vld [tilespmem:s16+$0x63F0]  }
0xa5: {  	v3 =	vld [tilespmem:s16+$0x3B80]  }
0xa6: {  	v4 =	vld [tilespmem:s16+$0x6380]  }
0xa7: {  	v5 =	vld [tilespmem:s16+$0x3B90]  }
0xa8: {  	v6 =	vld [tilespmem:s16+$0x6390]  }
0xa9: {  	v7 =	vld [tilespmem:s16+$0x3BA0]  }
0xaa: {  	v1 =	vadd.f32 v2, v1;
	v2 =	vld [tilespmem:s16+$0x63A0]  }
0xab: {  	v8 =	vld [tilespmem:s16+$0x3BB0]  }
0xac: {  	v63 =	vld [tilespmem:s16+$0x63B0];
	v3 =	vadd.f32 v4, v3  }
0xad: {  	v10 =	vld [tilespmem:s16+$0x3BC0];
	v1 =	vmax.f32 v1, $0.0e+00  }
0xae: {  	[tilespmem:s16+$0x8BF0] =	vst v1;
	v1 =	vmax.f32 v3, $0.0e+00;
	v3 =	vadd.f32 v6, v5;
	v6 =	vld [tilespmem:s16+$0x63C0]  }
0xaf: {  	v4 =	vld [tilespmem:s16+$0x63D0];
	v2 =	vadd.f32 v2, v7  }
0xb0: {  	[tilespmem:s16+$0x8B80] =	vst v1;
	v1 =	vld [tilespmem:s16+$0x3BD0];
	v3 =	vmax.f32 v3, $0.0e+00  }
0xb1: {  	v5 =	vld [tilespmem:s16+$0x63E0];
	v7 =	vadd.f32 v63, v8;
	[tilespmem:s16+$0x8B90] =	vst v3;
	v3 =	vmax.f32 v2, $0.0e+00  }
0xb2: {  	s22 =	simm.s32 $0x80;
	v2 =	vld [tilespmem:s16+$0x3BE0];
	[tilespmem:s16+$0x8BA0] =	vst v3  }
0xb3: {  	s23 =	simm.s32 $0x400;
	v7 =	vmax.f32 v7, $0.0e+00;
	v6 =	vadd.f32 v6, v10;
	v3 =	vld [tilespmem:s22+$0x3BF0]  }
.LBB2_9:
0xb4: {  	p2 =	sne.s32 s23, $0x4E00;
	v8 =	vld [tilespmem:s22+$0x63F0];
	[tilespmem:s16+$0x8BB0] =	vst v7  }
0xb5: {  	v7 =	vld [tilespmem:s22+$0x3B80];
	v6 =	vmax.f32 v6, $0.0e+00;
	v1 =	vadd.f32 v4, v1  }
0xb6: {  	v4 =	vld [tilespmem:s22+$0x6380];
	[tilespmem:s16+$0x8BC0] =	vst v6  }
0xb7: {  	v6 =	vld [tilespmem:s22+$0x3B90];
	v1 =	vmax.f32 v1, $0.0e+00;
	v2 =	vadd.f32 v5, v2  }
0xb8: {  	v5 =	vld [tilespmem:s22+$0x6390];
	[tilespmem:s16+$0x8BD0] =	vst v1  }
0xb9: {  	v1 =	vld [tilespmem:s22+$0x3BA0];
	v3 =	vadd.f32 v8, v3;
	v2 =	vmax.f32 v2, $0.0e+00  }
0xba: {  	v8 =	vld [tilespmem:s22+$0x63A0];
	[tilespmem:s16+$0x8BE0] =	vst v2;
	s16 =	smov.u32 s22  }
0xbb: {  	v2 =	vadd.f32 v4, v7;
	v7 =	vld [tilespmem:s16+$0x3BB0];
	v3 =	vmax.f32 v3, $0.0e+00  }
0xbc: {  	v9 =	vld [tilespmem:s16+$0x63B0];
	[tilespmem:s16+$0x8BF0] =	vst v3  }
0xbd: {  	v2 =	vmax.f32 v2, $0.0e+00;
	v3 =	vadd.f32 v5, v6;
	v6 =	vld [tilespmem:s16+$0x3BC0]  }
0xbe: {  	[tilespmem:s16+$0x8B80] =	vst v2;
	v10 =	vld [tilespmem:s16+$0x63C0]  }
.Ltmp3:
0xbf: {  	v2 =	vmax.f32 v3, $0.0e+00;
	v3 =	vadd.f32 v8, v1;
	v1 =	vld [tilespmem:s16+$0x3BD0];
	(pc) =	sbr.rel @p2 .LBB2_9-.Ltmp3, $4  }
0xc0: {  	[tilespmem:s16+$0x8B90] =	vst v2;
	v4 =	vld [tilespmem:s16+$0x63D0]  }
0xc1: {  	v3 =	vmax.f32 v3, $0.0e+00;
	v7 =	vadd.f32 v9, v7;
	v2 =	vld [tilespmem:s16+$0x3BE0]  }
0xc2: {  	s22 =	sshra.s32 s23, $0x2;
	[tilespmem:s16+$0x8BA0] =	vst v3;
	v5 =	vld [tilespmem:s16+$0x63E0]  }
0xc3: {  	s23 =	sadd.s32 $0x200, s23;
	v3 =	vld [tilespmem:s22+$0x3BF0];
	v7 =	vmax.f32 v7, $0.0e+00;
	v6 =	vadd.f32 v10, v6  }
0xc4: {  	v8 =	vld [tilespmem:s22+$0x63F0];
	[tilespmem:s16+$0x8BB0] =	vst v7  }
0xc5: {  	v7 =	vld [tilespmem:s22+$0x3B80];
	v6 =	vmax.f32 v6, $0.0e+00;
	v1 =	vadd.f32 v4, v1  }
0xc6: {  	v9 =	vld [tilespmem:s22+$0x6380];
	[tilespmem:s16+$0x8BC0] =	vst v6  }
0xc7: {  	v57 =	vld [tilespmem:s22+$0x3B90];
	v1 =	vmax.f32 v1, $0.0e+00;
	v2 =	vadd.f32 v5, v2  }
0xc8: {  	v6 =	vld [tilespmem:s22+$0x6390];
	[tilespmem:s16+$0x8BD0] =	vst v1  }
0xc9: {  	v1 =	vld [tilespmem:s22+$0x3BA0];
	v2 =	vmax.f32 v2, $0.0e+00  }
0xca: {  	v58 =	vld [tilespmem:s22+$0x63A0];
	[tilespmem:s16+$0x8BE0] =	vst v2  }
0xcb: {  	v2 =	vld [tilespmem:s22+$0x3BB0]  }
0xcc: {  	v3 =	vadd.f32 v8, v3;
	v59 =	vld [tilespmem:s22+$0x63B0]  }
0xcd: {  	v7 =	vadd.f32 v9, v7;
	v60 =	vld [tilespmem:s22+$0x3BC0]  }
0xce: {  	v3 =	vmax.f32 v3, $0.0e+00;
	v61 =	vld [tilespmem:s22+$0x3BD0]  }
0xcf: {  	v62 =	vld [tilespmem:s22+$0x63D0];
	[tilespmem:s22+$0x8BF0] =	vst v3;
	v3 =	vmax.f32 v7, $0.0e+00;
	v1 =	vadd.f32 v58, v1  }
0xd0: {  	[tilespmem:s22+$0x8B80] =	vst v3;
	v3 =	vld [tilespmem:s22+$0x63C0]  }
0xd1: {  	v63 =	vld [tilespmem:s22+$0x3BE0];
	v1 =	vmax.f32 v1, $0.0e+00  }
0xd2: {  	[tilespmem:s22+$0x8BA0] =	vst v1;
	v1 =	vld [tilespmem:s22+$0x63E0]  }
0xd3: {  	v4 =	vadd.f32 v6, v57  }
0xd4: {  	v2 =	vadd.f32 v59, v2  }
0xd5: {  	v4 =	vmax.f32 v4, $0.0e+00;
	v3 =	vadd.f32 v3, v60  }
0xd6: {  	[tilespmem:s22+$0x8B90] =	vst v4;
	v4 =	vadd.f32 v62, v61;
	v2 =	vmax.f32 v2, $0.0e+00  }
0xd7: {  	[tilespmem:s22+$0x8BB0] =	vst v2;
	v2 =	vmax.f32 v3, $0.0e+00;
	v1 =	vadd.f32 v1, v63  }
0xd8: {  	[tilespmem:s22+$0x8BC0] =	vst v2;
	v2 =	vmax.f32 v4, $0.0e+00  }
0xd9: {  	[tilespmem:s22+$0x8BD0] =	vst v2;
	v1 =	vmax.f32 v1, $0.0e+00  }
0xda: {  	s15 =	sadd.s32 @!p1 $0x78, s15;
	s16 =	simm.s32 @!p1 $0x28;
	[tilespmem:s22+$0x8BE0] =	vst v1;
	s22 =	simm.s32 @!p1 $0x3B80  }
0xdb: {  	[tilespmem:s22], [sflag:$0x2] =	stream.indirect.gather @!p1 [hbm4b:s5+s16], $0x80, s15, s16, $0xb8;
	[tilespmem:$0x1D900] =	vst v63  }
0xdc: {  	s15 =	sadd.s32 @!p1 s4, s15  }
0xdd: {  	s14 =	sadd.s32 $0x1, s14;
	s15 =	sshll.u32 @!p1 s15, $0x4  }
0xde: {  	s16 =	simm.s32 @!p1 $0x0;
	s22 =	simm.s32 @!p1 $0x6380;
	s15 =	sadd.s32 @!p1 s6, s15  }
0xdf: {  	[tilespmem:s22], [sflag:$0x4] =	stream.linear.gather @!p1 [hbm4b:s15+s16], $0x1400, $0x38;
	[tilespmem:$0x1D900] =	vst v63  }
0xe0: {  	p1 =	sne.s32 s14, $0x7D  }
.Ltmp4:
0xe1: {  	_ = 	snop;
	(pc) =	sbr.rel @p1 .LBB2_6-.Ltmp4, $4  }
0xe2: {  	_ =	swait.ge [sflag:s28], $0x28  }
0xe3: {  	[sflag:s28] =	ssyncset.done $0x0  }
0xe4: {  	[sflag:s28] =	ssyncadd.s32 $0xFFFFFFD8  }
0xe5: {  	[spmem:s2] =	stream.indirect.scatter.add.f32 [tilespmem:s8], [sflag:$0x6], $0x80, s26, s19, $0xb8;
	[tilespmem:$0x1D900] =	vst v63  }
0xe6: {  	_ =	swait.ge [sflag:s9], $0x1400  }
0xe7: {  	[sflag:s9] =	ssyncset.done $0x0  }
0xe8: {  	[sflag:s9] =	ssyncadd.s32 $0xFFFFEC00  }
0xe9: {  	_ =	swait.ge [sflag:s10], $0x1400  }
0xea: {  	[sflag:s10] =	ssyncset.done $0x0  }
0xeb: {  	[sflag:s10] =	ssyncadd.s32 $0xFFFFEC00  }
0xec: {  	[bflag:$0x0] =	sbarrier.arrive $0xFFFF  }
0xed: {  	s13 =	sshll.u32 s0, $0x6;
	s14 =	rddreg [dreg:$0x7]  }
0xee: {  	s13 =	sor.u32 $0x1C09, s13;
	s15 =	rddreg [dreg:$0xb]  }
0xef: {  	[hbm:s14], [sflag:s13] =	dma.local [spmem:s15], $0xC80  }
0xf0: {  	_ =	swait.ge [sflag:s18], $0xC80  }
0xf1: {  	[sflag:s18] =	ssyncset.done $0x0;
	s15 =	rddreg [dreg:$0x8]  }
0xf2: {  	s16 =	rddreg [dreg:$0xc];
	[sflag:s18] =	ssyncadd.s32 $0xFFFFF380  }
0xf3: {  	[hbm:s15], [sflag:s13] =	dma.local [spmem:s16], $0xC80  }
0xf4: {  	_ =	swait.ge [sflag:s18], $0xC80  }
0xf5: {  	[sflag:s18] =	ssyncset.done $0x0  }
0xf6: {  	s22 =	rddreg [dreg:$0x9];
	[sflag:s18] =	ssyncadd.s32 $0xFFFFF380  }
0xf7: {  	[hbm:s22], [sflag:s13] =	dma.local [spmem:s24], $0xC80  }
0xf8: {  	_ =	swait.ge [sflag:s18], $0xC80  }
0xf9: {  	[sflag:s18] =	ssyncset.done $0x0  }
0xfa: {  	s14 =	rddreg [dreg:$0xa];
	[sflag:s18] =	ssyncadd.s32 $0xFFFFF380  }
0xfb: {  	[hbm:s14], [sflag:s13] =	dma.local @!p0 [spmem:s25], $0xC80  }
0xfc: {  	s13 =	simm.s32 @!p0 $0x9  }
0xfd: {  	_ =	swait.ge @!p0 [sflag:s13], $0xC80  }
0xfe: {  	s12 =	sadd.s32 $0x1, s12;
	s23 =	rddreg [dreg:$0x6]  }
0xff: {  	p1 =	sne.s32 s12, s23  }
.Ltmp5:
0x100: {  	_ = 	snop;
	(pc) =	sbr.rel @p1 .LBB2_1-.Ltmp5, $3  }
0x101: {  	_ =	sdelay $0x1  }
0x102: {  	[sflag:s13] =	ssyncset.done @!p0 $0x0  }
0x103: {  	[sflag:s13] =	ssyncadd.s32 @!p0 $0xFFFFF380  }
0x104: {  	_ =	sfence.sel $0x180000  }
0x105: {  	[bflag:$0x0] =	sbarrier.arrive $0xFFFF  }
0x106: {  	_ =	strace $0x9000004A  }
0x107: {  	[bflag:$0x2] =	sbarrier.arrive $0xFFFF  }
0x108: {  	p0 =	sne.s32 s0, $0x0;
	s0 =	rddreg [dreg:$0x2]  }
0x109: {  	s0 =	sadd.s32 @!p0 $0x100000, s0  }
0x10a: {  	[sflag:s0] =	ssyncadd.tile.s32 @!p0 $0x1;
	_ =	shalt  }
.Lfunc_end2:
_tile_overlayer_lowered:
.L_overlay_start_2:
0x10b: {  	(tag) =	ssettag $0x2  }
0x10c: {  	s0 =	rddreg [dreg:$0x0];
	s2 =	stileid.u32  }
0x10d: {  	s1 =	rddreg [dreg:$0x1];
	p0 =	sne.s32 s2, $0x0  }
0x10e: {  	s3 =	rddreg [dreg:$0x2];
	[bflag:$0x3] =	sbarrier.arrive $0xFFFF;
	s2 =	simm.s32 @!p0 $0x1C09  }
0x10f: {  	[timem:s3], [sflag:s2] =	dma.local @!p0 [hbm:s0], s1  }
0x110: {  	s0 =	simm.s32 @!p0 $0x9  }
0x111: {  	_ =	swait.ge @!p0 [sflag:s0], s1  }
0x112: {  	s1 =	ssub.s32 @!p0 $0x0, s1;
	[sflag:s0] =	ssyncset.done @!p0 $0x0  }
0x113: {  	[sflag:s0] =	ssyncadd.s32 @!p0 s1  }
0x114: {  	[bflag:$0x3] =	sbarrier.arrive $0xFFFF  }
0x115: {  	_ =	shalt  }

// kernel: kernel.24.cloned.1.call-start
scs
__scs_entry_jumppad:
0x0: {  	(pc) =	sbr.rel $0x88, $3  }
0x1: {  	(tag) =	ssettag $0x0;
	lr =	simm.s32 $0x1  }
0x2: {  	[smem:$0x3F89] =	sst lr;
	_ =	strace $0xD0000000  }
0x3: {  	_ = 	snop  }
0x4: {  	_ = 	snop  }
0x5: {  	_ = 	snop  }
0x6: {  	_ = 	snop  }
0x7: {  	_ = 	snop  }
__scs_overlays_trampoline_lowered:
0x8: {  	[smem:$0x3F98] =	sst s0  }
0x9: {  	[smem:$0x3F99] =	sst s1  }
0xa: {  	[smem:$0x3F9A] =	sst s2  }
0xb: {  	[smem:$0x3F9B] =	sst s3  }
0xc: {  	[smem:$0x3F9C] =	sst s4  }
0xd: {  	[smem:$0x3F9D] =	sst s5  }
0xe: {  	[smem:$0x3F9E] =	sst s6  }
0xf: {  	[smem:$0x3F9F] =	sst s7  }
0x10: {  	[smem:$0x3FA0] =	sst s8  }
0x11: {  	[smem:$0x3FA1] =	sst s9;
	s0 =	simm.s32 @!p0 $0x0  }
0x12: {  	s1 =	sld [smem:$0x3F87];
	s0 =	simm.s32 @p0 $0x1  }
0x13: {  	[smem:$0x3FA2] =	sst s0;
	s0 =	simm.s32 @!p1 $0x0  }
0x14: {  	s2 =	sld [smem:$0x3F86];
	s0 =	simm.s32 @p1 $0x1  }
0x15: {  	[smem:$0x3FA3] =	sst s0;
	s0 =	simm.s32 @!p2 $0x0  }
0x16: {  	s3 =	sld [smem:$0x3FDB];
	s0 =	simm.s32 @p2 $0x1  }
0x17: {  	s4 =	simm.s32 $0x1BF5;
	[smem:$0x3FA5] =	sst s0  }
0x18: {  	s0 =	sld [smem:$0x3F88];
	_ =	swait.ge [sflag:s4], $0x0  }
0x19: {  	s7 =	sld [smem:$0x3F89]  }
0x1a: {  	s8 =	sadd.s32 $0xFFFFE003, lr  }
0x1b: {  	s9 =	sadd.s32 $0xFFFFFEF7, lr;
	s5 =	simm.s32 $0xFFFFFFFF;
	p2 =	slt.u32 s8, $0xFFFFF086  }
0x1c: {  	p1 =	slt.u32 s9, $0xF7A;
	s5 =	simm.s32 @!p2 $0x0  }
0x1d: {  	s5 =	simm.s32 @p1 $0x1;
	p0 =	seq.s32 s7, s2  }
0x1e: {  	s7 =	smul.u32 @!p0 $0xF7A, s2;
	p2 =	seq.s32 @!p0 s5, $0x0  }
0x1f: {  	s9 =	smul.u32 $0xF7A, s1;
	s8 =	simm.s32 @!p0 $0x1BF5;
	p2 =	por !p2, p0  }
0x20: {  	[sflag:s8] =	ssyncset.s32 @!p0 $0xFFFFF086;
	s6 =	sadd.s32 @!p0 s3, s7;
	s7 =	simm.s32 @!p0 $0x108  }
0x21: {  	s3 =	sadd.s32 s3, s9;
	s6 =	sadd.s32 @!p0 $0x88, s6;
	s7 =	simm.s32 @p2 $0x1082  }
0x22: {  	[simem:s7], [sflag:s8] =	dma.local @!p0 [hbm:s6], $0xF7A  }
0x23: {  	s9 =	sor.u32 $0xD0000000, s2;
	s6 =	simm.s32 $0x108;
	_ =	swait.ge @!p0 [sflag:s8], $0x0  }
0x24: {  	s3 =	sadd.s32 $0x88, s3;
	s6 =	simm.s32 @!p1 $0x1082;
	[sflag:s4] =	ssyncset.s32 $0xFFFFF086  }
0x25: {  	[simem:s6], [sflag:s4] =	dma.local [hbm:s3], $0xF7A  }
0x26: {  	[smem:$0x3F89] =	sst s1;
	(tag) =	ssettag s2;
	_ =	strace s9  }
0x27: {  	s1 =	sld [smem:$0x3F99]  }
0x28: {  	s2 =	sld [smem:$0x3F9A]  }
0x29: {  	s4 =	sld [smem:$0x3F9C]  }
0x2a: {  	p0 =	seq.s32 s5, $0x0;
	s5 =	sld [smem:$0x3F9D]  }
0x2b: {  	s6 =	sld [smem:$0x3F9E]  }
0x2c: {  	s7 =	sld [smem:$0x3F9F]  }
0x2d: {  	s3 =	simm.s32 $0x108;
	s8 =	sld [smem:$0x3FA0]  }
0x2e: {  	s3 =	simm.s32 @!p0 $0x1082;
	s9 =	sld [smem:$0x3FA1]  }
0x2f: {  	lr =	sadd.s32 s0, s3;
	s0 =	sld [smem:$0x3F98]  }
0x30: {  	s3 =	sld [smem:$0x3F9B]  }
0x31: {  	[smem:$0x3FA4] =	sst s10  }
0x32: {  	s10 =	sld [smem:$0x3FA2];
	_ =	sdelay $0x3  }
0x33: {  	p0 =	seq.s32 s10, $0x1;
	s10 =	sld [smem:$0x3FA4];
	_ =	sdelay $0x3  }
0x34: {  	[smem:$0x3FA4] =	sst s10  }
0x35: {  	s10 =	sld [smem:$0x3FA3];
	_ =	sdelay $0x3  }
0x36: {  	p1 =	seq.s32 s10, $0x1;
	s10 =	sld [smem:$0x3FA4];
	_ =	sdelay $0x3  }
0x37: {  	[smem:$0x3FA4] =	sst s10  }
0x38: {  	s10 =	sld [smem:$0x3FA5]  }
0x39: {  	_ = 	snop;
	(pc) =	sbr.ind lr, $3  }
0x3a: {  	_ = 	snop  }
0x3b: {  	_ = 	snop  }
0x3c: {  	p2 =	seq.s32 s10, $0x1;
	s10 =	sld [smem:$0x3FA4]  }
0x3d: {  	_ =	shalt  }
0x3e: {  	_ =	shalt  }
0x3f: {  	_ =	shalt  }
0x40: {  	_ =	shalt  }
0x41: {  	_ =	shalt  }
0x42: {  	_ =	shalt  }
0x43: {  	_ =	shalt  }
0x44: {  	_ =	shalt  }
0x45: {  	_ =	shalt  }
0x46: {  	_ =	shalt  }
0x47: {  	_ =	shalt  }
0x48: {  	_ =	shalt  }
0x49: {  	_ =	shalt  }
0x4a: {  	_ =	shalt  }
0x4b: {  	_ =	shalt  }
0x4c: {  	_ =	shalt  }
0x4d: {  	_ =	shalt  }
0x4e: {  	_ =	shalt  }
0x4f: {  	_ =	shalt  }
0x50: {  	_ =	shalt  }
0x51: {  	_ =	shalt  }
0x52: {  	_ =	shalt  }
0x53: {  	_ =	shalt  }
0x54: {  	_ =	shalt  }
0x55: {  	_ =	shalt  }
0x56: {  	_ =	shalt  }
0x57: {  	_ =	shalt  }
0x58: {  	_ =	shalt  }
0x59: {  	_ =	shalt  }
0x5a: {  	_ =	shalt  }
0x5b: {  	_ =	shalt  }
0x5c: {  	_ =	shalt  }
0x5d: {  	_ =	shalt  }
0x5e: {  	_ =	shalt  }
0x5f: {  	_ =	shalt  }
0x60: {  	_ =	shalt  }
0x61: {  	_ =	shalt  }
0x62: {  	_ =	shalt  }
0x63: {  	_ =	shalt  }
0x64: {  	_ =	shalt  }
0x65: {  	_ =	shalt  }
0x66: {  	_ =	shalt  }
0x67: {  	_ =	shalt  }
0x68: {  	_ =	shalt  }
0x69: {  	_ =	shalt  }
0x6a: {  	_ =	shalt  }
0x6b: {  	_ =	shalt  }
0x6c: {  	_ =	shalt  }
0x6d: {  	_ =	shalt  }
0x6e: {  	_ =	shalt  }
0x6f: {  	_ =	shalt  }
0x70: {  	_ =	shalt  }
0x71: {  	_ =	shalt  }
0x72: {  	_ =	shalt  }
0x73: {  	_ =	shalt  }
0x74: {  	_ =	shalt  }
0x75: {  	_ =	shalt  }
0x76: {  	_ =	shalt  }
0x77: {  	_ =	shalt  }
0x78: {  	_ =	shalt  }
0x79: {  	_ =	shalt  }
0x7a: {  	_ =	shalt  }
0x7b: {  	_ =	shalt  }
0x7c: {  	_ =	shalt  }
0x7d: {  	_ =	shalt  }
0x7e: {  	_ =	shalt  }
0x7f: {  	_ =	shalt  }
0x80: {  	_ =	shalt  }
0x81: {  	_ =	shalt  }
0x82: {  	_ =	shalt  }
0x83: {  	_ =	shalt  }
0x84: {  	_ =	shalt  }
0x85: {  	_ =	shalt  }
0x86: {  	_ =	shalt  }
0x87: {  	_ =	shalt  }
.Lfunc_end0:
.L_simem_size_0:
called_computation.2_lowered:
.L_overlay_start_0:
0x88: {  	s2 =	sld [smem:$0x3FD9]  }
0x89: {  	s3 =	sld [smem:$0x3FFE];
	_ =	sdelay $0x1  }
0x8a: {  	s1 =	srdreg.scid  }
0x8b: {  	s0 =	sand.u32 $0x1, s1  }
0x8c: {  	s16 =	sshll.u32 s0, $0xA;
	s2 =	sadd.s32 s3, s2  }
0x8d: {  	s2 =	sadd.s32 s2, s16  }
0x8e: {  	[smem:$0x3FB0] =	sst s2  }
0x8f: {  	_ = 	snop  }
0x90: {  	(tm) =	ssettm $0x1  }
0x91: {  	s17 =	sld [smem:$0x3FFB];
	_ =	sdelay $0x3  }
0x92: {  	_ =	strace s17  }
0x93: {  	s2 =	sld [smem:$0x3FFC];
	_ =	sdelay $0x3  }
0x94: {  	_ =	strace s2  }
0x95: {  	s2 =	sld [smem:$0x3FFD];
	_ =	sdelay $0x3  }
0x96: {  	_ =	strace s2  }
0x97: {  	_ =	strace $0x8FFFFFFF  }
0x98: {  	s18 =	sld [smem:$0x3FDB];
	_ =	sdelay $0x1  }
0x99: {  	s19 =	simm.s32 $_scs_section_size  }
0x9a: {  	s4 =	simm.s32 $_size__tile_overlayer_lowered;
	s5 =	simm.s32 $_tile_overlayer_lowered  }
0x9b: {  	s22 =	simm.s32 $0x1BFF;
	s21 =	sshll.u32 s5, $0x1;
	s2 =	sadd.s32 s19, s18  }
0x9c: {  	s6 =	simm.s32 $0x0;
	s20 =	sshll.u32 s4, $0x1;
	s4 =	sadd.s32 s21, s2  }
0x9d: {  	[timem:s6], [sflag:s22] =	dma.local [hbm:s4], s20  }
0x9e: {  	_ =	swait.ge [sflag:s22], s20  }
0x9f: {  	s3 =	ssub.s32 $0x0, s20;
	[sflag:s22] =	ssyncset.done $0x0  }
0xa0: {  	[sflag:s22] =	ssyncadd.s32 s3;
	_ =	sdelay $0x1  }
0xa1: {  	s23 =	simm.s32 $0x1B8B  }
0xa2: {  	_ =	swait.ge [sflag:s23], $0x1  }
0xa3: {  	[sflag:s23] =	ssyncset.done $0x0  }
0xa4: {  	s25 =	simm.s32 $0x1B8E;
	s24 =	sld [smem:$0x3FFE];
	[sflag:s23] =	ssyncadd.s32 $0xFFFFFFFF  }
0xa5: {  	s26 =	simm.s32 $execute0_lowered;
	[smem:$0x3FD2] =	sst s25  }
0xa6: {  	s4 =	sshll.u32 s26, $0x1;
	_ =	strace $0x8000004C;
	[dreg:$0x1] =	wrdreg $0xFFFFFFFF  }
0xa7: {  	s28 =	simm.s32 $_size_execute0_lowered;
	s2 =	sadd.s32 s2, s4;
	[dreg:$0x0] =	wrdreg $0x0  }
0xa8: {  	s4 =	sshll.u32 s28, $0x1;
	[dreg:$0x2] =	wrdreg s2  }
0xa9: {  	[dreg:$0x3] =	wrdreg s4  }
0xaa: {  	[dreg:$0x4] =	wrdreg $0xC0  }
0xab: {  	_ =	task [dreg:s6], $0x5FFFF  }
0xac: {  	[dreg:$0x1] =	wrdreg $0xFFFFFFFF  }
0xad: {  	[dreg:$0x0] =	wrdreg $0x60  }
0xae: {  	[dreg:$0x2] =	wrdreg s24  }
0xaf: {  	[dreg:$0x3] =	wrdreg $0xA0800  }
0xb0: {  	[dreg:$0x4] =	wrdreg $0x9  }
0xb1: {  	_ =	task.clear_ibuf [dreg:s6], $0x5FFFF;
	_ =	strace $0x9000004C  }
0xb2: {  	s29 =	simm.s32 $0x9;
	_ =	strace $0x8000004E  }
0xb3: {  	_ =	swait.ge [sflag:s29], $0x1  }
0xb4: {  	[sflag:s29] =	ssyncadd.s32 $0xFFFFFFFF  }
0xb5: {  	_ =	strace $0x9000004E  }
0xb6: {  	_ =	sfence  }
0xb7: {  	s30 =	sld [smem:$0x0];
	_ =	sdelay $0x2  }
0xb8: {  	s31 =	sshll.u32 s1, $0xD;
	s1 =	sshrl.u32 s1, $0x2  }
0xb9: {  	s3 =	sand.u32 $0x4000, s31;
	s1 =	sadd.s32 s1, s30  }
0xba: {  	s0 =	sor.u32 s3, s0;
	s1 =	sshll.u32 s1, $0x11  }
0xbb: {  	s0 =	sor.u32 s1, s0  }
0xbc: {  	s0 =	sadd.s32 $0x8F2B, s0  }
0xbd: {  	[sflag:s0] =	ssyncadd.remote.s32 $0x1  }
0xbe: {  	_ =	sfence.sel $0xFFFF  }
0xbf: {  	[dreg:$0x0] =	wrdreg $0xFFFFFFFF;
	(pc) =	sbr.abs _section_cstart, $3  }
0xc0: {  	[dreg:$0x1] =	wrdreg $0xFFFFFFFF  }
0xc1: {  	_ =	task.clear_ibuf [dreg:s6], $0x2FFFF;
	_ =	strace $0x9FFFFFFF  }
0xc2: {  	(tm) =	ssettm $0x7FFFFFFF  }
0xc3: {  	_ =	shalt  }
tec
execute0_lowered:
.L_overlay_start_1:
0x0: {  	(tag) =	ssettag $0x1  }
0x1: {  	s1 =	srdreg.scid;
	s3 =	rddreg [dreg:$0x0]  }
0x2: {  	s0 =	stileid.u32;
	s2 =	rddreg [dreg:$0x1]  }
0x3: {  	s5 =	simm.s32 $0x0;
	s1 =	sand.u32 $0x1, s1;
	s13 =	smul.u32 $0x6400, s0  }
0x4: {  	s4 =	sshll.u32 s0, $0x1;
	s16 =	smul.u32 $0x19000, s0;
	s17 =	sor.u32 $0x10, s0  }
0x5: {  	s8 =	sor.u32 s1, s4;
	s11 =	ssub.s32 $0x2, s1;
	s1 =	smul.u32 $0x138800, s1  }
0x6: {  	s29 =	simm.s32 $0x1;
	s19 =	sor.u32 $0x20, s0;
	s18 =	smul.u32 $0x6400, s17  }
0x7: {  	s30 =	simm.s32 $0x3;
	s31 =	simm.s32 $0x9F80;
	s20 =	smul.u32 $0x6400, s19  }
0x8: {  	s28 =	simm.s32 $0x8;
	[smem:$0x7FF] =	sst s5;
	s4 =	smul.u32 $0x2710, s8  }
0x9: {  	s5 =	sadd.s32 $0x771600, s3;
	s6 =	sadd.s32 $0x9C00, s3;
	s10 =	smul.u32 $0x27100, s8  }
0xa: {  	_ =	strace $0x8000004D;
	s8 =	smul.u32 $0x138800, s8;
	s12 =	sshrl.u32 s11, $0x1  }
0xb: {  	s12 =	ssub.s32 s11, s12;
	s15 =	sadd.s32 s1, s13;
	s13 =	sadd.s32 s1, s20  }
0xc: {  	s20 =	simm.s32 $0x2;
	s7 =	sshrl.u32 s4, $0x3;
	s8 =	sshrl.u32 s8, $0x3  }
0xd: {  	s14 =	sadd.s32 s6, s10;
	s11 =	sadd.s32 $0x28, s4;
	s12 =	smax.u32 s12, $0x1  }
0xe: {  	s10 =	smul.u32 $0x19000, s17;
	s13 =	sshrl.u32 s13, $0x3;
	s9 =	sadd.s32 s7, s3  }
0xf: {  	s7 =	sadd.s32 $0x4ECA00, s3;
	s3 =	sadd.s32 $0x798800, s3;
	[dreg:$0x4] =	wrdreg s14  }
0x10: {  	s8 =	sadd.s32 s6, s8;
	[dreg:$0x6] =	wrdreg s12;
	s12 =	smul.u32 $0x19000, s19  }
0x11: {  	s14 =	sor.u32 $0x30, s0;
	s19 =	simm.s32 $0x28;
	s9 =	sadd.s32 $0x4F6800, s9  }
0x12: {  	s8 =	sadd.s32 $0x280, s8;
	s21 =	sshrl.u32 s10, $0x2;
	s22 =	smul.u32 $0x6400, s14  }
0x13: {  	s13 =	sadd.s32 s3, s13;
	p0 =	sgt.u32 s14, $0x31;
	[dreg:$0x3] =	wrdreg s9  }
0x14: {  	s10 =	simm.s32 $0x6;
	[dreg:$0x5] =	wrdreg s8;
	s8 =	sshrl.u32 s15, $0x3  }
0x15: {  	s9 =	sshrl.u32 s16, $0x2;
	s15 =	smul.u32 $0x19000, s14;
	s12 =	sshrl.u32 s12, $0x2  }
0x16: {  	s16 =	smul.u32 $0x5000, s0;
	[dreg:$0x9] =	wrdreg s13;
	s8 =	sadd.s32 s3, s8  }
0x17: {  	s9 =	sadd.s32 s9, s2;
	s12 =	sadd.s32 s12, s2;
	[dreg:$0x7] =	wrdreg s8  }
0x18: {  	s8 =	sadd.s32 s1, s18;
	s1 =	sadd.s32 s1, s22;
	s23 =	sshrl.u32 s15, $0x2  }
0x19: {  	s24 =	sshrl.u32 s16, $0x2;
	s18 =	simm.s32 $0x9;
	s25 =	sshrl.u32 s9, $0x3  }
0x1a: {  	s9 =	simm.s32 $0x5;
	s8 =	sshrl.u32 s8, $0x3;
	s1 =	sshrl.u32 s1, $0x3  }
0x1b: {  	s17 =	sadd.s32 s24, s2;
	[dreg:$0xb] =	wrdreg s25;
	s24 =	sshrl.u32 s12, $0x3  }
0x1c: {  	s12 =	simm.s32 $0x0;
	s8 =	sadd.s32 s3, s8;
	s1 =	sadd.s32 s3, s1  }
0x1d: {  	s3 =	simm.s32 $0x7780;
	[dreg:$0x8] =	wrdreg s8;
	s8 =	sadd.s32 s21, s2  }
0x1e: {  	[dreg:$0xa] =	wrdreg s1;
	s1 =	sadd.s32 s23, s2;
	s21 =	simm.s32 $0x4  }
0x1f: {  	s26 =	sshrl.u32 s8, $0x3;
	s25 =	sshrl.u32 @!p0 s1, $0x3;
	s1 =	simm.s32 $0x7  }
0x20: {  	v0 =	vimm.f32 $0.0e+00;
	s8 =	simm.s32 $0x8B80;
	[dreg:$0xc] =	wrdreg s26;
	s26 =	simm.s32 $0xA000  }
.LBB2_1:
0x21: {  	s13 =	simm.s32 $0x0;
	s14 =	rddreg [dreg:$0x3]  }
0x22: {  	[tilespmem:s13], [sflag:$0x9] =	stream.linear.gather [hbm4b:s14+s13], $0x2710, $0x38;
	[tilespmem:$0x1D900] =	vst v63  }
0x23: {  	_ =	swait.ge [sflag:s18], $0x2710  }
0x24: {  	[sflag:s18] =	ssyncset.done $0x0  }
0x25: {  	s13 =	simm.s32 $0x0;
	s14 =	simm.s32 $0x200;
	[sflag:s18] =	ssyncadd.s32 $0xFFFFD8F0  }
.LBB2_2:
0x26: {  	p1 =	sne.s32 s14, $0x4E00;
	[tilespmem:s13+$0x27F0] =	vst v0  }
0x27: {  	[tilespmem:s13+$0x2780] =	vst v0  }
0x28: {  	[tilespmem:s13+$0x2790] =	vst v0  }
.Ltmp0:
0x29: {  	[tilespmem:s13+$0x27A0] =	vst v0;
	(pc) =	sbr.rel @p1 .LBB2_2-.Ltmp0, $4  }
0x2a: {  	[tilespmem:s13+$0x27B0] =	vst v0  }
0x2b: {  	[tilespmem:s13+$0x27C0] =	vst v0  }
0x2c: {  	[tilespmem:s13+$0x27D0] =	vst v0  }
0x2d: {  	[tilespmem:s13+$0x27E0] =	vst v0;
	s13 =	sshra.s32 s14, $0x2;
	s14 =	sadd.s32 $0x200, s14  }
0x2e: {  	[tilespmem:s13+$0x27F0] =	vst v0  }
0x2f: {  	[tilespmem:s13+$0x2780] =	vst v0  }
0x30: {  	[tilespmem:s13+$0x2790] =	vst v0  }
0x31: {  	[tilespmem:s13+$0x27A0] =	vst v0  }
0x32: {  	[tilespmem:s13+$0x27B0] =	vst v0  }
0x33: {  	[tilespmem:s13+$0x27C0] =	vst v0;
	s14 =	sadd.s32 $0x0, s0  }
0x34: {  	[tilespmem:s13+$0x27D0] =	vst v0;
	p1 =	sgt.u32 s14, $0xF9  }
0x35: {  	[tilespmem:s13+$0x27E0] =	vst v0;
	s13 =	simm.s32 @!p1 $0x2780;
	s16 =	simm.s32 @!p1 $0x9  }
0x36: {  	[spmem:s17] =	stream.linear.scatter @!p1 [tilespmem:s13], [sflag:$0x9], $0x1400, $0x38;
	[tilespmem:$0x1D900] =	vst v63  }
0x37: {  	s15 =	simm.s32 $0x20;
	_ =	swait.ge @!p1 [sflag:s16], $0x1400  }
0x38: {  	s14 =	simm.s32 $0x10;
	s13 =	sadd.s32 $0x14000, s17;
	[sflag:s16] =	ssyncset.done @!p1 $0x0  }
.LBB2_4:
0x39: {  	s22 =	sadd.s32 s14, s0;
	s14 =	smov.u32 s15;
	s15 =	sadd.s32 $0x10, s15  }
0x3a: {  	[sflag:s16] =	ssyncadd.s32 @!p1 $0xFFFFEC00;
	p2 =	sne.s32 s15, $0x100  }
.Ltmp1:
0x3b: {  	p1 =	sgt.u32 s22, $0xF9;
	(pc) =	sbr.rel @p2 .LBB2_4-.Ltmp1, $4  }
0x3c: {  	s22 =	simm.s32 @!p1 $0x2780;
	s16 =	simm.s32 @!p1 $0x9  }
0x3d: {  	[spmem:s13] =	stream.linear.scatter @!p1 [tilespmem:s22], [sflag:$0x9], $0x1400, $0x38;
	[tilespmem:$0x1D900] =	vst v63  }
0x3e: {  	_ =	swait.ge @!p1 [sflag:s16], $0x1400  }
0x3f: {  	s13 =	sadd.s32 $0x14000, s13;
	[sflag:s16] =	ssyncset.done @!p1 $0x0  }
0x40: {  	s14 =	sadd.s32 s14, s0  }
0x41: {  	p2 =	sgt.u32 s14, $0xF9  }
0x42: {  	[sflag:s16] =	ssyncadd.s32 @!p1 $0xFFFFEC00;
	s14 =	simm.s32 @!p2 $0x2780;
	s15 =	simm.s32 @!p2 $0x9  }
0x43: {  	[spmem:s13] =	stream.linear.scatter @!p2 [tilespmem:s14], [sflag:$0x9], $0x1400, $0x38;
	[tilespmem:$0x1D900] =	vst v63  }
0x44: {  	_ =	swait.ge @!p2 [sflag:s15], $0x1400  }
0x45: {  	[sflag:s15] =	ssyncset.done @!p2 $0x0  }
0x46: {  	[sflag:s15] =	ssyncadd.s32 @!p2 $0xFFFFEC00  }
0x47: {  	s16 =	simm.s32 $0x2780;
	s13 =	simm.s32 $0x0;
	[bflag:$0x0] =	sbarrier.arrive $0xFFFF  }
0x48: {  	[tilespmem:s16], [sflag:$0x1] =	stream.indirect.gather [hbm4b:s5+s19], $0x80, s13, s19, $0xb8;
	[tilespmem:$0x1D900] =	vst v63  }
0x49: {  	s23 =	simm.s32 $0x4F80;
	s22 =	rddreg [dreg:$0x4]  }
0x4a: {  	[tilespmem:s23], [sflag:$0x3] =	stream.linear.gather [hbm4b:s22+s13], $0x1400, $0x38;
	[tilespmem:$0x1D900] =	vst v63  }
0x4b: {  	s16 =	simm.s32 $0x3B80  }
0x4c: {  	[tilespmem:s16], [sflag:$0x2] =	stream.indirect.gather [hbm4b:s5+s19], $0x80, s19, s19, $0xb8;
	[tilespmem:$0x1D900] =	vst v63  }
0x4d: {  	s14 =	simm.s32 $0x0;
	s22 =	rddreg [dreg:$0x5];
	s23 =	simm.s32 $0x6380  }
0x4e: {  	[tilespmem:s23], [sflag:$0x4] =	stream.linear.gather [hbm4b:s22+s13], $0x1400, $0x38;
	[tilespmem:$0x1D900] =	vst v63  }
.LBB2_6:
0x4f: {  	_ =	swait.ge [sflag:s29], $0x1400  }
0x50: {  	[sflag:s29] =	ssyncset.done $0x0  }
0x51: {  	[sflag:s29] =	ssyncadd.s32 $0xFFFFEC00  }
0x52: {  	_ =	swait.ge [sflag:s30], $0x1400  }
0x53: {  	p2 =	seq.s32 s14, $0x0;
	s15 =	smul.u32 $0x50, s14;
	[sflag:s30] =	ssyncset.done $0x0  }
0x54: {  	s16 =	simm.s32 @!p2 $0x5;
	[sflag:s30] =	ssyncadd.s32 $0xFFFFEC00  }
0x55: {  	s22 =	sadd.s32 s4, s15;
	_ =	swait.ge @!p2 [sflag:s16], $0x1400  }
0x56: {  	s22 =	sshrl.u32 s22, $0x3;
	[sflag:s16] =	ssyncset.done @!p2 $0x0  }
0x57: {  	s23 =	sadd.s32 s7, s22;
	[sflag:s16] =	ssyncadd.s32 @!p2 $0xFFFFEC00;
	s16 =	simm.s32 $0x0  }
0x58: {  	[tilespmem:s31], [sflag:$0x7] =	stream.linear.gather [hbm4b:s23+s13], $0x28, $0x38;
	[tilespmem:$0x1D900] =	vst v63  }
0x59: {  	v1 =	vld [tilespmem:s16+$0x27F0]  }
0x5a: {  	v2 =	vld [tilespmem:s16+$0x4FF0]  }
0x5b: {  	v3 =	vld [tilespmem:s16+$0x2780]  }
0x5c: {  	v4 =	vld [tilespmem:s16+$0x4F80]  }
0x5d: {  	v5 =	vld [tilespmem:s16+$0x2790]  }
0x5e: {  	v6 =	vld [tilespmem:s16+$0x4F90]  }
0x5f: {  	v7 =	vld [tilespmem:s16+$0x27A0]  }
0x60: {  	v1 =	vadd.f32 v2, v1;
	v2 =	vld [tilespmem:s16+$0x4FA0]  }
0x61: {  	v8 =	vld [tilespmem:s16+$0x27B0]  }
0x62: {  	v9 =	vld [tilespmem:s16+$0x4FB0];
	v3 =	vadd.f32 v4, v3  }
0x63: {  	v10 =	vld [tilespmem:s16+$0x27C0];
	v1 =	vmax.f32 v1, $0.0e+00  }
0x64: {  	[tilespmem:s16+$0x77F0] =	vst v1;
	v1 =	vmax.f32 v3, $0.0e+00;
	v3 =	vadd.f32 v6, v5;
	v6 =	vld [tilespmem:s16+$0x4FC0]  }
0x65: {  	v4 =	vld [tilespmem:s16+$0x4FD0];
	v2 =	vadd.f32 v2, v7  }
0x66: {  	[tilespmem:s16+$0x7780] =	vst v1;
	v1 =	vld [tilespmem:s16+$0x27D0];
	v3 =	vmax.f32 v3, $0.0e+00  }
0x67: {  	v5 =	vld [tilespmem:s16+$0x4FE0];
	v7 =	vadd.f32 v9, v8;
	[tilespmem:s16+$0x7790] =	vst v3;
	v3 =	vmax.f32 v2, $0.0e+00  }
0x68: {  	s22 =	simm.s32 $0x80;
	v2 =	vld [tilespmem:s16+$0x27E0];
	[tilespmem:s16+$0x77A0] =	vst v3  }
0x69: {  	s23 =	simm.s32 $0x400;
	v7 =	vmax.f32 v7, $0.0e+00;
	v6 =	vadd.f32 v6, v10;
	v3 =	vld [tilespmem:s22+$0x27F0]  }
.LBB2_7:
0x6a: {  	p1 =	sne.s32 s23, $0x4E00;
	v8 =	vld [tilespmem:s22+$0x4FF0];
	[tilespmem:s16+$0x77B0] =	vst v7  }
0x6b: {  	v7 =	vld [tilespmem:s22+$0x2780];
	v6 =	vmax.f32 v6, $0.0e+00;
	v1 =	vadd.f32 v4, v1  }
0x6c: {  	v4 =	vld [tilespmem:s22+$0x4F80];
	[tilespmem:s16+$0x77C0] =	vst v6  }
0x6d: {  	v6 =	vld [tilespmem:s22+$0x2790];
	v1 =	vmax.f32 v1, $0.0e+00;
	v2 =	vadd.f32 v5, v2  }
0x6e: {  	v5 =	vld [tilespmem:s22+$0x4F90];
	[tilespmem:s16+$0x77D0] =	vst v1  }
0x6f: {  	v1 =	vld [tilespmem:s22+$0x27A0];
	v3 =	vadd.f32 v8, v3;
	v2 =	vmax.f32 v2, $0.0e+00  }
0x70: {  	v8 =	vld [tilespmem:s22+$0x4FA0];
	[tilespmem:s16+$0x77E0] =	vst v2;
	s16 =	smov.u32 s22  }
0x71: {  	v2 =	vadd.f32 v4, v7;
	v7 =	vld [tilespmem:s16+$0x27B0];
	v3 =	vmax.f32 v3, $0.0e+00  }
0x72: {  	v9 =	vld [tilespmem:s16+$0x4FB0];
	[tilespmem:s16+$0x77F0] =	vst v3  }
0x73: {  	v2 =	vmax.f32 v2, $0.0e+00;
	v3 =	vadd.f32 v5, v6;
	v6 =	vld [tilespmem:s16+$0x27C0]  }
0x74: {  	[tilespmem:s16+$0x7780] =	vst v2;
	v10 =	vld [tilespmem:s16+$0x4FC0]  }
.Ltmp2:
0x75: {  	v2 =	vmax.f32 v3, $0.0e+00;
	v3 =	vadd.f32 v8, v1;
	v1 =	vld [tilespmem:s16+$0x27D0];
	(pc) =	sbr.rel @p1 .LBB2_7-.Ltmp2, $4  }
0x76: {  	[tilespmem:s16+$0x7790] =	vst v2;
	v4 =	vld [tilespmem:s16+$0x4FD0]  }
0x77: {  	v3 =	vmax.f32 v3, $0.0e+00;
	v7 =	vadd.f32 v9, v7;
	v2 =	vld [tilespmem:s16+$0x27E0]  }
0x78: {  	s22 =	sshra.s32 s23, $0x2;
	[tilespmem:s16+$0x77A0] =	vst v3;
	v5 =	vld [tilespmem:s16+$0x4FE0]  }
0x79: {  	s23 =	sadd.s32 $0x200, s23;
	v3 =	vld [tilespmem:s22+$0x27F0];
	v7 =	vmax.f32 v7, $0.0e+00;
	v6 =	vadd.f32 v10, v6  }
0x7a: {  	v8 =	vld [tilespmem:s22+$0x4FF0];
	[tilespmem:s16+$0x77B0] =	vst v7  }
0x7b: {  	v7 =	vld [tilespmem:s22+$0x2780];
	v6 =	vmax.f32 v6, $0.0e+00;
	v1 =	vadd.f32 v4, v1  }
0x7c: {  	v9 =	vld [tilespmem:s22+$0x4F80];
	[tilespmem:s16+$0x77C0] =	vst v6  }
0x7d: {  	v4 =	vld [tilespmem:s22+$0x2790];
	v1 =	vmax.f32 v1, $0.0e+00;
	v2 =	vadd.f32 v5, v2  }
0x7e: {  	v6 =	vld [tilespmem:s22+$0x4F90];
	[tilespmem:s16+$0x77D0] =	vst v1  }
0x7f: {  	v1 =	vld [tilespmem:s22+$0x27A0];
	v2 =	vmax.f32 v2, $0.0e+00  }
0x80: {  	v5 =	vld [tilespmem:s22+$0x4FA0];
	v3 =	vadd.f32 v8, v3;
	[tilespmem:s16+$0x77E0] =	vst v2  }
0x81: {  	v7 =	vadd.f32 v9, v7;
	v2 =	vld [tilespmem:s22+$0x27B0]  }
0x82: {  	v3 =	vmax.f32 v3, $0.0e+00;
	v8 =	vld [tilespmem:s22+$0x4FB0]  }
0x83: {  	[tilespmem:s22+$0x77F0] =	vst v3;
	v3 =	vmax.f32 v7, $0.0e+00;
	v7 =	vld [tilespmem:s22+$0x27C0]  }
0x84: {  	v4 =	vadd.f32 v6, v4;
	v6 =	vld [tilespmem:s22+$0x27D0]  }
0x85: {  	[tilespmem:s22+$0x7780] =	vst v3;
	v3 =	vld [tilespmem:s22+$0x4FC0];
	v1 =	vadd.f32 v5, v1  }
0x86: {  	v4 =	vmax.f32 v4, $0.0e+00;
	v5 =	vld [tilespmem:s22+$0x27E0]  }
0x87: {  	[tilespmem:s22+$0x7790] =	vst v4;
	v4 =	vld [tilespmem:s22+$0x4FD0];
	v1 =	vmax.f32 v1, $0.0e+00  }
0x88: {  	[tilespmem:s22+$0x77A0] =	vst v1;
	v1 =	vld [tilespmem:s22+$0x4FE0];
	_ =	sdelay $0x1  }
0x89: {  	v2 =	vadd.f32 v8, v2  }
0x8a: {  	v3 =	vadd.f32 v3, v7  }
0x8b: {  	v2 =	vmax.f32 v2, $0.0e+00;
	v4 =	vadd.f32 v4, v6  }
0x8c: {  	[tilespmem:s22+$0x77B0] =	vst v2;
	v2 =	vmax.f32 v3, $0.0e+00;
	v1 =	vadd.f32 v1, v5  }
0x8d: {  	[tilespmem:s22+$0x77C0] =	vst v2;
	v2 =	vmax.f32 v4, $0.0e+00  }
0x8e: {  	p1 =	seq.s32 s14, $0x7C;
	[tilespmem:s22+$0x77D0] =	vst v2;
	v1 =	vmax.f32 v1, $0.0e+00  }
0x8f: {  	s23 =	simm.s32 @!p1 $0x2780;
	s16 =	sadd.s32 @!p1 $0x50, s15;
	[tilespmem:s22+$0x77E0] =	vst v1;
	s22 =	simm.s32 @!p1 $0x28  }
0x90: {  	[tilespmem:s23], [sflag:$0x1] =	stream.indirect.gather @!p1 [hbm4b:s5+s22], $0x80, s16, s22, $0xb8;
	[tilespmem:$0x1D900] =	vst v63  }
0x91: {  	s16 =	sadd.s32 @!p1 s4, s16  }
0x92: {  	s16 =	sshll.u32 @!p1 s16, $0x4  }
0x93: {  	s22 =	simm.s32 @!p1 $0x0;
	s23 =	simm.s32 @!p1 $0x4F80;
	s16 =	sadd.s32 @!p1 s6, s16  }
0x94: {  	[tilespmem:s23], [sflag:$0x3] =	stream.linear.gather @!p1 [hbm4b:s16+s22], $0x1400, $0x38;
	[tilespmem:$0x1D900] =	vst v63  }
0x95: {  	_ =	swait.ge [sflag:s1], $0x28  }
0x96: {  	[sflag:s1] =	ssyncset.done $0x0  }
0x97: {  	[sflag:s1] =	ssyncadd.s32 $0xFFFFFFD8  }
0x98: {  	[spmem:s2] =	stream.indirect.scatter.add.f32 [tilespmem:s3], [sflag:$0x5], $0x80, s31, s19, $0xb8;
	[tilespmem:$0x1D900] =	vst v63  }
0x99: {  	_ =	swait.ge [sflag:s20], $0x1400  }
0x9a: {  	[sflag:s20] =	ssyncset.done $0x0  }
0x9b: {  	[sflag:s20] =	ssyncadd.s32 $0xFFFFEC00  }
0x9c: {  	_ =	swait.ge [sflag:s21], $0x1400  }
0x9d: {  	[sflag:s21] =	ssyncset.done $0x0  }
0x9e: {  	s16 =	simm.s32 @!p2 $0x6;
	[sflag:s21] =	ssyncadd.s32 $0xFFFFEC00  }
0x9f: {  	s23 =	sadd.s32 s15, s11;
	_ =	swait.ge @!p2 [sflag:s16], $0x1400  }
0xa0: {  	s22 =	sshrl.u32 s23, $0x3;
	s23 =	simm.s32 $0x0;
	[sflag:s16] =	ssyncset.done @!p2 $0x0  }
0xa1: {  	s22 =	sadd.s32 s7, s22;
	[sflag:s16] =	ssyncadd.s32 @!p2 $0xFFFFEC00;
	s16 =	simm.s32 $0x0  }
0xa2: {  	[tilespmem:s26], [sflag:$0x8] =	stream.linear.gather [hbm4b:s22+s23], $0x28, $0x38;
	[tilespmem:$0x1D900] =	vst v63  }
0xa3: {  	v1 =	vld [tilespmem:s16+$0x3BF0]  }
0xa4: {  	v2 =	vld [tilespmem:s16+$0x63F0]  }
0xa5: {  	v3 =	vld [tilespmem:s16+$0x3B80]  }
0xa6: {  	v4 =	vld [tilespmem:s16+$0x6380]  }
0xa7: {  	v5 =	vld [tilespmem:s16+$0x3B90]  }
0xa8: {  	v6 =	vld [tilespmem:s16+$0x6390]  }
0xa9: {  	v7 =	vld [tilespmem:s16+$0x3BA0]  }
0xaa: {  	v1 =	vadd.f32 v2, v1;
	v2 =	vld [tilespmem:s16+$0x63A0]  }
0xab: {  	v8 =	vld [tilespmem:s16+$0x3BB0]  }
0xac: {  	v63 =	vld [tilespmem:s16+$0x63B0];
	v3 =	vadd.f32 v4, v3  }
0xad: {  	v10 =	vld [tilespmem:s16+$0x3BC0];
	v1 =	vmax.f32 v1, $0.0e+00  }
0xae: {  	[tilespmem:s16+$0x8BF0] =	vst v1;
	v1 =	vmax.f32 v3, $0.0e+00;
	v3 =	vadd.f32 v6, v5;
	v6 =	vld [tilespmem:s16+$0x63C0]  }
0xaf: {  	v4 =	vld [tilespmem:s16+$0x63D0];
	v2 =	vadd.f32 v2, v7  }
0xb0: {  	[tilespmem:s16+$0x8B80] =	vst v1;
	v1 =	vld [tilespmem:s16+$0x3BD0];
	v3 =	vmax.f32 v3, $0.0e+00  }
0xb1: {  	v5 =	vld [tilespmem:s16+$0x63E0];
	v7 =	vadd.f32 v63, v8;
	[tilespmem:s16+$0x8B90] =	vst v3;
	v3 =	vmax.f32 v2, $0.0e+00  }
0xb2: {  	s22 =	simm.s32 $0x80;
	v2 =	vld [tilespmem:s16+$0x3BE0];
	[tilespmem:s16+$0x8BA0] =	vst v3  }
0xb3: {  	s23 =	simm.s32 $0x400;
	v7 =	vmax.f32 v7, $0.0e+00;
	v6 =	vadd.f32 v6, v10;
	v3 =	vld [tilespmem:s22+$0x3BF0]  }
.LBB2_9:
0xb4: {  	p2 =	sne.s32 s23, $0x4E00;
	v8 =	vld [tilespmem:s22+$0x63F0];
	[tilespmem:s16+$0x8BB0] =	vst v7  }
0xb5: {  	v7 =	vld [tilespmem:s22+$0x3B80];
	v6 =	vmax.f32 v6, $0.0e+00;
	v1 =	vadd.f32 v4, v1  }
0xb6: {  	v4 =	vld [tilespmem:s22+$0x6380];
	[tilespmem:s16+$0x8BC0] =	vst v6  }
0xb7: {  	v6 =	vld [tilespmem:s22+$0x3B90];
	v1 =	vmax.f32 v1, $0.0e+00;
	v2 =	vadd.f32 v5, v2  }
0xb8: {  	v5 =	vld [tilespmem:s22+$0x6390];
	[tilespmem:s16+$0x8BD0] =	vst v1  }
0xb9: {  	v1 =	vld [tilespmem:s22+$0x3BA0];
	v3 =	vadd.f32 v8, v3;
	v2 =	vmax.f32 v2, $0.0e+00  }
0xba: {  	v8 =	vld [tilespmem:s22+$0x63A0];
	[tilespmem:s16+$0x8BE0] =	vst v2;
	s16 =	smov.u32 s22  }
0xbb: {  	v2 =	vadd.f32 v4, v7;
	v7 =	vld [tilespmem:s16+$0x3BB0];
	v3 =	vmax.f32 v3, $0.0e+00  }
0xbc: {  	v9 =	vld [tilespmem:s16+$0x63B0];
	[tilespmem:s16+$0x8BF0] =	vst v3  }
0xbd: {  	v2 =	vmax.f32 v2, $0.0e+00;
	v3 =	vadd.f32 v5, v6;
	v6 =	vld [tilespmem:s16+$0x3BC0]  }
0xbe: {  	[tilespmem:s16+$0x8B80] =	vst v2;
	v10 =	vld [tilespmem:s16+$0x63C0]  }
.Ltmp3:
0xbf: {  	v2 =	vmax.f32 v3, $0.0e+00;
	v3 =	vadd.f32 v8, v1;
	v1 =	vld [tilespmem:s16+$0x3BD0];
	(pc) =	sbr.rel @p2 .LBB2_9-.Ltmp3, $4  }
0xc0: {  	[tilespmem:s16+$0x8B90] =	vst v2;
	v4 =	vld [tilespmem:s16+$0x63D0]  }
0xc1: {  	v3 =	vmax.f32 v3, $0.0e+00;
	v7 =	vadd.f32 v9, v7;
	v2 =	vld [tilespmem:s16+$0x3BE0]  }
0xc2: {  	s22 =	sshra.s32 s23, $0x2;
	[tilespmem:s16+$0x8BA0] =	vst v3;
	v5 =	vld [tilespmem:s16+$0x63E0]  }
0xc3: {  	s23 =	sadd.s32 $0x200, s23;
	v3 =	vld [tilespmem:s22+$0x3BF0];
	v7 =	vmax.f32 v7, $0.0e+00;
	v6 =	vadd.f32 v10, v6  }
0xc4: {  	v8 =	vld [tilespmem:s22+$0x63F0];
	[tilespmem:s16+$0x8BB0] =	vst v7  }
0xc5: {  	v7 =	vld [tilespmem:s22+$0x3B80];
	v6 =	vmax.f32 v6, $0.0e+00;
	v1 =	vadd.f32 v4, v1  }
0xc6: {  	v9 =	vld [tilespmem:s22+$0x6380];
	[tilespmem:s16+$0x8BC0] =	vst v6  }
0xc7: {  	v57 =	vld [tilespmem:s22+$0x3B90];
	v1 =	vmax.f32 v1, $0.0e+00;
	v2 =	vadd.f32 v5, v2  }
0xc8: {  	v6 =	vld [tilespmem:s22+$0x6390];
	[tilespmem:s16+$0x8BD0] =	vst v1  }
0xc9: {  	v1 =	vld [tilespmem:s22+$0x3BA0];
	v2 =	vmax.f32 v2, $0.0e+00  }
0xca: {  	v58 =	vld [tilespmem:s22+$0x63A0];
	[tilespmem:s16+$0x8BE0] =	vst v2  }
0xcb: {  	v2 =	vld [tilespmem:s22+$0x3BB0]  }
0xcc: {  	v3 =	vadd.f32 v8, v3;
	v59 =	vld [tilespmem:s22+$0x63B0]  }
0xcd: {  	v7 =	vadd.f32 v9, v7;
	v60 =	vld [tilespmem:s22+$0x3BC0]  }
0xce: {  	v3 =	vmax.f32 v3, $0.0e+00;
	v61 =	vld [tilespmem:s22+$0x3BD0]  }
0xcf: {  	v62 =	vld [tilespmem:s22+$0x63D0];
	[tilespmem:s22+$0x8BF0] =	vst v3;
	v3 =	vmax.f32 v7, $0.0e+00;
	v1 =	vadd.f32 v58, v1  }
0xd0: {  	[tilespmem:s22+$0x8B80] =	vst v3;
	v3 =	vld [tilespmem:s22+$0x63C0]  }
0xd1: {  	v63 =	vld [tilespmem:s22+$0x3BE0];
	v1 =	vmax.f32 v1, $0.0e+00  }
0xd2: {  	[tilespmem:s22+$0x8BA0] =	vst v1;
	v1 =	vld [tilespmem:s22+$0x63E0]  }
0xd3: {  	v4 =	vadd.f32 v6, v57  }
0xd4: {  	v2 =	vadd.f32 v59, v2  }
0xd5: {  	v4 =	vmax.f32 v4, $0.0e+00;
	v3 =	vadd.f32 v3, v60  }
0xd6: {  	[tilespmem:s22+$0x8B90] =	vst v4;
	v4 =	vadd.f32 v62, v61;
	v2 =	vmax.f32 v2, $0.0e+00  }
0xd7: {  	[tilespmem:s22+$0x8BB0] =	vst v2;
	v2 =	vmax.f32 v3, $0.0e+00;
	v1 =	vadd.f32 v1, v63  }
0xd8: {  	[tilespmem:s22+$0x8BC0] =	vst v2;
	v2 =	vmax.f32 v4, $0.0e+00  }
0xd9: {  	[tilespmem:s22+$0x8BD0] =	vst v2;
	v1 =	vmax.f32 v1, $0.0e+00  }
0xda: {  	s15 =	sadd.s32 @!p1 $0x78, s15;
	s16 =	simm.s32 @!p1 $0x28;
	[tilespmem:s22+$0x8BE0] =	vst v1;
	s22 =	simm.s32 @!p1 $0x3B80  }
0xdb: {  	[tilespmem:s22], [sflag:$0x2] =	stream.indirect.gather @!p1 [hbm4b:s5+s16], $0x80, s15, s16, $0xb8;
	[tilespmem:$0x1D900] =	vst v63  }
0xdc: {  	s15 =	sadd.s32 @!p1 s4, s15  }
0xdd: {  	s14 =	sadd.s32 $0x1, s14;
	s15 =	sshll.u32 @!p1 s15, $0x4  }
0xde: {  	s16 =	simm.s32 @!p1 $0x0;
	s22 =	simm.s32 @!p1 $0x6380;
	s15 =	sadd.s32 @!p1 s6, s15  }
0xdf: {  	[tilespmem:s22], [sflag:$0x4] =	stream.linear.gather @!p1 [hbm4b:s15+s16], $0x1400, $0x38;
	[tilespmem:$0x1D900] =	vst v63  }
0xe0: {  	p1 =	sne.s32 s14, $0x7D  }
.Ltmp4:
0xe1: {  	_ = 	snop;
	(pc) =	sbr.rel @p1 .LBB2_6-.Ltmp4, $4  }
0xe2: {  	_ =	swait.ge [sflag:s28], $0x28  }
0xe3: {  	[sflag:s28] =	ssyncset.done $0x0  }
0xe4: {  	[sflag:s28] =	ssyncadd.s32 $0xFFFFFFD8  }
0xe5: {  	[spmem:s2] =	stream.indirect.scatter.add.f32 [tilespmem:s8], [sflag:$0x6], $0x80, s26, s19, $0xb8;
	[tilespmem:$0x1D900] =	vst v63  }
0xe6: {  	_ =	swait.ge [sflag:s9], $0x1400  }
0xe7: {  	[sflag:s9] =	ssyncset.done $0x0  }
0xe8: {  	[sflag:s9] =	ssyncadd.s32 $0xFFFFEC00  }
0xe9: {  	_ =	swait.ge [sflag:s10], $0x1400  }
0xea: {  	[sflag:s10] =	ssyncset.done $0x0  }
0xeb: {  	[sflag:s10] =	ssyncadd.s32 $0xFFFFEC00  }
0xec: {  	[bflag:$0x0] =	sbarrier.arrive $0xFFFF  }
0xed: {  	s13 =	sshll.u32 s0, $0x6;
	s14 =	rddreg [dreg:$0x7]  }
0xee: {  	s13 =	sor.u32 $0x1C09, s13;
	s15 =	rddreg [dreg:$0xb]  }
0xef: {  	[hbm:s14], [sflag:s13] =	dma.local [spmem:s15], $0xC80  }
0xf0: {  	_ =	swait.ge [sflag:s18], $0xC80  }
0xf1: {  	[sflag:s18] =	ssyncset.done $0x0;
	s15 =	rddreg [dreg:$0x8]  }
0xf2: {  	s16 =	rddreg [dreg:$0xc];
	[sflag:s18] =	ssyncadd.s32 $0xFFFFF380  }
0xf3: {  	[hbm:s15], [sflag:s13] =	dma.local [spmem:s16], $0xC80  }
0xf4: {  	_ =	swait.ge [sflag:s18], $0xC80  }
0xf5: {  	[sflag:s18] =	ssyncset.done $0x0  }
0xf6: {  	s22 =	rddreg [dreg:$0x9];
	[sflag:s18] =	ssyncadd.s32 $0xFFFFF380  }
0xf7: {  	[hbm:s22], [sflag:s13] =	dma.local [spmem:s24], $0xC80  }
0xf8: {  	_ =	swait.ge [sflag:s18], $0xC80  }
0xf9: {  	[sflag:s18] =	ssyncset.done $0x0  }
0xfa: {  	s14 =	rddreg [dreg:$0xa];
	[sflag:s18] =	ssyncadd.s32 $0xFFFFF380  }
0xfb: {  	[hbm:s14], [sflag:s13] =	dma.local @!p0 [spmem:s25], $0xC80  }
0xfc: {  	s13 =	simm.s32 @!p0 $0x9  }
0xfd: {  	_ =	swait.ge @!p0 [sflag:s13], $0xC80  }
0xfe: {  	s12 =	sadd.s32 $0x1, s12;
	s23 =	rddreg [dreg:$0x6]  }
0xff: {  	p1 =	sne.s32 s12, s23  }
.Ltmp5:
0x100: {  	_ = 	snop;
	(pc) =	sbr.rel @p1 .LBB2_1-.Ltmp5, $3  }
0x101: {  	_ =	sdelay $0x1  }
0x102: {  	[sflag:s13] =	ssyncset.done @!p0 $0x0  }
0x103: {  	[sflag:s13] =	ssyncadd.s32 @!p0 $0xFFFFF380  }
0x104: {  	_ =	sfence.sel $0x180000  }
0x105: {  	[bflag:$0x0] =	sbarrier.arrive $0xFFFF  }
0x106: {  	_ =	strace $0x9000004D  }
0x107: {  	[bflag:$0x2] =	sbarrier.arrive $0xFFFF  }
0x108: {  	p0 =	sne.s32 s0, $0x0;
	s0 =	rddreg [dreg:$0x2]  }
0x109: {  	s0 =	sadd.s32 @!p0 $0x100000, s0  }
0x10a: {  	[sflag:s0] =	ssyncadd.tile.s32 @!p0 $0x1;
	_ =	shalt  }
.Lfunc_end2:
_tile_overlayer_lowered:
.L_overlay_start_2:
0x10b: {  	(tag) =	ssettag $0x2  }
0x10c: {  	s0 =	rddreg [dreg:$0x0];
	s2 =	stileid.u32  }
0x10d: {  	s1 =	rddreg [dreg:$0x1];
	p0 =	sne.s32 s2, $0x0  }
0x10e: {  	s3 =	rddreg [dreg:$0x2];
	[bflag:$0x3] =	sbarrier.arrive $0xFFFF;
	s2 =	simm.s32 @!p0 $0x1C09  }
0x10f: {  	[timem:s3], [sflag:s2] =	dma.local @!p0 [hbm:s0], s1  }
0x110: {  	s0 =	simm.s32 @!p0 $0x9  }
0x111: {  	_ =	swait.ge @!p0 [sflag:s0], s1  }
0x112: {  	s1 =	ssub.s32 @!p0 $0x0, s1;
	[sflag:s0] =	ssyncset.done @!p0 $0x0  }
0x113: {  	[sflag:s0] =	ssyncadd.s32 @!p0 s1  }
0x114: {  	[bflag:$0x3] =	sbarrier.arrive $0xFFFF  }
0x115: {  	_ =	shalt  }

// kernel: kernel.27.cloned.1.call-start
scs
__scs_entry_jumppad:
0x0: {  	(pc) =	sbr.rel $0x88, $3  }
0x1: {  	(tag) =	ssettag $0x0;
	lr =	simm.s32 $0x1  }
0x2: {  	[smem:$0x3F89] =	sst lr;
	_ =	strace $0xD0000000  }
0x3: {  	_ = 	snop  }
0x4: {  	_ = 	snop  }
0x5: {  	_ = 	snop  }
0x6: {  	_ = 	snop  }
0x7: {  	_ = 	snop  }
__scs_overlays_trampoline_lowered:
0x8: {  	[smem:$0x3F98] =	sst s0  }
0x9: {  	[smem:$0x3F99] =	sst s1  }
0xa: {  	[smem:$0x3F9A] =	sst s2  }
0xb: {  	[smem:$0x3F9B] =	sst s3  }
0xc: {  	[smem:$0x3F9C] =	sst s4  }
0xd: {  	[smem:$0x3F9D] =	sst s5  }
0xe: {  	[smem:$0x3F9E] =	sst s6  }
0xf: {  	[smem:$0x3F9F] =	sst s7  }
0x10: {  	[smem:$0x3FA0] =	sst s8  }
0x11: {  	[smem:$0x3FA1] =	sst s9;
	s0 =	simm.s32 @!p0 $0x0  }
0x12: {  	s1 =	sld [smem:$0x3F87];
	s0 =	simm.s32 @p0 $0x1  }
0x13: {  	[smem:$0x3FA2] =	sst s0;
	s0 =	simm.s32 @!p1 $0x0  }
0x14: {  	s2 =	sld [smem:$0x3F86];
	s0 =	simm.s32 @p1 $0x1  }
0x15: {  	[smem:$0x3FA3] =	sst s0;
	s0 =	simm.s32 @!p2 $0x0  }
0x16: {  	s3 =	sld [smem:$0x3FDB];
	s0 =	simm.s32 @p2 $0x1  }
0x17: {  	s4 =	simm.s32 $0x1BF5;
	[smem:$0x3FA5] =	sst s0  }
0x18: {  	s0 =	sld [smem:$0x3F88];
	_ =	swait.ge [sflag:s4], $0x0  }
0x19: {  	s7 =	sld [smem:$0x3F89]  }
0x1a: {  	s8 =	sadd.s32 $0xFFFFE003, lr  }
0x1b: {  	s9 =	sadd.s32 $0xFFFFFEF7, lr;
	s5 =	simm.s32 $0xFFFFFFFF;
	p2 =	slt.u32 s8, $0xFFFFF086  }
0x1c: {  	p1 =	slt.u32 s9, $0xF7A;
	s5 =	simm.s32 @!p2 $0x0  }
0x1d: {  	s5 =	simm.s32 @p1 $0x1;
	p0 =	seq.s32 s7, s2  }
0x1e: {  	s7 =	smul.u32 @!p0 $0xF7A, s2;
	p2 =	seq.s32 @!p0 s5, $0x0  }
0x1f: {  	s9 =	smul.u32 $0xF7A, s1;
	s8 =	simm.s32 @!p0 $0x1BF5;
	p2 =	por !p2, p0  }
0x20: {  	[sflag:s8] =	ssyncset.s32 @!p0 $0xFFFFF086;
	s6 =	sadd.s32 @!p0 s3, s7;
	s7 =	simm.s32 @!p0 $0x108  }
0x21: {  	s3 =	sadd.s32 s3, s9;
	s6 =	sadd.s32 @!p0 $0x88, s6;
	s7 =	simm.s32 @p2 $0x1082  }
0x22: {  	[simem:s7], [sflag:s8] =	dma.local @!p0 [hbm:s6], $0xF7A  }
0x23: {  	s9 =	sor.u32 $0xD0000000, s2;
	s6 =	simm.s32 $0x108;
	_ =	swait.ge @!p0 [sflag:s8], $0x0  }
0x24: {  	s3 =	sadd.s32 $0x88, s3;
	s6 =	simm.s32 @!p1 $0x1082;
	[sflag:s4] =	ssyncset.s32 $0xFFFFF086  }
0x25: {  	[simem:s6], [sflag:s4] =	dma.local [hbm:s3], $0xF7A  }
0x26: {  	[smem:$0x3F89] =	sst s1;
	(tag) =	ssettag s2;
	_ =	strace s9  }
0x27: {  	s1 =	sld [smem:$0x3F99]  }
0x28: {  	s2 =	sld [smem:$0x3F9A]  }
0x29: {  	s4 =	sld [smem:$0x3F9C]  }
0x2a: {  	p0 =	seq.s32 s5, $0x0;
	s5 =	sld [smem:$0x3F9D]  }
0x2b: {  	s6 =	sld [smem:$0x3F9E]  }
0x2c: {  	s7 =	sld [smem:$0x3F9F]  }
0x2d: {  	s3 =	simm.s32 $0x108;
	s8 =	sld [smem:$0x3FA0]  }
0x2e: {  	s3 =	simm.s32 @!p0 $0x1082;
	s9 =	sld [smem:$0x3FA1]  }
0x2f: {  	lr =	sadd.s32 s0, s3;
	s0 =	sld [smem:$0x3F98]  }
0x30: {  	s3 =	sld [smem:$0x3F9B]  }
0x31: {  	[smem:$0x3FA4] =	sst s10  }
0x32: {  	s10 =	sld [smem:$0x3FA2];
	_ =	sdelay $0x3  }
0x33: {  	p0 =	seq.s32 s10, $0x1;
	s10 =	sld [smem:$0x3FA4];
	_ =	sdelay $0x3  }
0x34: {  	[smem:$0x3FA4] =	sst s10  }
0x35: {  	s10 =	sld [smem:$0x3FA3];
	_ =	sdelay $0x3  }
0x36: {  	p1 =	seq.s32 s10, $0x1;
	s10 =	sld [smem:$0x3FA4];
	_ =	sdelay $0x3  }
0x37: {  	[smem:$0x3FA4] =	sst s10  }
0x38: {  	s10 =	sld [smem:$0x3FA5]  }
0x39: {  	_ = 	snop;
	(pc) =	sbr.ind lr, $3  }
0x3a: {  	_ = 	snop  }
0x3b: {  	_ = 	snop  }
0x3c: {  	p2 =	seq.s32 s10, $0x1;
	s10 =	sld [smem:$0x3FA4]  }
0x3d: {  	_ =	shalt  }
0x3e: {  	_ =	shalt  }
0x3f: {  	_ =	shalt  }
0x40: {  	_ =	shalt  }
0x41: {  	_ =	shalt  }
0x42: {  	_ =	shalt  }
0x43: {  	_ =	shalt  }
0x44: {  	_ =	shalt  }
0x45: {  	_ =	shalt  }
0x46: {  	_ =	shalt  }
0x47: {  	_ =	shalt  }
0x48: {  	_ =	shalt  }
0x49: {  	_ =	shalt  }
0x4a: {  	_ =	shalt  }
0x4b: {  	_ =	shalt  }
0x4c: {  	_ =	shalt  }
0x4d: {  	_ =	shalt  }
0x4e: {  	_ =	shalt  }
0x4f: {  	_ =	shalt  }
0x50: {  	_ =	shalt  }
0x51: {  	_ =	shalt  }
0x52: {  	_ =	shalt  }
0x53: {  	_ =	shalt  }
0x54: {  	_ =	shalt  }
0x55: {  	_ =	shalt  }
0x56: {  	_ =	shalt  }
0x57: {  	_ =	shalt  }
0x58: {  	_ =	shalt  }
0x59: {  	_ =	shalt  }
0x5a: {  	_ =	shalt  }
0x5b: {  	_ =	shalt  }
0x5c: {  	_ =	shalt  }
0x5d: {  	_ =	shalt  }
0x5e: {  	_ =	shalt  }
0x5f: {  	_ =	shalt  }
0x60: {  	_ =	shalt  }
0x61: {  	_ =	shalt  }
0x62: {  	_ =	shalt  }
0x63: {  	_ =	shalt  }
0x64: {  	_ =	shalt  }
0x65: {  	_ =	shalt  }
0x66: {  	_ =	shalt  }
0x67: {  	_ =	shalt  }
0x68: {  	_ =	shalt  }
0x69: {  	_ =	shalt  }
0x6a: {  	_ =	shalt  }
0x6b: {  	_ =	shalt  }
0x6c: {  	_ =	shalt  }
0x6d: {  	_ =	shalt  }
0x6e: {  	_ =	shalt  }
0x6f: {  	_ =	shalt  }
0x70: {  	_ =	shalt  }
0x71: {  	_ =	shalt  }
0x72: {  	_ =	shalt  }
0x73: {  	_ =	shalt  }
0x74: {  	_ =	shalt  }
0x75: {  	_ =	shalt  }
0x76: {  	_ =	shalt  }
0x77: {  	_ =	shalt  }
0x78: {  	_ =	shalt  }
0x79: {  	_ =	shalt  }
0x7a: {  	_ =	shalt  }
0x7b: {  	_ =	shalt  }
0x7c: {  	_ =	shalt  }
0x7d: {  	_ =	shalt  }
0x7e: {  	_ =	shalt  }
0x7f: {  	_ =	shalt  }
0x80: {  	_ =	shalt  }
0x81: {  	_ =	shalt  }
0x82: {  	_ =	shalt  }
0x83: {  	_ =	shalt  }
0x84: {  	_ =	shalt  }
0x85: {  	_ =	shalt  }
0x86: {  	_ =	shalt  }
0x87: {  	_ =	shalt  }
.Lfunc_end0:
.L_simem_size_0:
called_computation.3_lowered:
.L_overlay_start_0:
0x88: {  	s2 =	sld [smem:$0x3FD9]  }
0x89: {  	s3 =	sld [smem:$0x3FFE];
	_ =	sdelay $0x1  }
0x8a: {  	s1 =	srdreg.scid  }
0x8b: {  	s0 =	sand.u32 $0x1, s1  }
0x8c: {  	s16 =	sshll.u32 s0, $0xA;
	s2 =	sadd.s32 s3, s2  }
0x8d: {  	s2 =	sadd.s32 s2, s16  }
0x8e: {  	[smem:$0x3FB0] =	sst s2  }
0x8f: {  	_ = 	snop  }
0x90: {  	(tm) =	ssettm $0x1  }
0x91: {  	s17 =	sld [smem:$0x3FFB];
	_ =	sdelay $0x3  }
0x92: {  	_ =	strace s17  }
0x93: {  	s2 =	sld [smem:$0x3FFC];
	_ =	sdelay $0x3  }
0x94: {  	_ =	strace s2  }
0x95: {  	s2 =	sld [smem:$0x3FFD];
	_ =	sdelay $0x3  }
0x96: {  	_ =	strace s2  }
0x97: {  	_ =	strace $0x8FFFFFFF  }
0x98: {  	s18 =	sld [smem:$0x3FDB];
	_ =	sdelay $0x1  }
0x99: {  	s19 =	simm.s32 $_scs_section_size  }
0x9a: {  	s4 =	simm.s32 $_size__tile_overlayer_lowered;
	s5 =	simm.s32 $_tile_overlayer_lowered  }
0x9b: {  	s22 =	simm.s32 $0x1BFF;
	s21 =	sshll.u32 s5, $0x1;
	s2 =	sadd.s32 s19, s18  }
0x9c: {  	s6 =	simm.s32 $0x0;
	s20 =	sshll.u32 s4, $0x1;
	s4 =	sadd.s32 s21, s2  }
0x9d: {  	[timem:s6], [sflag:s22] =	dma.local [hbm:s4], s20  }
0x9e: {  	_ =	swait.ge [sflag:s22], s20  }
0x9f: {  	s3 =	ssub.s32 $0x0, s20;
	[sflag:s22] =	ssyncset.done $0x0  }
0xa0: {  	[sflag:s22] =	ssyncadd.s32 s3;
	_ =	sdelay $0x1  }
0xa1: {  	s23 =	simm.s32 $0x1B8B  }
0xa2: {  	_ =	swait.ge [sflag:s23], $0x1  }
0xa3: {  	[sflag:s23] =	ssyncset.done $0x0  }
0xa4: {  	s25 =	simm.s32 $0x1B8E;
	s24 =	sld [smem:$0x3FFE];
	[sflag:s23] =	ssyncadd.s32 $0xFFFFFFFF  }
0xa5: {  	s26 =	simm.s32 $execute0_lowered;
	[smem:$0x3FD2] =	sst s25  }
0xa6: {  	s4 =	sshll.u32 s26, $0x1;
	_ =	strace $0x8000004F;
	[dreg:$0x1] =	wrdreg $0xFFFFFFFF  }
0xa7: {  	s28 =	simm.s32 $_size_execute0_lowered;
	s2 =	sadd.s32 s2, s4;
	[dreg:$0x0] =	wrdreg $0x0  }
0xa8: {  	s4 =	sshll.u32 s28, $0x1;
	[dreg:$0x2] =	wrdreg s2  }
0xa9: {  	[dreg:$0x3] =	wrdreg s4  }
0xaa: {  	[dreg:$0x4] =	wrdreg $0xC0  }
0xab: {  	_ =	task [dreg:s6], $0x5FFFF  }
0xac: {  	[dreg:$0x1] =	wrdreg $0xFFFFFFFF  }
0xad: {  	[dreg:$0x0] =	wrdreg $0x60  }
0xae: {  	[dreg:$0x2] =	wrdreg s24  }
0xaf: {  	[dreg:$0x3] =	wrdreg $0xA0800  }
0xb0: {  	[dreg:$0x4] =	wrdreg $0x9  }
0xb1: {  	_ =	task.clear_ibuf [dreg:s6], $0x5FFFF;
	_ =	strace $0x9000004F  }
0xb2: {  	s29 =	simm.s32 $0x9;
	_ =	strace $0x80000051  }
0xb3: {  	_ =	swait.ge [sflag:s29], $0x1  }
0xb4: {  	[sflag:s29] =	ssyncadd.s32 $0xFFFFFFFF  }
0xb5: {  	_ =	strace $0x90000051  }
0xb6: {  	_ =	sfence  }
0xb7: {  	s30 =	sld [smem:$0x0];
	_ =	sdelay $0x2  }
0xb8: {  	s31 =	sshll.u32 s1, $0xD;
	s1 =	sshrl.u32 s1, $0x2  }
0xb9: {  	s3 =	sand.u32 $0x4000, s31;
	s1 =	sadd.s32 s1, s30  }
0xba: {  	s0 =	sor.u32 s3, s0;
	s1 =	sshll.u32 s1, $0x11  }
0xbb: {  	s0 =	sor.u32 s1, s0  }
0xbc: {  	s0 =	sadd.s32 $0x8F2B, s0  }
0xbd: {  	[sflag:s0] =	ssyncadd.remote.s32 $0x1  }
0xbe: {  	_ =	sfence.sel $0xFFFF  }
0xbf: {  	[dreg:$0x0] =	wrdreg $0xFFFFFFFF;
	(pc) =	sbr.abs _section_cstart, $3  }
0xc0: {  	[dreg:$0x1] =	wrdreg $0xFFFFFFFF  }
0xc1: {  	_ =	task.clear_ibuf [dreg:s6], $0x2FFFF;
	_ =	strace $0x9FFFFFFF  }
0xc2: {  	(tm) =	ssettm $0x7FFFFFFF  }
0xc3: {  	_ =	shalt  }
tec
execute0_lowered:
.L_overlay_start_1:
0x0: {  	(tag) =	ssettag $0x1  }
0x1: {  	s1 =	srdreg.scid;
	s3 =	rddreg [dreg:$0x0]  }
0x2: {  	s0 =	stileid.u32;
	s2 =	rddreg [dreg:$0x1]  }
0x3: {  	s5 =	simm.s32 $0x0;
	s1 =	sand.u32 $0x1, s1;
	s13 =	smul.u32 $0x6400, s0  }
0x4: {  	s4 =	sshll.u32 s0, $0x1;
	s16 =	smul.u32 $0x19000, s0;
	s17 =	sor.u32 $0x10, s0  }
0x5: {  	s8 =	sor.u32 s1, s4;
	s11 =	ssub.s32 $0x2, s1;
	s1 =	smul.u32 $0x138800, s1  }
0x6: {  	s29 =	simm.s32 $0x1;
	s19 =	sor.u32 $0x20, s0;
	s18 =	smul.u32 $0x6400, s17  }
0x7: {  	s30 =	simm.s32 $0x3;
	s31 =	simm.s32 $0x9F80;
	s20 =	smul.u32 $0x6400, s19  }
0x8: {  	[smem:$0x7FF] =	sst s5;
	s5 =	sadd.s32 $0x500600, s3;
	s4 =	smul.u32 $0x2710, s8  }
0x9: {  	s28 =	simm.s32 $0x8;
	s6 =	sadd.s32 $0x7E6A00, s3;
	s10 =	smul.u32 $0x27100, s8  }
0xa: {  	_ =	strace $0x80000050;
	s8 =	smul.u32 $0x138800, s8;
	s12 =	sshrl.u32 s11, $0x1  }
0xb: {  	s12 =	ssub.s32 s11, s12;
	s15 =	sadd.s32 s1, s13;
	s13 =	sadd.s32 s1, s20  }
0xc: {  	s20 =	simm.s32 $0x2;
	s7 =	sshrl.u32 s4, $0x3;
	s8 =	sshrl.u32 s8, $0x3  }
0xd: {  	s14 =	sadd.s32 s6, s10;
	s11 =	sadd.s32 $0x28, s4;
	s12 =	smax.u32 s12, $0x1  }
0xe: {  	s10 =	smul.u32 $0x19000, s17;
	s13 =	sshrl.u32 s13, $0x3;
	s9 =	sadd.s32 s7, s3  }
0xf: {  	s7 =	sadd.s32 $0x4ECA00, s3;
	s3 =	sadd.s32 $0x527800, s3;
	[dreg:$0x4] =	wrdreg s14  }
0x10: {  	s8 =	sadd.s32 s6, s8;
	[dreg:$0x6] =	wrdreg s12;
	s12 =	smul.u32 $0x19000, s19  }
0x11: {  	s14 =	sor.u32 $0x30, s0;
	s19 =	simm.s32 $0x28;
	s9 =	sadd.s32 $0x4F6800, s9  }
0x12: {  	s8 =	sadd.s32 $0x280, s8;
	s21 =	sshrl.u32 s10, $0x2;
	s22 =	smul.u32 $0x6400, s14  }
0x13: {  	s13 =	sadd.s32 s3, s13;
	p0 =	sgt.u32 s14, $0x31;
	[dreg:$0x3] =	wrdreg s9  }
0x14: {  	s10 =	simm.s32 $0x6;
	[dreg:$0x5] =	wrdreg s8;
	s8 =	sshrl.u32 s15, $0x3  }
0x15: {  	s9 =	sshrl.u32 s16, $0x2;
	s15 =	smul.u32 $0x19000, s14;
	s12 =	sshrl.u32 s12, $0x2  }
0x16: {  	s16 =	smul.u32 $0x5000, s0;
	[dreg:$0x9] =	wrdreg s13;
	s8 =	sadd.s32 s3, s8  }
0x17: {  	s9 =	sadd.s32 s9, s2;
	s12 =	sadd.s32 s12, s2;
	[dreg:$0x7] =	wrdreg s8  }
0x18: {  	s8 =	sadd.s32 s1, s18;
	s1 =	sadd.s32 s1, s22;
	s23 =	sshrl.u32 s15, $0x2  }
0x19: {  	s24 =	sshrl.u32 s16, $0x2;
	s18 =	simm.s32 $0x9;
	s25 =	sshrl.u32 s9, $0x3  }
0x1a: {  	s9 =	simm.s32 $0x5;
	s8 =	sshrl.u32 s8, $0x3;
	s1 =	sshrl.u32 s1, $0x3  }
0x1b: {  	s17 =	sadd.s32 s24, s2;
	[dreg:$0xb] =	wrdreg s25;
	s24 =	sshrl.u32 s12, $0x3  }
0x1c: {  	s12 =	simm.s32 $0x0;
	s8 =	sadd.s32 s3, s8;
	s1 =	sadd.s32 s3, s1  }
0x1d: {  	s3 =	simm.s32 $0x7780;
	[dreg:$0x8] =	wrdreg s8;
	s8 =	sadd.s32 s21, s2  }
0x1e: {  	[dreg:$0xa] =	wrdreg s1;
	s1 =	sadd.s32 s23, s2;
	s21 =	simm.s32 $0x4  }
0x1f: {  	s26 =	sshrl.u32 s8, $0x3;
	s25 =	sshrl.u32 @!p0 s1, $0x3;
	s1 =	simm.s32 $0x7  }
0x20: {  	v0 =	vimm.f32 $0.0e+00;
	s8 =	simm.s32 $0x8B80;
	[dreg:$0xc] =	wrdreg s26;
	s26 =	simm.s32 $0xA000  }
.LBB2_1:
0x21: {  	s13 =	simm.s32 $0x0;
	s14 =	rddreg [dreg:$0x3]  }
0x22: {  	[tilespmem:s13], [sflag:$0x9] =	stream.linear.gather [hbm4b:s14+s13], $0x2710, $0x38;
	[tilespmem:$0x1D900] =	vst v63  }
0x23: {  	_ =	swait.ge [sflag:s18], $0x2710  }
0x24: {  	[sflag:s18] =	ssyncset.done $0x0  }
0x25: {  	s13 =	simm.s32 $0x0;
	s14 =	simm.s32 $0x200;
	[sflag:s18] =	ssyncadd.s32 $0xFFFFD8F0  }
.LBB2_2:
0x26: {  	p1 =	sne.s32 s14, $0x4E00;
	[tilespmem:s13+$0x27F0] =	vst v0  }
0x27: {  	[tilespmem:s13+$0x2780] =	vst v0  }
0x28: {  	[tilespmem:s13+$0x2790] =	vst v0  }
.Ltmp0:
0x29: {  	[tilespmem:s13+$0x27A0] =	vst v0;
	(pc) =	sbr.rel @p1 .LBB2_2-.Ltmp0, $4  }
0x2a: {  	[tilespmem:s13+$0x27B0] =	vst v0  }
0x2b: {  	[tilespmem:s13+$0x27C0] =	vst v0  }
0x2c: {  	[tilespmem:s13+$0x27D0] =	vst v0  }
0x2d: {  	[tilespmem:s13+$0x27E0] =	vst v0;
	s13 =	sshra.s32 s14, $0x2;
	s14 =	sadd.s32 $0x200, s14  }
0x2e: {  	[tilespmem:s13+$0x27F0] =	vst v0  }
0x2f: {  	[tilespmem:s13+$0x2780] =	vst v0  }
0x30: {  	[tilespmem:s13+$0x2790] =	vst v0  }
0x31: {  	[tilespmem:s13+$0x27A0] =	vst v0  }
0x32: {  	[tilespmem:s13+$0x27B0] =	vst v0  }
0x33: {  	[tilespmem:s13+$0x27C0] =	vst v0;
	s14 =	sadd.s32 $0x0, s0  }
0x34: {  	[tilespmem:s13+$0x27D0] =	vst v0;
	p1 =	sgt.u32 s14, $0xF9  }
0x35: {  	[tilespmem:s13+$0x27E0] =	vst v0;
	s13 =	simm.s32 @!p1 $0x2780;
	s16 =	simm.s32 @!p1 $0x9  }
0x36: {  	[spmem:s17] =	stream.linear.scatter @!p1 [tilespmem:s13], [sflag:$0x9], $0x1400, $0x38;
	[tilespmem:$0x1D900] =	vst v63  }
0x37: {  	s15 =	simm.s32 $0x20;
	_ =	swait.ge @!p1 [sflag:s16], $0x1400  }
0x38: {  	s14 =	simm.s32 $0x10;
	s13 =	sadd.s32 $0x14000, s17;
	[sflag:s16] =	ssyncset.done @!p1 $0x0  }
.LBB2_4:
0x39: {  	s22 =	sadd.s32 s14, s0;
	s14 =	smov.u32 s15;
	s15 =	sadd.s32 $0x10, s15  }
0x3a: {  	[sflag:s16] =	ssyncadd.s32 @!p1 $0xFFFFEC00;
	p2 =	sne.s32 s15, $0x100  }
.Ltmp1:
0x3b: {  	p1 =	sgt.u32 s22, $0xF9;
	(pc) =	sbr.rel @p2 .LBB2_4-.Ltmp1, $4  }
0x3c: {  	s22 =	simm.s32 @!p1 $0x2780;
	s16 =	simm.s32 @!p1 $0x9  }
0x3d: {  	[spmem:s13] =	stream.linear.scatter @!p1 [tilespmem:s22], [sflag:$0x9], $0x1400, $0x38;
	[tilespmem:$0x1D900] =	vst v63  }
0x3e: {  	_ =	swait.ge @!p1 [sflag:s16], $0x1400  }
0x3f: {  	s13 =	sadd.s32 $0x14000, s13;
	[sflag:s16] =	ssyncset.done @!p1 $0x0  }
0x40: {  	s14 =	sadd.s32 s14, s0  }
0x41: {  	p2 =	sgt.u32 s14, $0xF9  }
0x42: {  	[sflag:s16] =	ssyncadd.s32 @!p1 $0xFFFFEC00;
	s14 =	simm.s32 @!p2 $0x2780;
	s15 =	simm.s32 @!p2 $0x9  }
0x43: {  	[spmem:s13] =	stream.linear.scatter @!p2 [tilespmem:s14], [sflag:$0x9], $0x1400, $0x38;
	[tilespmem:$0x1D900] =	vst v63  }
0x44: {  	_ =	swait.ge @!p2 [sflag:s15], $0x1400  }
0x45: {  	[sflag:s15] =	ssyncset.done @!p2 $0x0  }
0x46: {  	[sflag:s15] =	ssyncadd.s32 @!p2 $0xFFFFEC00  }
0x47: {  	s16 =	simm.s32 $0x2780;
	s13 =	simm.s32 $0x0;
	[bflag:$0x0] =	sbarrier.arrive $0xFFFF  }
0x48: {  	[tilespmem:s16], [sflag:$0x1] =	stream.indirect.gather [hbm4b:s5+s19], $0x80, s13, s19, $0xb8;
	[tilespmem:$0x1D900] =	vst v63  }
0x49: {  	s23 =	simm.s32 $0x4F80;
	s22 =	rddreg [dreg:$0x4]  }
0x4a: {  	[tilespmem:s23], [sflag:$0x3] =	stream.linear.gather [hbm4b:s22+s13], $0x1400, $0x38;
	[tilespmem:$0x1D900] =	vst v63  }
0x4b: {  	s16 =	simm.s32 $0x3B80  }
0x4c: {  	[tilespmem:s16], [sflag:$0x2] =	stream.indirect.gather [hbm4b:s5+s19], $0x80, s19, s19, $0xb8;
	[tilespmem:$0x1D900] =	vst v63  }
0x4d: {  	s14 =	simm.s32 $0x0;
	s22 =	rddreg [dreg:$0x5];
	s23 =	simm.s32 $0x6380  }
0x4e: {  	[tilespmem:s23], [sflag:$0x4] =	stream.linear.gather [hbm4b:s22+s13], $0x1400, $0x38;
	[tilespmem:$0x1D900] =	vst v63  }
.LBB2_6:
0x4f: {  	_ =	swait.ge [sflag:s29], $0x1400  }
0x50: {  	[sflag:s29] =	ssyncset.done $0x0  }
0x51: {  	[sflag:s29] =	ssyncadd.s32 $0xFFFFEC00  }
0x52: {  	_ =	swait.ge [sflag:s30], $0x1400  }
0x53: {  	p2 =	seq.s32 s14, $0x0;
	s15 =	smul.u32 $0x50, s14;
	[sflag:s30] =	ssyncset.done $0x0  }
0x54: {  	s16 =	simm.s32 @!p2 $0x5;
	[sflag:s30] =	ssyncadd.s32 $0xFFFFEC00  }
0x55: {  	s22 =	sadd.s32 s4, s15;
	_ =	swait.ge @!p2 [sflag:s16], $0x1400  }
0x56: {  	s22 =	sshrl.u32 s22, $0x3;
	[sflag:s16] =	ssyncset.done @!p2 $0x0  }
0x57: {  	s23 =	sadd.s32 s7, s22;
	[sflag:s16] =	ssyncadd.s32 @!p2 $0xFFFFEC00;
	s16 =	simm.s32 $0x0  }
0x58: {  	[tilespmem:s31], [sflag:$0x7] =	stream.linear.gather [hbm4b:s23+s13], $0x28, $0x38;
	[tilespmem:$0x1D900] =	vst v63  }
0x59: {  	v1 =	vld [tilespmem:s16+$0x27F0]  }
0x5a: {  	v2 =	vld [tilespmem:s16+$0x4FF0]  }
0x5b: {  	v3 =	vld [tilespmem:s16+$0x2780]  }
0x5c: {  	v4 =	vld [tilespmem:s16+$0x4F80]  }
0x5d: {  	v5 =	vld [tilespmem:s16+$0x2790]  }
0x5e: {  	v6 =	vld [tilespmem:s16+$0x4F90]  }
0x5f: {  	v7 =	vld [tilespmem:s16+$0x27A0]  }
0x60: {  	v1 =	vadd.f32 v2, v1;
	v2 =	vld [tilespmem:s16+$0x4FA0]  }
0x61: {  	v8 =	vld [tilespmem:s16+$0x27B0]  }
0x62: {  	v9 =	vld [tilespmem:s16+$0x4FB0];
	v3 =	vadd.f32 v4, v3  }
0x63: {  	v10 =	vld [tilespmem:s16+$0x27C0];
	v1 =	vmax.f32 v1, $0.0e+00  }
0x64: {  	[tilespmem:s16+$0x77F0] =	vst v1;
	v1 =	vmax.f32 v3, $0.0e+00;
	v3 =	vadd.f32 v6, v5;
	v6 =	vld [tilespmem:s16+$0x4FC0]  }
0x65: {  	v4 =	vld [tilespmem:s16+$0x4FD0];
	v2 =	vadd.f32 v2, v7  }
0x66: {  	[tilespmem:s16+$0x7780] =	vst v1;
	v1 =	vld [tilespmem:s16+$0x27D0];
	v3 =	vmax.f32 v3, $0.0e+00  }
0x67: {  	v5 =	vld [tilespmem:s16+$0x4FE0];
	v7 =	vadd.f32 v9, v8;
	[tilespmem:s16+$0x7790] =	vst v3;
	v3 =	vmax.f32 v2, $0.0e+00  }
0x68: {  	s22 =	simm.s32 $0x80;
	v2 =	vld [tilespmem:s16+$0x27E0];
	[tilespmem:s16+$0x77A0] =	vst v3  }
0x69: {  	s23 =	simm.s32 $0x400;
	v7 =	vmax.f32 v7, $0.0e+00;
	v6 =	vadd.f32 v6, v10;
	v3 =	vld [tilespmem:s22+$0x27F0]  }
.LBB2_7:
0x6a: {  	p1 =	sne.s32 s23, $0x4E00;
	v8 =	vld [tilespmem:s22+$0x4FF0];
	[tilespmem:s16+$0x77B0] =	vst v7  }
0x6b: {  	v7 =	vld [tilespmem:s22+$0x2780];
	v6 =	vmax.f32 v6, $0.0e+00;
	v1 =	vadd.f32 v4, v1  }
0x6c: {  	v4 =	vld [tilespmem:s22+$0x4F80];
	[tilespmem:s16+$0x77C0] =	vst v6  }
0x6d: {  	v6 =	vld [tilespmem:s22+$0x2790];
	v1 =	vmax.f32 v1, $0.0e+00;
	v2 =	vadd.f32 v5, v2  }
0x6e: {  	v5 =	vld [tilespmem:s22+$0x4F90];
	[tilespmem:s16+$0x77D0] =	vst v1  }
0x6f: {  	v1 =	vld [tilespmem:s22+$0x27A0];
	v3 =	vadd.f32 v8, v3;
	v2 =	vmax.f32 v2, $0.0e+00  }
0x70: {  	v8 =	vld [tilespmem:s22+$0x4FA0];
	[tilespmem:s16+$0x77E0] =	vst v2;
	s16 =	smov.u32 s22  }
0x71: {  	v2 =	vadd.f32 v4, v7;
	v7 =	vld [tilespmem:s16+$0x27B0];
	v3 =	vmax.f32 v3, $0.0e+00  }
0x72: {  	v9 =	vld [tilespmem:s16+$0x4FB0];
	[tilespmem:s16+$0x77F0] =	vst v3  }
0x73: {  	v2 =	vmax.f32 v2, $0.0e+00;
	v3 =	vadd.f32 v5, v6;
	v6 =	vld [tilespmem:s16+$0x27C0]  }
0x74: {  	[tilespmem:s16+$0x7780] =	vst v2;
	v10 =	vld [tilespmem:s16+$0x4FC0]  }
.Ltmp2:
0x75: {  	v2 =	vmax.f32 v3, $0.0e+00;
	v3 =	vadd.f32 v8, v1;
	v1 =	vld [tilespmem:s16+$0x27D0];
	(pc) =	sbr.rel @p1 .LBB2_7-.Ltmp2, $4  }
0x76: {  	[tilespmem:s16+$0x7790] =	vst v2;
	v4 =	vld [tilespmem:s16+$0x4FD0]  }
0x77: {  	v3 =	vmax.f32 v3, $0.0e+00;
	v7 =	vadd.f32 v9, v7;
	v2 =	vld [tilespmem:s16+$0x27E0]  }
0x78: {  	s22 =	sshra.s32 s23, $0x2;
	[tilespmem:s16+$0x77A0] =	vst v3;
	v5 =	vld [tilespmem:s16+$0x4FE0]  }
0x79: {  	s23 =	sadd.s32 $0x200, s23;
	v3 =	vld [tilespmem:s22+$0x27F0];
	v7 =	vmax.f32 v7, $0.0e+00;
	v6 =	vadd.f32 v10, v6  }
0x7a: {  	v8 =	vld [tilespmem:s22+$0x4FF0];
	[tilespmem:s16+$0x77B0] =	vst v7  }
0x7b: {  	v7 =	vld [tilespmem:s22+$0x2780];
	v6 =	vmax.f32 v6, $0.0e+00;
	v1 =	vadd.f32 v4, v1  }
0x7c: {  	v9 =	vld [tilespmem:s22+$0x4F80];
	[tilespmem:s16+$0x77C0] =	vst v6  }
0x7d: {  	v4 =	vld [tilespmem:s22+$0x2790];
	v1 =	vmax.f32 v1, $0.0e+00;
	v2 =	vadd.f32 v5, v2  }
0x7e: {  	v6 =	vld [tilespmem:s22+$0x4F90];
	[tilespmem:s16+$0x77D0] =	vst v1  }
0x7f: {  	v1 =	vld [tilespmem:s22+$0x27A0];
	v2 =	vmax.f32 v2, $0.0e+00  }
0x80: {  	v5 =	vld [tilespmem:s22+$0x4FA0];
	v3 =	vadd.f32 v8, v3;
	[tilespmem:s16+$0x77E0] =	vst v2  }
0x81: {  	v7 =	vadd.f32 v9, v7;
	v2 =	vld [tilespmem:s22+$0x27B0]  }
0x82: {  	v3 =	vmax.f32 v3, $0.0e+00;
	v8 =	vld [tilespmem:s22+$0x4FB0]  }
0x83: {  	[tilespmem:s22+$0x77F0] =	vst v3;
	v3 =	vmax.f32 v7, $0.0e+00;
	v7 =	vld [tilespmem:s22+$0x27C0]  }
0x84: {  	v4 =	vadd.f32 v6, v4;
	v6 =	vld [tilespmem:s22+$0x27D0]  }
0x85: {  	[tilespmem:s22+$0x7780] =	vst v3;
	v3 =	vld [tilespmem:s22+$0x4FC0];
	v1 =	vadd.f32 v5, v1  }
0x86: {  	v4 =	vmax.f32 v4, $0.0e+00;
	v5 =	vld [tilespmem:s22+$0x27E0]  }
0x87: {  	[tilespmem:s22+$0x7790] =	vst v4;
	v4 =	vld [tilespmem:s22+$0x4FD0];
	v1 =	vmax.f32 v1, $0.0e+00  }
0x88: {  	[tilespmem:s22+$0x77A0] =	vst v1;
	v1 =	vld [tilespmem:s22+$0x4FE0];
	_ =	sdelay $0x1  }
0x89: {  	v2 =	vadd.f32 v8, v2  }
0x8a: {  	v3 =	vadd.f32 v3, v7  }
0x8b: {  	v2 =	vmax.f32 v2, $0.0e+00;
	v4 =	vadd.f32 v4, v6  }
0x8c: {  	[tilespmem:s22+$0x77B0] =	vst v2;
	v2 =	vmax.f32 v3, $0.0e+00;
	v1 =	vadd.f32 v1, v5  }
0x8d: {  	[tilespmem:s22+$0x77C0] =	vst v2;
	v2 =	vmax.f32 v4, $0.0e+00  }
0x8e: {  	p1 =	seq.s32 s14, $0x7C;
	[tilespmem:s22+$0x77D0] =	vst v2;
	v1 =	vmax.f32 v1, $0.0e+00  }
0x8f: {  	s23 =	simm.s32 @!p1 $0x2780;
	s16 =	sadd.s32 @!p1 $0x50, s15;
	[tilespmem:s22+$0x77E0] =	vst v1;
	s22 =	simm.s32 @!p1 $0x28  }
0x90: {  	[tilespmem:s23], [sflag:$0x1] =	stream.indirect.gather @!p1 [hbm4b:s5+s22], $0x80, s16, s22, $0xb8;
	[tilespmem:$0x1D900] =	vst v63  }
0x91: {  	s16 =	sadd.s32 @!p1 s4, s16  }
0x92: {  	s16 =	sshll.u32 @!p1 s16, $0x4  }
0x93: {  	s22 =	simm.s32 @!p1 $0x0;
	s23 =	simm.s32 @!p1 $0x4F80;
	s16 =	sadd.s32 @!p1 s6, s16  }
0x94: {  	[tilespmem:s23], [sflag:$0x3] =	stream.linear.gather @!p1 [hbm4b:s16+s22], $0x1400, $0x38;
	[tilespmem:$0x1D900] =	vst v63  }
0x95: {  	_ =	swait.ge [sflag:s1], $0x28  }
0x96: {  	[sflag:s1] =	ssyncset.done $0x0  }
0x97: {  	[sflag:s1] =	ssyncadd.s32 $0xFFFFFFD8  }
0x98: {  	[spmem:s2] =	stream.indirect.scatter.add.f32 [tilespmem:s3], [sflag:$0x5], $0x80, s31, s19, $0xb8;
	[tilespmem:$0x1D900] =	vst v63  }
0x99: {  	_ =	swait.ge [sflag:s20], $0x1400  }
0x9a: {  	[sflag:s20] =	ssyncset.done $0x0  }
0x9b: {  	[sflag:s20] =	ssyncadd.s32 $0xFFFFEC00  }
0x9c: {  	_ =	swait.ge [sflag:s21], $0x1400  }
0x9d: {  	[sflag:s21] =	ssyncset.done $0x0  }
0x9e: {  	s16 =	simm.s32 @!p2 $0x6;
	[sflag:s21] =	ssyncadd.s32 $0xFFFFEC00  }
0x9f: {  	s23 =	sadd.s32 s15, s11;
	_ =	swait.ge @!p2 [sflag:s16], $0x1400  }
0xa0: {  	s22 =	sshrl.u32 s23, $0x3;
	s23 =	simm.s32 $0x0;
	[sflag:s16] =	ssyncset.done @!p2 $0x0  }
0xa1: {  	s22 =	sadd.s32 s7, s22;
	[sflag:s16] =	ssyncadd.s32 @!p2 $0xFFFFEC00;
	s16 =	simm.s32 $0x0  }
0xa2: {  	[tilespmem:s26], [sflag:$0x8] =	stream.linear.gather [hbm4b:s22+s23], $0x28, $0x38;
	[tilespmem:$0x1D900] =	vst v63  }
0xa3: {  	v1 =	vld [tilespmem:s16+$0x3BF0]  }
0xa4: {  	v2 =	vld [tilespmem:s16+$0x63F0]  }
0xa5: {  	v3 =	vld [tilespmem:s16+$0x3B80]  }
0xa6: {  	v4 =	vld [tilespmem:s16+$0x6380]  }
0xa7: {  	v5 =	vld [tilespmem:s16+$0x3B90]  }
0xa8: {  	v6 =	vld [tilespmem:s16+$0x6390]  }
0xa9: {  	v7 =	vld [tilespmem:s16+$0x3BA0]  }
0xaa: {  	v1 =	vadd.f32 v2, v1;
	v2 =	vld [tilespmem:s16+$0x63A0]  }
0xab: {  	v8 =	vld [tilespmem:s16+$0x3BB0]  }
0xac: {  	v63 =	vld [tilespmem:s16+$0x63B0];
	v3 =	vadd.f32 v4, v3  }
0xad: {  	v10 =	vld [tilespmem:s16+$0x3BC0];
	v1 =	vmax.f32 v1, $0.0e+00  }
0xae: {  	[tilespmem:s16+$0x8BF0] =	vst v1;
	v1 =	vmax.f32 v3, $0.0e+00;
	v3 =	vadd.f32 v6, v5;
	v6 =	vld [tilespmem:s16+$0x63C0]  }
0xaf: {  	v4 =	vld [tilespmem:s16+$0x63D0];
	v2 =	vadd.f32 v2, v7  }
0xb0: {  	[tilespmem:s16+$0x8B80] =	vst v1;
	v1 =	vld [tilespmem:s16+$0x3BD0];
	v3 =	vmax.f32 v3, $0.0e+00  }
0xb1: {  	v5 =	vld [tilespmem:s16+$0x63E0];
	v7 =	vadd.f32 v63, v8;
	[tilespmem:s16+$0x8B90] =	vst v3;
	v3 =	vmax.f32 v2, $0.0e+00  }
0xb2: {  	s22 =	simm.s32 $0x80;
	v2 =	vld [tilespmem:s16+$0x3BE0];
	[tilespmem:s16+$0x8BA0] =	vst v3  }
0xb3: {  	s23 =	simm.s32 $0x400;
	v7 =	vmax.f32 v7, $0.0e+00;
	v6 =	vadd.f32 v6, v10;
	v3 =	vld [tilespmem:s22+$0x3BF0]  }
.LBB2_9:
0xb4: {  	p2 =	sne.s32 s23, $0x4E00;
	v8 =	vld [tilespmem:s22+$0x63F0];
	[tilespmem:s16+$0x8BB0] =	vst v7  }
0xb5: {  	v7 =	vld [tilespmem:s22+$0x3B80];
	v6 =	vmax.f32 v6, $0.0e+00;
	v1 =	vadd.f32 v4, v1  }
0xb6: {  	v4 =	vld [tilespmem:s22+$0x6380];
	[tilespmem:s16+$0x8BC0] =	vst v6  }
0xb7: {  	v6 =	vld [tilespmem:s22+$0x3B90];
	v1 =	vmax.f32 v1, $0.0e+00;
	v2 =	vadd.f32 v5, v2  }
0xb8: {  	v5 =	vld [tilespmem:s22+$0x6390];
	[tilespmem:s16+$0x8BD0] =	vst v1  }
0xb9: {  	v1 =	vld [tilespmem:s22+$0x3BA0];
	v3 =	vadd.f32 v8, v3;
	v2 =	vmax.f32 v2, $0.0e+00  }
0xba: {  	v8 =	vld [tilespmem:s22+$0x63A0];
	[tilespmem:s16+$0x8BE0] =	vst v2;
	s16 =	smov.u32 s22  }
0xbb: {  	v2 =	vadd.f32 v4, v7;
	v7 =	vld [tilespmem:s16+$0x3BB0];
	v3 =	vmax.f32 v3, $0.0e+00  }
0xbc: {  	v9 =	vld [tilespmem:s16+$0x63B0];
	[tilespmem:s16+$0x8BF0] =	vst v3  }
0xbd: {  	v2 =	vmax.f32 v2, $0.0e+00;
	v3 =	vadd.f32 v5, v6;
	v6 =	vld [tilespmem:s16+$0x3BC0]  }
0xbe: {  	[tilespmem:s16+$0x8B80] =	vst v2;
	v10 =	vld [tilespmem:s16+$0x63C0]  }
.Ltmp3:
0xbf: {  	v2 =	vmax.f32 v3, $0.0e+00;
	v3 =	vadd.f32 v8, v1;
	v1 =	vld [tilespmem:s16+$0x3BD0];
	(pc) =	sbr.rel @p2 .LBB2_9-.Ltmp3, $4  }
0xc0: {  	[tilespmem:s16+$0x8B90] =	vst v2;
	v4 =	vld [tilespmem:s16+$0x63D0]  }
0xc1: {  	v3 =	vmax.f32 v3, $0.0e+00;
	v7 =	vadd.f32 v9, v7;
	v2 =	vld [tilespmem:s16+$0x3BE0]  }
0xc2: {  	s22 =	sshra.s32 s23, $0x2;
	[tilespmem:s16+$0x8BA0] =	vst v3;
	v5 =	vld [tilespmem:s16+$0x63E0]  }
0xc3: {  	s23 =	sadd.s32 $0x200, s23;
	v3 =	vld [tilespmem:s22+$0x3BF0];
	v7 =	vmax.f32 v7, $0.0e+00;
	v6 =	vadd.f32 v10, v6  }
0xc4: {  	v8 =	vld [tilespmem:s22+$0x63F0];
	[tilespmem:s16+$0x8BB0] =	vst v7  }
0xc5: {  	v7 =	vld [tilespmem:s22+$0x3B80];
	v6 =	vmax.f32 v6, $0.0e+00;
	v1 =	vadd.f32 v4, v1  }
0xc6: {  	v9 =	vld [tilespmem:s22+$0x6380];
	[tilespmem:s16+$0x8BC0] =	vst v6  }
0xc7: {  	v57 =	vld [tilespmem:s22+$0x3B90];
	v1 =	vmax.f32 v1, $0.0e+00;
	v2 =	vadd.f32 v5, v2  }
0xc8: {  	v6 =	vld [tilespmem:s22+$0x6390];
	[tilespmem:s16+$0x8BD0] =	vst v1  }
0xc9: {  	v1 =	vld [tilespmem:s22+$0x3BA0];
	v2 =	vmax.f32 v2, $0.0e+00  }
0xca: {  	v58 =	vld [tilespmem:s22+$0x63A0];
	[tilespmem:s16+$0x8BE0] =	vst v2  }
0xcb: {  	v2 =	vld [tilespmem:s22+$0x3BB0]  }
0xcc: {  	v3 =	vadd.f32 v8, v3;
	v59 =	vld [tilespmem:s22+$0x63B0]  }
0xcd: {  	v7 =	vadd.f32 v9, v7;
	v60 =	vld [tilespmem:s22+$0x3BC0]  }
0xce: {  	v3 =	vmax.f32 v3, $0.0e+00;
	v61 =	vld [tilespmem:s22+$0x3BD0]  }
0xcf: {  	v62 =	vld [tilespmem:s22+$0x63D0];
	[tilespmem:s22+$0x8BF0] =	vst v3;
	v3 =	vmax.f32 v7, $0.0e+00;
	v1 =	vadd.f32 v58, v1  }
0xd0: {  	[tilespmem:s22+$0x8B80] =	vst v3;
	v3 =	vld [tilespmem:s22+$0x63C0]  }
0xd1: {  	v63 =	vld [tilespmem:s22+$0x3BE0];
	v1 =	vmax.f32 v1, $0.0e+00  }
0xd2: {  	[tilespmem:s22+$0x8BA0] =	vst v1;
	v1 =	vld [tilespmem:s22+$0x63E0]  }
0xd3: {  	v4 =	vadd.f32 v6, v57  }
0xd4: {  	v2 =	vadd.f32 v59, v2  }
0xd5: {  	v4 =	vmax.f32 v4, $0.0e+00;
	v3 =	vadd.f32 v3, v60  }
0xd6: {  	[tilespmem:s22+$0x8B90] =	vst v4;
	v4 =	vadd.f32 v62, v61;
	v2 =	vmax.f32 v2, $0.0e+00  }
0xd7: {  	[tilespmem:s22+$0x8BB0] =	vst v2;
	v2 =	vmax.f32 v3, $0.0e+00;
	v1 =	vadd.f32 v1, v63  }
0xd8: {  	[tilespmem:s22+$0x8BC0] =	vst v2;
	v2 =	vmax.f32 v4, $0.0e+00  }
0xd9: {  	[tilespmem:s22+$0x8BD0] =	vst v2;
	v1 =	vmax.f32 v1, $0.0e+00  }
0xda: {  	s15 =	sadd.s32 @!p1 $0x78, s15;
	s16 =	simm.s32 @!p1 $0x28;
	[tilespmem:s22+$0x8BE0] =	vst v1;
	s22 =	simm.s32 @!p1 $0x3B80  }
0xdb: {  	[tilespmem:s22], [sflag:$0x2] =	stream.indirect.gather @!p1 [hbm4b:s5+s16], $0x80, s15, s16, $0xb8;
	[tilespmem:$0x1D900] =	vst v63  }
0xdc: {  	s15 =	sadd.s32 @!p1 s4, s15  }
0xdd: {  	s14 =	sadd.s32 $0x1, s14;
	s15 =	sshll.u32 @!p1 s15, $0x4  }
0xde: {  	s16 =	simm.s32 @!p1 $0x0;
	s22 =	simm.s32 @!p1 $0x6380;
	s15 =	sadd.s32 @!p1 s6, s15  }
0xdf: {  	[tilespmem:s22], [sflag:$0x4] =	stream.linear.gather @!p1 [hbm4b:s15+s16], $0x1400, $0x38;
	[tilespmem:$0x1D900] =	vst v63  }
0xe0: {  	p1 =	sne.s32 s14, $0x7D  }
.Ltmp4:
0xe1: {  	_ = 	snop;
	(pc) =	sbr.rel @p1 .LBB2_6-.Ltmp4, $4  }
0xe2: {  	_ =	swait.ge [sflag:s28], $0x28  }
0xe3: {  	[sflag:s28] =	ssyncset.done $0x0  }
0xe4: {  	[sflag:s28] =	ssyncadd.s32 $0xFFFFFFD8  }
0xe5: {  	[spmem:s2] =	stream.indirect.scatter.add.f32 [tilespmem:s8], [sflag:$0x6], $0x80, s26, s19, $0xb8;
	[tilespmem:$0x1D900] =	vst v63  }
0xe6: {  	_ =	swait.ge [sflag:s9], $0x1400  }
0xe7: {  	[sflag:s9] =	ssyncset.done $0x0  }
0xe8: {  	[sflag:s9] =	ssyncadd.s32 $0xFFFFEC00  }
0xe9: {  	_ =	swait.ge [sflag:s10], $0x1400  }
0xea: {  	[sflag:s10] =	ssyncset.done $0x0  }
0xeb: {  	[sflag:s10] =	ssyncadd.s32 $0xFFFFEC00  }
0xec: {  	[bflag:$0x0] =	sbarrier.arrive $0xFFFF  }
0xed: {  	s13 =	sshll.u32 s0, $0x6;
	s14 =	rddreg [dreg:$0x7]  }
0xee: {  	s13 =	sor.u32 $0x1C09, s13;
	s15 =	rddreg [dreg:$0xb]  }
0xef: {  	[hbm:s14], [sflag:s13] =	dma.local [spmem:s15], $0xC80  }
0xf0: {  	_ =	swait.ge [sflag:s18], $0xC80  }
0xf1: {  	[sflag:s18] =	ssyncset.done $0x0;
	s15 =	rddreg [dreg:$0x8]  }
0xf2: {  	s16 =	rddreg [dreg:$0xc];
	[sflag:s18] =	ssyncadd.s32 $0xFFFFF380  }
0xf3: {  	[hbm:s15], [sflag:s13] =	dma.local [spmem:s16], $0xC80  }
0xf4: {  	_ =	swait.ge [sflag:s18], $0xC80  }
0xf5: {  	[sflag:s18] =	ssyncset.done $0x0  }
0xf6: {  	s22 =	rddreg [dreg:$0x9];
	[sflag:s18] =	ssyncadd.s32 $0xFFFFF380  }
0xf7: {  	[hbm:s22], [sflag:s13] =	dma.local [spmem:s24], $0xC80  }
0xf8: {  	_ =	swait.ge [sflag:s18], $0xC80  }
0xf9: {  	[sflag:s18] =	ssyncset.done $0x0  }
0xfa: {  	s14 =	rddreg [dreg:$0xa];
	[sflag:s18] =	ssyncadd.s32 $0xFFFFF380  }
0xfb: {  	[hbm:s14], [sflag:s13] =	dma.local @!p0 [spmem:s25], $0xC80  }
0xfc: {  	s13 =	simm.s32 @!p0 $0x9  }
0xfd: {  	_ =	swait.ge @!p0 [sflag:s13], $0xC80  }
0xfe: {  	s12 =	sadd.s32 $0x1, s12;
	s23 =	rddreg [dreg:$0x6]  }
0xff: {  	p1 =	sne.s32 s12, s23  }
.Ltmp5:
0x100: {  	_ = 	snop;
	(pc) =	sbr.rel @p1 .LBB2_1-.Ltmp5, $3  }
0x101: {  	_ =	sdelay $0x1  }
0x102: {  	[sflag:s13] =	ssyncset.done @!p0 $0x0  }
0x103: {  	[sflag:s13] =	ssyncadd.s32 @!p0 $0xFFFFF380  }
0x104: {  	_ =	sfence.sel $0x180000  }
0x105: {  	[bflag:$0x0] =	sbarrier.arrive $0xFFFF  }
0x106: {  	_ =	strace $0x90000050  }
0x107: {  	[bflag:$0x2] =	sbarrier.arrive $0xFFFF  }
0x108: {  	p0 =	sne.s32 s0, $0x0;
	s0 =	rddreg [dreg:$0x2]  }
0x109: {  	s0 =	sadd.s32 @!p0 $0x100000, s0  }
0x10a: {  	[sflag:s0] =	ssyncadd.tile.s32 @!p0 $0x1;
	_ =	shalt  }
.Lfunc_end2:
_tile_overlayer_lowered:
.L_overlay_start_2:
0x10b: {  	(tag) =	ssettag $0x2  }
0x10c: {  	s0 =	rddreg [dreg:$0x0];
	s2 =	stileid.u32  }
0x10d: {  	s1 =	rddreg [dreg:$0x1];
	p0 =	sne.s32 s2, $0x0  }
0x10e: {  	s3 =	rddreg [dreg:$0x2];
	[bflag:$0x3] =	sbarrier.arrive $0xFFFF;
	s2 =	simm.s32 @!p0 $0x1C09  }
0x10f: {  	[timem:s3], [sflag:s2] =	dma.local @!p0 [hbm:s0], s1  }
0x110: {  	s0 =	simm.s32 @!p0 $0x9  }
0x111: {  	_ =	swait.ge @!p0 [sflag:s0], s1  }
0x112: {  	s1 =	ssub.s32 @!p0 $0x0, s1;
	[sflag:s0] =	ssyncset.done @!p0 $0x0  }
0x113: {  	[sflag:s0] =	ssyncadd.s32 @!p0 s1  }
0x114: {  	[bflag:$0x3] =	sbarrier.arrive $0xFFFF  }
0x115: {  	_ =	shalt  }

// kernel: kernel.30.cloned.1.call-start
scs
__scs_entry_jumppad:
0x0: {  	(pc) =	sbr.rel $0x88, $3  }
0x1: {  	(tag) =	ssettag $0x0;
	lr =	simm.s32 $0x1  }
0x2: {  	[smem:$0x3F89] =	sst lr;
	_ =	strace $0xD0000000  }
0x3: {  	_ = 	snop  }
0x4: {  	_ = 	snop  }
0x5: {  	_ = 	snop  }
0x6: {  	_ = 	snop  }
0x7: {  	_ = 	snop  }
__scs_overlays_trampoline_lowered:
0x8: {  	[smem:$0x3F98] =	sst s0  }
0x9: {  	[smem:$0x3F99] =	sst s1  }
0xa: {  	[smem:$0x3F9A] =	sst s2  }
0xb: {  	[smem:$0x3F9B] =	sst s3  }
0xc: {  	[smem:$0x3F9C] =	sst s4  }
0xd: {  	[smem:$0x3F9D] =	sst s5  }
0xe: {  	[smem:$0x3F9E] =	sst s6  }
0xf: {  	[smem:$0x3F9F] =	sst s7  }
0x10: {  	[smem:$0x3FA0] =	sst s8  }
0x11: {  	[smem:$0x3FA1] =	sst s9;
	s0 =	simm.s32 @!p0 $0x0  }
0x12: {  	s1 =	sld [smem:$0x3F87];
	s0 =	simm.s32 @p0 $0x1  }
0x13: {  	[smem:$0x3FA2] =	sst s0;
	s0 =	simm.s32 @!p1 $0x0  }
0x14: {  	s2 =	sld [smem:$0x3F86];
	s0 =	simm.s32 @p1 $0x1  }
0x15: {  	[smem:$0x3FA3] =	sst s0;
	s0 =	simm.s32 @!p2 $0x0  }
0x16: {  	s3 =	sld [smem:$0x3FDB];
	s0 =	simm.s32 @p2 $0x1  }
0x17: {  	s4 =	simm.s32 $0x1BF5;
	[smem:$0x3FA5] =	sst s0  }
0x18: {  	s0 =	sld [smem:$0x3F88];
	_ =	swait.ge [sflag:s4], $0x0  }
0x19: {  	s7 =	sld [smem:$0x3F89]  }
0x1a: {  	s8 =	sadd.s32 $0xFFFFE003, lr  }
0x1b: {  	s9 =	sadd.s32 $0xFFFFFEF7, lr;
	s5 =	simm.s32 $0xFFFFFFFF;
	p2 =	slt.u32 s8, $0xFFFFF086  }
0x1c: {  	p1 =	slt.u32 s9, $0xF7A;
	s5 =	simm.s32 @!p2 $0x0  }
0x1d: {  	s5 =	simm.s32 @p1 $0x1;
	p0 =	seq.s32 s7, s2  }
0x1e: {  	s7 =	smul.u32 @!p0 $0xF7A, s2;
	p2 =	seq.s32 @!p0 s5, $0x0  }
0x1f: {  	s9 =	smul.u32 $0xF7A, s1;
	s8 =	simm.s32 @!p0 $0x1BF5;
	p2 =	por !p2, p0  }
0x20: {  	[sflag:s8] =	ssyncset.s32 @!p0 $0xFFFFF086;
	s6 =	sadd.s32 @!p0 s3, s7;
	s7 =	simm.s32 @!p0 $0x108  }
0x21: {  	s3 =	sadd.s32 s3, s9;
	s6 =	sadd.s32 @!p0 $0x88, s6;
	s7 =	simm.s32 @p2 $0x1082  }
0x22: {  	[simem:s7], [sflag:s8] =	dma.local @!p0 [hbm:s6], $0xF7A  }
0x23: {  	s9 =	sor.u32 $0xD0000000, s2;
	s6 =	simm.s32 $0x108;
	_ =	swait.ge @!p0 [sflag:s8], $0x0  }
0x24: {  	s3 =	sadd.s32 $0x88, s3;
	s6 =	simm.s32 @!p1 $0x1082;
	[sflag:s4] =	ssyncset.s32 $0xFFFFF086  }
0x25: {  	[simem:s6], [sflag:s4] =	dma.local [hbm:s3], $0xF7A  }
0x26: {  	[smem:$0x3F89] =	sst s1;
	(tag) =	ssettag s2;
	_ =	strace s9  }
0x27: {  	s1 =	sld [smem:$0x3F99]  }
0x28: {  	s2 =	sld [smem:$0x3F9A]  }
0x29: {  	s4 =	sld [smem:$0x3F9C]  }
0x2a: {  	p0 =	seq.s32 s5, $0x0;
	s5 =	sld [smem:$0x3F9D]  }
0x2b: {  	s6 =	sld [smem:$0x3F9E]  }
0x2c: {  	s7 =	sld [smem:$0x3F9F]  }
0x2d: {  	s3 =	simm.s32 $0x108;
	s8 =	sld [smem:$0x3FA0]  }
0x2e: {  	s3 =	simm.s32 @!p0 $0x1082;
	s9 =	sld [smem:$0x3FA1]  }
0x2f: {  	lr =	sadd.s32 s0, s3;
	s0 =	sld [smem:$0x3F98]  }
0x30: {  	s3 =	sld [smem:$0x3F9B]  }
0x31: {  	[smem:$0x3FA4] =	sst s10  }
0x32: {  	s10 =	sld [smem:$0x3FA2];
	_ =	sdelay $0x3  }
0x33: {  	p0 =	seq.s32 s10, $0x1;
	s10 =	sld [smem:$0x3FA4];
	_ =	sdelay $0x3  }
0x34: {  	[smem:$0x3FA4] =	sst s10  }
0x35: {  	s10 =	sld [smem:$0x3FA3];
	_ =	sdelay $0x3  }
0x36: {  	p1 =	seq.s32 s10, $0x1;
	s10 =	sld [smem:$0x3FA4];
	_ =	sdelay $0x3  }
0x37: {  	[smem:$0x3FA4] =	sst s10  }
0x38: {  	s10 =	sld [smem:$0x3FA5]  }
0x39: {  	_ = 	snop;
	(pc) =	sbr.ind lr, $3  }
0x3a: {  	_ = 	snop  }
0x3b: {  	_ = 	snop  }
0x3c: {  	p2 =	seq.s32 s10, $0x1;
	s10 =	sld [smem:$0x3FA4]  }
0x3d: {  	_ =	shalt  }
0x3e: {  	_ =	shalt  }
0x3f: {  	_ =	shalt  }
0x40: {  	_ =	shalt  }
0x41: {  	_ =	shalt  }
0x42: {  	_ =	shalt  }
0x43: {  	_ =	shalt  }
0x44: {  	_ =	shalt  }
0x45: {  	_ =	shalt  }
0x46: {  	_ =	shalt  }
0x47: {  	_ =	shalt  }
0x48: {  	_ =	shalt  }
0x49: {  	_ =	shalt  }
0x4a: {  	_ =	shalt  }
0x4b: {  	_ =	shalt  }
0x4c: {  	_ =	shalt  }
0x4d: {  	_ =	shalt  }
0x4e: {  	_ =	shalt  }
0x4f: {  	_ =	shalt  }
0x50: {  	_ =	shalt  }
0x51: {  	_ =	shalt  }
0x52: {  	_ =	shalt  }
0x53: {  	_ =	shalt  }
0x54: {  	_ =	shalt  }
0x55: {  	_ =	shalt  }
0x56: {  	_ =	shalt  }
0x57: {  	_ =	shalt  }
0x58: {  	_ =	shalt  }
0x59: {  	_ =	shalt  }
0x5a: {  	_ =	shalt  }
0x5b: {  	_ =	shalt  }
0x5c: {  	_ =	shalt  }
0x5d: {  	_ =	shalt  }
0x5e: {  	_ =	shalt  }
0x5f: {  	_ =	shalt  }
0x60: {  	_ =	shalt  }
0x61: {  	_ =	shalt  }
0x62: {  	_ =	shalt  }
0x63: {  	_ =	shalt  }
0x64: {  	_ =	shalt  }
0x65: {  	_ =	shalt  }
0x66: {  	_ =	shalt  }
0x67: {  	_ =	shalt  }
0x68: {  	_ =	shalt  }
0x69: {  	_ =	shalt  }
0x6a: {  	_ =	shalt  }
0x6b: {  	_ =	shalt  }
0x6c: {  	_ =	shalt  }
0x6d: {  	_ =	shalt  }
0x6e: {  	_ =	shalt  }
0x6f: {  	_ =	shalt  }
0x70: {  	_ =	shalt  }
0x71: {  	_ =	shalt  }
0x72: {  	_ =	shalt  }
0x73: {  	_ =	shalt  }
0x74: {  	_ =	shalt  }
0x75: {  	_ =	shalt  }
0x76: {  	_ =	shalt  }
0x77: {  	_ =	shalt  }
0x78: {  	_ =	shalt  }
0x79: {  	_ =	shalt  }
0x7a: {  	_ =	shalt  }
0x7b: {  	_ =	shalt  }
0x7c: {  	_ =	shalt  }
0x7d: {  	_ =	shalt  }
0x7e: {  	_ =	shalt  }
0x7f: {  	_ =	shalt  }
0x80: {  	_ =	shalt  }
0x81: {  	_ =	shalt  }
0x82: {  	_ =	shalt  }
0x83: {  	_ =	shalt  }
0x84: {  	_ =	shalt  }
0x85: {  	_ =	shalt  }
0x86: {  	_ =	shalt  }
0x87: {  	_ =	shalt  }
.Lfunc_end0:
.L_simem_size_0:
called_computation.4_lowered:
.L_overlay_start_0:
0x88: {  	s2 =	sld [smem:$0x3FD9]  }
0x89: {  	s3 =	sld [smem:$0x3FFE];
	_ =	sdelay $0x1  }
0x8a: {  	s1 =	srdreg.scid  }
0x8b: {  	s0 =	sand.u32 $0x1, s1  }
0x8c: {  	s16 =	sshll.u32 s0, $0xA;
	s2 =	sadd.s32 s3, s2  }
0x8d: {  	s2 =	sadd.s32 s2, s16  }
0x8e: {  	[smem:$0x3FB0] =	sst s2  }
0x8f: {  	_ = 	snop  }
0x90: {  	(tm) =	ssettm $0x1  }
0x91: {  	s17 =	sld [smem:$0x3FFB];
	_ =	sdelay $0x3  }
0x92: {  	_ =	strace s17  }
0x93: {  	s2 =	sld [smem:$0x3FFC];
	_ =	sdelay $0x3  }
0x94: {  	_ =	strace s2  }
0x95: {  	s2 =	sld [smem:$0x3FFD];
	_ =	sdelay $0x3  }
0x96: {  	_ =	strace s2  }
0x97: {  	_ =	strace $0x8FFFFFFF  }
0x98: {  	s18 =	sld [smem:$0x3FDB];
	_ =	sdelay $0x1  }
0x99: {  	s19 =	simm.s32 $_scs_section_size  }
0x9a: {  	s4 =	simm.s32 $_size__tile_overlayer_lowered;
	s5 =	simm.s32 $_tile_overlayer_lowered  }
0x9b: {  	s22 =	simm.s32 $0x1BFF;
	s21 =	sshll.u32 s5, $0x1;
	s2 =	sadd.s32 s19, s18  }
0x9c: {  	s6 =	simm.s32 $0x0;
	s20 =	sshll.u32 s4, $0x1;
	s4 =	sadd.s32 s21, s2  }
0x9d: {  	[timem:s6], [sflag:s22] =	dma.local [hbm:s4], s20  }
0x9e: {  	_ =	swait.ge [sflag:s22], s20  }
0x9f: {  	s3 =	ssub.s32 $0x0, s20;
	[sflag:s22] =	ssyncset.done $0x0  }
0xa0: {  	[sflag:s22] =	ssyncadd.s32 s3;
	_ =	sdelay $0x1  }
0xa1: {  	s23 =	simm.s32 $0x1B8B  }
0xa2: {  	_ =	swait.ge [sflag:s23], $0x1  }
0xa3: {  	[sflag:s23] =	ssyncset.done $0x0  }
0xa4: {  	s25 =	simm.s32 $0x1B8E;
	s24 =	sld [smem:$0x3FFE];
	[sflag:s23] =	ssyncadd.s32 $0xFFFFFFFF  }
0xa5: {  	s26 =	simm.s32 $execute0_lowered;
	[smem:$0x3FD2] =	sst s25  }
0xa6: {  	s4 =	sshll.u32 s26, $0x1;
	_ =	strace $0x80000052;
	[dreg:$0x1] =	wrdreg $0xFFFFFFFF  }
0xa7: {  	s28 =	simm.s32 $_size_execute0_lowered;
	s2 =	sadd.s32 s2, s4;
	[dreg:$0x0] =	wrdreg $0x0  }
0xa8: {  	s4 =	sshll.u32 s28, $0x1;
	[dreg:$0x2] =	wrdreg s2  }
0xa9: {  	[dreg:$0x3] =	wrdreg s4  }
0xaa: {  	[dreg:$0x4] =	wrdreg $0xC0  }
0xab: {  	_ =	task [dreg:s6], $0x5FFFF  }
0xac: {  	[dreg:$0x1] =	wrdreg $0xFFFFFFFF  }
0xad: {  	[dreg:$0x0] =	wrdreg $0x60  }
0xae: {  	[dreg:$0x2] =	wrdreg s24  }
0xaf: {  	[dreg:$0x3] =	wrdreg $0x9  }
0xb0: {  	_ =	task.clear_ibuf [dreg:s6], $0x4FFFF;
	_ =	strace $0x90000052  }
0xb1: {  	s29 =	simm.s32 $0x9;
	_ =	strace $0x80000054  }
0xb2: {  	_ =	swait.ge [sflag:s29], $0x1  }
0xb3: {  	[sflag:s29] =	ssyncadd.s32 $0xFFFFFFFF  }
0xb4: {  	_ =	strace $0x90000054  }
0xb5: {  	_ =	sfence  }
0xb6: {  	s30 =	sld [smem:$0x0];
	_ =	sdelay $0x2  }
0xb7: {  	s31 =	sshll.u32 s1, $0xD;
	s1 =	sshrl.u32 s1, $0x2  }
0xb8: {  	s3 =	sand.u32 $0x4000, s31;
	s1 =	sadd.s32 s1, s30  }
0xb9: {  	s0 =	sor.u32 s3, s0;
	s1 =	sshll.u32 s1, $0x11  }
0xba: {  	s0 =	sor.u32 s1, s0  }
0xbb: {  	s0 =	sadd.s32 $0x8F2B, s0  }
0xbc: {  	[sflag:s0] =	ssyncadd.remote.s32 $0x1  }
0xbd: {  	_ =	sfence.sel $0xFFFF  }
0xbe: {  	[dreg:$0x0] =	wrdreg $0xFFFFFFFF;
	(pc) =	sbr.abs _section_cstart, $3  }
0xbf: {  	[dreg:$0x1] =	wrdreg $0xFFFFFFFF  }
0xc0: {  	_ =	task.clear_ibuf [dreg:s6], $0x2FFFF;
	_ =	strace $0x9FFFFFFF  }
0xc1: {  	(tm) =	ssettm $0x7FFFFFFF  }
tec
execute0_lowered:
.L_overlay_start_1:
0x0: {  	(tag) =	ssettag $0x1  }
0x1: {  	s4 =	rddreg [dreg:$0x0]  }
0x2: {  	s0 =	rddreg [dreg:$0x1]  }
0x3: {  	s2 =	simm.s32 $0x0;
	s3 =	srdreg.scid;
	s1 =	stileid.u32  }
0x4: {  	s10 =	simm.s32 $0x100;
	s11 =	simm.s32 $0x1;
	s12 =	simm.s32 $0x4100  }
0x5: {  	s13 =	simm.s32 $0x400;
	s14 =	simm.s32 $0x800;
	s15 =	simm.s32 $0x2  }
0x6: {  	s16 =	simm.s32 $0x3;
	s17 =	simm.s32 $0x0;
	[smem:$0x7FF] =	sst s2  }
0x7: {  	s5 =	sand.u32 $0x1, s3;
	s3 =	sadd.s32 $0x9C00, s4;
	s6 =	sshll.u32 s1, $0xA  }
0x8: {  	s30 =	sshll.u32 s1, $0xF;
	_ =	strace $0x80000053;
	s7 =	sshll.u32 s5, $0x9  }
0x9: {  	s8 =	ssub.s32 $0x2, s5;
	s5 =	sshll.u32 s5, $0xE;
	s6 =	sor.u32 s7, s6  }
0xa: {  	s7 =	sadd.s32 s30, s4;
	s9 =	sshrl.u32 s8, $0x1;
	s6 =	sshrl.u32 s6, $0x3  }
0xb: {  	s8 =	ssub.s32 s8, s9;
	s5 =	sadd.s32 s5, s7;
	s9 =	simm.s32 $0x80  }
0xc: {  	s31 =	sadd.s32 s6, s4;
	s4 =	smax.u32 s8, $0x1;
	s5 =	sadd.s32 $0x30E80, s5  }
0xd: {  	s8 =	simm.s32 $0x4;
	s6 =	sadd.s32 $0xCCAC00, s31;
	s7 =	sadd.s32 $0xCCB400, s31  }
.LBB2_1:
0xe: {  	s18 =	sadd.s32 $0x0, s7  }
0xf: {  	[tilespmem:s2], [sflag:$0x4] =	stream.linear.gather [hbm4b:s18+s2], $0x80, $0x38;
	[tilespmem:$0x8100] =	vst v63  }
0x10: {  	_ =	swait.ge [sflag:s8], $0x80  }
0x11: {  	[sflag:s8] =	ssyncset.done $0x0  }
0x12: {  	s30 =	sadd.s32 $0x0, s6;
	[sflag:s8] =	ssyncadd.s32 $0xFFFFFF80  }
0x13: {  	[tilespmem:s9], [sflag:$0x4] =	stream.linear.gather [hbm4b:s30+s2], $0x80, $0x38;
	[tilespmem:$0x8100] =	vst v63  }
0x14: {  	_ =	swait.ge [sflag:s8], $0x80  }
0x15: {  	[sflag:s8] =	ssyncset.done $0x0  }
0x16: {  	[sflag:s8] =	ssyncadd.s32 $0xFFFFFF80  }
0x17: {  	[tilespmem:s10], [sflag:$0x1] =	stream.indirect.gather [hbm4b:s3+s9], $0x80, s2, s9, $0xb8;
	[tilespmem:$0x8100] =	vst v63  }
0x18: {  	_ =	swait.ge [sflag:s11], $0x4000  }
0x19: {  	[sflag:s11] =	ssyncset.done $0x0  }
0x1a: {  	[sflag:s11] =	ssyncadd.s32 $0xFFFFC000  }
0x1b: {  	[tilespmem:s12], [sflag:$0x1] =	stream.indirect.gather [hbm4b:s3+s9], $0x80, s9, s9, $0xb8;
	[tilespmem:$0x8100] =	vst v63  }
0x1c: {  	_ =	swait.ge [sflag:s11], $0x4000  }
0x1d: {  	[sflag:s11] =	ssyncset.done $0x0  }
0x1e: {  	s31 =	sadd.s32 $0xFFFFFF80, s5;
	[sflag:s11] =	ssyncadd.s32 $0xFFFFC000  }
0x1f: {  	[hbm4b:s31+s13] =	stream.strided.scatter [tilespmem:s10], [sflag:$0x2], $0x4000, s14, s13, $0x38;
	[tilespmem:$0x8100] =	vst v63  }
0x20: {  	_ = 	snop  }
0x21: {  	[hbm4b:s5+s13] =	stream.strided.scatter [tilespmem:s12], [sflag:$0x3], $0x4000, s14, s13, $0x38;
	[tilespmem:$0x8100] =	vst v63  }
0x22: {  	_ =	swait.ge [sflag:s15], $0x4000  }
0x23: {  	[sflag:s15] =	ssyncset.done $0x0  }
0x24: {  	[sflag:s15] =	ssyncadd.s32 $0xFFFFC000  }
0x25: {  	s19 =	simm.s32 $0x10;
	_ =	swait.ge [sflag:s16], $0x4000  }
0x26: {  	s20 =	simm.s32 $0x20;
	s18 =	sadd.s32 $0x1000, s5;
	[sflag:s16] =	ssyncset.done $0x0  }
.LBB2_2:
0x27: {  	s21 =	sadd.s32 s19, s7  }
0x28: {  	[sflag:s16] =	ssyncadd.s32 $0xFFFFC000;
	s22 =	smov.u32 s20;
	s23 =	sadd.s32 $0x10, s20  }
0x29: {  	[tilespmem:s2], [sflag:$0x4] =	stream.linear.gather [hbm4b:s21+s2], $0x80, $0x38;
	[tilespmem:$0x8100] =	vst v63  }
0x2a: {  	p0 =	sne.s32 s20, $0x30;
	_ =	swait.ge [sflag:s8], $0x80  }
0x2b: {  	[sflag:s8] =	ssyncset.done $0x0  }
0x2c: {  	s20 =	sadd.s32 s19, s6;
	s19 =	smov.u32 s22;
	[sflag:s8] =	ssyncadd.s32 $0xFFFFFF80  }
0x2d: {  	[tilespmem:s9], [sflag:$0x4] =	stream.linear.gather [hbm4b:s20+s2], $0x80, $0x38;
	[tilespmem:$0x8100] =	vst v63  }
0x2e: {  	_ =	swait.ge [sflag:s8], $0x80  }
0x2f: {  	[sflag:s8] =	ssyncset.done $0x0  }
0x30: {  	[sflag:s8] =	ssyncadd.s32 $0xFFFFFF80  }
0x31: {  	[tilespmem:s10], [sflag:$0x1] =	stream.indirect.gather [hbm4b:s3+s9], $0x80, s2, s9, $0xb8;
	[tilespmem:$0x8100] =	vst v63  }
0x32: {  	_ =	swait.ge [sflag:s11], $0x4000  }
0x33: {  	[sflag:s11] =	ssyncset.done $0x0  }
0x34: {  	[sflag:s11] =	ssyncadd.s32 $0xFFFFC000  }
0x35: {  	[tilespmem:s12], [sflag:$0x1] =	stream.indirect.gather [hbm4b:s3+s9], $0x80, s9, s9, $0xb8;
	[tilespmem:$0x8100] =	vst v63  }
0x36: {  	_ =	swait.ge [sflag:s11], $0x4000  }
0x37: {  	[sflag:s11] =	ssyncset.done $0x0  }
0x38: {  	s20 =	sadd.s32 $0xFFFFFF80, s18;
	[sflag:s11] =	ssyncadd.s32 $0xFFFFC000  }
0x39: {  	[hbm4b:s20+s13] =	stream.strided.scatter [tilespmem:s10], [sflag:$0x2], $0x4000, s14, s13, $0x38;
	[tilespmem:$0x8100] =	vst v63  }
0x3a: {  	_ = 	snop  }
0x3b: {  	[hbm4b:s18+s13] =	stream.strided.scatter [tilespmem:s12], [sflag:$0x3], $0x4000, s14, s13, $0x38;
	[tilespmem:$0x8100] =	vst v63  }
.Ltmp0:
0x3c: {  	_ =	swait.ge [sflag:s15], $0x4000;
	(pc) =	sbr.rel @p0 .LBB2_2-.Ltmp0, $4  }
0x3d: {  	[sflag:s15] =	ssyncset.done $0x0  }
0x3e: {  	[sflag:s15] =	ssyncadd.s32 $0xFFFFC000  }
0x3f: {  	_ =	swait.ge [sflag:s16], $0x4000  }
0x40: {  	s20 =	smov.u32 s23;
	s18 =	sadd.s32 $0x1000, s18;
	[sflag:s16] =	ssyncset.done $0x0  }
0x41: {  	s20 =	sadd.s32 s19, s7;
	[sflag:s16] =	ssyncadd.s32 $0xFFFFC000  }
0x42: {  	[tilespmem:s2], [sflag:$0x4] =	stream.linear.gather [hbm4b:s20+s2], $0x80, $0x38;
	[tilespmem:$0x8100] =	vst v63  }
0x43: {  	_ =	swait.ge [sflag:s8], $0x80  }
0x44: {  	[sflag:s8] =	ssyncset.done $0x0  }
0x45: {  	s30 =	sadd.s32 s19, s6;
	[sflag:s8] =	ssyncadd.s32 $0xFFFFFF80  }
0x46: {  	[tilespmem:s9], [sflag:$0x4] =	stream.linear.gather [hbm4b:s30+s2], $0x80, $0x38;
	[tilespmem:$0x8100] =	vst v63  }
0x47: {  	_ =	swait.ge [sflag:s8], $0x80  }
0x48: {  	[sflag:s8] =	ssyncset.done $0x0  }
0x49: {  	[sflag:s8] =	ssyncadd.s32 $0xFFFFFF80  }
0x4a: {  	[tilespmem:s10], [sflag:$0x1] =	stream.indirect.gather [hbm4b:s3+s9], $0x80, s2, s9, $0xb8;
	[tilespmem:$0x8100] =	vst v63  }
0x4b: {  	_ =	swait.ge [sflag:s11], $0x4000  }
0x4c: {  	[sflag:s11] =	ssyncset.done $0x0  }
0x4d: {  	[sflag:s11] =	ssyncadd.s32 $0xFFFFC000  }
0x4e: {  	[tilespmem:s12], [sflag:$0x1] =	stream.indirect.gather [hbm4b:s3+s9], $0x80, s9, s9, $0xb8;
	[tilespmem:$0x8100] =	vst v63  }
0x4f: {  	_ =	swait.ge [sflag:s11], $0x4000  }
0x50: {  	[sflag:s11] =	ssyncset.done $0x0  }
0x51: {  	s31 =	sadd.s32 $0xFFFFFF80, s18;
	[sflag:s11] =	ssyncadd.s32 $0xFFFFC000  }
0x52: {  	[hbm4b:s31+s13] =	stream.strided.scatter [tilespmem:s10], [sflag:$0x2], $0x4000, s14, s13, $0x38;
	[tilespmem:$0x8100] =	vst v63  }
0x53: {  	s17 =	sadd.s32 $0x1, s17  }
0x54: {  	[hbm4b:s18+s13] =	stream.strided.scatter [tilespmem:s12], [sflag:$0x3], $0x4000, s14, s13, $0x38;
	[tilespmem:$0x8100] =	vst v63  }
0x55: {  	p0 =	sne.s32 s17, s4;
	_ =	swait.ge [sflag:s15], $0x4000  }
.Ltmp1:
0x56: {  	[sflag:s15] =	ssyncset.done $0x0;
	(pc) =	sbr.rel @p0 .LBB2_1-.Ltmp1, $4  }
0x57: {  	[sflag:s15] =	ssyncadd.s32 $0xFFFFC000  }
0x58: {  	_ =	swait.ge [sflag:s16], $0x4000  }
0x59: {  	[sflag:s16] =	ssyncset.done $0x0  }
0x5a: {  	[sflag:s16] =	ssyncadd.s32 $0xFFFFC000  }
0x5b: {  	_ =	sfence.sel $0x180000  }
0x5c: {  	[bflag:$0x0] =	sbarrier.arrive $0xFFFF  }
0x5d: {  	p0 =	sne.s32 s1, $0x0;
	_ =	strace $0x90000053  }
0x5e: {  	s0 =	sadd.s32 @!p0 $0x100000, s0;
	[bflag:$0x2] =	sbarrier.arrive $0xFFFF  }
0x5f: {  	[sflag:s0] =	ssyncadd.tile.s32 @!p0 $0x1;
	_ =	shalt  }
.Lfunc_end2:
_tile_overlayer_lowered:
.L_overlay_start_2:
0x60: {  	(tag) =	ssettag $0x2  }
0x61: {  	s0 =	rddreg [dreg:$0x0];
	s2 =	stileid.u32  }
0x62: {  	s1 =	rddreg [dreg:$0x1];
	p0 =	sne.s32 s2, $0x0  }
0x63: {  	s3 =	rddreg [dreg:$0x2];
	[bflag:$0x3] =	sbarrier.arrive $0xFFFF;
	s2 =	simm.s32 @!p0 $0x1C04  }
0x64: {  	[timem:s3], [sflag:s2] =	dma.local @!p0 [hbm:s0], s1  }
0x65: {  	s0 =	simm.s32 @!p0 $0x4  }
0x66: {  	_ =	swait.ge @!p0 [sflag:s0], s1  }
0x67: {  	s1 =	ssub.s32 @!p0 $0x0, s1;
	[sflag:s0] =	ssyncset.done @!p0 $0x0  }
0x68: {  	[sflag:s0] =	ssyncadd.s32 @!p0 s1  }
0x69: {  	[bflag:$0x3] =	sbarrier.arrive $0xFFFF  }
0x6a: {  	_ =	shalt  }

</sc_bundles>
